<compile_context>
chip_gen: v7x
topology: tpu7x:2x2x1
jax: 0.10.2.dev20260603
libtpu: 0.0.44.dev20260713+nightly
codegen_flags: <defaults>
</compile_context>

<pallas_src>
import jax
import jax.numpy as jnp
from jax import lax
from jax.experimental import pallas as pl
from jax.experimental.pallas import tpu as pltpu
from jax.experimental.pallas import tpu_sc as plsc

N_NODES = 10000
N_HEDGES = 10000
NNZ = 320000
D = 128
HROWS = 80

NC = 2
NS = 16
NW = NC * NS
CH = 80
PER_TILE = NNZ // NW
N_CH = PER_TILE // CH
ACC_ROWS = 10000
WB_TILES = 10
WB_ROWS = 10000 // WB_TILES

_MESH = plsc.VectorSubcoreMesh(core_axis_name="c", subcore_axis_name="s")
_SC_PARAMS = pltpu.CompilerParams(needs_layout_passes=False)


def _deg_body(nidx_h, eidx_h, w_h, bh_o, dh_o,
              nidx_t, eidx_t, w_v, hist_b, hist_d, rows):
    cid = lax.axis_index("c")
    sid = lax.axis_index("s")
    wid = cid * NS + sid
    ones16 = jnp.ones((16,), jnp.float32)

    pltpu.sync_copy(nidx_h.at[wid], nidx_t)
    pltpu.sync_copy(eidx_h.at[wid], eidx_t)
    pltpu.sync_copy(w_h, w_v)

    def zrow(i, carry):
        hist_b[pl.ds(i * 16, 16)] = jnp.zeros((16,), jnp.float32)
        hist_d[pl.ds(i * 16, 16)] = jnp.zeros((16,), jnp.float32)
        return carry
    lax.fori_loop(0, HROWS * D // 16, zrow, 0)

    def step(i, carry):
        for j in range(5):
            nj = nidx_t[0, pl.ds(i * 80 + j * 16, 16)]
            ej = eidx_t[0, pl.ds(i * 80 + j * 16, 16)]
            plsc.addupdate_scatter(hist_b, [ej], ones16)
            vals = plsc.load_gather(w_v, [ej])
            plsc.addupdate_scatter(hist_d, [nj], vals)
        return carry
    lax.fori_loop(0, PER_TILE // 80, step, 0)

    for hist, out in ((hist_b, bh_o), (hist_d, dh_o)):
        def hcp(i, carry, _h=hist):
            for j in range(D // 16):
                rows[i, pl.ds(j * 16, 16)] = _h[pl.ds(i * D + j * 16, 16)]
            return carry
        lax.fori_loop(0, HROWS, hcp, 0)
        pltpu.sync_copy(rows, out.at[wid])


_deg = pl.kernel(
    _deg_body, mesh=_MESH,
    out_type=[jax.ShapeDtypeStruct((NW, HROWS, D), jnp.float32),
              jax.ShapeDtypeStruct((NW, HROWS, D), jnp.float32)],
    scratch_types=[pltpu.VMEM((1, PER_TILE), jnp.int32),
                   pltpu.VMEM((1, PER_TILE), jnp.int32),
                   pltpu.VMEM((10000,), jnp.float32),
                   pltpu.VMEM((HROWS * D,), jnp.float32),
                   pltpu.VMEM((HROWS * D,), jnp.float32),
                   pltpu.VMEM((HROWS, D), jnp.float32)],
    compiler_params=_SC_PARAMS)


def _agg_body(table, sidx_h, didx_h, zeros_h, part_o,
              didx_t, rows, gsems, csems, sbufs, ssems, acc):
    cid = lax.axis_index("c")
    sid = lax.axis_index("s")
    wid = cid * NS + sid

    pltpu.sync_copy(didx_h.at[wid], didx_t)

    @pl.when(sid < WB_TILES)
    def _():
        pltpu.sync_copy(zeros_h, acc.at[pl.ds(sid * WB_ROWS, WB_ROWS)])

    plsc.subcore_barrier()

    nbuf = len(rows)

    def sload(i, k):
        pltpu.async_copy(sidx_h.at[wid, i], sbufs[k], ssems[k])

    def swait(i, k):
        pltpu.make_async_copy(sidx_h.at[wid, i], sbufs[k], ssems[k]).wait()

    def gather(k):
        pltpu.async_copy(table.at[sbufs[k].at[0]], rows[k], gsems[k])

    def gwait(k):
        pltpu.make_async_copy(table.at[sbufs[k].at[0]], rows[k],
                              gsems[k]).wait()

    def scat(i, k):
        pltpu.async_copy(rows[k], acc.at[didx_t.at[i]], csems[k], add=True)

    def scwait(i, k):
        pltpu.make_async_copy(rows[k], acc.at[didx_t.at[i]],
                              csems[k]).wait()

    for k in range(nbuf):
        sload(k, k)
        swait(k, k)
        gather(k)

    def trio(g, carry):
        c = nbuf * g
        for k in range(nbuf):
            gwait(k)
            scat(c + k, k)
            sload(c + k + nbuf, k)
        for k in range(nbuf):
            scwait(c + k, k)
            swait(c + k + nbuf, k)
            gather(k)
        return carry
    lax.fori_loop(0, N_CH // nbuf - 1, trio, 0)
    c0 = (N_CH // nbuf - 1) * nbuf
    for k in range(nbuf):
        gwait(k)
        scat(c0 + k, k)
        if c0 + k + nbuf < N_CH:
            sload(c0 + k + nbuf, k)
    for k in range(nbuf):
        scwait(c0 + k, k)
        if c0 + k + nbuf < N_CH:
            swait(c0 + k + nbuf, k)
            gather(k)
    for k in range(N_CH - c0 - nbuf):
        gwait(k)
        pltpu.sync_copy(rows[k], acc.at[didx_t.at[c0 + nbuf + k]], add=True)

    plsc.subcore_barrier()

    @pl.when(sid < WB_TILES)
    def _():
        r0 = sid * WB_ROWS
        pltpu.sync_copy(acc.at[pl.ds(r0, WB_ROWS)],
                        part_o.at[cid].at[pl.ds(r0, WB_ROWS)])


_agg = pl.kernel(
    _agg_body, mesh=_MESH,
    out_type=[jax.ShapeDtypeStruct((NC, 10000, D), jnp.float32)],
    scratch_types=[pltpu.VMEM((N_CH, CH), jnp.int32),
                   [pltpu.VMEM((CH, D), jnp.float32) for _ in range(3)],
                   [pltpu.SemaphoreType.DMA for _ in range(3)],
                   [pltpu.SemaphoreType.DMA for _ in range(3)],
                   [pltpu.VMEM((1, CH), jnp.int32) for _ in range(3)],
                   [pltpu.SemaphoreType.DMA for _ in range(3)],
                   pltpu.VMEM_SHARED((ACC_ROWS, D), jnp.float32)],
    compiler_params=_SC_PARAMS)



def _mm_body(x_ref, w_ref, o_ref):
    o_ref[...] = lax.dot_general(x_ref[...], w_ref[...],
                                 (((1,), (1,)), ((), ())),
                                 preferred_element_type=jnp.float32)


def _mm(x, w):
    return pl.pallas_call(
        _mm_body,
        out_shape=jax.ShapeDtypeStruct((x.shape[0], w.shape[0]), jnp.float32),
    )(x, w)


def _safe_recip(d):
    return jnp.where(d > 0, 1.0 / jnp.where(d > 0, d, 1.0), 0.0)


def _degred_body(bh_ref, dh_ref, bo_ref, do_ref):
    bo_ref[...] = _safe_recip(jnp.sum(bh_ref[...], axis=0))
    do_ref[...] = _safe_recip(jnp.sum(dh_ref[...], axis=0))


def _degred(bh, dh):
    return pl.pallas_call(
        _degred_body,
        out_shape=[jax.ShapeDtypeStruct((HROWS, D), jnp.float32),
                   jax.ShapeDtypeStruct((HROWS, D), jnp.float32)],
    )(bh, dh)


def _scale_body(pe_ref, binv_ref, oe_ref):
    pe = pe_ref[...]
    oe_ref[...] = (pe[0] + pe[1]) * binv_ref[...]


def _scale(pe, binv):
    return pl.pallas_call(
        _scale_body,
        out_shape=jax.ShapeDtypeStruct((N_HEDGES, D), jnp.float32),
    )(pe, binv)


def _mid_body(pn_ref, dinv_ref, b1_ref, g_ref, be_ref, w2_ref, o_ref):
    pn = pn_ref[...]
    h = (pn[0] + pn[1]) * dinv_ref[...] + b1_ref[...][None, :]
    mu = jnp.mean(h, axis=0, keepdims=True)
    var = jnp.mean((h - mu) ** 2, axis=0, keepdims=True)
    hn = (g_ref[...][None, :] * (h - mu) / jnp.sqrt(var + 1e-5)
          + be_ref[...][None, :])
    o_ref[...] = lax.dot_general(hn, w2_ref[...],
                                 (((1,), (1,)), ((), ())),
                                 preferred_element_type=jnp.float32)


def _mid(pn, dinv, b1, gamma, beta, W2):
    return pl.pallas_call(
        _mid_body,
        out_shape=jax.ShapeDtypeStruct((N_NODES, D), jnp.float32),
    )(pn, dinv, b1, gamma, beta, W2)


def _final_body(pn_ref, dinv_ref, b2_ref, o_ref):
    pn = pn_ref[...]
    o_ref[...] = (pn[0] + pn[1]) * dinv_ref[...] + b2_ref[...][None, :]


def _final(pn, dinv, b2):
    return pl.pallas_call(
        _final_body,
        out_shape=jax.ShapeDtypeStruct((N_NODES, D), jnp.float32),
    )(pn, dinv, b2)


def kernel(x, hyperedge_index, hyperedge_weight, W1, b1, gamma, beta, W2, b2):
    nidx_f = hyperedge_index[0].reshape(NW, 1, PER_TILE)
    eidx_f = hyperedge_index[1].reshape(NW, 1, PER_TILE)
    nidx4 = hyperedge_index[0].reshape(NW, N_CH, 1, CH)
    eidx4 = hyperedge_index[1].reshape(NW, N_CH, 1, CH)
    nidx3 = hyperedge_index[0].reshape(NW, N_CH, CH)
    eidx3 = hyperedge_index[1].reshape(NW, N_CH, CH)
    zeros_h = jnp.zeros((WB_ROWS, D), jnp.float32)

    bhist, dhist = _deg(nidx_f, eidx_f, hyperedge_weight)
    binv2d, dinv2d = _degred(bhist, dhist)
    binv = binv2d.reshape(HROWS * D, 1)[:N_HEDGES]
    dinv = dinv2d.reshape(HROWS * D, 1)[:N_NODES]

    xw1 = _mm(x, W1)
    (pe1,) = _agg(xw1, nidx4, eidx3, zeros_h)
    oe1 = _scale(pe1, binv)
    (pn1,) = _agg(oe1, eidx4, nidx3, zeros_h)
    xw2 = _mid(pn1, dinv, b1, gamma, beta, W2)
    (pe2,) = _agg(xw2, nidx4, eidx3, zeros_h)
    oe2 = _scale(pe2, binv)
    (pn2,) = _agg(oe2, eidx4, nidx3, zeros_h)
    return _final(pn2, dinv, b2)

# --- scband reference (transcript-rebuilt; emitter-appended) ---
"""Pipeline reference for scband-protein-hgnn-18975165514621 (READ-ONLY COPY).

The authoritative reference and input builder live on the scoring server;
editing this copy changes nothing except your own understanding.
"""

import jax, jax.numpy as jnp
import numpy as np

N_NODES = 10000
N_HEDGES = 10000
NNZ = 320000
D_IN = 128
D_HID = 128
D_OUT = 128


def setup_inputs(seed: int = 0) -> dict:
    key = jax.random.key(seed)
    ks = jax.random.split(key, 8)
    x = jax.random.normal(ks[0], (N_NODES, D_IN), dtype=jnp.float32)
    hyperedge_index = jax.random.randint(ks[1], (2, NNZ), 0, N_HEDGES, dtype=jnp.int32)
    hyperedge_weight = jnp.ones((N_HEDGES,), dtype=jnp.float32)
    s1 = 1.0 / np.sqrt(D_IN)
    W1 = jax.random.uniform(ks[2], (D_HID, D_IN), jnp.float32, -s1, s1)
    b1 = jax.random.uniform(ks[3], (D_HID,), jnp.float32, -s1, s1)
    gamma = jnp.ones((D_HID,), jnp.float32)
    beta = jnp.zeros((D_HID,), jnp.float32)
    s2 = 1.0 / np.sqrt(D_HID)
    W2 = jax.random.uniform(ks[4], (D_OUT, D_HID), jnp.float32, -s2, s2)
    b2 = jax.random.uniform(ks[5], (D_OUT,), jnp.float32, -s2, s2)
    return {"x": x, "hyperedge_index": hyperedge_index, "hyperedge_weight": hyperedge_weight,
            "W1": W1, "b1": b1, "gamma": gamma, "beta": beta, "W2": W2, "b2": b2}


def _safe_recip(d):
    d_safe = jnp.where(d > 0, d, 1.0)
    return jnp.where(d > 0, 1.0 / d_safe, 0.0)


def hypergraph_conv(x, hyperedge_index, hyperedge_weight, W, b):
    # PyG HypergraphConv (use_attention=False): out = D^-1 H B^-1 H^T (X W^T) + b
    x = x @ W.T
    node_idx = hyperedge_index[0]
    edge_idx = hyperedge_index[1]
    D = jax.ops.segment_sum(hyperedge_weight[edge_idx], node_idx, num_segments=N_NODES)
    Dinv = _safe_recip(D)
    B = jax.ops.segment_sum(jnp.ones((NNZ,), dtype=x.dtype), edge_idx, num_segments=N_HEDGES)
    Binv = _safe_recip(B)
    # node -> hyperedge aggregation, message scaled by B^-1 at target hyperedge
    out_e = jax.ops.segment_sum(Binv[edge_idx][:, None] * x[node_idx], edge_idx, num_segments=N_HEDGES)
    # hyperedge -> node aggregation, message scaled by D^-1 at target node
    out_n = jax.ops.segment_sum(Dinv[node_idx][:, None] * out_e[edge_idx], node_idx, num_segments=N_NODES)
    return out_n + b


def batch_norm_1d(x, gamma, beta, eps=1e-5):
    mu = jnp.mean(x, axis=0)
    var = jnp.var(x, axis=0)
    return gamma * (x - mu) / jnp.sqrt(var + eps) + beta


def reference(x, hyperedge_index, hyperedge_weight, W1, b1, gamma, beta, W2, b2):
    h = hypergraph_conv(x, hyperedge_index, hyperedge_weight, W1, b1)
    h = batch_norm_1d(h, gamma, beta)
    out = hypergraph_conv(h, hyperedge_index, hyperedge_weight, W2, b2)
    return out

if __name__ == "__main__":
    import jax
    _d = setup_inputs()
    print(jax.jit(kernel)(*tuple(_d.values())))

</pallas_src>

<mosaic_0001>
#map = affine_map<(d0, d1) -> (0, 0)>
#map1 = affine_map<(d0, d1) -> (0, 0, 0, 0)>
#map2 = affine_map<(d0, d1) -> (0, 0, 0)>
module attributes {stable_mosaic.version = 14 : i64} {
  func.func @_agg_body(%arg0: i32, %arg1: i32, %arg2: memref<10000x128xf32, #tpu.memory_space<hbm>>, %arg3: memref<32x125x1x80xi32, #tpu.memory_space<hbm>>, %arg4: memref<32x125x80xi32, #tpu.memory_space<hbm>>, %arg5: memref<1000x128xf32, #tpu.memory_space<hbm>>, %arg6: memref<2x10000x128xf32, #tpu.memory_space<hbm>>, %arg7: memref<125x80xi32, #tpu.memory_space<vmem>>, %arg8: memref<80x128xf32, #tpu.memory_space<vmem>>, %arg9: memref<80x128xf32, #tpu.memory_space<vmem>>, %arg10: memref<80x128xf32, #tpu.memory_space<vmem>>, %arg11: memref<!tpu.dma_semaphore, #tpu.memory_space<semaphore_mem>>, %arg12: memref<!tpu.dma_semaphore, #tpu.memory_space<semaphore_mem>>, %arg13: memref<!tpu.dma_semaphore, #tpu.memory_space<semaphore_mem>>, %arg14: memref<!tpu.dma_semaphore, #tpu.memory_space<semaphore_mem>>, %arg15: memref<!tpu.dma_semaphore, #tpu.memory_space<semaphore_mem>>, %arg16: memref<!tpu.dma_semaphore, #tpu.memory_space<semaphore_mem>>, %arg17: memref<1x80xi32, #tpu.memory_space<vmem>>, %arg18: memref<1x80xi32, #tpu.memory_space<vmem>>, %arg19: memref<1x80xi32, #tpu.memory_space<vmem>>, %arg20: memref<!tpu.dma_semaphore, #tpu.memory_space<semaphore_mem>>, %arg21: memref<!tpu.dma_semaphore, #tpu.memory_space<semaphore_mem>>, %arg22: memref<!tpu.dma_semaphore, #tpu.memory_space<semaphore_mem>>, %arg23: memref<10000x128xf32, #tpu.memory_space<vmem_shared>>) attributes {dimension_semantics = [#tpu.dimension_semantics<core_parallel>, #tpu.dimension_semantics<subcore_parallel>], iteration_bounds = array<i64: 2, 16>, scalar_prefetch = 0 : i64, scratch_operands = 17 : i64, tpu.core_type = #tpu.core_type<sc_vector_subcore>, window_params = [{transform_indices = #map}, {transform_indices = #map1}, {transform_indices = #map2}, {transform_indices = #map}, {transform_indices = #map2}]} {
    %mul3A = arith.constant 16 : i32
    %mul3A_0 = arith.muli %arg0, %mul3A : i32
    %add3A = arith.addi %mul3A_0, %arg1 : i32
    "tpu.region"() ({
      %run_scoped3A_215 = tpu.sem_alloc : memref<!tpu.dma_semaphore, #tpu.memory_space<semaphore_mem>>
      %dma_start3A_216 = arith.constant 0 : i32
      %dma_start3A_217 = arith.constant 0 : i32
      %dma_start3A_218 = tpu.memref_slice %arg4[%add3A, %dma_start3A_216, %dma_start3A_217] : memref<32x125x80xi32, #tpu.memory_space<hbm>> -> memref<1x125x80xi32, #tpu.memory_space<hbm>>
      %dma_start3A_219 = tpu.memref_squeeze %dma_start3A_218 : memref<1x125x80xi32, #tpu.memory_space<hbm>> -> memref<125x80xi32, #tpu.memory_space<hbm>>
      %dma_start3A_220 = arith.constant 0 : i32
      %dma_start3A_221 = arith.constant 0 : i32
      %dma_start3A_222 = tpu.memref_slice %arg4[%add3A, %dma_start3A_220, %dma_start3A_221] : memref<32x125x80xi32, #tpu.memory_space<hbm>> -> memref<1x125x80xi32, #tpu.memory_space<hbm>>
      %dma_start3A_223 = tpu.memref_squeeze %dma_start3A_222 : memref<1x125x80xi32, #tpu.memory_space<hbm>> -> memref<125x80xi32, #tpu.memory_space<hbm>>
      tpu.enqueue_dma source(%dma_start3A_223 : memref<125x80xi32, #tpu.memory_space<hbm>>) target(%arg7 : memref<125x80xi32, #tpu.memory_space<vmem>>) target_semaphore(%run_scoped3A_215 : memref<!tpu.dma_semaphore, #tpu.memory_space<semaphore_mem>>)
      %dma_wait3A_224 = arith.constant 0 : i32
      %dma_wait3A_225 = arith.constant 0 : i32
      %dma_wait3A_226 = tpu.memref_slice %arg4[%add3A, %dma_wait3A_224, %dma_wait3A_225] : memref<32x125x80xi32, #tpu.memory_space<hbm>> -> memref<1x125x80xi32, #tpu.memory_space<hbm>>
      %dma_wait3A_227 = tpu.memref_squeeze %dma_wait3A_226 : memref<1x125x80xi32, #tpu.memory_space<hbm>> -> memref<125x80xi32, #tpu.memory_space<hbm>>
      %dma_wait3A_228 = arith.constant 0 : i32
      %dma_wait3A_229 = arith.constant 0 : i32
      %dma_wait3A_230 = tpu.memref_slice %arg4[%add3A, %dma_wait3A_228, %dma_wait3A_229] : memref<32x125x80xi32, #tpu.memory_space<hbm>> -> memref<1x125x80xi32, #tpu.memory_space<hbm>>
      %dma_wait3A_231 = tpu.memref_squeeze %dma_wait3A_230 : memref<1x125x80xi32, #tpu.memory_space<hbm>> -> memref<125x80xi32, #tpu.memory_space<hbm>>
      tpu.wait_dma2 semaphore(%run_scoped3A_215 : memref<!tpu.dma_semaphore, #tpu.memory_space<semaphore_mem>>) src(%dma_wait3A_231 : memref<125x80xi32, #tpu.memory_space<hbm>>) dst(%arg7 : memref<125x80xi32, #tpu.memory_space<vmem>>)
      tpu.yield
    }) : () -> ()
    %lt3A = arith.constant 10 : i32
    %lt3A_1 = arith.cmpi slt, %arg1, %lt3A : i32
    %convert_element_type3A = arith.extui %lt3A_1 : i1 to i32
    %cond3A = arith.constant 0 : i32
    %cond3A_2 = arith.cmpi ne, %convert_element_type3A, %cond3A : i32
    scf.if %cond3A_2 {
      %mul3A_215 = arith.constant 1000 : i32
      %mul3A_216 = arith.muli %arg1, %mul3A_215 : i32
      "tpu.region"() ({
        %run_scoped3A_217 = tpu.sem_alloc : memref<!tpu.dma_semaphore, #tpu.memory_space<semaphore_mem>>
        %dma_start3A_218 = arith.constant 0 : i32
        %dma_start3A_219 = tpu.memref_slice %arg23[%mul3A_216, %dma_start3A_218] : memref<10000x128xf32, #tpu.memory_space<vmem_shared>> -> memref<1000x128xf32, #tpu.memory_space<vmem_shared>>
        tpu.enqueue_dma source(%arg5 : memref<1000x128xf32, #tpu.memory_space<hbm>>) target(%dma_start3A_219 : memref<1000x128xf32, #tpu.memory_space<vmem_shared>>) target_semaphore(%run_scoped3A_217 : memref<!tpu.dma_semaphore, #tpu.memory_space<semaphore_mem>>)
        %dma_wait3A_220 = arith.constant 0 : i32
        %dma_wait3A_221 = tpu.memref_slice %arg23[%mul3A_216, %dma_wait3A_220] : memref<10000x128xf32, #tpu.memory_space<vmem_shared>> -> memref<1000x128xf32, #tpu.memory_space<vmem_shared>>
        tpu.wait_dma2 semaphore(%run_scoped3A_217 : memref<!tpu.dma_semaphore, #tpu.memory_space<semaphore_mem>>) src(%arg5 : memref<1000x128xf32, #tpu.memory_space<hbm>>) dst(%dma_wait3A_221 : memref<1000x128xf32, #tpu.memory_space<vmem_shared>>)
        tpu.yield
      }) : () -> ()
    } else {
    }
    %barrier3A = arith.constant 0 : index
    tpu.barrier barrier_id(%barrier3A)
    %dma_start3A = arith.constant 0 : i32
    %dma_start3A_3 = arith.constant 0 : i32
    %dma_start3A_4 = arith.constant 0 : i32
    %dma_start3A_5 = tpu.memref_slice %arg3[%add3A, %dma_start3A, %dma_start3A_3, %dma_start3A_4] : memref<32x125x1x80xi32, #tpu.memory_space<hbm>> -> memref<1x1x1x80xi32, #tpu.memory_space<hbm>>
    %dma_start3A_6 = tpu.memref_squeeze %dma_start3A_5 : memref<1x1x1x80xi32, #tpu.memory_space<hbm>> -> memref<1x80xi32, #tpu.memory_space<hbm>>
    %dma_start3A_7 = arith.constant 0 : i32
    %dma_start3A_8 = arith.constant 0 : i32
    %dma_start3A_9 = tpu.memref_slice %arg3[%add3A, %dma_start3A, %dma_start3A_7, %dma_start3A_8] : memref<32x125x1x80xi32, #tpu.memory_space<hbm>> -> memref<1x1x1x80xi32, #tpu.memory_space<hbm>>
    %dma_start3A_10 = tpu.memref_squeeze %dma_start3A_9 : memref<1x1x1x80xi32, #tpu.memory_space<hbm>> -> memref<1x80xi32, #tpu.memory_space<hbm>>
    tpu.enqueue_dma source(%dma_start3A_10 : memref<1x80xi32, #tpu.memory_space<hbm>>) target(%arg17 : memref<1x80xi32, #tpu.memory_space<vmem>>) target_semaphore(%arg20 : memref<!tpu.dma_semaphore, #tpu.memory_space<semaphore_mem>>)
    %dma_wait3A = arith.constant 0 : i32
    %dma_wait3A_11 = arith.constant 0 : i32
    %dma_wait3A_12 = arith.constant 0 : i32
    %dma_wait3A_13 = tpu.memref_slice %arg3[%add3A, %dma_wait3A, %dma_wait3A_11, %dma_wait3A_12] : memref<32x125x1x80xi32, #tpu.memory_space<hbm>> -> memref<1x1x1x80xi32, #tpu.memory_space<hbm>>
    %dma_wait3A_14 = tpu.memref_squeeze %dma_wait3A_13 : memref<1x1x1x80xi32, #tpu.memory_space<hbm>> -> memref<1x80xi32, #tpu.memory_space<hbm>>
    %dma_wait3A_15 = arith.constant 0 : i32
    %dma_wait3A_16 = arith.constant 0 : i32
    %dma_wait3A_17 = tpu.memref_slice %arg3[%add3A, %dma_wait3A, %dma_wait3A_15, %dma_wait3A_16] : memref<32x125x1x80xi32, #tpu.memory_space<hbm>> -> memref<1x1x1x80xi32, #tpu.memory_space<hbm>>
    %dma_wait3A_18 = tpu.memref_squeeze %dma_wait3A_17 : memref<1x1x1x80xi32, #tpu.memory_space<hbm>> -> memref<1x80xi32, #tpu.memory_space<hbm>>
    tpu.wait_dma2 semaphore(%arg20 : memref<!tpu.dma_semaphore, #tpu.memory_space<semaphore_mem>>) src(%dma_wait3A_18 : memref<1x80xi32, #tpu.memory_space<hbm>>) dst(%arg17 : memref<1x80xi32, #tpu.memory_space<vmem>>)
    %dma_start3A_19 = arith.constant 0 : i32
    %dma_start3A_20 = arith.constant 0 : i32
    %dma_start3A_21 = tpu.memref_slice %arg17[%dma_start3A_19, %dma_start3A_20] : memref<1x80xi32, #tpu.memory_space<vmem>> -> memref<1x80xi32, #tpu.memory_space<vmem>>
    %dma_start3A_22 = tpu.memref_squeeze %dma_start3A_21 : memref<1x80xi32, #tpu.memory_space<vmem>> -> memref<80xi32, #tpu.memory_space<vmem>>
    %dma_start3A_23 = arith.constant 0 : i32
    %dma_start3A_24 = arith.constant 0 : i32
    %dma_start3A_25 = tpu.memref_slice %arg2[%dma_start3A_23, %dma_start3A_24] : memref<10000x128xf32, #tpu.memory_space<hbm>> -> memref<10000x128xf32, #tpu.memory_space<hbm>>
    tpu.enqueue_indirect_dma source(%dma_start3A_25 : memref<10000x128xf32, #tpu.memory_space<hbm>>) target(%arg8 : memref<80x128xf32, #tpu.memory_space<vmem>>) offsets(%dma_start3A_22 : memref<80xi32, #tpu.memory_space<vmem>>) semaphore(%arg11 : memref<!tpu.dma_semaphore, #tpu.memory_space<semaphore_mem>>)
    %dma_start3A_26 = arith.constant 1 : i32
    %dma_start3A_27 = arith.constant 0 : i32
    %dma_start3A_28 = arith.constant 0 : i32
    %dma_start3A_29 = tpu.memref_slice %arg3[%add3A, %dma_start3A_26, %dma_start3A_27, %dma_start3A_28] : memref<32x125x1x80xi32, #tpu.memory_space<hbm>> -> memref<1x1x1x80xi32, #tpu.memory_space<hbm>>
    %dma_start3A_30 = tpu.memref_squeeze %dma_start3A_29 : memref<1x1x1x80xi32, #tpu.memory_space<hbm>> -> memref<1x80xi32, #tpu.memory_space<hbm>>
    %dma_start3A_31 = arith.constant 0 : i32
    %dma_start3A_32 = arith.constant 0 : i32
    %dma_start3A_33 = tpu.memref_slice %arg3[%add3A, %dma_start3A_26, %dma_start3A_31, %dma_start3A_32] : memref<32x125x1x80xi32, #tpu.memory_space<hbm>> -> memref<1x1x1x80xi32, #tpu.memory_space<hbm>>
    %dma_start3A_34 = tpu.memref_squeeze %dma_start3A_33 : memref<1x1x1x80xi32, #tpu.memory_space<hbm>> -> memref<1x80xi32, #tpu.memory_space<hbm>>
    tpu.enqueue_dma source(%dma_start3A_34 : memref<1x80xi32, #tpu.memory_space<hbm>>) target(%arg18 : memref<1x80xi32, #tpu.memory_space<vmem>>) target_semaphore(%arg21 : memref<!tpu.dma_semaphore, #tpu.memory_space<semaphore_mem>>)
    %dma_wait3A_35 = arith.constant 1 : i32
    %dma_wait3A_36 = arith.constant 0 : i32
    %dma_wait3A_37 = arith.constant 0 : i32
    %dma_wait3A_38 = tpu.memref_slice %arg3[%add3A, %dma_wait3A_35, %dma_wait3A_36, %dma_wait3A_37] : memref<32x125x1x80xi32, #tpu.memory_space<hbm>> -> memref<1x1x1x80xi32, #tpu.memory_space<hbm>>
    %dma_wait3A_39 = tpu.memref_squeeze %dma_wait3A_38 : memref<1x1x1x80xi32, #tpu.memory_space<hbm>> -> memref<1x80xi32, #tpu.memory_space<hbm>>
    %dma_wait3A_40 = arith.constant 0 : i32
    %dma_wait3A_41 = arith.constant 0 : i32
    %dma_wait3A_42 = tpu.memref_slice %arg3[%add3A, %dma_wait3A_35, %dma_wait3A_40, %dma_wait3A_41] : memref<32x125x1x80xi32, #tpu.memory_space<hbm>> -> memref<1x1x1x80xi32, #tpu.memory_space<hbm>>
    %dma_wait3A_43 = tpu.memref_squeeze %dma_wait3A_42 : memref<1x1x1x80xi32, #tpu.memory_space<hbm>> -> memref<1x80xi32, #tpu.memory_space<hbm>>
    tpu.wait_dma2 semaphore(%arg21 : memref<!tpu.dma_semaphore, #tpu.memory_space<semaphore_mem>>) src(%dma_wait3A_43 : memref<1x80xi32, #tpu.memory_space<hbm>>) dst(%arg18 : memref<1x80xi32, #tpu.memory_space<vmem>>)
    %dma_start3A_44 = arith.constant 0 : i32
    %dma_start3A_45 = arith.constant 0 : i32
    %dma_start3A_46 = tpu.memref_slice %arg18[%dma_start3A_44, %dma_start3A_45] : memref<1x80xi32, #tpu.memory_space<vmem>> -> memref<1x80xi32, #tpu.memory_space<vmem>>
    %dma_start3A_47 = tpu.memref_squeeze %dma_start3A_46 : memref<1x80xi32, #tpu.memory_space<vmem>> -> memref<80xi32, #tpu.memory_space<vmem>>
    %dma_start3A_48 = arith.constant 0 : i32
    %dma_start3A_49 = arith.constant 0 : i32
    %dma_start3A_50 = tpu.memref_slice %arg2[%dma_start3A_48, %dma_start3A_49] : memref<10000x128xf32, #tpu.memory_space<hbm>> -> memref<10000x128xf32, #tpu.memory_space<hbm>>
    tpu.enqueue_indirect_dma source(%dma_start3A_50 : memref<10000x128xf32, #tpu.memory_space<hbm>>) target(%arg9 : memref<80x128xf32, #tpu.memory_space<vmem>>) offsets(%dma_start3A_47 : memref<80xi32, #tpu.memory_space<vmem>>) semaphore(%arg12 : memref<!tpu.dma_semaphore, #tpu.memory_space<semaphore_mem>>)
    %dma_start3A_51 = arith.constant 2 : i32
    %dma_start3A_52 = arith.constant 0 : i32
    %dma_start3A_53 = arith.constant 0 : i32
    %dma_start3A_54 = tpu.memref_slice %arg3[%add3A, %dma_start3A_51, %dma_start3A_52, %dma_start3A_53] : memref<32x125x1x80xi32, #tpu.memory_space<hbm>> -> memref<1x1x1x80xi32, #tpu.memory_space<hbm>>
    %dma_start3A_55 = tpu.memref_squeeze %dma_start3A_54 : memref<1x1x1x80xi32, #tpu.memory_space<hbm>> -> memref<1x80xi32, #tpu.memory_space<hbm>>
    %dma_start3A_56 = arith.constant 0 : i32
    %dma_start3A_57 = arith.constant 0 : i32
    %dma_start3A_58 = tpu.memref_slice %arg3[%add3A, %dma_start3A_51, %dma_start3A_56, %dma_start3A_57] : memref<32x125x1x80xi32, #tpu.memory_space<hbm>> -> memref<1x1x1x80xi32, #tpu.memory_space<hbm>>
    %dma_start3A_59 = tpu.memref_squeeze %dma_start3A_58 : memref<1x1x1x80xi32, #tpu.memory_space<hbm>> -> memref<1x80xi32, #tpu.memory_space<hbm>>
    tpu.enqueue_dma source(%dma_start3A_59 : memref<1x80xi32, #tpu.memory_space<hbm>>) target(%arg19 : memref<1x80xi32, #tpu.memory_space<vmem>>) target_semaphore(%arg22 : memref<!tpu.dma_semaphore, #tpu.memory_space<semaphore_mem>>)
    %dma_wait3A_60 = arith.constant 2 : i32
    %dma_wait3A_61 = arith.constant 0 : i32
    %dma_wait3A_62 = arith.constant 0 : i32
    %dma_wait3A_63 = tpu.memref_slice %arg3[%add3A, %dma_wait3A_60, %dma_wait3A_61, %dma_wait3A_62] : memref<32x125x1x80xi32, #tpu.memory_space<hbm>> -> memref<1x1x1x80xi32, #tpu.memory_space<hbm>>
    %dma_wait3A_64 = tpu.memref_squeeze %dma_wait3A_63 : memref<1x1x1x80xi32, #tpu.memory_space<hbm>> -> memref<1x80xi32, #tpu.memory_space<hbm>>
    %dma_wait3A_65 = arith.constant 0 : i32
    %dma_wait3A_66 = arith.constant 0 : i32
    %dma_wait3A_67 = tpu.memref_slice %arg3[%add3A, %dma_wait3A_60, %dma_wait3A_65, %dma_wait3A_66] : memref<32x125x1x80xi32, #tpu.memory_space<hbm>> -> memref<1x1x1x80xi32, #tpu.memory_space<hbm>>
    %dma_wait3A_68 = tpu.memref_squeeze %dma_wait3A_67 : memref<1x1x1x80xi32, #tpu.memory_space<hbm>> -> memref<1x80xi32, #tpu.memory_space<hbm>>
    tpu.wait_dma2 semaphore(%arg22 : memref<!tpu.dma_semaphore, #tpu.memory_space<semaphore_mem>>) src(%dma_wait3A_68 : memref<1x80xi32, #tpu.memory_space<hbm>>) dst(%arg19 : memref<1x80xi32, #tpu.memory_space<vmem>>)
    %dma_start3A_69 = arith.constant 0 : i32
    %dma_start3A_70 = arith.constant 0 : i32
    %dma_start3A_71 = tpu.memref_slice %arg19[%dma_start3A_69, %dma_start3A_70] : memref<1x80xi32, #tpu.memory_space<vmem>> -> memref<1x80xi32, #tpu.memory_space<vmem>>
    %dma_start3A_72 = tpu.memref_squeeze %dma_start3A_71 : memref<1x80xi32, #tpu.memory_space<vmem>> -> memref<80xi32, #tpu.memory_space<vmem>>
    %dma_start3A_73 = arith.constant 0 : i32
    %dma_start3A_74 = arith.constant 0 : i32
    %dma_start3A_75 = tpu.memref_slice %arg2[%dma_start3A_73, %dma_start3A_74] : memref<10000x128xf32, #tpu.memory_space<hbm>> -> memref<10000x128xf32, #tpu.memory_space<hbm>>
    tpu.enqueue_indirect_dma source(%dma_start3A_75 : memref<10000x128xf32, #tpu.memory_space<hbm>>) target(%arg10 : memref<80x128xf32, #tpu.memory_space<vmem>>) offsets(%dma_start3A_72 : memref<80xi32, #tpu.memory_space<vmem>>) semaphore(%arg13 : memref<!tpu.dma_semaphore, #tpu.memory_space<semaphore_mem>>)
    %scan3A = arith.constant 0 : i32
    %scan3A_76 = arith.constant 0 : i32
    %scan3A_77 = arith.constant 40 : i32
    %scan3A_78 = arith.addi %scan3A_76, %scan3A_77 : i32
    %scan3A_79 = arith.constant 1 : i32
    scf.for %scan3A_215 = %scan3A_76 to %scan3A_78 step %scan3A_79  : i32 {
      %mul3A_216 = arith.constant 3 : i32
      %mul3A_217 = arith.muli %mul3A_216, %scan3A_215 : i32
      %dma_wait3A_218 = arith.constant 0 : i32
      %dma_wait3A_219 = arith.constant 0 : i32
      %dma_wait3A_220 = tpu.memref_slice %arg17[%dma_wait3A_218, %dma_wait3A_219] : memref<1x80xi32, #tpu.memory_space<vmem>> -> memref<1x80xi32, #tpu.memory_space<vmem>>
      %dma_wait3A_221 = tpu.memref_squeeze %dma_wait3A_220 : memref<1x80xi32, #tpu.memory_space<vmem>> -> memref<80xi32, #tpu.memory_space<vmem>>
      %dma_wait3A_222 = arith.constant 0 : i32
      %dma_wait3A_223 = arith.constant 0 : i32
      %dma_wait3A_224 = tpu.memref_slice %arg2[%dma_wait3A_222, %dma_wait3A_223] : memref<10000x128xf32, #tpu.memory_space<hbm>> -> memref<10000x128xf32, #tpu.memory_space<hbm>>
      tpu.wait_indirect_dma semaphore(%arg11 : memref<!tpu.dma_semaphore, #tpu.memory_space<semaphore_mem>>) src(%dma_wait3A_224 : memref<10000x128xf32, #tpu.memory_space<hbm>>) dst(%arg8 : memref<80x128xf32, #tpu.memory_space<vmem>>)
      %add3A_225 = arith.constant 0 : i32
      %add3A_226 = arith.addi %mul3A_217, %add3A_225 : i32
      %dma_start3A_227 = arith.constant 0 : i32
      %dma_start3A_228 = tpu.memref_slice %arg7[%add3A_226, %dma_start3A_227] : memref<125x80xi32, #tpu.memory_space<vmem>> -> memref<1x80xi32, #tpu.memory_space<vmem>>
      %dma_start3A_229 = tpu.memref_squeeze %dma_start3A_228 : memref<1x80xi32, #tpu.memory_space<vmem>> -> memref<80xi32, #tpu.memory_space<vmem>>
      %dma_start3A_230 = arith.constant 0 : i32
      %dma_start3A_231 = arith.constant 0 : i32
      %dma_start3A_232 = tpu.memref_slice %arg23[%dma_start3A_230, %dma_start3A_231] : memref<10000x128xf32, #tpu.memory_space<vmem_shared>> -> memref<10000x128xf32, #tpu.memory_space<vmem_shared>>
      tpu.enqueue_indirect_dma source(%arg8 : memref<80x128xf32, #tpu.memory_space<vmem>>) target(%dma_start3A_232 : memref<10000x128xf32, #tpu.memory_space<vmem_shared>>) offsets(%dma_start3A_229 : memref<80xi32, #tpu.memory_space<vmem>>) semaphore(%arg14 : memref<!tpu.dma_semaphore, #tpu.memory_space<semaphore_mem>>) {add = true}
      %add3A_233 = arith.constant 0 : i32
      %add3A_234 = arith.addi %mul3A_217, %add3A_233 : i32
      %add3A_235 = arith.constant 3 : i32
      %add3A_236 = arith.addi %add3A_234, %add3A_235 : i32
      %dma_start3A_237 = arith.constant 0 : i32
      %dma_start3A_238 = arith.constant 0 : i32
      %dma_start3A_239 = tpu.memref_slice %arg3[%add3A, %add3A_236, %dma_start3A_237, %dma_start3A_238] : memref<32x125x1x80xi32, #tpu.memory_space<hbm>> -> memref<1x1x1x80xi32, #tpu.memory_space<hbm>>
      %dma_start3A_240 = tpu.memref_squeeze %dma_start3A_239 : memref<1x1x1x80xi32, #tpu.memory_space<hbm>> -> memref<1x80xi32, #tpu.memory_space<hbm>>
      %dma_start3A_241 = arith.constant 0 : i32
      %dma_start3A_242 = arith.constant 0 : i32
      %dma_start3A_243 = tpu.memref_slice %arg3[%add3A, %add3A_236, %dma_start3A_241, %dma_start3A_242] : memref<32x125x1x80xi32, #tpu.memory_space<hbm>> -> memref<1x1x1x80xi32, #tpu.memory_space<hbm>>
      %dma_start3A_244 = tpu.memref_squeeze %dma_start3A_243 : memref<1x1x1x80xi32, #tpu.memory_space<hbm>> -> memref<1x80xi32, #tpu.memory_space<hbm>>
      tpu.enqueue_dma source(%dma_start3A_244 : memref<1x80xi32, #tpu.memory_space<hbm>>) target(%arg17 : memref<1x80xi32, #tpu.memory_space<vmem>>) target_semaphore(%arg20 : memref<!tpu.dma_semaphore, #tpu.memory_space<semaphore_mem>>)
      %dma_wait3A_245 = arith.constant 0 : i32
      %dma_wait3A_246 = arith.constant 0 : i32
      %dma_wait3A_247 = tpu.memref_slice %arg18[%dma_wait3A_245, %dma_wait3A_246] : memref<1x80xi32, #tpu.memory_space<vmem>> -> memref<1x80xi32, #tpu.memory_space<vmem>>
      %dma_wait3A_248 = tpu.memref_squeeze %dma_wait3A_247 : memref<1x80xi32, #tpu.memory_space<vmem>> -> memref<80xi32, #tpu.memory_space<vmem>>
      %dma_wait3A_249 = arith.constant 0 : i32
      %dma_wait3A_250 = arith.constant 0 : i32
      %dma_wait3A_251 = tpu.memref_slice %arg2[%dma_wait3A_249, %dma_wait3A_250] : memref<10000x128xf32, #tpu.memory_space<hbm>> -> memref<10000x128xf32, #tpu.memory_space<hbm>>
      tpu.wait_indirect_dma semaphore(%arg12 : memref<!tpu.dma_semaphore, #tpu.memory_space<semaphore_mem>>) src(%dma_wait3A_251 : memref<10000x128xf32, #tpu.memory_space<hbm>>) dst(%arg9 : memref<80x128xf32, #tpu.memory_space<vmem>>)
      %add3A_252 = arith.constant 1 : i32
      %add3A_253 = arith.addi %mul3A_217, %add3A_252 : i32
      %dma_start3A_254 = arith.constant 0 : i32
      %dma_start3A_255 = tpu.memref_slice %arg7[%add3A_253, %dma_start3A_254] : memref<125x80xi32, #tpu.memory_space<vmem>> -> memref<1x80xi32, #tpu.memory_space<vmem>>
      %dma_start3A_256 = tpu.memref_squeeze %dma_start3A_255 : memref<1x80xi32, #tpu.memory_space<vmem>> -> memref<80xi32, #tpu.memory_space<vmem>>
      %dma_start3A_257 = arith.constant 0 : i32
      %dma_start3A_258 = arith.constant 0 : i32
      %dma_start3A_259 = tpu.memref_slice %arg23[%dma_start3A_257, %dma_start3A_258] : memref<10000x128xf32, #tpu.memory_space<vmem_shared>> -> memref<10000x128xf32, #tpu.memory_space<vmem_shared>>
      tpu.enqueue_indirect_dma source(%arg9 : memref<80x128xf32, #tpu.memory_space<vmem>>) target(%dma_start3A_259 : memref<10000x128xf32, #tpu.memory_space<vmem_shared>>) offsets(%dma_start3A_256 : memref<80xi32, #tpu.memory_space<vmem>>) semaphore(%arg15 : memref<!tpu.dma_semaphore, #tpu.memory_space<semaphore_mem>>) {add = true}
      %add3A_260 = arith.constant 1 : i32
      %add3A_261 = arith.addi %mul3A_217, %add3A_260 : i32
      %add3A_262 = arith.constant 3 : i32
      %add3A_263 = arith.addi %add3A_261, %add3A_262 : i32
      %dma_start3A_264 = arith.constant 0 : i32
      %dma_start3A_265 = arith.constant 0 : i32
      %dma_start3A_266 = tpu.memref_slice %arg3[%add3A, %add3A_263, %dma_start3A_264, %dma_start3A_265] : memref<32x125x1x80xi32, #tpu.memory_space<hbm>> -> memref<1x1x1x80xi32, #tpu.memory_space<hbm>>
      %dma_start3A_267 = tpu.memref_squeeze %dma_start3A_266 : memref<1x1x1x80xi32, #tpu.memory_space<hbm>> -> memref<1x80xi32, #tpu.memory_space<hbm>>
      %dma_start3A_268 = arith.constant 0 : i32
      %dma_start3A_269 = arith.constant 0 : i32
      %dma_start3A_270 = tpu.memref_slice %arg3[%add3A, %add3A_263, %dma_start3A_268, %dma_start3A_269] : memref<32x125x1x80xi32, #tpu.memory_space<hbm>> -> memref<1x1x1x80xi32, #tpu.memory_space<hbm>>
      %dma_start3A_271 = tpu.memref_squeeze %dma_start3A_270 : memref<1x1x1x80xi32, #tpu.memory_space<hbm>> -> memref<1x80xi32, #tpu.memory_space<hbm>>
      tpu.enqueue_dma source(%dma_start3A_271 : memref<1x80xi32, #tpu.memory_space<hbm>>) target(%arg18 : memref<1x80xi32, #tpu.memory_space<vmem>>) target_semaphore(%arg21 : memref<!tpu.dma_semaphore, #tpu.memory_space<semaphore_mem>>)
      %dma_wait3A_272 = arith.constant 0 : i32
      %dma_wait3A_273 = arith.constant 0 : i32
      %dma_wait3A_274 = tpu.memref_slice %arg19[%dma_wait3A_272, %dma_wait3A_273] : memref<1x80xi32, #tpu.memory_space<vmem>> -> memref<1x80xi32, #tpu.memory_space<vmem>>
      %dma_wait3A_275 = tpu.memref_squeeze %dma_wait3A_274 : memref<1x80xi32, #tpu.memory_space<vmem>> -> memref<80xi32, #tpu.memory_space<vmem>>
      %dma_wait3A_276 = arith.constant 0 : i32
      %dma_wait3A_277 = arith.constant 0 : i32
      %dma_wait3A_278 = tpu.memref_slice %arg2[%dma_wait3A_276, %dma_wait3A_277] : memref<10000x128xf32, #tpu.memory_space<hbm>> -> memref<10000x128xf32, #tpu.memory_space<hbm>>
      tpu.wait_indirect_dma semaphore(%arg13 : memref<!tpu.dma_semaphore, #tpu.memory_space<semaphore_mem>>) src(%dma_wait3A_278 : memref<10000x128xf32, #tpu.memory_space<hbm>>) dst(%arg10 : memref<80x128xf32, #tpu.memory_space<vmem>>)
      %add3A_279 = arith.constant 2 : i32
      %add3A_280 = arith.addi %mul3A_217, %add3A_279 : i32
      %dma_start3A_281 = arith.constant 0 : i32
      %dma_start3A_282 = tpu.memref_slice %arg7[%add3A_280, %dma_start3A_281] : memref<125x80xi32, #tpu.memory_space<vmem>> -> memref<1x80xi32, #tpu.memory_space<vmem>>
      %dma_start3A_283 = tpu.memref_squeeze %dma_start3A_282 : memref<1x80xi32, #tpu.memory_space<vmem>> -> memref<80xi32, #tpu.memory_space<vmem>>
      %dma_start3A_284 = arith.constant 0 : i32
      %dma_start3A_285 = arith.constant 0 : i32
      %dma_start3A_286 = tpu.memref_slice %arg23[%dma_start3A_284, %dma_start3A_285] : memref<10000x128xf32, #tpu.memory_space<vmem_shared>> -> memref<10000x128xf32, #tpu.memory_space<vmem_shared>>
      tpu.enqueue_indirect_dma source(%arg10 : memref<80x128xf32, #tpu.memory_space<vmem>>) target(%dma_start3A_286 : memref<10000x128xf32, #tpu.memory_space<vmem_shared>>) offsets(%dma_start3A_283 : memref<80xi32, #tpu.memory_space<vmem>>) semaphore(%arg16 : memref<!tpu.dma_semaphore, #tpu.memory_space<semaphore_mem>>) {add = true}
      %add3A_287 = arith.constant 2 : i32
      %add3A_288 = arith.addi %mul3A_217, %add3A_287 : i32
      %add3A_289 = arith.constant 3 : i32
      %add3A_290 = arith.addi %add3A_288, %add3A_289 : i32
      %dma_start3A_291 = arith.constant 0 : i32
      %dma_start3A_292 = arith.constant 0 : i32
      %dma_start3A_293 = tpu.memref_slice %arg3[%add3A, %add3A_290, %dma_start3A_291, %dma_start3A_292] : memref<32x125x1x80xi32, #tpu.memory_space<hbm>> -> memref<1x1x1x80xi32, #tpu.memory_space<hbm>>
      %dma_start3A_294 = tpu.memref_squeeze %dma_start3A_293 : memref<1x1x1x80xi32, #tpu.memory_space<hbm>> -> memref<1x80xi32, #tpu.memory_space<hbm>>
      %dma_start3A_295 = arith.constant 0 : i32
      %dma_start3A_296 = arith.constant 0 : i32
      %dma_start3A_297 = tpu.memref_slice %arg3[%add3A, %add3A_290, %dma_start3A_295, %dma_start3A_296] : memref<32x125x1x80xi32, #tpu.memory_space<hbm>> -> memref<1x1x1x80xi32, #tpu.memory_space<hbm>>
      %dma_start3A_298 = tpu.memref_squeeze %dma_start3A_297 : memref<1x1x1x80xi32, #tpu.memory_space<hbm>> -> memref<1x80xi32, #tpu.memory_space<hbm>>
      tpu.enqueue_dma source(%dma_start3A_298 : memref<1x80xi32, #tpu.memory_space<hbm>>) target(%arg19 : memref<1x80xi32, #tpu.memory_space<vmem>>) target_semaphore(%arg22 : memref<!tpu.dma_semaphore, #tpu.memory_space<semaphore_mem>>)
      %add3A_299 = arith.constant 0 : i32
      %add3A_300 = arith.addi %mul3A_217, %add3A_299 : i32
      %dma_wait3A_301 = arith.constant 0 : i32
      %dma_wait3A_302 = tpu.memref_slice %arg7[%add3A_300, %dma_wait3A_301] : memref<125x80xi32, #tpu.memory_space<vmem>> -> memref<1x80xi32, #tpu.memory_space<vmem>>
      %dma_wait3A_303 = tpu.memref_squeeze %dma_wait3A_302 : memref<1x80xi32, #tpu.memory_space<vmem>> -> memref<80xi32, #tpu.memory_space<vmem>>
      %dma_wait3A_304 = arith.constant 0 : i32
      %dma_wait3A_305 = arith.constant 0 : i32
      %dma_wait3A_306 = tpu.memref_slice %arg23[%dma_wait3A_304, %dma_wait3A_305] : memref<10000x128xf32, #tpu.memory_space<vmem_shared>> -> memref<10000x128xf32, #tpu.memory_space<vmem_shared>>
      tpu.wait_indirect_dma semaphore(%arg14 : memref<!tpu.dma_semaphore, #tpu.memory_space<semaphore_mem>>) src(%arg8 : memref<80x128xf32, #tpu.memory_space<vmem>>) dst(%dma_wait3A_306 : memref<10000x128xf32, #tpu.memory_space<vmem_shared>>)
      %add3A_307 = arith.constant 0 : i32
      %add3A_308 = arith.addi %mul3A_217, %add3A_307 : i32
      %add3A_309 = arith.constant 3 : i32
      %add3A_310 = arith.addi %add3A_308, %add3A_309 : i32
      %dma_wait3A_311 = arith.constant 0 : i32
      %dma_wait3A_312 = arith.constant 0 : i32
      %dma_wait3A_313 = tpu.memref_slice %arg3[%add3A, %add3A_310, %dma_wait3A_311, %dma_wait3A_312] : memref<32x125x1x80xi32, #tpu.memory_space<hbm>> -> memref<1x1x1x80xi32, #tpu.memory_space<hbm>>
      %dma_wait3A_314 = tpu.memref_squeeze %dma_wait3A_313 : memref<1x1x1x80xi32, #tpu.memory_space<hbm>> -> memref<1x80xi32, #tpu.memory_space<hbm>>
      %dma_wait3A_315 = arith.constant 0 : i32
      %dma_wait3A_316 = arith.constant 0 : i32
      %dma_wait3A_317 = tpu.memref_slice %arg3[%add3A, %add3A_310, %dma_wait3A_315, %dma_wait3A_316] : memref<32x125x1x80xi32, #tpu.memory_space<hbm>> -> memref<1x1x1x80xi32, #tpu.memory_space<hbm>>
      %dma_wait3A_318 = tpu.memref_squeeze %dma_wait3A_317 : memref<1x1x1x80xi32, #tpu.memory_space<hbm>> -> memref<1x80xi32, #tpu.memory_space<hbm>>
      tpu.wait_dma2 semaphore(%arg20 : memref<!tpu.dma_semaphore, #tpu.memory_space<semaphore_mem>>) src(%dma_wait3A_318 : memref<1x80xi32, #tpu.memory_space<hbm>>) dst(%arg17 : memref<1x80xi32, #tpu.memory_space<vmem>>)
      %dma_start3A_319 = arith.constant 0 : i32
      %dma_start3A_320 = arith.constant 0 : i32
      %dma_start3A_321 = tpu.memref_slice %arg17[%dma_start3A_319, %dma_start3A_320] : memref<1x80xi32, #tpu.memory_space<vmem>> -> memref<1x80xi32, #tpu.memory_space<vmem>>
      %dma_start3A_322 = tpu.memref_squeeze %dma_start3A_321 : memref<1x80xi32, #tpu.memory_space<vmem>> -> memref<80xi32, #tpu.memory_space<vmem>>
      %dma_start3A_323 = arith.constant 0 : i32
      %dma_start3A_324 = arith.constant 0 : i32
      %dma_start3A_325 = tpu.memref_slice %arg2[%dma_start3A_323, %dma_start3A_324] : memref<10000x128xf32, #tpu.memory_space<hbm>> -> memref<10000x128xf32, #tpu.memory_space<hbm>>
      tpu.enqueue_indirect_dma source(%dma_start3A_325 : memref<10000x128xf32, #tpu.memory_space<hbm>>) target(%arg8 : memref<80x128xf32, #tpu.memory_space<vmem>>) offsets(%dma_start3A_322 : memref<80xi32, #tpu.memory_space<vmem>>) semaphore(%arg11 : memref<!tpu.dma_semaphore, #tpu.memory_space<semaphore_mem>>)
      %add3A_326 = arith.constant 1 : i32
      %add3A_327 = arith.addi %mul3A_217, %add3A_326 : i32
      %dma_wait3A_328 = arith.constant 0 : i32
      %dma_wait3A_329 = tpu.memref_slice %arg7[%add3A_327, %dma_wait3A_328] : memref<125x80xi32, #tpu.memory_space<vmem>> -> memref<1x80xi32, #tpu.memory_space<vmem>>
      %dma_wait3A_330 = tpu.memref_squeeze %dma_wait3A_329 : memref<1x80xi32, #tpu.memory_space<vmem>> -> memref<80xi32, #tpu.memory_space<vmem>>
      %dma_wait3A_331 = arith.constant 0 : i32
      %dma_wait3A_332 = arith.constant 0 : i32
      %dma_wait3A_333 = tpu.memref_slice %arg23[%dma_wait3A_331, %dma_wait3A_332] : memref<10000x128xf32, #tpu.memory_space<vmem_shared>> -> memref<10000x128xf32, #tpu.memory_space<vmem_shared>>
      tpu.wait_indirect_dma semaphore(%arg15 : memref<!tpu.dma_semaphore, #tpu.memory_space<semaphore_mem>>) src(%arg9 : memref<80x128xf32, #tpu.memory_space<vmem>>) dst(%dma_wait3A_333 : memref<10000x128xf32, #tpu.memory_space<vmem_shared>>)
      %add3A_334 = arith.constant 1 : i32
      %add3A_335 = arith.addi %mul3A_217, %add3A_334 : i32
      %add3A_336 = arith.constant 3 : i32
      %add3A_337 = arith.addi %add3A_335, %add3A_336 : i32
      %dma_wait3A_338 = arith.constant 0 : i32
      %dma_wait3A_339 = arith.constant 0 : i32
      %dma_wait3A_340 = tpu.memref_slice %arg3[%add3A, %add3A_337, %dma_wait3A_338, %dma_wait3A_339] : memref<32x125x1x80xi32, #tpu.memory_space<hbm>> -> memref<1x1x1x80xi32, #tpu.memory_space<hbm>>
      %dma_wait3A_341 = tpu.memref_squeeze %dma_wait3A_340 : memref<1x1x1x80xi32, #tpu.memory_space<hbm>> -> memref<1x80xi32, #tpu.memory_space<hbm>>
      %dma_wait3A_342 = arith.constant 0 : i32
      %dma_wait3A_343 = arith.constant 0 : i32
      %dma_wait3A_344 = tpu.memref_slice %arg3[%add3A, %add3A_337, %dma_wait3A_342, %dma_wait3A_343] : memref<32x125x1x80xi32, #tpu.memory_space<hbm>> -> memref<1x1x1x80xi32, #tpu.memory_space<hbm>>
      %dma_wait3A_345 = tpu.memref_squeeze %dma_wait3A_344 : memref<1x1x1x80xi32, #tpu.memory_space<hbm>> -> memref<1x80xi32, #tpu.memory_space<hbm>>
      tpu.wait_dma2 semaphore(%arg21 : memref<!tpu.dma_semaphore, #tpu.memory_space<semaphore_mem>>) src(%dma_wait3A_345 : memref<1x80xi32, #tpu.memory_space<hbm>>) dst(%arg18 : memref<1x80xi32, #tpu.memory_space<vmem>>)
      %dma_start3A_346 = arith.constant 0 : i32
      %dma_start3A_347 = arith.constant 0 : i32
      %dma_start3A_348 = tpu.memref_slice %arg18[%dma_start3A_346, %dma_start3A_347] : memref<1x80xi32, #tpu.memory_space<vmem>> -> memref<1x80xi32, #tpu.memory_space<vmem>>
      %dma_start3A_349 = tpu.memref_squeeze %dma_start3A_348 : memref<1x80xi32, #tpu.memory_space<vmem>> -> memref<80xi32, #tpu.memory_space<vmem>>
      %dma_start3A_350 = arith.constant 0 : i32
      %dma_start3A_351 = arith.constant 0 : i32
      %dma_start3A_352 = tpu.memref_slice %arg2[%dma_start3A_350, %dma_start3A_351] : memref<10000x128xf32, #tpu.memory_space<hbm>> -> memref<10000x128xf32, #tpu.memory_space<hbm>>
      tpu.enqueue_indirect_dma source(%dma_start3A_352 : memref<10000x128xf32, #tpu.memory_space<hbm>>) target(%arg9 : memref<80x128xf32, #tpu.memory_space<vmem>>) offsets(%dma_start3A_349 : memref<80xi32, #tpu.memory_space<vmem>>) semaphore(%arg12 : memref<!tpu.dma_semaphore, #tpu.memory_space<semaphore_mem>>)
      %add3A_353 = arith.constant 2 : i32
      %add3A_354 = arith.addi %mul3A_217, %add3A_353 : i32
      %dma_wait3A_355 = arith.constant 0 : i32
      %dma_wait3A_356 = tpu.memref_slice %arg7[%add3A_354, %dma_wait3A_355] : memref<125x80xi32, #tpu.memory_space<vmem>> -> memref<1x80xi32, #tpu.memory_space<vmem>>
      %dma_wait3A_357 = tpu.memref_squeeze %dma_wait3A_356 : memref<1x80xi32, #tpu.memory_space<vmem>> -> memref<80xi32, #tpu.memory_space<vmem>>
      %dma_wait3A_358 = arith.constant 0 : i32
      %dma_wait3A_359 = arith.constant 0 : i32
      %dma_wait3A_360 = tpu.memref_slice %arg23[%dma_wait3A_358, %dma_wait3A_359] : memref<10000x128xf32, #tpu.memory_space<vmem_shared>> -> memref<10000x128xf32, #tpu.memory_space<vmem_shared>>
      tpu.wait_indirect_dma semaphore(%arg16 : memref<!tpu.dma_semaphore, #tpu.memory_space<semaphore_mem>>) src(%arg10 : memref<80x128xf32, #tpu.memory_space<vmem>>) dst(%dma_wait3A_360 : memref<10000x128xf32, #tpu.memory_space<vmem_shared>>)
      %add3A_361 = arith.constant 2 : i32
      %add3A_362 = arith.addi %mul3A_217, %add3A_361 : i32
      %add3A_363 = arith.constant 3 : i32
      %add3A_364 = arith.addi %add3A_362, %add3A_363 : i32
      %dma_wait3A_365 = arith.constant 0 : i32
      %dma_wait3A_366 = arith.constant 0 : i32
      %dma_wait3A_367 = tpu.memref_slice %arg3[%add3A, %add3A_364, %dma_wait3A_365, %dma_wait3A_366] : memref<32x125x1x80xi32, #tpu.memory_space<hbm>> -> memref<1x1x1x80xi32, #tpu.memory_space<hbm>>
      %dma_wait3A_368 = tpu.memref_squeeze %dma_wait3A_367 : memref<1x1x1x80xi32, #tpu.memory_space<hbm>> -> memref<1x80xi32, #tpu.memory_space<hbm>>
      %dma_wait3A_369 = arith.constant 0 : i32
      %dma_wait3A_370 = arith.constant 0 : i32
      %dma_wait3A_371 = tpu.memref_slice %arg3[%add3A, %add3A_364, %dma_wait3A_369, %dma_wait3A_370] : memref<32x125x1x80xi32, #tpu.memory_space<hbm>> -> memref<1x1x1x80xi32, #tpu.memory_space<hbm>>
      %dma_wait3A_372 = tpu.memref_squeeze %dma_wait3A_371 : memref<1x1x1x80xi32, #tpu.memory_space<hbm>> -> memref<1x80xi32, #tpu.memory_space<hbm>>
      tpu.wait_dma2 semaphore(%arg22 : memref<!tpu.dma_semaphore, #tpu.memory_space<semaphore_mem>>) src(%dma_wait3A_372 : memref<1x80xi32, #tpu.memory_space<hbm>>) dst(%arg19 : memref<1x80xi32, #tpu.memory_space<vmem>>)
      %dma_start3A_373 = arith.constant 0 : i32
      %dma_start3A_374 = arith.constant 0 : i32
      %dma_start3A_375 = tpu.memref_slice %arg19[%dma_start3A_373, %dma_start3A_374] : memref<1x80xi32, #tpu.memory_space<vmem>> -> memref<1x80xi32, #tpu.memory_space<vmem>>
      %dma_start3A_376 = tpu.memref_squeeze %dma_start3A_375 : memref<1x80xi32, #tpu.memory_space<vmem>> -> memref<80xi32, #tpu.memory_space<vmem>>
      %dma_start3A_377 = arith.constant 0 : i32
      %dma_start3A_378 = arith.constant 0 : i32
      %dma_start3A_379 = tpu.memref_slice %arg2[%dma_start3A_377, %dma_start3A_378] : memref<10000x128xf32, #tpu.memory_space<hbm>> -> memref<10000x128xf32, #tpu.memory_space<hbm>>
      tpu.enqueue_indirect_dma source(%dma_start3A_379 : memref<10000x128xf32, #tpu.memory_space<hbm>>) target(%arg10 : memref<80x128xf32, #tpu.memory_space<vmem>>) offsets(%dma_start3A_376 : memref<80xi32, #tpu.memory_space<vmem>>) semaphore(%arg13 : memref<!tpu.dma_semaphore, #tpu.memory_space<semaphore_mem>>)
    }
    %scan3A_80 = arith.constant 40 : i32
    %dma_wait3A_81 = arith.constant 0 : i32
    %dma_wait3A_82 = arith.constant 0 : i32
    %dma_wait3A_83 = tpu.memref_slice %arg17[%dma_wait3A_81, %dma_wait3A_82] : memref<1x80xi32, #tpu.memory_space<vmem>> -> memref<1x80xi32, #tpu.memory_space<vmem>>
    %dma_wait3A_84 = tpu.memref_squeeze %dma_wait3A_83 : memref<1x80xi32, #tpu.memory_space<vmem>> -> memref<80xi32, #tpu.memory_space<vmem>>
    %dma_wait3A_85 = arith.constant 0 : i32
    %dma_wait3A_86 = arith.constant 0 : i32
    %dma_wait3A_87 = tpu.memref_slice %arg2[%dma_wait3A_85, %dma_wait3A_86] : memref<10000x128xf32, #tpu.memory_space<hbm>> -> memref<10000x128xf32, #tpu.memory_space<hbm>>
    tpu.wait_indirect_dma semaphore(%arg11 : memref<!tpu.dma_semaphore, #tpu.memory_space<semaphore_mem>>) src(%dma_wait3A_87 : memref<10000x128xf32, #tpu.memory_space<hbm>>) dst(%arg8 : memref<80x128xf32, #tpu.memory_space<vmem>>)
    %dma_start3A_88 = arith.constant 120 : i32
    %dma_start3A_89 = arith.constant 0 : i32
    %dma_start3A_90 = tpu.memref_slice %arg7[%dma_start3A_88, %dma_start3A_89] : memref<125x80xi32, #tpu.memory_space<vmem>> -> memref<1x80xi32, #tpu.memory_space<vmem>>
    %dma_start3A_91 = tpu.memref_squeeze %dma_start3A_90 : memref<1x80xi32, #tpu.memory_space<vmem>> -> memref<80xi32, #tpu.memory_space<vmem>>
    %dma_start3A_92 = arith.constant 0 : i32
    %dma_start3A_93 = arith.constant 0 : i32
    %dma_start3A_94 = tpu.memref_slice %arg23[%dma_start3A_92, %dma_start3A_93] : memref<10000x128xf32, #tpu.memory_space<vmem_shared>> -> memref<10000x128xf32, #tpu.memory_space<vmem_shared>>
    tpu.enqueue_indirect_dma source(%arg8 : memref<80x128xf32, #tpu.memory_space<vmem>>) target(%dma_start3A_94 : memref<10000x128xf32, #tpu.memory_space<vmem_shared>>) offsets(%dma_start3A_91 : memref<80xi32, #tpu.memory_space<vmem>>) semaphore(%arg14 : memref<!tpu.dma_semaphore, #tpu.memory_space<semaphore_mem>>) {add = true}
    %dma_start3A_95 = arith.constant 123 : i32
    %dma_start3A_96 = arith.constant 0 : i32
    %dma_start3A_97 = arith.constant 0 : i32
    %dma_start3A_98 = tpu.memref_slice %arg3[%add3A, %dma_start3A_95, %dma_start3A_96, %dma_start3A_97] : memref<32x125x1x80xi32, #tpu.memory_space<hbm>> -> memref<1x1x1x80xi32, #tpu.memory_space<hbm>>
    %dma_start3A_99 = tpu.memref_squeeze %dma_start3A_98 : memref<1x1x1x80xi32, #tpu.memory_space<hbm>> -> memref<1x80xi32, #tpu.memory_space<hbm>>
    %dma_start3A_100 = arith.constant 0 : i32
    %dma_start3A_101 = arith.constant 0 : i32
    %dma_start3A_102 = tpu.memref_slice %arg3[%add3A, %dma_start3A_95, %dma_start3A_100, %dma_start3A_101] : memref<32x125x1x80xi32, #tpu.memory_space<hbm>> -> memref<1x1x1x80xi32, #tpu.memory_space<hbm>>
    %dma_start3A_103 = tpu.memref_squeeze %dma_start3A_102 : memref<1x1x1x80xi32, #tpu.memory_space<hbm>> -> memref<1x80xi32, #tpu.memory_space<hbm>>
    tpu.enqueue_dma source(%dma_start3A_103 : memref<1x80xi32, #tpu.memory_space<hbm>>) target(%arg17 : memref<1x80xi32, #tpu.memory_space<vmem>>) target_semaphore(%arg20 : memref<!tpu.dma_semaphore, #tpu.memory_space<semaphore_mem>>)
    %dma_wait3A_104 = arith.constant 0 : i32
    %dma_wait3A_105 = arith.constant 0 : i32
    %dma_wait3A_106 = tpu.memref_slice %arg18[%dma_wait3A_104, %dma_wait3A_105] : memref<1x80xi32, #tpu.memory_space<vmem>> -> memref<1x80xi32, #tpu.memory_space<vmem>>
    %dma_wait3A_107 = tpu.memref_squeeze %dma_wait3A_106 : memref<1x80xi32, #tpu.memory_space<vmem>> -> memref<80xi32, #tpu.memory_space<vmem>>
    %dma_wait3A_108 = arith.constant 0 : i32
    %dma_wait3A_109 = arith.constant 0 : i32
    %dma_wait3A_110 = tpu.memref_slice %arg2[%dma_wait3A_108, %dma_wait3A_109] : memref<10000x128xf32, #tpu.memory_space<hbm>> -> memref<10000x128xf32, #tpu.memory_space<hbm>>
    tpu.wait_indirect_dma semaphore(%arg12 : memref<!tpu.dma_semaphore, #tpu.memory_space<semaphore_mem>>) src(%dma_wait3A_110 : memref<10000x128xf32, #tpu.memory_space<hbm>>) dst(%arg9 : memref<80x128xf32, #tpu.memory_space<vmem>>)
    %dma_start3A_111 = arith.constant 121 : i32
    %dma_start3A_112 = arith.constant 0 : i32
    %dma_start3A_113 = tpu.memref_slice %arg7[%dma_start3A_111, %dma_start3A_112] : memref<125x80xi32, #tpu.memory_space<vmem>> -> memref<1x80xi32, #tpu.memory_space<vmem>>
    %dma_start3A_114 = tpu.memref_squeeze %dma_start3A_113 : memref<1x80xi32, #tpu.memory_space<vmem>> -> memref<80xi32, #tpu.memory_space<vmem>>
    %dma_start3A_115 = arith.constant 0 : i32
    %dma_start3A_116 = arith.constant 0 : i32
    %dma_start3A_117 = tpu.memref_slice %arg23[%dma_start3A_115, %dma_start3A_116] : memref<10000x128xf32, #tpu.memory_space<vmem_shared>> -> memref<10000x128xf32, #tpu.memory_space<vmem_shared>>
    tpu.enqueue_indirect_dma source(%arg9 : memref<80x128xf32, #tpu.memory_space<vmem>>) target(%dma_start3A_117 : memref<10000x128xf32, #tpu.memory_space<vmem_shared>>) offsets(%dma_start3A_114 : memref<80xi32, #tpu.memory_space<vmem>>) semaphore(%arg15 : memref<!tpu.dma_semaphore, #tpu.memory_space<semaphore_mem>>) {add = true}
    %dma_start3A_118 = arith.constant 124 : i32
    %dma_start3A_119 = arith.constant 0 : i32
    %dma_start3A_120 = arith.constant 0 : i32
    %dma_start3A_121 = tpu.memref_slice %arg3[%add3A, %dma_start3A_118, %dma_start3A_119, %dma_start3A_120] : memref<32x125x1x80xi32, #tpu.memory_space<hbm>> -> memref<1x1x1x80xi32, #tpu.memory_space<hbm>>
    %dma_start3A_122 = tpu.memref_squeeze %dma_start3A_121 : memref<1x1x1x80xi32, #tpu.memory_space<hbm>> -> memref<1x80xi32, #tpu.memory_space<hbm>>
    %dma_start3A_123 = arith.constant 0 : i32
    %dma_start3A_124 = arith.constant 0 : i32
    %dma_start3A_125 = tpu.memref_slice %arg3[%add3A, %dma_start3A_118, %dma_start3A_123, %dma_start3A_124] : memref<32x125x1x80xi32, #tpu.memory_space<hbm>> -> memref<1x1x1x80xi32, #tpu.memory_space<hbm>>
    %dma_start3A_126 = tpu.memref_squeeze %dma_start3A_125 : memref<1x1x1x80xi32, #tpu.memory_space<hbm>> -> memref<1x80xi32, #tpu.memory_space<hbm>>
    tpu.enqueue_dma source(%dma_start3A_126 : memref<1x80xi32, #tpu.memory_space<hbm>>) target(%arg18 : memref<1x80xi32, #tpu.memory_space<vmem>>) target_semaphore(%arg21 : memref<!tpu.dma_semaphore, #tpu.memory_space<semaphore_mem>>)
    %dma_wait3A_127 = arith.constant 0 : i32
    %dma_wait3A_128 = arith.constant 0 : i32
    %dma_wait3A_129 = tpu.memref_slice %arg19[%dma_wait3A_127, %dma_wait3A_128] : memref<1x80xi32, #tpu.memory_space<vmem>> -> memref<1x80xi32, #tpu.memory_space<vmem>>
    %dma_wait3A_130 = tpu.memref_squeeze %dma_wait3A_129 : memref<1x80xi32, #tpu.memory_space<vmem>> -> memref<80xi32, #tpu.memory_space<vmem>>
    %dma_wait3A_131 = arith.constant 0 : i32
    %dma_wait3A_132 = arith.constant 0 : i32
    %dma_wait3A_133 = tpu.memref_slice %arg2[%dma_wait3A_131, %dma_wait3A_132] : memref<10000x128xf32, #tpu.memory_space<hbm>> -> memref<10000x128xf32, #tpu.memory_space<hbm>>
    tpu.wait_indirect_dma semaphore(%arg13 : memref<!tpu.dma_semaphore, #tpu.memory_space<semaphore_mem>>) src(%dma_wait3A_133 : memref<10000x128xf32, #tpu.memory_space<hbm>>) dst(%arg10 : memref<80x128xf32, #tpu.memory_space<vmem>>)
    %dma_start3A_134 = arith.constant 122 : i32
    %dma_start3A_135 = arith.constant 0 : i32
    %dma_start3A_136 = tpu.memref_slice %arg7[%dma_start3A_134, %dma_start3A_135] : memref<125x80xi32, #tpu.memory_space<vmem>> -> memref<1x80xi32, #tpu.memory_space<vmem>>
    %dma_start3A_137 = tpu.memref_squeeze %dma_start3A_136 : memref<1x80xi32, #tpu.memory_space<vmem>> -> memref<80xi32, #tpu.memory_space<vmem>>
    %dma_start3A_138 = arith.constant 0 : i32
    %dma_start3A_139 = arith.constant 0 : i32
    %dma_start3A_140 = tpu.memref_slice %arg23[%dma_start3A_138, %dma_start3A_139] : memref<10000x128xf32, #tpu.memory_space<vmem_shared>> -> memref<10000x128xf32, #tpu.memory_space<vmem_shared>>
    tpu.enqueue_indirect_dma source(%arg10 : memref<80x128xf32, #tpu.memory_space<vmem>>) target(%dma_start3A_140 : memref<10000x128xf32, #tpu.memory_space<vmem_shared>>) offsets(%dma_start3A_137 : memref<80xi32, #tpu.memory_space<vmem>>) semaphore(%arg16 : memref<!tpu.dma_semaphore, #tpu.memory_space<semaphore_mem>>) {add = true}
    %dma_wait3A_141 = arith.constant 120 : i32
    %dma_wait3A_142 = arith.constant 0 : i32
    %dma_wait3A_143 = tpu.memref_slice %arg7[%dma_wait3A_141, %dma_wait3A_142] : memref<125x80xi32, #tpu.memory_space<vmem>> -> memref<1x80xi32, #tpu.memory_space<vmem>>
    %dma_wait3A_144 = tpu.memref_squeeze %dma_wait3A_143 : memref<1x80xi32, #tpu.memory_space<vmem>> -> memref<80xi32, #tpu.memory_space<vmem>>
    %dma_wait3A_145 = arith.constant 0 : i32
    %dma_wait3A_146 = arith.constant 0 : i32
    %dma_wait3A_147 = tpu.memref_slice %arg23[%dma_wait3A_145, %dma_wait3A_146] : memref<10000x128xf32, #tpu.memory_space<vmem_shared>> -> memref<10000x128xf32, #tpu.memory_space<vmem_shared>>
    tpu.wait_indirect_dma semaphore(%arg14 : memref<!tpu.dma_semaphore, #tpu.memory_space<semaphore_mem>>) src(%arg8 : memref<80x128xf32, #tpu.memory_space<vmem>>) dst(%dma_wait3A_147 : memref<10000x128xf32, #tpu.memory_space<vmem_shared>>)
    %dma_wait3A_148 = arith.constant 123 : i32
    %dma_wait3A_149 = arith.constant 0 : i32
    %dma_wait3A_150 = arith.constant 0 : i32
    %dma_wait3A_151 = tpu.memref_slice %arg3[%add3A, %dma_wait3A_148, %dma_wait3A_149, %dma_wait3A_150] : memref<32x125x1x80xi32, #tpu.memory_space<hbm>> -> memref<1x1x1x80xi32, #tpu.memory_space<hbm>>
    %dma_wait3A_152 = tpu.memref_squeeze %dma_wait3A_151 : memref<1x1x1x80xi32, #tpu.memory_space<hbm>> -> memref<1x80xi32, #tpu.memory_space<hbm>>
    %dma_wait3A_153 = arith.constant 0 : i32
    %dma_wait3A_154 = arith.constant 0 : i32
    %dma_wait3A_155 = tpu.memref_slice %arg3[%add3A, %dma_wait3A_148, %dma_wait3A_153, %dma_wait3A_154] : memref<32x125x1x80xi32, #tpu.memory_space<hbm>> -> memref<1x1x1x80xi32, #tpu.memory_space<hbm>>
    %dma_wait3A_156 = tpu.memref_squeeze %dma_wait3A_155 : memref<1x1x1x80xi32, #tpu.memory_space<hbm>> -> memref<1x80xi32, #tpu.memory_space<hbm>>
    tpu.wait_dma2 semaphore(%arg20 : memref<!tpu.dma_semaphore, #tpu.memory_space<semaphore_mem>>) src(%dma_wait3A_156 : memref<1x80xi32, #tpu.memory_space<hbm>>) dst(%arg17 : memref<1x80xi32, #tpu.memory_space<vmem>>)
    %dma_start3A_157 = arith.constant 0 : i32
    %dma_start3A_158 = arith.constant 0 : i32
    %dma_start3A_159 = tpu.memref_slice %arg17[%dma_start3A_157, %dma_start3A_158] : memref<1x80xi32, #tpu.memory_space<vmem>> -> memref<1x80xi32, #tpu.memory_space<vmem>>
    %dma_start3A_160 = tpu.memref_squeeze %dma_start3A_159 : memref<1x80xi32, #tpu.memory_space<vmem>> -> memref<80xi32, #tpu.memory_space<vmem>>
    %dma_start3A_161 = arith.constant 0 : i32
    %dma_start3A_162 = arith.constant 0 : i32
    %dma_start3A_163 = tpu.memref_slice %arg2[%dma_start3A_161, %dma_start3A_162] : memref<10000x128xf32, #tpu.memory_space<hbm>> -> memref<10000x128xf32, #tpu.memory_space<hbm>>
    tpu.enqueue_indirect_dma source(%dma_start3A_163 : memref<10000x128xf32, #tpu.memory_space<hbm>>) target(%arg8 : memref<80x128xf32, #tpu.memory_space<vmem>>) offsets(%dma_start3A_160 : memref<80xi32, #tpu.memory_space<vmem>>) semaphore(%arg11 : memref<!tpu.dma_semaphore, #tpu.memory_space<semaphore_mem>>)
    %dma_wait3A_164 = arith.constant 121 : i32
    %dma_wait3A_165 = arith.constant 0 : i32
    %dma_wait3A_166 = tpu.memref_slice %arg7[%dma_wait3A_164, %dma_wait3A_165] : memref<125x80xi32, #tpu.memory_space<vmem>> -> memref<1x80xi32, #tpu.memory_space<vmem>>
    %dma_wait3A_167 = tpu.memref_squeeze %dma_wait3A_166 : memref<1x80xi32, #tpu.memory_space<vmem>> -> memref<80xi32, #tpu.memory_space<vmem>>
    %dma_wait3A_168 = arith.constant 0 : i32
    %dma_wait3A_169 = arith.constant 0 : i32
    %dma_wait3A_170 = tpu.memref_slice %arg23[%dma_wait3A_168, %dma_wait3A_169] : memref<10000x128xf32, #tpu.memory_space<vmem_shared>> -> memref<10000x128xf32, #tpu.memory_space<vmem_shared>>
    tpu.wait_indirect_dma semaphore(%arg15 : memref<!tpu.dma_semaphore, #tpu.memory_space<semaphore_mem>>) src(%arg9 : memref<80x128xf32, #tpu.memory_space<vmem>>) dst(%dma_wait3A_170 : memref<10000x128xf32, #tpu.memory_space<vmem_shared>>)
    %dma_wait3A_171 = arith.constant 124 : i32
    %dma_wait3A_172 = arith.constant 0 : i32
    %dma_wait3A_173 = arith.constant 0 : i32
    %dma_wait3A_174 = tpu.memref_slice %arg3[%add3A, %dma_wait3A_171, %dma_wait3A_172, %dma_wait3A_173] : memref<32x125x1x80xi32, #tpu.memory_space<hbm>> -> memref<1x1x1x80xi32, #tpu.memory_space<hbm>>
    %dma_wait3A_175 = tpu.memref_squeeze %dma_wait3A_174 : memref<1x1x1x80xi32, #tpu.memory_space<hbm>> -> memref<1x80xi32, #tpu.memory_space<hbm>>
    %dma_wait3A_176 = arith.constant 0 : i32
    %dma_wait3A_177 = arith.constant 0 : i32
    %dma_wait3A_178 = tpu.memref_slice %arg3[%add3A, %dma_wait3A_171, %dma_wait3A_176, %dma_wait3A_177] : memref<32x125x1x80xi32, #tpu.memory_space<hbm>> -> memref<1x1x1x80xi32, #tpu.memory_space<hbm>>
    %dma_wait3A_179 = tpu.memref_squeeze %dma_wait3A_178 : memref<1x1x1x80xi32, #tpu.memory_space<hbm>> -> memref<1x80xi32, #tpu.memory_space<hbm>>
    tpu.wait_dma2 semaphore(%arg21 : memref<!tpu.dma_semaphore, #tpu.memory_space<semaphore_mem>>) src(%dma_wait3A_179 : memref<1x80xi32, #tpu.memory_space<hbm>>) dst(%arg18 : memref<1x80xi32, #tpu.memory_space<vmem>>)
    %dma_start3A_180 = arith.constant 0 : i32
    %dma_start3A_181 = arith.constant 0 : i32
    %dma_start3A_182 = tpu.memref_slice %arg18[%dma_start3A_180, %dma_start3A_181] : memref<1x80xi32, #tpu.memory_space<vmem>> -> memref<1x80xi32, #tpu.memory_space<vmem>>
    %dma_start3A_183 = tpu.memref_squeeze %dma_start3A_182 : memref<1x80xi32, #tpu.memory_space<vmem>> -> memref<80xi32, #tpu.memory_space<vmem>>
    %dma_start3A_184 = arith.constant 0 : i32
    %dma_start3A_185 = arith.constant 0 : i32
    %dma_start3A_186 = tpu.memref_slice %arg2[%dma_start3A_184, %dma_start3A_185] : memref<10000x128xf32, #tpu.memory_space<hbm>> -> memref<10000x128xf32, #tpu.memory_space<hbm>>
    tpu.enqueue_indirect_dma source(%dma_start3A_186 : memref<10000x128xf32, #tpu.memory_space<hbm>>) target(%arg9 : memref<80x128xf32, #tpu.memory_space<vmem>>) offsets(%dma_start3A_183 : memref<80xi32, #tpu.memory_space<vmem>>) semaphore(%arg12 : memref<!tpu.dma_semaphore, #tpu.memory_space<semaphore_mem>>)
    %dma_wait3A_187 = arith.constant 122 : i32
    %dma_wait3A_188 = arith.constant 0 : i32
    %dma_wait3A_189 = tpu.memref_slice %arg7[%dma_wait3A_187, %dma_wait3A_188] : memref<125x80xi32, #tpu.memory_space<vmem>> -> memref<1x80xi32, #tpu.memory_space<vmem>>
    %dma_wait3A_190 = tpu.memref_squeeze %dma_wait3A_189 : memref<1x80xi32, #tpu.memory_space<vmem>> -> memref<80xi32, #tpu.memory_space<vmem>>
    %dma_wait3A_191 = arith.constant 0 : i32
    %dma_wait3A_192 = arith.constant 0 : i32
    %dma_wait3A_193 = tpu.memref_slice %arg23[%dma_wait3A_191, %dma_wait3A_192] : memref<10000x128xf32, #tpu.memory_space<vmem_shared>> -> memref<10000x128xf32, #tpu.memory_space<vmem_shared>>
    tpu.wait_indirect_dma semaphore(%arg16 : memref<!tpu.dma_semaphore, #tpu.memory_space<semaphore_mem>>) src(%arg10 : memref<80x128xf32, #tpu.memory_space<vmem>>) dst(%dma_wait3A_193 : memref<10000x128xf32, #tpu.memory_space<vmem_shared>>)
    %dma_wait3A_194 = arith.constant 0 : i32
    %dma_wait3A_195 = arith.constant 0 : i32
    %dma_wait3A_196 = tpu.memref_slice %arg17[%dma_wait3A_194, %dma_wait3A_195] : memref<1x80xi32, #tpu.memory_space<vmem>> -> memref<1x80xi32, #tpu.memory_space<vmem>>
    %dma_wait3A_197 = tpu.memref_squeeze %dma_wait3A_196 : memref<1x80xi32, #tpu.memory_space<vmem>> -> memref<80xi32, #tpu.memory_space<vmem>>
    %dma_wait3A_198 = arith.constant 0 : i32
    %dma_wait3A_199 = arith.constant 0 : i32
    %dma_wait3A_200 = tpu.memref_slice %arg2[%dma_wait3A_198, %dma_wait3A_199] : memref<10000x128xf32, #tpu.memory_space<hbm>> -> memref<10000x128xf32, #tpu.memory_space<hbm>>
    tpu.wait_indirect_dma semaphore(%arg11 : memref<!tpu.dma_semaphore, #tpu.memory_space<semaphore_mem>>) src(%dma_wait3A_200 : memref<10000x128xf32, #tpu.memory_space<hbm>>) dst(%arg8 : memref<80x128xf32, #tpu.memory_space<vmem>>)
    %run_scoped3A = arith.constant 123 : i32
    "tpu.region"() ({
      %run_scoped3A_215 = tpu.sem_alloc : memref<!tpu.dma_semaphore, #tpu.memory_space<semaphore_mem>>
      %dma_start3A_216 = arith.constant 0 : i32
      %dma_start3A_217 = tpu.memref_slice %arg7[%run_scoped3A, %dma_start3A_216] : memref<125x80xi32, #tpu.memory_space<vmem>> -> memref<1x80xi32, #tpu.memory_space<vmem>>
      %dma_start3A_218 = tpu.memref_squeeze %dma_start3A_217 : memref<1x80xi32, #tpu.memory_space<vmem>> -> memref<80xi32, #tpu.memory_space<vmem>>
      %dma_start3A_219 = arith.constant 0 : i32
      %dma_start3A_220 = arith.constant 0 : i32
      %dma_start3A_221 = tpu.memref_slice %arg23[%dma_start3A_219, %dma_start3A_220] : memref<10000x128xf32, #tpu.memory_space<vmem_shared>> -> memref<10000x128xf32, #tpu.memory_space<vmem_shared>>
      tpu.enqueue_indirect_dma source(%arg8 : memref<80x128xf32, #tpu.memory_space<vmem>>) target(%dma_start3A_221 : memref<10000x128xf32, #tpu.memory_space<vmem_shared>>) offsets(%dma_start3A_218 : memref<80xi32, #tpu.memory_space<vmem>>) semaphore(%run_scoped3A_215 : memref<!tpu.dma_semaphore, #tpu.memory_space<semaphore_mem>>) {add = true}
      %dma_wait3A_222 = arith.constant 0 : i32
      %dma_wait3A_223 = tpu.memref_slice %arg7[%run_scoped3A, %dma_wait3A_222] : memref<125x80xi32, #tpu.memory_space<vmem>> -> memref<1x80xi32, #tpu.memory_space<vmem>>
      %dma_wait3A_224 = tpu.memref_squeeze %dma_wait3A_223 : memref<1x80xi32, #tpu.memory_space<vmem>> -> memref<80xi32, #tpu.memory_space<vmem>>
      %dma_wait3A_225 = arith.constant 0 : i32
      %dma_wait3A_226 = arith.constant 0 : i32
      %dma_wait3A_227 = tpu.memref_slice %arg23[%dma_wait3A_225, %dma_wait3A_226] : memref<10000x128xf32, #tpu.memory_space<vmem_shared>> -> memref<10000x128xf32, #tpu.memory_space<vmem_shared>>
      tpu.wait_indirect_dma semaphore(%run_scoped3A_215 : memref<!tpu.dma_semaphore, #tpu.memory_space<semaphore_mem>>) src(%arg8 : memref<80x128xf32, #tpu.memory_space<vmem>>) dst(%dma_wait3A_227 : memref<10000x128xf32, #tpu.memory_space<vmem_shared>>)
      tpu.yield
    }) : () -> ()
    %dma_wait3A_201 = arith.constant 0 : i32
    %dma_wait3A_202 = arith.constant 0 : i32
    %dma_wait3A_203 = tpu.memref_slice %arg18[%dma_wait3A_201, %dma_wait3A_202] : memref<1x80xi32, #tpu.memory_space<vmem>> -> memref<1x80xi32, #tpu.memory_space<vmem>>
    %dma_wait3A_204 = tpu.memref_squeeze %dma_wait3A_203 : memref<1x80xi32, #tpu.memory_space<vmem>> -> memref<80xi32, #tpu.memory_space<vmem>>
    %dma_wait3A_205 = arith.constant 0 : i32
    %dma_wait3A_206 = arith.constant 0 : i32
    %dma_wait3A_207 = tpu.memref_slice %arg2[%dma_wait3A_205, %dma_wait3A_206] : memref<10000x128xf32, #tpu.memory_space<hbm>> -> memref<10000x128xf32, #tpu.memory_space<hbm>>
    tpu.wait_indirect_dma semaphore(%arg12 : memref<!tpu.dma_semaphore, #tpu.memory_space<semaphore_mem>>) src(%dma_wait3A_207 : memref<10000x128xf32, #tpu.memory_space<hbm>>) dst(%arg9 : memref<80x128xf32, #tpu.memory_space<vmem>>)
    %run_scoped3A_208 = arith.constant 124 : i32
    "tpu.region"() ({
      %run_scoped3A_215 = tpu.sem_alloc : memref<!tpu.dma_semaphore, #tpu.memory_space<semaphore_mem>>
      %dma_start3A_216 = arith.constant 0 : i32
      %dma_start3A_217 = tpu.memref_slice %arg7[%run_scoped3A_208, %dma_start3A_216] : memref<125x80xi32, #tpu.memory_space<vmem>> -> memref<1x80xi32, #tpu.memory_space<vmem>>
      %dma_start3A_218 = tpu.memref_squeeze %dma_start3A_217 : memref<1x80xi32, #tpu.memory_space<vmem>> -> memref<80xi32, #tpu.memory_space<vmem>>
      %dma_start3A_219 = arith.constant 0 : i32
      %dma_start3A_220 = arith.constant 0 : i32
      %dma_start3A_221 = tpu.memref_slice %arg23[%dma_start3A_219, %dma_start3A_220] : memref<10000x128xf32, #tpu.memory_space<vmem_shared>> -> memref<10000x128xf32, #tpu.memory_space<vmem_shared>>
      tpu.enqueue_indirect_dma source(%arg9 : memref<80x128xf32, #tpu.memory_space<vmem>>) target(%dma_start3A_221 : memref<10000x128xf32, #tpu.memory_space<vmem_shared>>) offsets(%dma_start3A_218 : memref<80xi32, #tpu.memory_space<vmem>>) semaphore(%run_scoped3A_215 : memref<!tpu.dma_semaphore, #tpu.memory_space<semaphore_mem>>) {add = true}
      %dma_wait3A_222 = arith.constant 0 : i32
      %dma_wait3A_223 = tpu.memref_slice %arg7[%run_scoped3A_208, %dma_wait3A_222] : memref<125x80xi32, #tpu.memory_space<vmem>> -> memref<1x80xi32, #tpu.memory_space<vmem>>
      %dma_wait3A_224 = tpu.memref_squeeze %dma_wait3A_223 : memref<1x80xi32, #tpu.memory_space<vmem>> -> memref<80xi32, #tpu.memory_space<vmem>>
      %dma_wait3A_225 = arith.constant 0 : i32
      %dma_wait3A_226 = arith.constant 0 : i32
      %dma_wait3A_227 = tpu.memref_slice %arg23[%dma_wait3A_225, %dma_wait3A_226] : memref<10000x128xf32, #tpu.memory_space<vmem_shared>> -> memref<10000x128xf32, #tpu.memory_space<vmem_shared>>
      tpu.wait_indirect_dma semaphore(%run_scoped3A_215 : memref<!tpu.dma_semaphore, #tpu.memory_space<semaphore_mem>>) src(%arg9 : memref<80x128xf32, #tpu.memory_space<vmem>>) dst(%dma_wait3A_227 : memref<10000x128xf32, #tpu.memory_space<vmem_shared>>)
      tpu.yield
    }) : () -> ()
    %barrier3A_209 = arith.constant 0 : index
    tpu.barrier barrier_id(%barrier3A_209)
    %lt3A_210 = arith.constant 10 : i32
    %lt3A_211 = arith.cmpi slt, %arg1, %lt3A_210 : i32
    %convert_element_type3A_212 = arith.extui %lt3A_211 : i1 to i32
    %cond3A_213 = arith.constant 0 : i32
    %cond3A_214 = arith.cmpi ne, %convert_element_type3A_212, %cond3A_213 : i32
    scf.if %cond3A_214 {
      %mul3A_215 = arith.constant 1000 : i32
      %mul3A_216 = arith.muli %arg1, %mul3A_215 : i32
      "tpu.region"() ({
        %run_scoped3A_217 = tpu.sem_alloc : memref<!tpu.dma_semaphore, #tpu.memory_space<semaphore_mem>>
        %dma_start3A_218 = arith.constant 0 : i32
        %dma_start3A_219 = arith.constant 0 : i32
        %dma_start3A_220 = tpu.memref_slice %arg6[%arg0, %dma_start3A_218, %dma_start3A_219] : memref<2x10000x128xf32, #tpu.memory_space<hbm>> -> memref<1x10000x128xf32, #tpu.memory_space<hbm>>
        %dma_start3A_221 = tpu.memref_squeeze %dma_start3A_220 : memref<1x10000x128xf32, #tpu.memory_space<hbm>> -> memref<10000x128xf32, #tpu.memory_space<hbm>>
        %dma_start3A_222 = arith.constant 0 : i32
        %dma_start3A_223 = tpu.memref_slice %dma_start3A_221[%mul3A_216, %dma_start3A_222] : memref<10000x128xf32, #tpu.memory_space<hbm>> -> memref<1000x128xf32, #tpu.memory_space<hbm>>
        %dma_start3A_224 = arith.constant 0 : i32
        %dma_start3A_225 = tpu.memref_slice %arg23[%mul3A_216, %dma_start3A_224] : memref<10000x128xf32, #tpu.memory_space<vmem_shared>> -> memref<1000x128xf32, #tpu.memory_space<vmem_shared>>
        tpu.enqueue_dma source(%dma_start3A_225 : memref<1000x128xf32, #tpu.memory_space<vmem_shared>>) target(%dma_start3A_223 : memref<1000x128xf32, #tpu.memory_space<hbm>>) target_semaphore(%run_scoped3A_217 : memref<!tpu.dma_semaphore, #tpu.memory_space<semaphore_mem>>)
        %dma_wait3A_226 = arith.constant 0 : i32
        %dma_wait3A_227 = arith.constant 0 : i32
        %dma_wait3A_228 = tpu.memref_slice %arg6[%arg0, %dma_wait3A_226, %dma_wait3A_227] : memref<2x10000x128xf32, #tpu.memory_space<hbm>> -> memref<1x10000x128xf32, #tpu.memory_space<hbm>>
        %dma_wait3A_229 = tpu.memref_squeeze %dma_wait3A_228 : memref<1x10000x128xf32, #tpu.memory_space<hbm>> -> memref<10000x128xf32, #tpu.memory_space<hbm>>
        %dma_wait3A_230 = arith.constant 0 : i32
        %dma_wait3A_231 = tpu.memref_slice %dma_wait3A_229[%mul3A_216, %dma_wait3A_230] : memref<10000x128xf32, #tpu.memory_space<hbm>> -> memref<1000x128xf32, #tpu.memory_space<hbm>>
        %dma_wait3A_232 = arith.constant 0 : i32
        %dma_wait3A_233 = tpu.memref_slice %arg23[%mul3A_216, %dma_wait3A_232] : memref<10000x128xf32, #tpu.memory_space<vmem_shared>> -> memref<1000x128xf32, #tpu.memory_space<vmem_shared>>
        tpu.wait_dma2 semaphore(%run_scoped3A_217 : memref<!tpu.dma_semaphore, #tpu.memory_space<semaphore_mem>>) src(%dma_wait3A_233 : memref<1000x128xf32, #tpu.memory_space<vmem_shared>>) dst(%dma_wait3A_231 : memref<1000x128xf32, #tpu.memory_space<hbm>>)
        tpu.yield
      }) : () -> ()
    } else {
    }
    return
  }
}

#map = affine_map<(d0, d1) -> (0, 0)>
#map1 = affine_map<(d0, d1) -> (0, 0, 0, 0)>
#map2 = affine_map<(d0, d1) -> (0, 0, 0)>
module attributes {stable_mosaic.version = 14 : i64} {
  func.func @_agg_body(%arg0: i32, %arg1: i32, %arg2: memref<10000x128xf32, #tpu.memory_space<hbm>>, %arg3: memref<32x125x1x80xi32, #tpu.memory_space<hbm>>, %arg4: memref<32x125x80xi32, #tpu.memory_space<hbm>>, %arg5: memref<1000x128xf32, #tpu.memory_space<hbm>>, %arg6: memref<2x10000x128xf32, #tpu.memory_space<hbm>>, %arg7: memref<125x80xi32, #tpu.memory_space<vmem>>, %arg8: memref<80x128xf32, #tpu.memory_space<vmem>>, %arg9: memref<80x128xf32, #tpu.memory_space<vmem>>, %arg10: memref<80x128xf32, #tpu.memory_space<vmem>>, %arg11: memref<!tpu.dma_semaphore, #tpu.memory_space<semaphore_mem>>, %arg12: memref<!tpu.dma_semaphore, #tpu.memory_space<semaphore_mem>>, %arg13: memref<!tpu.dma_semaphore, #tpu.memory_space<semaphore_mem>>, %arg14: memref<!tpu.dma_semaphore, #tpu.memory_space<semaphore_mem>>, %arg15: memref<!tpu.dma_semaphore, #tpu.memory_space<semaphore_mem>>, %arg16: memref<!tpu.dma_semaphore, #tpu.memory_space<semaphore_mem>>, %arg17: memref<1x80xi32, #tpu.memory_space<vmem>>, %arg18: memref<1x80xi32, #tpu.memory_space<vmem>>, %arg19: memref<1x80xi32, #tpu.memory_space<vmem>>, %arg20: memref<!tpu.dma_semaphore, #tpu.memory_space<semaphore_mem>>, %arg21: memref<!tpu.dma_semaphore, #tpu.memory_space<semaphore_mem>>, %arg22: memref<!tpu.dma_semaphore, #tpu.memory_space<semaphore_mem>>, %arg23: memref<10000x128xf32, #tpu.memory_space<vmem_shared>>) attributes {dimension_semantics = [#tpu.dimension_semantics<core_parallel>, #tpu.dimension_semantics<subcore_parallel>], iteration_bounds = array<i64: 2, 16>, scalar_prefetch = 0 : i64, scratch_operands = 17 : i64, tpu.core_type = #tpu.core_type<sc_vector_subcore>, window_params = [{transform_indices = #map}, {transform_indices = #map1}, {transform_indices = #map2}, {transform_indices = #map}, {transform_indices = #map2}]} {
    %mul3A = arith.constant 16 : i32
    %mul3A_0 = arith.muli %arg0, %mul3A : i32
    %add3A = arith.addi %mul3A_0, %arg1 : i32
    "tpu.region"() ({
      %run_scoped3A_215 = tpu.sem_alloc : memref<!tpu.dma_semaphore, #tpu.memory_space<semaphore_mem>>
      %dma_start3A_216 = arith.constant 0 : i32
      %dma_start3A_217 = arith.constant 0 : i32
      %dma_start3A_218 = tpu.memref_slice %arg4[%add3A, %dma_start3A_216, %dma_start3A_217] : memref<32x125x80xi32, #tpu.memory_space<hbm>> -> memref<1x125x80xi32, #tpu.memory_space<hbm>>
      %dma_start3A_219 = tpu.memref_squeeze %dma_start3A_218 : memref<1x125x80xi32, #tpu.memory_space<hbm>> -> memref<125x80xi32, #tpu.memory_space<hbm>>
      %dma_start3A_220 = arith.constant 0 : i32
      %dma_start3A_221 = arith.constant 0 : i32
      %dma_start3A_222 = tpu.memref_slice %arg4[%add3A, %dma_start3A_220, %dma_start3A_221] : memref<32x125x80xi32, #tpu.memory_space<hbm>> -> memref<1x125x80xi32, #tpu.memory_space<hbm>>
      %dma_start3A_223 = tpu.memref_squeeze %dma_start3A_222 : memref<1x125x80xi32, #tpu.memory_space<hbm>> -> memref<125x80xi32, #tpu.memory_space<hbm>>
      tpu.enqueue_dma source(%dma_start3A_223 : memref<125x80xi32, #tpu.memory_space<hbm>>) target(%arg7 : memref<125x80xi32, #tpu.memory_space<vmem>>) target_semaphore(%run_scoped3A_215 : memref<!tpu.dma_semaphore, #tpu.memory_space<semaphore_mem>>)
      %dma_wait3A_224 = arith.constant 0 : i32
      %dma_wait3A_225 = arith.constant 0 : i32
      %dma_wait3A_226 = tpu.memref_slice %arg4[%add3A, %dma_wait3A_224, %dma_wait3A_225] : memref<32x125x80xi32, #tpu.memory_space<hbm>> -> memref<1x125x80xi32, #tpu.memory_space<hbm>>
      %dma_wait3A_227 = tpu.memref_squeeze %dma_wait3A_226 : memref<1x125x80xi32, #tpu.memory_space<hbm>> -> memref<125x80xi32, #tpu.memory_space<hbm>>
      %dma_wait3A_228 = arith.constant 0 : i32
      %dma_wait3A_229 = arith.constant 0 : i32
      %dma_wait3A_230 = tpu.memref_slice %arg4[%add3A, %dma_wait3A_228, %dma_wait3A_229] : memref<32x125x80xi32, #tpu.memory_space<hbm>> -> memref<1x125x80xi32, #tpu.memory_space<hbm>>
      %dma_wait3A_231 = tpu.memref_squeeze %dma_wait3A_230 : memref<1x125x80xi32, #tpu.memory_space<hbm>> -> memref<125x80xi32, #tpu.memory_space<hbm>>
      tpu.wait_dma2 semaphore(%run_scoped3A_215 : memref<!tpu.dma_semaphore, #tpu.memory_space<semaphore_mem>>) src(%dma_wait3A_231 : memref<125x80xi32, #tpu.memory_space<hbm>>) dst(%arg7 : memref<125x80xi32, #tpu.memory_space<vmem>>)
      tpu.yield
    }) : () -> ()
    %lt3A = arith.constant 10 : i32
    %lt3A_1 = arith.cmpi slt, %arg1, %lt3A : i32
    %convert_element_type3A = arith.extui %lt3A_1 : i1 to i32
    %cond3A = arith.constant 0 : i32
    %cond3A_2 = arith.cmpi ne, %convert_element_type3A, %cond3A : i32
    scf.if %cond3A_2 {
      %mul3A_215 = arith.constant 1000 : i32
      %mul3A_216 = arith.muli %arg1, %mul3A_215 : i32
      "tpu.region"() ({
        %run_scoped3A_217 = tpu.sem_alloc : memref<!tpu.dma_semaphore, #tpu.memory_space<semaphore_mem>>
        %dma_start3A_218 = arith.constant 0 : i32
        %dma_start3A_219 = tpu.memref_slice %arg23[%mul3A_216, %dma_start3A_218] : memref<10000x128xf32, #tpu.memory_space<vmem_shared>> -> memref<1000x128xf32, #tpu.memory_space<vmem_shared>>
        tpu.enqueue_dma source(%arg5 : memref<1000x128xf32, #tpu.memory_space<hbm>>) target(%dma_start3A_219 : memref<1000x128xf32, #tpu.memory_space<vmem_shared>>) target_semaphore(%run_scoped3A_217 : memref<!tpu.dma_semaphore, #tpu.memory_space<semaphore_mem>>)
        %dma_wait3A_220 = arith.constant 0 : i32
        %dma_wait3A_221 = tpu.memref_slice %arg23[%mul3A_216, %dma_wait3A_220] : memref<10000x128xf32, #tpu.memory_space<vmem_shared>> -> memref<1000x128xf32, #tpu.memory_space<vmem_shared>>
        tpu.wait_dma2 semaphore(%run_scoped3A_217 : memref<!tpu.dma_semaphore, #tpu.memory_space<semaphore_mem>>) src(%arg5 : memref<1000x128xf32, #tpu.memory_space<hbm>>) dst(%dma_wait3A_221 : memref<1000x128xf32, #tpu.memory_space<vmem_shared>>)
        tpu.yield
      }) : () -> ()
    } else {
    }
    %barrier3A = arith.constant 0 : index
    tpu.barrier barrier_id(%barrier3A)
    %dma_start3A = arith.constant 0 : i32
    %dma_start3A_3 = arith.constant 0 : i32
    %dma_start3A_4 = arith.constant 0 : i32
    %dma_start3A_5 = tpu.memref_slice %arg3[%add3A, %dma_start3A, %dma_start3A_3, %dma_start3A_4] : memref<32x125x1x80xi32, #tpu.memory_space<hbm>> -> memref<1x1x1x80xi32, #tpu.memory_space<hbm>>
    %dma_start3A_6 = tpu.memref_squeeze %dma_start3A_5 : memref<1x1x1x80xi32, #tpu.memory_space<hbm>> -> memref<1x80xi32, #tpu.memory_space<hbm>>
    %dma_start3A_7 = arith.constant 0 : i32
    %dma_start3A_8 = arith.constant 0 : i32
    %dma_start3A_9 = tpu.memref_slice %arg3[%add3A, %dma_start3A, %dma_start3A_7, %dma_start3A_8] : memref<32x125x1x80xi32, #tpu.memory_space<hbm>> -> memref<1x1x1x80xi32, #tpu.memory_space<hbm>>
    %dma_start3A_10 = tpu.memref_squeeze %dma_start3A_9 : memref<1x1x1x80xi32, #tpu.memory_space<hbm>> -> memref<1x80xi32, #tpu.memory_space<hbm>>
    tpu.enqueue_dma source(%dma_start3A_10 : memref<1x80xi32, #tpu.memory_space<hbm>>) target(%arg17 : memref<1x80xi32, #tpu.memory_space<vmem>>) target_semaphore(%arg20 : memref<!tpu.dma_semaphore, #tpu.memory_space<semaphore_mem>>)
    %dma_wait3A = arith.constant 0 : i32
    %dma_wait3A_11 = arith.constant 0 : i32
    %dma_wait3A_12 = arith.constant 0 : i32
    %dma_wait3A_13 = tpu.memref_slice %arg3[%add3A, %dma_wait3A, %dma_wait3A_11, %dma_wait3A_12] : memref<32x125x1x80xi32, #tpu.memory_space<hbm>> -> memref<1x1x1x80xi32, #tpu.memory_space<hbm>>
    %dma_wait3A_14 = tpu.memref_squeeze %dma_wait3A_13 : memref<1x1x1x80xi32, #tpu.memory_space<hbm>> -> memref<1x80xi32, #tpu.memory_space<hbm>>
    %dma_wait3A_15 = arith.constant 0 : i32
    %dma_wait3A_16 = arith.constant 0 : i32
    %dma_wait3A_17 = tpu.memref_slice %arg3[%add3A, %dma_wait3A, %dma_wait3A_15, %dma_wait3A_16] : memref<32x125x1x80xi32, #tpu.memory_space<hbm>> -> memref<1x1x1x80xi32, #tpu.memory_space<hbm>>
    %dma_wait3A_18 = tpu.memref_squeeze %dma_wait3A_17 : memref<1x1x1x80xi32, #tpu.memory_space<hbm>> -> memref<1x80xi32, #tpu.memory_space<hbm>>
    tpu.wait_dma2 semaphore(%arg20 : memref<!tpu.dma_semaphore, #tpu.memory_space<semaphore_mem>>) src(%dma_wait3A_18 : memref<1x80xi32, #tpu.memory_space<hbm>>) dst(%arg17 : memref<1x80xi32, #tpu.memory_space<vmem>>)
    %dma_start3A_19 = arith.constant 0 : i32
    %dma_start3A_20 = arith.constant 0 : i32
    %dma_start3A_21 = tpu.memref_slice %arg17[%dma_start3A_19, %dma_start3A_20] : memref<1x80xi32, #tpu.memory_space<vmem>> -> memref<1x80xi32, #tpu.memory_space<vmem>>
    %dma_start3A_22 = tpu.memref_squeeze %dma_start3A_21 : memref<1x80xi32, #tpu.memory_space<vmem>> -> memref<80xi32, #tpu.memory_space<vmem>>
    %dma_start3A_23 = arith.constant 0 : i32
    %dma_start3A_24 = arith.constant 0 : i32
    %dma_start3A_25 = tpu.memref_slice %arg2[%dma_start3A_23, %dma_start3A_24] : memref<10000x128xf32, #tpu.memory_space<hbm>> -> memref<10000x128xf32, #tpu.memory_space<hbm>>
    tpu.enqueue_indirect_dma source(%dma_start3A_25 : memref<10000x128xf32, #tpu.memory_space<hbm>>) target(%arg8 : memref<80x128xf32, #tpu.memory_space<vmem>>) offsets(%dma_start3A_22 : memref<80xi32, #tpu.memory_space<vmem>>) semaphore(%arg11 : memref<!tpu.dma_semaphore, #tpu.memory_space<semaphore_mem>>)
    %dma_start3A_26 = arith.constant 1 : i32
    %dma_start3A_27 = arith.constant 0 : i32
    %dma_start3A_28 = arith.constant 0 : i32
    %dma_start3A_29 = tpu.memref_slice %arg3[%add3A, %dma_start3A_26, %dma_start3A_27, %dma_start3A_28] : memref<32x125x1x80xi32, #tpu.memory_space<hbm>> -> memref<1x1x1x80xi32, #tpu.memory_space<hbm>>
    %dma_start3A_30 = tpu.memref_squeeze %dma_start3A_29 : memref<1x1x1x80xi32, #tpu.memory_space<hbm>> -> memref<1x80xi32, #tpu.memory_space<hbm>>
    %dma_start3A_31 = arith.constant 0 : i32
    %dma_start3A_32 = arith.constant 0 : i32
    %dma_start3A_33 = tpu.memref_slice %arg3[%add3A, %dma_start3A_26, %dma_start3A_31, %dma_start3A_32] : memref<32x125x1x80xi32, #tpu.memory_space<hbm>> -> memref<1x1x1x80xi32, #tpu.memory_space<hbm>>
    %dma_start3A_34 = tpu.memref_squeeze %dma_start3A_33 : memref<1x1x1x80xi32, #tpu.memory_space<hbm>> -> memref<1x80xi32, #tpu.memory_space<hbm>>
    tpu.enqueue_dma source(%dma_start3A_34 : memref<1x80xi32, #tpu.memory_space<hbm>>) target(%arg18 : memref<1x80xi32, #tpu.memory_space<vmem>>) target_semaphore(%arg21 : memref<!tpu.dma_semaphore, #tpu.memory_space<semaphore_mem>>)
    %dma_wait3A_35 = arith.constant 1 : i32
    %dma_wait3A_36 = arith.constant 0 : i32
    %dma_wait3A_37 = arith.constant 0 : i32
    %dma_wait3A_38 = tpu.memref_slice %arg3[%add3A, %dma_wait3A_35, %dma_wait3A_36, %dma_wait3A_37] : memref<32x125x1x80xi32, #tpu.memory_space<hbm>> -> memref<1x1x1x80xi32, #tpu.memory_space<hbm>>
    %dma_wait3A_39 = tpu.memref_squeeze %dma_wait3A_38 : memref<1x1x1x80xi32, #tpu.memory_space<hbm>> -> memref<1x80xi32, #tpu.memory_space<hbm>>
    %dma_wait3A_40 = arith.constant 0 : i32
    %dma_wait3A_41 = arith.constant 0 : i32
    %dma_wait3A_42 = tpu.memref_slice %arg3[%add3A, %dma_wait3A_35, %dma_wait3A_40, %dma_wait3A_41] : memref<32x125x1x80xi32, #tpu.memory_space<hbm>> -> memref<1x1x1x80xi32, #tpu.memory_space<hbm>>
    %dma_wait3A_43 = tpu.memref_squeeze %dma_wait3A_42 : memref<1x1x1x80xi32, #tpu.memory_space<hbm>> -> memref<1x80xi32, #tpu.memory_space<hbm>>
    tpu.wait_dma2 semaphore(%arg21 : memref<!tpu.dma_semaphore, #tpu.memory_space<semaphore_mem>>) src(%dma_wait3A_43 : memref<1x80xi32, #tpu.memory_space<hbm>>) dst(%arg18 : memref<1x80xi32, #tpu.memory_space<vmem>>)
    %dma_start3A_44 = arith.constant 0 : i32
    %dma_start3A_45 = arith.constant 0 : i32
    %dma_start3A_46 = tpu.memref_slice %arg18[%dma_start3A_44, %dma_start3A_45] : memref<1x80xi32, #tpu.memory_space<vmem>> -> memref<1x80xi32, #tpu.memory_space<vmem>>
    %dma_start3A_47 = tpu.memref_squeeze %dma_start3A_46 : memref<1x80xi32, #tpu.memory_space<vmem>> -> memref<80xi32, #tpu.memory_space<vmem>>
    %dma_start3A_48 = arith.constant 0 : i32
    %dma_start3A_49 = arith.constant 0 : i32
    %dma_start3A_50 = tpu.memref_slice %arg2[%dma_start3A_48, %dma_start3A_49] : memref<10000x128xf32, #tpu.memory_space<hbm>> -> memref<10000x128xf32, #tpu.memory_space<hbm>>
    tpu.enqueue_indirect_dma source(%dma_start3A_50 : memref<10000x128xf32, #tpu.memory_space<hbm>>) target(%arg9 : memref<80x128xf32, #tpu.memory_space<vmem>>) offsets(%dma_start3A_47 : memref<80xi32, #tpu.memory_space<vmem>>) semaphore(%arg12 : memref<!tpu.dma_semaphore, #tpu.memory_space<semaphore_mem>>)
    %dma_start3A_51 = arith.constant 2 : i32
    %dma_start3A_52 = arith.constant 0 : i32
    %dma_start3A_53 = arith.constant 0 : i32
    %dma_start3A_54 = tpu.memref_slice %arg3[%add3A, %dma_start3A_51, %dma_start3A_52, %dma_start3A_53] : memref<32x125x1x80xi32, #tpu.memory_space<hbm>> -> memref<1x1x1x80xi32, #tpu.memory_space<hbm>>
    %dma_start3A_55 = tpu.memref_squeeze %dma_start3A_54 : memref<1x1x1x80xi32, #tpu.memory_space<hbm>> -> memref<1x80xi32, #tpu.memory_space<hbm>>
    %dma_start3A_56 = arith.constant 0 : i32
    %dma_start3A_57 = arith.constant 0 : i32
    %dma_start3A_58 = tpu.memref_slice %arg3[%add3A, %dma_start3A_51, %dma_start3A_56, %dma_start3A_57] : memref<32x125x1x80xi32, #tpu.memory_space<hbm>> -> memref<1x1x1x80xi32, #tpu.memory_space<hbm>>
    %dma_start3A_59 = tpu.memref_squeeze %dma_start3A_58 : memref<1x1x1x80xi32, #tpu.memory_space<hbm>> -> memref<1x80xi32, #tpu.memory_space<hbm>>
    tpu.enqueue_dma source(%dma_start3A_59 : memref<1x80xi32, #tpu.memory_space<hbm>>) target(%arg19 : memref<1x80xi32, #tpu.memory_space<vmem>>) target_semaphore(%arg22 : memref<!tpu.dma_semaphore, #tpu.memory_space<semaphore_mem>>)
    %dma_wait3A_60 = arith.constant 2 : i32
    %dma_wait3A_61 = arith.constant 0 : i32
    %dma_wait3A_62 = arith.constant 0 : i32
    %dma_wait3A_63 = tpu.memref_slice %arg3[%add3A, %dma_wait3A_60, %dma_wait3A_61, %dma_wait3A_62] : memref<32x125x1x80xi32, #tpu.memory_space<hbm>> -> memref<1x1x1x80xi32, #tpu.memory_space<hbm>>
    %dma_wait3A_64 = tpu.memref_squeeze %dma_wait3A_63 : memref<1x1x1x80xi32, #tpu.memory_space<hbm>> -> memref<1x80xi32, #tpu.memory_space<hbm>>
    %dma_wait3A_65 = arith.constant 0 : i32
    %dma_wait3A_66 = arith.constant 0 : i32
    %dma_wait3A_67 = tpu.memref_slice %arg3[%add3A, %dma_wait3A_60, %dma_wait3A_65, %dma_wait3A_66] : memref<32x125x1x80xi32, #tpu.memory_space<hbm>> -> memref<1x1x1x80xi32, #tpu.memory_space<hbm>>
    %dma_wait3A_68 = tpu.memref_squeeze %dma_wait3A_67 : memref<1x1x1x80xi32, #tpu.memory_space<hbm>> -> memref<1x80xi32, #tpu.memory_space<hbm>>
    tpu.wait_dma2 semaphore(%arg22 : memref<!tpu.dma_semaphore, #tpu.memory_space<semaphore_mem>>) src(%dma_wait3A_68 : memref<1x80xi32, #tpu.memory_space<hbm>>) dst(%arg19 : memref<1x80xi32, #tpu.memory_space<vmem>>)
    %dma_start3A_69 = arith.constant 0 : i32
    %dma_start3A_70 = arith.constant 0 : i32
    %dma_start3A_71 = tpu.memref_slice %arg19[%dma_start3A_69, %dma_start3A_70] : memref<1x80xi32, #tpu.memory_space<vmem>> -> memref<1x80xi32, #tpu.memory_space<vmem>>
    %dma_start3A_72 = tpu.memref_squeeze %dma_start3A_71 : memref<1x80xi32, #tpu.memory_space<vmem>> -> memref<80xi32, #tpu.memory_space<vmem>>
    %dma_start3A_73 = arith.constant 0 : i32
    %dma_start3A_74 = arith.constant 0 : i32
    %dma_start3A_75 = tpu.memref_slice %arg2[%dma_start3A_73, %dma_start3A_74] : memref<10000x128xf32, #tpu.memory_space<hbm>> -> memref<10000x128xf32, #tpu.memory_space<hbm>>
    tpu.enqueue_indirect_dma source(%dma_start3A_75 : memref<10000x128xf32, #tpu.memory_space<hbm>>) target(%arg10 : memref<80x128xf32, #tpu.memory_space<vmem>>) offsets(%dma_start3A_72 : memref<80xi32, #tpu.memory_space<vmem>>) semaphore(%arg13 : memref<!tpu.dma_semaphore, #tpu.memory_space<semaphore_mem>>)
    %scan3A = arith.constant 0 : i32
    %scan3A_76 = arith.constant 0 : i32
    %scan3A_77 = arith.constant 40 : i32
    %scan3A_78 = arith.addi %scan3A_76, %scan3A_77 : i32
    %scan3A_79 = arith.constant 1 : i32
    scf.for %scan3A_215 = %scan3A_76 to %scan3A_78 step %scan3A_79  : i32 {
      %mul3A_216 = arith.constant 3 : i32
      %mul3A_217 = arith.muli %mul3A_216, %scan3A_215 : i32
      %dma_wait3A_218 = arith.constant 0 : i32
      %dma_wait3A_219 = arith.constant 0 : i32
      %dma_wait3A_220 = tpu.memref_slice %arg17[%dma_wait3A_218, %dma_wait3A_219] : memref<1x80xi32, #tpu.memory_space<vmem>> -> memref<1x80xi32, #tpu.memory_space<vmem>>
      %dma_wait3A_221 = tpu.memref_squeeze %dma_wait3A_220 : memref<1x80xi32, #tpu.memory_space<vmem>> -> memref<80xi32, #tpu.memory_space<vmem>>
      %dma_wait3A_222 = arith.constant 0 : i32
      %dma_wait3A_223 = arith.constant 0 : i32
      %dma_wait3A_224 = tpu.memref_slice %arg2[%dma_wait3A_222, %dma_wait3A_223] : memref<10000x128xf32, #tpu.memory_space<hbm>> -> memref<10000x128xf32, #tpu.memory_space<hbm>>
      tpu.wait_indirect_dma semaphore(%arg11 : memref<!tpu.dma_semaphore, #tpu.memory_space<semaphore_mem>>) src(%dma_wait3A_224 : memref<10000x128xf32, #tpu.memory_space<hbm>>) dst(%arg8 : memref<80x128xf32, #tpu.memory_space<vmem>>)
      %add3A_225 = arith.constant 0 : i32
      %add3A_226 = arith.addi %mul3A_217, %add3A_225 : i32
      %dma_start3A_227 = arith.constant 0 : i32
      %dma_start3A_228 = tpu.memref_slice %arg7[%add3A_226, %dma_start3A_227] : memref<125x80xi32, #tpu.memory_space<vmem>> -> memref<1x80xi32, #tpu.memory_space<vmem>>
      %dma_start3A_229 = tpu.memref_squeeze %dma_start3A_228 : memref<1x80xi32, #tpu.memory_space<vmem>> -> memref<80xi32, #tpu.memory_space<vmem>>
      %dma_start3A_230 = arith.constant 0 : i32
      %dma_start3A_231 = arith.constant 0 : i32
      %dma_start3A_232 = tpu.memref_slice %arg23[%dma_start3A_230, %dma_start3A_231] : memref<10000x128xf32, #tpu.memory_space<vmem_shared>> -> memref<10000x128xf32, #tpu.memory_space<vmem_shared>>
      tpu.enqueue_indirect_dma source(%arg8 : memref<80x128xf32, #tpu.memory_space<vmem>>) target(%dma_start3A_232 : memref<10000x128xf32, #tpu.memory_space<vmem_shared>>) offsets(%dma_start3A_229 : memref<80xi32, #tpu.memory_space<vmem>>) semaphore(%arg14 : memref<!tpu.dma_semaphore, #tpu.memory_space<semaphore_mem>>) {add = true}
      %add3A_233 = arith.constant 0 : i32
      %add3A_234 = arith.addi %mul3A_217, %add3A_233 : i32
      %add3A_235 = arith.constant 3 : i32
      %add3A_236 = arith.addi %add3A_234, %add3A_235 : i32
      %dma_start3A_237 = arith.constant 0 : i32
      %dma_start3A_238 = arith.constant 0 : i32
      %dma_start3A_239 = tpu.memref_slice %arg3[%add3A, %add3A_236, %dma_start3A_237, %dma_start3A_238] : memref<32x125x1x80xi32, #tpu.memory_space<hbm>> -> memref<1x1x1x80xi32, #tpu.memory_space<hbm>>
      %dma_start3A_240 = tpu.memref_squeeze %dma_start3A_239 : memref<1x1x1x80xi32, #tpu.memory_space<hbm>> -> memref<1x80xi32, #tpu.memory_space<hbm>>
      %dma_start3A_241 = arith.constant 0 : i32
      %dma_start3A_242 = arith.constant 0 : i32
      %dma_start3A_243 = tpu.memref_slice %arg3[%add3A, %add3A_236, %dma_start3A_241, %dma_start3A_242] : memref<32x125x1x80xi32, #tpu.memory_space<hbm>> -> memref<1x1x1x80xi32, #tpu.memory_space<hbm>>
      %dma_start3A_244 = tpu.memref_squeeze %dma_start3A_243 : memref<1x1x1x80xi32, #tpu.memory_space<hbm>> -> memref<1x80xi32, #tpu.memory_space<hbm>>
      tpu.enqueue_dma source(%dma_start3A_244 : memref<1x80xi32, #tpu.memory_space<hbm>>) target(%arg17 : memref<1x80xi32, #tpu.memory_space<vmem>>) target_semaphore(%arg20 : memref<!tpu.dma_semaphore, #tpu.memory_space<semaphore_mem>>)
      %dma_wait3A_245 = arith.constant 0 : i32
      %dma_wait3A_246 = arith.constant 0 : i32
      %dma_wait3A_247 = tpu.memref_slice %arg18[%dma_wait3A_245, %dma_wait3A_246] : memref<1x80xi32, #tpu.memory_space<vmem>> -> memref<1x80xi32, #tpu.memory_space<vmem>>
      %dma_wait3A_248 = tpu.memref_squeeze %dma_wait3A_247 : memref<1x80xi32, #tpu.memory_space<vmem>> -> memref<80xi32, #tpu.memory_space<vmem>>
      %dma_wait3A_249 = arith.constant 0 : i32
      %dma_wait3A_250 = arith.constant 0 : i32
      %dma_wait3A_251 = tpu.memref_slice %arg2[%dma_wait3A_249, %dma_wait3A_250] : memref<10000x128xf32, #tpu.memory_space<hbm>> -> memref<10000x128xf32, #tpu.memory_space<hbm>>
      tpu.wait_indirect_dma semaphore(%arg12 : memref<!tpu.dma_semaphore, #tpu.memory_space<semaphore_mem>>) src(%dma_wait3A_251 : memref<10000x128xf32, #tpu.memory_space<hbm>>) dst(%arg9 : memref<80x128xf32, #tpu.memory_space<vmem>>)
      %add3A_252 = arith.constant 1 : i32
      %add3A_253 = arith.addi %mul3A_217, %add3A_252 : i32
      %dma_start3A_254 = arith.constant 0 : i32
      %dma_start3A_255 = tpu.memref_slice %arg7[%add3A_253, %dma_start3A_254] : memref<125x80xi32, #tpu.memory_space<vmem>> -> memref<1x80xi32, #tpu.memory_space<vmem>>
      %dma_start3A_256 = tpu.memref_squeeze %dma_start3A_255 : memref<1x80xi32, #tpu.memory_space<vmem>> -> memref<80xi32, #tpu.memory_space<vmem>>
      %dma_start3A_257 = arith.constant 0 : i32
      %dma_start3A_258 = arith.constant 0 : i32
      %dma_start3A_259 = tpu.memref_slice %arg23[%dma_start3A_257, %dma_start3A_258] : memref<10000x128xf32, #tpu.memory_space<vmem_shared>> -> memref<10000x128xf32, #tpu.memory_space<vmem_shared>>
      tpu.enqueue_indirect_dma source(%arg9 : memref<80x128xf32, #tpu.memory_space<vmem>>) target(%dma_start3A_259 : memref<10000x128xf32, #tpu.memory_space<vmem_shared>>) offsets(%dma_start3A_256 : memref<80xi32, #tpu.memory_space<vmem>>) semaphore(%arg15 : memref<!tpu.dma_semaphore, #tpu.memory_space<semaphore_mem>>) {add = true}
      %add3A_260 = arith.constant 1 : i32
      %add3A_261 = arith.addi %mul3A_217, %add3A_260 : i32
      %add3A_262 = arith.constant 3 : i32
      %add3A_263 = arith.addi %add3A_261, %add3A_262 : i32
      %dma_start3A_264 = arith.constant 0 : i32
      %dma_start3A_265 = arith.constant 0 : i32
      %dma_start3A_266 = tpu.memref_slice %arg3[%add3A, %add3A_263, %dma_start3A_264, %dma_start3A_265] : memref<32x125x1x80xi32, #tpu.memory_space<hbm>> -> memref<1x1x1x80xi32, #tpu.memory_space<hbm>>
      %dma_start3A_267 = tpu.memref_squeeze %dma_start3A_266 : memref<1x1x1x80xi32, #tpu.memory_space<hbm>> -> memref<1x80xi32, #tpu.memory_space<hbm>>
      %dma_start3A_268 = arith.constant 0 : i32
      %dma_start3A_269 = arith.constant 0 : i32
      %dma_start3A_270 = tpu.memref_slice %arg3[%add3A, %add3A_263, %dma_start3A_268, %dma_start3A_269] : memref<32x125x1x80xi32, #tpu.memory_space<hbm>> -> memref<1x1x1x80xi32, #tpu.memory_space<hbm>>
      %dma_start3A_271 = tpu.memref_squeeze %dma_start3A_270 : memref<1x1x1x80xi32, #tpu.memory_space<hbm>> -> memref<1x80xi32, #tpu.memory_space<hbm>>
      tpu.enqueue_dma source(%dma_start3A_271 : memref<1x80xi32, #tpu.memory_space<hbm>>) target(%arg18 : memref<1x80xi32, #tpu.memory_space<vmem>>) target_semaphore(%arg21 : memref<!tpu.dma_semaphore, #tpu.memory_space<semaphore_mem>>)
      %dma_wait3A_272 = arith.constant 0 : i32
      %dma_wait3A_273 = arith.constant 0 : i32
      %dma_wait3A_274 = tpu.memref_slice %arg19[%dma_wait3A_272, %dma_wait3A_273] : memref<1x80xi32, #tpu.memory_space<vmem>> -> memref<1x80xi32, #tpu.memory_space<vmem>>
      %dma_wait3A_275 = tpu.memref_squeeze %dma_wait3A_274 : memref<1x80xi32, #tpu.memory_space<vmem>> -> memref<80xi32, #tpu.memory_space<vmem>>
      %dma_wait3A_276 = arith.constant 0 : i32
      %dma_wait3A_277 = arith.constant 0 : i32
      %dma_wait3A_278 = tpu.memref_slice %arg2[%dma_wait3A_276, %dma_wait3A_277] : memref<10000x128xf32, #tpu.memory_space<hbm>> -> memref<10000x128xf32, #tpu.memory_space<hbm>>
      tpu.wait_indirect_dma semaphore(%arg13 : memref<!tpu.dma_semaphore, #tpu.memory_space<semaphore_mem>>) src(%dma_wait3A_278 : memref<10000x128xf32, #tpu.memory_space<hbm>>) dst(%arg10 : memref<80x128xf32, #tpu.memory_space<vmem>>)
      %add3A_279 = arith.constant 2 : i32
      %add3A_280 = arith.addi %mul3A_217, %add3A_279 : i32
      %dma_start3A_281 = arith.constant 0 : i32
      %dma_start3A_282 = tpu.memref_slice %arg7[%add3A_280, %dma_start3A_281] : memref<125x80xi32, #tpu.memory_space<vmem>> -> memref<1x80xi32, #tpu.memory_space<vmem>>
      %dma_start3A_283 = tpu.memref_squeeze %dma_start3A_282 : memref<1x80xi32, #tpu.memory_space<vmem>> -> memref<80xi32, #tpu.memory_space<vmem>>
      %dma_start3A_284 = arith.constant 0 : i32
      %dma_start3A_285 = arith.constant 0 : i32
      %dma_start3A_286 = tpu.memref_slice %arg23[%dma_start3A_284, %dma_start3A_285] : memref<10000x128xf32, #tpu.memory_space<vmem_shared>> -> memref<10000x128xf32, #tpu.memory_space<vmem_shared>>
      tpu.enqueue_indirect_dma source(%arg10 : memref<80x128xf32, #tpu.memory_space<vmem>>) target(%dma_start3A_286 : memref<10000x128xf32, #tpu.memory_space<vmem_shared>>) offsets(%dma_start3A_283 : memref<80xi32, #tpu.memory_space<vmem>>) semaphore(%arg16 : memref<!tpu.dma_semaphore, #tpu.memory_space<semaphore_mem>>) {add = true}
      %add3A_287 = arith.constant 2 : i32
      %add3A_288 = arith.addi %mul3A_217, %add3A_287 : i32
      %add3A_289 = arith.constant 3 : i32
      %add3A_290 = arith.addi %add3A_288, %add3A_289 : i32
      %dma_start3A_291 = arith.constant 0 : i32
      %dma_start3A_292 = arith.constant 0 : i32
      %dma_start3A_293 = tpu.memref_slice %arg3[%add3A, %add3A_290, %dma_start3A_291, %dma_start3A_292] : memref<32x125x1x80xi32, #tpu.memory_space<hbm>> -> memref<1x1x1x80xi32, #tpu.memory_space<hbm>>
      %dma_start3A_294 = tpu.memref_squeeze %dma_start3A_293 : memref<1x1x1x80xi32, #tpu.memory_space<hbm>> -> memref<1x80xi32, #tpu.memory_space<hbm>>
      %dma_start3A_295 = arith.constant 0 : i32
      %dma_start3A_296 = arith.constant 0 : i32
      %dma_start3A_297 = tpu.memref_slice %arg3[%add3A, %add3A_290, %dma_start3A_295, %dma_start3A_296] : memref<32x125x1x80xi32, #tpu.memory_space<hbm>> -> memref<1x1x1x80xi32, #tpu.memory_space<hbm>>
      %dma_start3A_298 = tpu.memref_squeeze %dma_start3A_297 : memref<1x1x1x80xi32, #tpu.memory_space<hbm>> -> memref<1x80xi32, #tpu.memory_space<hbm>>
      tpu.enqueue_dma source(%dma_start3A_298 : memref<1x80xi32, #tpu.memory_space<hbm>>) target(%arg19 : memref<1x80xi32, #tpu.memory_space<vmem>>) target_semaphore(%arg22 : memref<!tpu.dma_semaphore, #tpu.memory_space<semaphore_mem>>)
      %add3A_299 = arith.constant 0 : i32
      %add3A_300 = arith.addi %mul3A_217, %add3A_299 : i32
      %dma_wait3A_301 = arith.constant 0 : i32
      %dma_wait3A_302 = tpu.memref_slice %arg7[%add3A_300, %dma_wait3A_301] : memref<125x80xi32, #tpu.memory_space<vmem>> -> memref<1x80xi32, #tpu.memory_space<vmem>>
      %dma_wait3A_303 = tpu.memref_squeeze %dma_wait3A_302 : memref<1x80xi32, #tpu.memory_space<vmem>> -> memref<80xi32, #tpu.memory_space<vmem>>
      %dma_wait3A_304 = arith.constant 0 : i32
      %dma_wait3A_305 = arith.constant 0 : i32
      %dma_wait3A_306 = tpu.memref_slice %arg23[%dma_wait3A_304, %dma_wait3A_305] : memref<10000x128xf32, #tpu.memory_space<vmem_shared>> -> memref<10000x128xf32, #tpu.memory_space<vmem_shared>>
      tpu.wait_indirect_dma semaphore(%arg14 : memref<!tpu.dma_semaphore, #tpu.memory_space<semaphore_mem>>) src(%arg8 : memref<80x128xf32, #tpu.memory_space<vmem>>) dst(%dma_wait3A_306 : memref<10000x128xf32, #tpu.memory_space<vmem_shared>>)
      %add3A_307 = arith.constant 0 : i32
      %add3A_308 = arith.addi %mul3A_217, %add3A_307 : i32
      %add3A_309 = arith.constant 3 : i32
      %add3A_310 = arith.addi %add3A_308, %add3A_309 : i32
      %dma_wait3A_311 = arith.constant 0 : i32
      %dma_wait3A_312 = arith.constant 0 : i32
      %dma_wait3A_313 = tpu.memref_slice %arg3[%add3A, %add3A_310, %dma_wait3A_311, %dma_wait3A_312] : memref<32x125x1x80xi32, #tpu.memory_space<hbm>> -> memref<1x1x1x80xi32, #tpu.memory_space<hbm>>
      %dma_wait3A_314 = tpu.memref_squeeze %dma_wait3A_313 : memref<1x1x1x80xi32, #tpu.memory_space<hbm>> -> memref<1x80xi32, #tpu.memory_space<hbm>>
      %dma_wait3A_315 = arith.constant 0 : i32
      %dma_wait3A_316 = arith.constant 0 : i32
      %dma_wait3A_317 = tpu.memref_slice %arg3[%add3A, %add3A_310, %dma_wait3A_315, %dma_wait3A_316] : memref<32x125x1x80xi32, #tpu.memory_space<hbm>> -> memref<1x1x1x80xi32, #tpu.memory_space<hbm>>
      %dma_wait3A_318 = tpu.memref_squeeze %dma_wait3A_317 : memref<1x1x1x80xi32, #tpu.memory_space<hbm>> -> memref<1x80xi32, #tpu.memory_space<hbm>>
      tpu.wait_dma2 semaphore(%arg20 : memref<!tpu.dma_semaphore, #tpu.memory_space<semaphore_mem>>) src(%dma_wait3A_318 : memref<1x80xi32, #tpu.memory_space<hbm>>) dst(%arg17 : memref<1x80xi32, #tpu.memory_space<vmem>>)
      %dma_start3A_319 = arith.constant 0 : i32
      %dma_start3A_320 = arith.constant 0 : i32
      %dma_start3A_321 = tpu.memref_slice %arg17[%dma_start3A_319, %dma_start3A_320] : memref<1x80xi32, #tpu.memory_space<vmem>> -> memref<1x80xi32, #tpu.memory_space<vmem>>
      %dma_start3A_322 = tpu.memref_squeeze %dma_start3A_321 : memref<1x80xi32, #tpu.memory_space<vmem>> -> memref<80xi32, #tpu.memory_space<vmem>>
      %dma_start3A_323 = arith.constant 0 : i32
      %dma_start3A_324 = arith.constant 0 : i32
      %dma_start3A_325 = tpu.memref_slice %arg2[%dma_start3A_323, %dma_start3A_324] : memref<10000x128xf32, #tpu.memory_space<hbm>> -> memref<10000x128xf32, #tpu.memory_space<hbm>>
      tpu.enqueue_indirect_dma source(%dma_start3A_325 : memref<10000x128xf32, #tpu.memory_space<hbm>>) target(%arg8 : memref<80x128xf32, #tpu.memory_space<vmem>>) offsets(%dma_start3A_322 : memref<80xi32, #tpu.memory_space<vmem>>) semaphore(%arg11 : memref<!tpu.dma_semaphore, #tpu.memory_space<semaphore_mem>>)
      %add3A_326 = arith.constant 1 : i32
      %add3A_327 = arith.addi %mul3A_217, %add3A_326 : i32
      %dma_wait3A_328 = arith.constant 0 : i32
      %dma_wait3A_329 = tpu.memref_slice %arg7[%add3A_327, %dma_wait3A_328] : memref<125x80xi32, #tpu.memory_space<vmem>> -> memref<1x80xi32, #tpu.memory_space<vmem>>
      %dma_wait3A_330 = tpu.memref_squeeze %dma_wait3A_329 : memref<1x80xi32, #tpu.memory_space<vmem>> -> memref<80xi32, #tpu.memory_space<vmem>>
      %dma_wait3A_331 = arith.constant 0 : i32
      %dma_wait3A_332 = arith.constant 0 : i32
      %dma_wait3A_333 = tpu.memref_slice %arg23[%dma_wait3A_331, %dma_wait3A_332] : memref<10000x128xf32, #tpu.memory_space<vmem_shared>> -> memref<10000x128xf32, #tpu.memory_space<vmem_shared>>
      tpu.wait_indirect_dma semaphore(%arg15 : memref<!tpu.dma_semaphore, #tpu.memory_space<semaphore_mem>>) src(%arg9 : memref<80x128xf32, #tpu.memory_space<vmem>>) dst(%dma_wait3A_333 : memref<10000x128xf32, #tpu.memory_space<vmem_shared>>)
      %add3A_334 = arith.constant 1 : i32
      %add3A_335 = arith.addi %mul3A_217, %add3A_334 : i32
      %add3A_336 = arith.constant 3 : i32
      %add3A_337 = arith.addi %add3A_335, %add3A_336 : i32
      %dma_wait3A_338 = arith.constant 0 : i32
      %dma_wait3A_339 = arith.constant 0 : i32
      %dma_wait3A_340 = tpu.memref_slice %arg3[%add3A, %add3A_337, %dma_wait3A_338, %dma_wait3A_339] : memref<32x125x1x80xi32, #tpu.memory_space<hbm>> -> memref<1x1x1x80xi32, #tpu.memory_space<hbm>>
      %dma_wait3A_341 = tpu.memref_squeeze %dma_wait3A_340 : memref<1x1x1x80xi32, #tpu.memory_space<hbm>> -> memref<1x80xi32, #tpu.memory_space<hbm>>
      %dma_wait3A_342 = arith.constant 0 : i32
      %dma_wait3A_343 = arith.constant 0 : i32
      %dma_wait3A_344 = tpu.memref_slice %arg3[%add3A, %add3A_337, %dma_wait3A_342, %dma_wait3A_343] : memref<32x125x1x80xi32, #tpu.memory_space<hbm>> -> memref<1x1x1x80xi32, #tpu.memory_space<hbm>>
      %dma_wait3A_345 = tpu.memref_squeeze %dma_wait3A_344 : memref<1x1x1x80xi32, #tpu.memory_space<hbm>> -> memref<1x80xi32, #tpu.memory_space<hbm>>
      tpu.wait_dma2 semaphore(%arg21 : memref<!tpu.dma_semaphore, #tpu.memory_space<semaphore_mem>>) src(%dma_wait3A_345 : memref<1x80xi32, #tpu.memory_space<hbm>>) dst(%arg18 : memref<1x80xi32, #tpu.memory_space<vmem>>)
      %dma_start3A_346 = arith.constant 0 : i32
      %dma_start3A_347 = arith.constant 0 : i32
      %dma_start3A_348 = tpu.memref_slice %arg18[%dma_start3A_346, %dma_start3A_347] : memref<1x80xi32, #tpu.memory_space<vmem>> -> memref<1x80xi32, #tpu.memory_space<vmem>>
      %dma_start3A_349 = tpu.memref_squeeze %dma_start3A_348 : memref<1x80xi32, #tpu.memory_space<vmem>> -> memref<80xi32, #tpu.memory_space<vmem>>
      %dma_start3A_350 = arith.constant 0 : i32
      %dma_start3A_351 = arith.constant 0 : i32
      %dma_start3A_352 = tpu.memref_slice %arg2[%dma_start3A_350, %dma_start3A_351] : memref<10000x128xf32, #tpu.memory_space<hbm>> -> memref<10000x128xf32, #tpu.memory_space<hbm>>
      tpu.enqueue_indirect_dma source(%dma_start3A_352 : memref<10000x128xf32, #tpu.memory_space<hbm>>) target(%arg9 : memref<80x128xf32, #tpu.memory_space<vmem>>) offsets(%dma_start3A_349 : memref<80xi32, #tpu.memory_space<vmem>>) semaphore(%arg12 : memref<!tpu.dma_semaphore, #tpu.memory_space<semaphore_mem>>)
      %add3A_353 = arith.constant 2 : i32
      %add3A_354 = arith.addi %mul3A_217, %add3A_353 : i32
      %dma_wait3A_355 = arith.constant 0 : i32
      %dma_wait3A_356 = tpu.memref_slice %arg7[%add3A_354, %dma_wait3A_355] : memref<125x80xi32, #tpu.memory_space<vmem>> -> memref<1x80xi32, #tpu.memory_space<vmem>>
      %dma_wait3A_357 = tpu.memref_squeeze %dma_wait3A_356 : memref<1x80xi32, #tpu.memory_space<vmem>> -> memref<80xi32, #tpu.memory_space<vmem>>
      %dma_wait3A_358 = arith.constant 0 : i32
      %dma_wait3A_359 = arith.constant 0 : i32
      %dma_wait3A_360 = tpu.memref_slice %arg23[%dma_wait3A_358, %dma_wait3A_359] : memref<10000x128xf32, #tpu.memory_space<vmem_shared>> -> memref<10000x128xf32, #tpu.memory_space<vmem_shared>>
      tpu.wait_indirect_dma semaphore(%arg16 : memref<!tpu.dma_semaphore, #tpu.memory_space<semaphore_mem>>) src(%arg10 : memref<80x128xf32, #tpu.memory_space<vmem>>) dst(%dma_wait3A_360 : memref<10000x128xf32, #tpu.memory_space<vmem_shared>>)
      %add3A_361 = arith.constant 2 : i32
      %add3A_362 = arith.addi %mul3A_217, %add3A_361 : i32
      %add3A_363 = arith.constant 3 : i32
      %add3A_364 = arith.addi %add3A_362, %add3A_363 : i32
      %dma_wait3A_365 = arith.constant 0 : i32
      %dma_wait3A_366 = arith.constant 0 : i32
      %dma_wait3A_367 = tpu.memref_slice %arg3[%add3A, %add3A_364, %dma_wait3A_365, %dma_wait3A_366] : memref<32x125x1x80xi32, #tpu.memory_space<hbm>> -> memref<1x1x1x80xi32, #tpu.memory_space<hbm>>
      %dma_wait3A_368 = tpu.memref_squeeze %dma_wait3A_367 : memref<1x1x1x80xi32, #tpu.memory_space<hbm>> -> memref<1x80xi32, #tpu.memory_space<hbm>>
      %dma_wait3A_369 = arith.constant 0 : i32
      %dma_wait3A_370 = arith.constant 0 : i32
      %dma_wait3A_371 = tpu.memref_slice %arg3[%add3A, %add3A_364, %dma_wait3A_369, %dma_wait3A_370] : memref<32x125x1x80xi32, #tpu.memory_space<hbm>> -> memref<1x1x1x80xi32, #tpu.memory_space<hbm>>
      %dma_wait3A_372 = tpu.memref_squeeze %dma_wait3A_371 : memref<1x1x1x80xi32, #tpu.memory_space<hbm>> -> memref<1x80xi32, #tpu.memory_space<hbm>>
      tpu.wait_dma2 semaphore(%arg22 : memref<!tpu.dma_semaphore, #tpu.memory_space<semaphore_mem>>) src(%dma_wait3A_372 : memref<1x80xi32, #tpu.memory_space<hbm>>) dst(%arg19 : memref<1x80xi32, #tpu.memory_space<vmem>>)
      %dma_start3A_373 = arith.constant 0 : i32
      %dma_start3A_374 = arith.constant 0 : i32
      %dma_start3A_375 = tpu.memref_slice %arg19[%dma_start3A_373, %dma_start3A_374] : memref<1x80xi32, #tpu.memory_space<vmem>> -> memref<1x80xi32, #tpu.memory_space<vmem>>
      %dma_start3A_376 = tpu.memref_squeeze %dma_start3A_375 : memref<1x80xi32, #tpu.memory_space<vmem>> -> memref<80xi32, #tpu.memory_space<vmem>>
      %dma_start3A_377 = arith.constant 0 : i32
      %dma_start3A_378 = arith.constant 0 : i32
      %dma_start3A_379 = tpu.memref_slice %arg2[%dma_start3A_377, %dma_start3A_378] : memref<10000x128xf32, #tpu.memory_space<hbm>> -> memref<10000x128xf32, #tpu.memory_space<hbm>>
      tpu.enqueue_indirect_dma source(%dma_start3A_379 : memref<10000x128xf32, #tpu.memory_space<hbm>>) target(%arg10 : memref<80x128xf32, #tpu.memory_space<vmem>>) offsets(%dma_start3A_376 : memref<80xi32, #tpu.memory_space<vmem>>) semaphore(%arg13 : memref<!tpu.dma_semaphore, #tpu.memory_space<semaphore_mem>>)
    }
    %scan3A_80 = arith.constant 40 : i32
    %dma_wait3A_81 = arith.constant 0 : i32
    %dma_wait3A_82 = arith.constant 0 : i32
    %dma_wait3A_83 = tpu.memref_slice %arg17[%dma_wait3A_81, %dma_wait3A_82] : memref<1x80xi32, #tpu.memory_space<vmem>> -> memref<1x80xi32, #tpu.memory_space<vmem>>
    %dma_wait3A_84 = tpu.memref_squeeze %dma_wait3A_83 : memref<1x80xi32, #tpu.memory_space<vmem>> -> memref<80xi32, #tpu.memory_space<vmem>>
    %dma_wait3A_85 = arith.constant 0 : i32
    %dma_wait3A_86 = arith.constant 0 : i32
    %dma_wait3A_87 = tpu.memref_slice %arg2[%dma_wait3A_85, %dma_wait3A_86] : memref<10000x128xf32, #tpu.memory_space<hbm>> -> memref<10000x128xf32, #tpu.memory_space<hbm>>
    tpu.wait_indirect_dma semaphore(%arg11 : memref<!tpu.dma_semaphore, #tpu.memory_space<semaphore_mem>>) src(%dma_wait3A_87 : memref<10000x128xf32, #tpu.memory_space<hbm>>) dst(%arg8 : memref<80x128xf32, #tpu.memory_space<vmem>>)
    %dma_start3A_88 = arith.constant 120 : i32
    %dma_start3A_89 = arith.constant 0 : i32
    %dma_start3A_90 = tpu.memref_slice %arg7[%dma_start3A_88, %dma_start3A_89] : memref<125x80xi32, #tpu.memory_space<vmem>> -> memref<1x80xi32, #tpu.memory_space<vmem>>
    %dma_start3A_91 = tpu.memref_squeeze %dma_start3A_90 : memref<1x80xi32, #tpu.memory_space<vmem>> -> memref<80xi32, #tpu.memory_space<vmem>>
    %dma_start3A_92 = arith.constant 0 : i32
    %dma_start3A_93 = arith.constant 0 : i32
    %dma_start3A_94 = tpu.memref_slice %arg23[%dma_start3A_92, %dma_start3A_93] : memref<10000x128xf32, #tpu.memory_space<vmem_shared>> -> memref<10000x128xf32, #tpu.memory_space<vmem_shared>>
    tpu.enqueue_indirect_dma source(%arg8 : memref<80x128xf32, #tpu.memory_space<vmem>>) target(%dma_start3A_94 : memref<10000x128xf32, #tpu.memory_space<vmem_shared>>) offsets(%dma_start3A_91 : memref<80xi32, #tpu.memory_space<vmem>>) semaphore(%arg14 : memref<!tpu.dma_semaphore, #tpu.memory_space<semaphore_mem>>) {add = true}
    %dma_start3A_95 = arith.constant 123 : i32
    %dma_start3A_96 = arith.constant 0 : i32
    %dma_start3A_97 = arith.constant 0 : i32
    %dma_start3A_98 = tpu.memref_slice %arg3[%add3A, %dma_start3A_95, %dma_start3A_96, %dma_start3A_97] : memref<32x125x1x80xi32, #tpu.memory_space<hbm>> -> memref<1x1x1x80xi32, #tpu.memory_space<hbm>>
    %dma_start3A_99 = tpu.memref_squeeze %dma_start3A_98 : memref<1x1x1x80xi32, #tpu.memory_space<hbm>> -> memref<1x80xi32, #tpu.memory_space<hbm>>
    %dma_start3A_100 = arith.constant 0 : i32
    %dma_start3A_101 = arith.constant 0 : i32
    %dma_start3A_102 = tpu.memref_slice %arg3[%add3A, %dma_start3A_95, %dma_start3A_100, %dma_start3A_101] : memref<32x125x1x80xi32, #tpu.memory_space<hbm>> -> memref<1x1x1x80xi32, #tpu.memory_space<hbm>>
    %dma_start3A_103 = tpu.memref_squeeze %dma_start3A_102 : memref<1x1x1x80xi32, #tpu.memory_space<hbm>> -> memref<1x80xi32, #tpu.memory_space<hbm>>
    tpu.enqueue_dma source(%dma_start3A_103 : memref<1x80xi32, #tpu.memory_space<hbm>>) target(%arg17 : memref<1x80xi32, #tpu.memory_space<vmem>>) target_semaphore(%arg20 : memref<!tpu.dma_semaphore, #tpu.memory_space<semaphore_mem>>)
    %dma_wait3A_104 = arith.constant 0 : i32
    %dma_wait3A_105 = arith.constant 0 : i32
    %dma_wait3A_106 = tpu.memref_slice %arg18[%dma_wait3A_104, %dma_wait3A_105] : memref<1x80xi32, #tpu.memory_space<vmem>> -> memref<1x80xi32, #tpu.memory_space<vmem>>
    %dma_wait3A_107 = tpu.memref_squeeze %dma_wait3A_106 : memref<1x80xi32, #tpu.memory_space<vmem>> -> memref<80xi32, #tpu.memory_space<vmem>>
    %dma_wait3A_108 = arith.constant 0 : i32
    %dma_wait3A_109 = arith.constant 0 : i32
    %dma_wait3A_110 = tpu.memref_slice %arg2[%dma_wait3A_108, %dma_wait3A_109] : memref<10000x128xf32, #tpu.memory_space<hbm>> -> memref<10000x128xf32, #tpu.memory_space<hbm>>
    tpu.wait_indirect_dma semaphore(%arg12 : memref<!tpu.dma_semaphore, #tpu.memory_space<semaphore_mem>>) src(%dma_wait3A_110 : memref<10000x128xf32, #tpu.memory_space<hbm>>) dst(%arg9 : memref<80x128xf32, #tpu.memory_space<vmem>>)
    %dma_start3A_111 = arith.constant 121 : i32
    %dma_start3A_112 = arith.constant 0 : i32
    %dma_start3A_113 = tpu.memref_slice %arg7[%dma_start3A_111, %dma_start3A_112] : memref<125x80xi32, #tpu.memory_space<vmem>> -> memref<1x80xi32, #tpu.memory_space<vmem>>
    %dma_start3A_114 = tpu.memref_squeeze %dma_start3A_113 : memref<1x80xi32, #tpu.memory_space<vmem>> -> memref<80xi32, #tpu.memory_space<vmem>>
    %dma_start3A_115 = arith.constant 0 : i32
    %dma_start3A_116 = arith.constant 0 : i32
    %dma_start3A_117 = tpu.memref_slice %arg23[%dma_start3A_115, %dma_start3A_116] : memref<10000x128xf32, #tpu.memory_space<vmem_shared>> -> memref<10000x128xf32, #tpu.memory_space<vmem_shared>>
    tpu.enqueue_indirect_dma source(%arg9 : memref<80x128xf32, #tpu.memory_space<vmem>>) target(%dma_start3A_117 : memref<10000x128xf32, #tpu.memory_space<vmem_shared>>) offsets(%dma_start3A_114 : memref<80xi32, #tpu.memory_space<vmem>>) semaphore(%arg15 : memref<!tpu.dma_semaphore, #tpu.memory_space<semaphore_mem>>) {add = true}
    %dma_start3A_118 = arith.constant 124 : i32
    %dma_start3A_119 = arith.constant 0 : i32
    %dma_start3A_120 = arith.constant 0 : i32
    %dma_start3A_121 = tpu.memref_slice %arg3[%add3A, %dma_start3A_118, %dma_start3A_119, %dma_start3A_120] : memref<32x125x1x80xi32, #tpu.memory_space<hbm>> -> memref<1x1x1x80xi32, #tpu.memory_space<hbm>>
    %dma_start3A_122 = tpu.memref_squeeze %dma_start3A_121 : memref<1x1x1x80xi32, #tpu.memory_space<hbm>> -> memref<1x80xi32, #tpu.memory_space<hbm>>
    %dma_start3A_123 = arith.constant 0 : i32
    %dma_start3A_124 = arith.constant 0 : i32
    %dma_start3A_125 = tpu.memref_slice %arg3[%add3A, %dma_start3A_118, %dma_start3A_123, %dma_start3A_124] : memref<32x125x1x80xi32, #tpu.memory_space<hbm>> -> memref<1x1x1x80xi32, #tpu.memory_space<hbm>>
    %dma_start3A_126 = tpu.memref_squeeze %dma_start3A_125 : memref<1x1x1x80xi32, #tpu.memory_space<hbm>> -> memref<1x80xi32, #tpu.memory_space<hbm>>
    tpu.enqueue_dma source(%dma_start3A_126 : memref<1x80xi32, #tpu.memory_space<hbm>>) target(%arg18 : memref<1x80xi32, #tpu.memory_space<vmem>>) target_semaphore(%arg21 : memref<!tpu.dma_semaphore, #tpu.memory_space<semaphore_mem>>)
    %dma_wait3A_127 = arith.constant 0 : i32
    %dma_wait3A_128 = arith.constant 0 : i32
    %dma_wait3A_129 = tpu.memref_slice %arg19[%dma_wait3A_127, %dma_wait3A_128] : memref<1x80xi32, #tpu.memory_space<vmem>> -> memref<1x80xi32, #tpu.memory_space<vmem>>
    %dma_wait3A_130 = tpu.memref_squeeze %dma_wait3A_129 : memref<1x80xi32, #tpu.memory_space<vmem>> -> memref<80xi32, #tpu.memory_space<vmem>>
    %dma_wait3A_131 = arith.constant 0 : i32
    %dma_wait3A_132 = arith.constant 0 : i32
    %dma_wait3A_133 = tpu.memref_slice %arg2[%dma_wait3A_131, %dma_wait3A_132] : memref<10000x128xf32, #tpu.memory_space<hbm>> -> memref<10000x128xf32, #tpu.memory_space<hbm>>
    tpu.wait_indirect_dma semaphore(%arg13 : memref<!tpu.dma_semaphore, #tpu.memory_space<semaphore_mem>>) src(%dma_wait3A_133 : memref<10000x128xf32, #tpu.memory_space<hbm>>) dst(%arg10 : memref<80x128xf32, #tpu.memory_space<vmem>>)
    %dma_start3A_134 = arith.constant 122 : i32
    %dma_start3A_135 = arith.constant 0 : i32
    %dma_start3A_136 = tpu.memref_slice %arg7[%dma_start3A_134, %dma_start3A_135] : memref<125x80xi32, #tpu.memory_space<vmem>> -> memref<1x80xi32, #tpu.memory_space<vmem>>
    %dma_start3A_137 = tpu.memref_squeeze %dma_start3A_136 : memref<1x80xi32, #tpu.memory_space<vmem>> -> memref<80xi32, #tpu.memory_space<vmem>>
    %dma_start3A_138 = arith.constant 0 : i32
    %dma_start3A_139 = arith.constant 0 : i32
    %dma_start3A_140 = tpu.memref_slice %arg23[%dma_start3A_138, %dma_start3A_139] : memref<10000x128xf32, #tpu.memory_space<vmem_shared>> -> memref<10000x128xf32, #tpu.memory_space<vmem_shared>>
    tpu.enqueue_indirect_dma source(%arg10 : memref<80x128xf32, #tpu.memory_space<vmem>>) target(%dma_start3A_140 : memref<10000x128xf32, #tpu.memory_space<vmem_shared>>) offsets(%dma_start3A_137 : memref<80xi32, #tpu.memory_space<vmem>>) semaphore(%arg16 : memref<!tpu.dma_semaphore, #tpu.memory_space<semaphore_mem>>) {add = true}
    %dma_wait3A_141 = arith.constant 120 : i32
    %dma_wait3A_142 = arith.constant 0 : i32
    %dma_wait3A_143 = tpu.memref_slice %arg7[%dma_wait3A_141, %dma_wait3A_142] : memref<125x80xi32, #tpu.memory_space<vmem>> -> memref<1x80xi32, #tpu.memory_space<vmem>>
    %dma_wait3A_144 = tpu.memref_squeeze %dma_wait3A_143 : memref<1x80xi32, #tpu.memory_space<vmem>> -> memref<80xi32, #tpu.memory_space<vmem>>
    %dma_wait3A_145 = arith.constant 0 : i32
    %dma_wait3A_146 = arith.constant 0 : i32
    %dma_wait3A_147 = tpu.memref_slice %arg23[%dma_wait3A_145, %dma_wait3A_146] : memref<10000x128xf32, #tpu.memory_space<vmem_shared>> -> memref<10000x128xf32, #tpu.memory_space<vmem_shared>>
    tpu.wait_indirect_dma semaphore(%arg14 : memref<!tpu.dma_semaphore, #tpu.memory_space<semaphore_mem>>) src(%arg8 : memref<80x128xf32, #tpu.memory_space<vmem>>) dst(%dma_wait3A_147 : memref<10000x128xf32, #tpu.memory_space<vmem_shared>>)
    %dma_wait3A_148 = arith.constant 123 : i32
    %dma_wait3A_149 = arith.constant 0 : i32
    %dma_wait3A_150 = arith.constant 0 : i32
    %dma_wait3A_151 = tpu.memref_slice %arg3[%add3A, %dma_wait3A_148, %dma_wait3A_149, %dma_wait3A_150] : memref<32x125x1x80xi32, #tpu.memory_space<hbm>> -> memref<1x1x1x80xi32, #tpu.memory_space<hbm>>
    %dma_wait3A_152 = tpu.memref_squeeze %dma_wait3A_151 : memref<1x1x1x80xi32, #tpu.memory_space<hbm>> -> memref<1x80xi32, #tpu.memory_space<hbm>>
    %dma_wait3A_153 = arith.constant 0 : i32
    %dma_wait3A_154 = arith.constant 0 : i32
    %dma_wait3A_155 = tpu.memref_slice %arg3[%add3A, %dma_wait3A_148, %dma_wait3A_153, %dma_wait3A_154] : memref<32x125x1x80xi32, #tpu.memory_space<hbm>> -> memref<1x1x1x80xi32, #tpu.memory_space<hbm>>
    %dma_wait3A_156 = tpu.memref_squeeze %dma_wait3A_155 : memref<1x1x1x80xi32, #tpu.memory_space<hbm>> -> memref<1x80xi32, #tpu.memory_space<hbm>>
    tpu.wait_dma2 semaphore(%arg20 : memref<!tpu.dma_semaphore, #tpu.memory_space<semaphore_mem>>) src(%dma_wait3A_156 : memref<1x80xi32, #tpu.memory_space<hbm>>) dst(%arg17 : memref<1x80xi32, #tpu.memory_space<vmem>>)
    %dma_start3A_157 = arith.constant 0 : i32
    %dma_start3A_158 = arith.constant 0 : i32
    %dma_start3A_159 = tpu.memref_slice %arg17[%dma_start3A_157, %dma_start3A_158] : memref<1x80xi32, #tpu.memory_space<vmem>> -> memref<1x80xi32, #tpu.memory_space<vmem>>
    %dma_start3A_160 = tpu.memref_squeeze %dma_start3A_159 : memref<1x80xi32, #tpu.memory_space<vmem>> -> memref<80xi32, #tpu.memory_space<vmem>>
    %dma_start3A_161 = arith.constant 0 : i32
    %dma_start3A_162 = arith.constant 0 : i32
    %dma_start3A_163 = tpu.memref_slice %arg2[%dma_start3A_161, %dma_start3A_162] : memref<10000x128xf32, #tpu.memory_space<hbm>> -> memref<10000x128xf32, #tpu.memory_space<hbm>>
    tpu.enqueue_indirect_dma source(%dma_start3A_163 : memref<10000x128xf32, #tpu.memory_space<hbm>>) target(%arg8 : memref<80x128xf32, #tpu.memory_space<vmem>>) offsets(%dma_start3A_160 : memref<80xi32, #tpu.memory_space<vmem>>) semaphore(%arg11 : memref<!tpu.dma_semaphore, #tpu.memory_space<semaphore_mem>>)
    %dma_wait3A_164 = arith.constant 121 : i32
    %dma_wait3A_165 = arith.constant 0 : i32
    %dma_wait3A_166 = tpu.memref_slice %arg7[%dma_wait3A_164, %dma_wait3A_165] : memref<125x80xi32, #tpu.memory_space<vmem>> -> memref<1x80xi32, #tpu.memory_space<vmem>>
    %dma_wait3A_167 = tpu.memref_squeeze %dma_wait3A_166 : memref<1x80xi32, #tpu.memory_space<vmem>> -> memref<80xi32, #tpu.memory_space<vmem>>
    %dma_wait3A_168 = arith.constant 0 : i32
    %dma_wait3A_169 = arith.constant 0 : i32
    %dma_wait3A_170 = tpu.memref_slice %arg23[%dma_wait3A_168, %dma_wait3A_169] : memref<10000x128xf32, #tpu.memory_space<vmem_shared>> -> memref<10000x128xf32, #tpu.memory_space<vmem_shared>>
    tpu.wait_indirect_dma semaphore(%arg15 : memref<!tpu.dma_semaphore, #tpu.memory_space<semaphore_mem>>) src(%arg9 : memref<80x128xf32, #tpu.memory_space<vmem>>) dst(%dma_wait3A_170 : memref<10000x128xf32, #tpu.memory_space<vmem_shared>>)
    %dma_wait3A_171 = arith.constant 124 : i32
    %dma_wait3A_172 = arith.constant 0 : i32
    %dma_wait3A_173 = arith.constant 0 : i32
    %dma_wait3A_174 = tpu.memref_slice %arg3[%add3A, %dma_wait3A_171, %dma_wait3A_172, %dma_wait3A_173] : memref<32x125x1x80xi32, #tpu.memory_space<hbm>> -> memref<1x1x1x80xi32, #tpu.memory_space<hbm>>
    %dma_wait3A_175 = tpu.memref_squeeze %dma_wait3A_174 : memref<1x1x1x80xi32, #tpu.memory_space<hbm>> -> memref<1x80xi32, #tpu.memory_space<hbm>>
    %dma_wait3A_176 = arith.constant 0 : i32
    %dma_wait3A_177 = arith.constant 0 : i32
    %dma_wait3A_178 = tpu.memref_slice %arg3[%add3A, %dma_wait3A_171, %dma_wait3A_176, %dma_wait3A_177] : memref<32x125x1x80xi32, #tpu.memory_space<hbm>> -> memref<1x1x1x80xi32, #tpu.memory_space<hbm>>
    %dma_wait3A_179 = tpu.memref_squeeze %dma_wait3A_178 : memref<1x1x1x80xi32, #tpu.memory_space<hbm>> -> memref<1x80xi32, #tpu.memory_space<hbm>>
    tpu.wait_dma2 semaphore(%arg21 : memref<!tpu.dma_semaphore, #tpu.memory_space<semaphore_mem>>) src(%dma_wait3A_179 : memref<1x80xi32, #tpu.memory_space<hbm>>) dst(%arg18 : memref<1x80xi32, #tpu.memory_space<vmem>>)
    %dma_start3A_180 = arith.constant 0 : i32
    %dma_start3A_181 = arith.constant 0 : i32
    %dma_start3A_182 = tpu.memref_slice %arg18[%dma_start3A_180, %dma_start3A_181] : memref<1x80xi32, #tpu.memory_space<vmem>> -> memref<1x80xi32, #tpu.memory_space<vmem>>
    %dma_start3A_183 = tpu.memref_squeeze %dma_start3A_182 : memref<1x80xi32, #tpu.memory_space<vmem>> -> memref<80xi32, #tpu.memory_space<vmem>>
    %dma_start3A_184 = arith.constant 0 : i32
    %dma_start3A_185 = arith.constant 0 : i32
    %dma_start3A_186 = tpu.memref_slice %arg2[%dma_start3A_184, %dma_start3A_185] : memref<10000x128xf32, #tpu.memory_space<hbm>> -> memref<10000x128xf32, #tpu.memory_space<hbm>>
    tpu.enqueue_indirect_dma source(%dma_start3A_186 : memref<10000x128xf32, #tpu.memory_space<hbm>>) target(%arg9 : memref<80x128xf32, #tpu.memory_space<vmem>>) offsets(%dma_start3A_183 : memref<80xi32, #tpu.memory_space<vmem>>) semaphore(%arg12 : memref<!tpu.dma_semaphore, #tpu.memory_space<semaphore_mem>>)
    %dma_wait3A_187 = arith.constant 122 : i32
    %dma_wait3A_188 = arith.constant 0 : i32
    %dma_wait3A_189 = tpu.memref_slice %arg7[%dma_wait3A_187, %dma_wait3A_188] : memref<125x80xi32, #tpu.memory_space<vmem>> -> memref<1x80xi32, #tpu.memory_space<vmem>>
    %dma_wait3A_190 = tpu.memref_squeeze %dma_wait3A_189 : memref<1x80xi32, #tpu.memory_space<vmem>> -> memref<80xi32, #tpu.memory_space<vmem>>
    %dma_wait3A_191 = arith.constant 0 : i32
    %dma_wait3A_192 = arith.constant 0 : i32
    %dma_wait3A_193 = tpu.memref_slice %arg23[%dma_wait3A_191, %dma_wait3A_192] : memref<10000x128xf32, #tpu.memory_space<vmem_shared>> -> memref<10000x128xf32, #tpu.memory_space<vmem_shared>>
    tpu.wait_indirect_dma semaphore(%arg16 : memref<!tpu.dma_semaphore, #tpu.memory_space<semaphore_mem>>) src(%arg10 : memref<80x128xf32, #tpu.memory_space<vmem>>) dst(%dma_wait3A_193 : memref<10000x128xf32, #tpu.memory_space<vmem_shared>>)
    %dma_wait3A_194 = arith.constant 0 : i32
    %dma_wait3A_195 = arith.constant 0 : i32
    %dma_wait3A_196 = tpu.memref_slice %arg17[%dma_wait3A_194, %dma_wait3A_195] : memref<1x80xi32, #tpu.memory_space<vmem>> -> memref<1x80xi32, #tpu.memory_space<vmem>>
    %dma_wait3A_197 = tpu.memref_squeeze %dma_wait3A_196 : memref<1x80xi32, #tpu.memory_space<vmem>> -> memref<80xi32, #tpu.memory_space<vmem>>
    %dma_wait3A_198 = arith.constant 0 : i32
    %dma_wait3A_199 = arith.constant 0 : i32
    %dma_wait3A_200 = tpu.memref_slice %arg2[%dma_wait3A_198, %dma_wait3A_199] : memref<10000x128xf32, #tpu.memory_space<hbm>> -> memref<10000x128xf32, #tpu.memory_space<hbm>>
    tpu.wait_indirect_dma semaphore(%arg11 : memref<!tpu.dma_semaphore, #tpu.memory_space<semaphore_mem>>) src(%dma_wait3A_200 : memref<10000x128xf32, #tpu.memory_space<hbm>>) dst(%arg8 : memref<80x128xf32, #tpu.memory_space<vmem>>)
    %run_scoped3A = arith.constant 123 : i32
    "tpu.region"() ({
      %run_scoped3A_215 = tpu.sem_alloc : memref<!tpu.dma_semaphore, #tpu.memory_space<semaphore_mem>>
      %dma_start3A_216 = arith.constant 0 : i32
      %dma_start3A_217 = tpu.memref_slice %arg7[%run_scoped3A, %dma_start3A_216] : memref<125x80xi32, #tpu.memory_space<vmem>> -> memref<1x80xi32, #tpu.memory_space<vmem>>
      %dma_start3A_218 = tpu.memref_squeeze %dma_start3A_217 : memref<1x80xi32, #tpu.memory_space<vmem>> -> memref<80xi32, #tpu.memory_space<vmem>>
      %dma_start3A_219 = arith.constant 0 : i32
      %dma_start3A_220 = arith.constant 0 : i32
      %dma_start3A_221 = tpu.memref_slice %arg23[%dma_start3A_219, %dma_start3A_220] : memref<10000x128xf32, #tpu.memory_space<vmem_shared>> -> memref<10000x128xf32, #tpu.memory_space<vmem_shared>>
      tpu.enqueue_indirect_dma source(%arg8 : memref<80x128xf32, #tpu.memory_space<vmem>>) target(%dma_start3A_221 : memref<10000x128xf32, #tpu.memory_space<vmem_shared>>) offsets(%dma_start3A_218 : memref<80xi32, #tpu.memory_space<vmem>>) semaphore(%run_scoped3A_215 : memref<!tpu.dma_semaphore, #tpu.memory_space<semaphore_mem>>) {add = true}
      %dma_wait3A_222 = arith.constant 0 : i32
      %dma_wait3A_223 = tpu.memref_slice %arg7[%run_scoped3A, %dma_wait3A_222] : memref<125x80xi32, #tpu.memory_space<vmem>> -> memref<1x80xi32, #tpu.memory_space<vmem>>
      %dma_wait3A_224 = tpu.memref_squeeze %dma_wait3A_223 : memref<1x80xi32, #tpu.memory_space<vmem>> -> memref<80xi32, #tpu.memory_space<vmem>>
      %dma_wait3A_225 = arith.constant 0 : i32
      %dma_wait3A_226 = arith.constant 0 : i32
      %dma_wait3A_227 = tpu.memref_slice %arg23[%dma_wait3A_225, %dma_wait3A_226] : memref<10000x128xf32, #tpu.memory_space<vmem_shared>> -> memref<10000x128xf32, #tpu.memory_space<vmem_shared>>
      tpu.wait_indirect_dma semaphore(%run_scoped3A_215 : memref<!tpu.dma_semaphore, #tpu.memory_space<semaphore_mem>>) src(%arg8 : memref<80x128xf32, #tpu.memory_space<vmem>>) dst(%dma_wait3A_227 : memref<10000x128xf32, #tpu.memory_space<vmem_shared>>)
      tpu.yield
    }) : () -> ()
    %dma_wait3A_201 = arith.constant 0 : i32
    %dma_wait3A_202 = arith.constant 0 : i32
    %dma_wait3A_203 = tpu.memref_slice %arg18[%dma_wait3A_201, %dma_wait3A_202] : memref<1x80xi32, #tpu.memory_space<vmem>> -> memref<1x80xi32, #tpu.memory_space<vmem>>
    %dma_wait3A_204 = tpu.memref_squeeze %dma_wait3A_203 : memref<1x80xi32, #tpu.memory_space<vmem>> -> memref<80xi32, #tpu.memory_space<vmem>>
    %dma_wait3A_205 = arith.constant 0 : i32
    %dma_wait3A_206 = arith.constant 0 : i32
    %dma_wait3A_207 = tpu.memref_slice %arg2[%dma_wait3A_205, %dma_wait3A_206] : memref<10000x128xf32, #tpu.memory_space<hbm>> -> memref<10000x128xf32, #tpu.memory_space<hbm>>
    tpu.wait_indirect_dma semaphore(%arg12 : memref<!tpu.dma_semaphore, #tpu.memory_space<semaphore_mem>>) src(%dma_wait3A_207 : memref<10000x128xf32, #tpu.memory_space<hbm>>) dst(%arg9 : memref<80x128xf32, #tpu.memory_space<vmem>>)
    %run_scoped3A_208 = arith.constant 124 : i32
    "tpu.region"() ({
      %run_scoped3A_215 = tpu.sem_alloc : memref<!tpu.dma_semaphore, #tpu.memory_space<semaphore_mem>>
      %dma_start3A_216 = arith.constant 0 : i32
      %dma_start3A_217 = tpu.memref_slice %arg7[%run_scoped3A_208, %dma_start3A_216] : memref<125x80xi32, #tpu.memory_space<vmem>> -> memref<1x80xi32, #tpu.memory_space<vmem>>
      %dma_start3A_218 = tpu.memref_squeeze %dma_start3A_217 : memref<1x80xi32, #tpu.memory_space<vmem>> -> memref<80xi32, #tpu.memory_space<vmem>>
      %dma_start3A_219 = arith.constant 0 : i32
      %dma_start3A_220 = arith.constant 0 : i32
      %dma_start3A_221 = tpu.memref_slice %arg23[%dma_start3A_219, %dma_start3A_220] : memref<10000x128xf32, #tpu.memory_space<vmem_shared>> -> memref<10000x128xf32, #tpu.memory_space<vmem_shared>>
      tpu.enqueue_indirect_dma source(%arg9 : memref<80x128xf32, #tpu.memory_space<vmem>>) target(%dma_start3A_221 : memref<10000x128xf32, #tpu.memory_space<vmem_shared>>) offsets(%dma_start3A_218 : memref<80xi32, #tpu.memory_space<vmem>>) semaphore(%run_scoped3A_215 : memref<!tpu.dma_semaphore, #tpu.memory_space<semaphore_mem>>) {add = true}
      %dma_wait3A_222 = arith.constant 0 : i32
      %dma_wait3A_223 = tpu.memref_slice %arg7[%run_scoped3A_208, %dma_wait3A_222] : memref<125x80xi32, #tpu.memory_space<vmem>> -> memref<1x80xi32, #tpu.memory_space<vmem>>
      %dma_wait3A_224 = tpu.memref_squeeze %dma_wait3A_223 : memref<1x80xi32, #tpu.memory_space<vmem>> -> memref<80xi32, #tpu.memory_space<vmem>>
      %dma_wait3A_225 = arith.constant 0 : i32
      %dma_wait3A_226 = arith.constant 0 : i32
      %dma_wait3A_227 = tpu.memref_slice %arg23[%dma_wait3A_225, %dma_wait3A_226] : memref<10000x128xf32, #tpu.memory_space<vmem_shared>> -> memref<10000x128xf32, #tpu.memory_space<vmem_shared>>
      tpu.wait_indirect_dma semaphore(%run_scoped3A_215 : memref<!tpu.dma_semaphore, #tpu.memory_space<semaphore_mem>>) src(%arg9 : memref<80x128xf32, #tpu.memory_space<vmem>>) dst(%dma_wait3A_227 : memref<10000x128xf32, #tpu.memory_space<vmem_shared>>)
      tpu.yield
    }) : () -> ()
    %barrier3A_209 = arith.constant 0 : index
    tpu.barrier barrier_id(%barrier3A_209)
    %lt3A_210 = arith.constant 10 : i32
    %lt3A_211 = arith.cmpi slt, %arg1, %lt3A_210 : i32
    %convert_element_type3A_212 = arith.extui %lt3A_211 : i1 to i32
    %cond3A_213 = arith.constant 0 : i32
    %cond3A_214 = arith.cmpi ne, %convert_element_type3A_212, %cond3A_213 : i32
    scf.if %cond3A_214 {
      %mul3A_215 = arith.constant 1000 : i32
      %mul3A_216 = arith.muli %arg1, %mul3A_215 : i32
      "tpu.region"() ({
        %run_scoped3A_217 = tpu.sem_alloc : memref<!tpu.dma_semaphore, #tpu.memory_space<semaphore_mem>>
        %dma_start3A_218 = arith.constant 0 : i32
        %dma_start3A_219 = arith.constant 0 : i32
        %dma_start3A_220 = tpu.memref_slice %arg6[%arg0, %dma_start3A_218, %dma_start3A_219] : memref<2x10000x128xf32, #tpu.memory_space<hbm>> -> memref<1x10000x128xf32, #tpu.memory_space<hbm>>
        %dma_start3A_221 = tpu.memref_squeeze %dma_start3A_220 : memref<1x10000x128xf32, #tpu.memory_space<hbm>> -> memref<10000x128xf32, #tpu.memory_space<hbm>>
        %dma_start3A_222 = arith.constant 0 : i32
        %dma_start3A_223 = tpu.memref_slice %dma_start3A_221[%mul3A_216, %dma_start3A_222] : memref<10000x128xf32, #tpu.memory_space<hbm>> -> memref<1000x128xf32, #tpu.memory_space<hbm>>
        %dma_start3A_224 = arith.constant 0 : i32
        %dma_start3A_225 = tpu.memref_slice %arg23[%mul3A_216, %dma_start3A_224] : memref<10000x128xf32, #tpu.memory_space<vmem_shared>> -> memref<1000x128xf32, #tpu.memory_space<vmem_shared>>
        tpu.enqueue_dma source(%dma_start3A_225 : memref<1000x128xf32, #tpu.memory_space<vmem_shared>>) target(%dma_start3A_223 : memref<1000x128xf32, #tpu.memory_space<hbm>>) target_semaphore(%run_scoped3A_217 : memref<!tpu.dma_semaphore, #tpu.memory_space<semaphore_mem>>)
        %dma_wait3A_226 = arith.constant 0 : i32
        %dma_wait3A_227 = arith.constant 0 : i32
        %dma_wait3A_228 = tpu.memref_slice %arg6[%arg0, %dma_wait3A_226, %dma_wait3A_227] : memref<2x10000x128xf32, #tpu.memory_space<hbm>> -> memref<1x10000x128xf32, #tpu.memory_space<hbm>>
        %dma_wait3A_229 = tpu.memref_squeeze %dma_wait3A_228 : memref<1x10000x128xf32, #tpu.memory_space<hbm>> -> memref<10000x128xf32, #tpu.memory_space<hbm>>
        %dma_wait3A_230 = arith.constant 0 : i32
        %dma_wait3A_231 = tpu.memref_slice %dma_wait3A_229[%mul3A_216, %dma_wait3A_230] : memref<10000x128xf32, #tpu.memory_space<hbm>> -> memref<1000x128xf32, #tpu.memory_space<hbm>>
        %dma_wait3A_232 = arith.constant 0 : i32
        %dma_wait3A_233 = tpu.memref_slice %arg23[%mul3A_216, %dma_wait3A_232] : memref<10000x128xf32, #tpu.memory_space<vmem_shared>> -> memref<1000x128xf32, #tpu.memory_space<vmem_shared>>
        tpu.wait_dma2 semaphore(%run_scoped3A_217 : memref<!tpu.dma_semaphore, #tpu.memory_space<semaphore_mem>>) src(%dma_wait3A_233 : memref<1000x128xf32, #tpu.memory_space<vmem_shared>>) dst(%dma_wait3A_231 : memref<1000x128xf32, #tpu.memory_space<hbm>>)
        tpu.yield
      }) : () -> ()
    } else {
    }
    return
  }
}

#map = affine_map<(d0, d1) -> (0, 0, 0)>
#map1 = affine_map<(d0, d1) -> (0)>
module attributes {stable_mosaic.version = 14 : i64} {
  func.func @_deg_body(%arg0: i32, %arg1: i32, %arg2: memref<32x1x10000xi32, #tpu.memory_space<hbm>>, %arg3: memref<32x1x10000xi32, #tpu.memory_space<hbm>>, %arg4: memref<10000xf32, #tpu.memory_space<hbm>>, %arg5: memref<32x80x128xf32, #tpu.memory_space<hbm>>, %arg6: memref<32x80x128xf32, #tpu.memory_space<hbm>>, %arg7: memref<1x10000xi32, #tpu.memory_space<vmem>>, %arg8: memref<1x10000xi32, #tpu.memory_space<vmem>>, %arg9: memref<10000xf32, #tpu.memory_space<vmem>>, %arg10: memref<10240xf32, #tpu.memory_space<vmem>>, %arg11: memref<10240xf32, #tpu.memory_space<vmem>>, %arg12: memref<80x128xf32, #tpu.memory_space<vmem>>) attributes {dimension_semantics = [#tpu.dimension_semantics<core_parallel>, #tpu.dimension_semantics<subcore_parallel>], iteration_bounds = array<i64: 2, 16>, scalar_prefetch = 0 : i64, scratch_operands = 6 : i64, tpu.core_type = #tpu.core_type<sc_vector_subcore>, window_params = [{transform_indices = #map}, {transform_indices = #map}, {transform_indices = #map1}, {transform_indices = #map}, {transform_indices = #map}]} {
    %mul3A = arith.constant 16 : i32
    %mul3A_0 = arith.muli %arg0, %mul3A : i32
    %add3A = arith.addi %mul3A_0, %arg1 : i32
    %broadcast_in_dim3A = arith.constant 1.000000e+00 : f32
    %broadcast_in_dim3A_1 = vector.broadcast %broadcast_in_dim3A : f32 to vector<16xf32>
    "tpu.region"() ({
      %run_scoped3A = tpu.sem_alloc : memref<!tpu.dma_semaphore, #tpu.memory_space<semaphore_mem>>
      %dma_start3A = arith.constant 0 : i32
      %dma_start3A_25 = arith.constant 0 : i32
      %dma_start3A_26 = tpu.memref_slice %arg2[%add3A, %dma_start3A, %dma_start3A_25] : memref<32x1x10000xi32, #tpu.memory_space<hbm>> -> memref<1x1x10000xi32, #tpu.memory_space<hbm>>
      %dma_start3A_27 = tpu.memref_squeeze %dma_start3A_26 : memref<1x1x10000xi32, #tpu.memory_space<hbm>> -> memref<1x10000xi32, #tpu.memory_space<hbm>>
      %dma_start3A_28 = arith.constant 0 : i32
      %dma_start3A_29 = arith.constant 0 : i32
      %dma_start3A_30 = tpu.memref_slice %arg2[%add3A, %dma_start3A_28, %dma_start3A_29] : memref<32x1x10000xi32, #tpu.memory_space<hbm>> -> memref<1x1x10000xi32, #tpu.memory_space<hbm>>
      %dma_start3A_31 = tpu.memref_squeeze %dma_start3A_30 : memref<1x1x10000xi32, #tpu.memory_space<hbm>> -> memref<1x10000xi32, #tpu.memory_space<hbm>>
      tpu.enqueue_dma source(%dma_start3A_31 : memref<1x10000xi32, #tpu.memory_space<hbm>>) target(%arg7 : memref<1x10000xi32, #tpu.memory_space<vmem>>) target_semaphore(%run_scoped3A : memref<!tpu.dma_semaphore, #tpu.memory_space<semaphore_mem>>)
      %dma_wait3A = arith.constant 0 : i32
      %dma_wait3A_32 = arith.constant 0 : i32
      %dma_wait3A_33 = tpu.memref_slice %arg2[%add3A, %dma_wait3A, %dma_wait3A_32] : memref<32x1x10000xi32, #tpu.memory_space<hbm>> -> memref<1x1x10000xi32, #tpu.memory_space<hbm>>
      %dma_wait3A_34 = tpu.memref_squeeze %dma_wait3A_33 : memref<1x1x10000xi32, #tpu.memory_space<hbm>> -> memref<1x10000xi32, #tpu.memory_space<hbm>>
      %dma_wait3A_35 = arith.constant 0 : i32
      %dma_wait3A_36 = arith.constant 0 : i32
      %dma_wait3A_37 = tpu.memref_slice %arg2[%add3A, %dma_wait3A_35, %dma_wait3A_36] : memref<32x1x10000xi32, #tpu.memory_space<hbm>> -> memref<1x1x10000xi32, #tpu.memory_space<hbm>>
      %dma_wait3A_38 = tpu.memref_squeeze %dma_wait3A_37 : memref<1x1x10000xi32, #tpu.memory_space<hbm>> -> memref<1x10000xi32, #tpu.memory_space<hbm>>
      tpu.wait_dma2 semaphore(%run_scoped3A : memref<!tpu.dma_semaphore, #tpu.memory_space<semaphore_mem>>) src(%dma_wait3A_38 : memref<1x10000xi32, #tpu.memory_space<hbm>>) dst(%arg7 : memref<1x10000xi32, #tpu.memory_space<vmem>>)
      tpu.yield
    }) : () -> ()
    "tpu.region"() ({
      %run_scoped3A = tpu.sem_alloc : memref<!tpu.dma_semaphore, #tpu.memory_space<semaphore_mem>>
      %dma_start3A = arith.constant 0 : i32
      %dma_start3A_25 = arith.constant 0 : i32
      %dma_start3A_26 = tpu.memref_slice %arg3[%add3A, %dma_start3A, %dma_start3A_25] : memref<32x1x10000xi32, #tpu.memory_space<hbm>> -> memref<1x1x10000xi32, #tpu.memory_space<hbm>>
      %dma_start3A_27 = tpu.memref_squeeze %dma_start3A_26 : memref<1x1x10000xi32, #tpu.memory_space<hbm>> -> memref<1x10000xi32, #tpu.memory_space<hbm>>
      %dma_start3A_28 = arith.constant 0 : i32
      %dma_start3A_29 = arith.constant 0 : i32
      %dma_start3A_30 = tpu.memref_slice %arg3[%add3A, %dma_start3A_28, %dma_start3A_29] : memref<32x1x10000xi32, #tpu.memory_space<hbm>> -> memref<1x1x10000xi32, #tpu.memory_space<hbm>>
      %dma_start3A_31 = tpu.memref_squeeze %dma_start3A_30 : memref<1x1x10000xi32, #tpu.memory_space<hbm>> -> memref<1x10000xi32, #tpu.memory_space<hbm>>
      tpu.enqueue_dma source(%dma_start3A_31 : memref<1x10000xi32, #tpu.memory_space<hbm>>) target(%arg8 : memref<1x10000xi32, #tpu.memory_space<vmem>>) target_semaphore(%run_scoped3A : memref<!tpu.dma_semaphore, #tpu.memory_space<semaphore_mem>>)
      %dma_wait3A = arith.constant 0 : i32
      %dma_wait3A_32 = arith.constant 0 : i32
      %dma_wait3A_33 = tpu.memref_slice %arg3[%add3A, %dma_wait3A, %dma_wait3A_32] : memref<32x1x10000xi32, #tpu.memory_space<hbm>> -> memref<1x1x10000xi32, #tpu.memory_space<hbm>>
      %dma_wait3A_34 = tpu.memref_squeeze %dma_wait3A_33 : memref<1x1x10000xi32, #tpu.memory_space<hbm>> -> memref<1x10000xi32, #tpu.memory_space<hbm>>
      %dma_wait3A_35 = arith.constant 0 : i32
      %dma_wait3A_36 = arith.constant 0 : i32
      %dma_wait3A_37 = tpu.memref_slice %arg3[%add3A, %dma_wait3A_35, %dma_wait3A_36] : memref<32x1x10000xi32, #tpu.memory_space<hbm>> -> memref<1x1x10000xi32, #tpu.memory_space<hbm>>
      %dma_wait3A_38 = tpu.memref_squeeze %dma_wait3A_37 : memref<1x1x10000xi32, #tpu.memory_space<hbm>> -> memref<1x10000xi32, #tpu.memory_space<hbm>>
      tpu.wait_dma2 semaphore(%run_scoped3A : memref<!tpu.dma_semaphore, #tpu.memory_space<semaphore_mem>>) src(%dma_wait3A_38 : memref<1x10000xi32, #tpu.memory_space<hbm>>) dst(%arg8 : memref<1x10000xi32, #tpu.memory_space<vmem>>)
      tpu.yield
    }) : () -> ()
    "tpu.region"() ({
      %run_scoped3A = tpu.sem_alloc : memref<!tpu.dma_semaphore, #tpu.memory_space<semaphore_mem>>
      tpu.enqueue_dma source(%arg4 : memref<10000xf32, #tpu.memory_space<hbm>>) target(%arg9 : memref<10000xf32, #tpu.memory_space<vmem>>) target_semaphore(%run_scoped3A : memref<!tpu.dma_semaphore, #tpu.memory_space<semaphore_mem>>)
      tpu.wait_dma2 semaphore(%run_scoped3A : memref<!tpu.dma_semaphore, #tpu.memory_space<semaphore_mem>>) src(%arg4 : memref<10000xf32, #tpu.memory_space<hbm>>) dst(%arg9 : memref<10000xf32, #tpu.memory_space<vmem>>)
      tpu.yield
    }) : () -> ()
    %scan3A = arith.constant 0 : i32
    %scan3A_2 = arith.constant 0 : i32
    %scan3A_3 = arith.constant 640 : i32
    %scan3A_4 = arith.addi %scan3A_2, %scan3A_3 : i32
    %scan3A_5 = arith.constant 1 : i32
    scf.for %scan3A_25 = %scan3A_2 to %scan3A_4 step %scan3A_5  : i32 {
      %broadcast_in_dim3A_26 = arith.constant 0.000000e+00 : f32
      %broadcast_in_dim3A_27 = vector.broadcast %broadcast_in_dim3A_26 : f32 to vector<16xf32>
      %mul3A_28 = arith.constant 16 : i32
      %mul3A_29 = arith.muli %scan3A_25, %mul3A_28 : i32
      %swap3A = arith.index_cast %mul3A_29 : i32 to index
      %swap3A_30 = tpu.vector_load %arg10[%swap3A] {strides = array<i32>} : memref<10240xf32, #tpu.memory_space<vmem>>, vector<16xf32>,
      tpu.vector_store %arg10[%swap3A], %broadcast_in_dim3A_27 {strides = array<i32>} : memref<10240xf32, #tpu.memory_space<vmem>>, vector<16xf32>,
      %broadcast_in_dim3A_31 = arith.constant 0.000000e+00 : f32
      %broadcast_in_dim3A_32 = vector.broadcast %broadcast_in_dim3A_31 : f32 to vector<16xf32>
      %mul3A_33 = arith.constant 16 : i32
      %mul3A_34 = arith.muli %scan3A_25, %mul3A_33 : i32
      %swap3A_35 = arith.index_cast %mul3A_34 : i32 to index
      %swap3A_36 = tpu.vector_load %arg11[%swap3A_35] {strides = array<i32>} : memref<10240xf32, #tpu.memory_space<vmem>>, vector<16xf32>,
      tpu.vector_store %arg11[%swap3A_35], %broadcast_in_dim3A_32 {strides = array<i32>} : memref<10240xf32, #tpu.memory_space<vmem>>, vector<16xf32>,
    }
    %scan3A_6 = arith.constant 640 : i32
    %scan3A_7 = arith.constant 0 : i32
    %scan3A_8 = arith.constant 0 : i32
    %scan3A_9 = arith.constant 125 : i32
    %scan3A_10 = arith.addi %scan3A_8, %scan3A_9 : i32
    %scan3A_11 = arith.constant 1 : i32
    scf.for %scan3A_25 = %scan3A_8 to %scan3A_10 step %scan3A_11  : i32 {
      %mul3A_26 = arith.constant 80 : i32
      %mul3A_27 = arith.muli %scan3A_25, %mul3A_26 : i32
      %add3A_28 = arith.constant 0 : i32
      %add3A_29 = arith.addi %mul3A_27, %add3A_28 : i32
      %get3A = arith.constant 0 : i32
      %get3A_30 = arith.index_cast %get3A : i32 to index
      %get3A_31 = arith.index_cast %add3A_29 : i32 to index
      %get3A_32 = tpu.vector_load %arg7[%get3A_30, %get3A_31] {strides = array<i32>} : memref<1x10000xi32, #tpu.memory_space<vmem>>, vector<16xi32>,
      %mul3A_33 = arith.constant 80 : i32
      %mul3A_34 = arith.muli %scan3A_25, %mul3A_33 : i32
      %add3A_35 = arith.constant 0 : i32
      %add3A_36 = arith.addi %mul3A_34, %add3A_35 : i32
      %get3A_37 = arith.constant 0 : i32
      %get3A_38 = arith.index_cast %get3A_37 : i32 to index
      %get3A_39 = arith.index_cast %add3A_36 : i32 to index
      %get3A_40 = tpu.vector_load %arg8[%get3A_38, %get3A_39] {strides = array<i32>} : memref<1x10000xi32, #tpu.memory_space<vmem>>, vector<16xi32>,
      tpu.vector_store_idx %arg10[%get3A_40], %broadcast_in_dim3A_1 {add = true} : memref<10240xf32, #tpu.memory_space<vmem>>[vector<16xi32>], vector<16xf32>,
      %gather3A = tpu.vector_load_idx %arg9[%get3A_40] : memref<10000xf32, #tpu.memory_space<vmem>>[vector<16xi32>], vector<16xf32>,
      tpu.vector_store_idx %arg11[%get3A_32], %gather3A {add = true} : memref<10240xf32, #tpu.memory_space<vmem>>[vector<16xi32>], vector<16xf32>,
      %mul3A_41 = arith.constant 80 : i32
      %mul3A_42 = arith.muli %scan3A_25, %mul3A_41 : i32
      %add3A_43 = arith.constant 16 : i32
      %add3A_44 = arith.addi %mul3A_42, %add3A_43 : i32
      %get3A_45 = arith.constant 0 : i32
      %get3A_46 = arith.index_cast %get3A_45 : i32 to index
      %get3A_47 = arith.index_cast %add3A_44 : i32 to index
      %get3A_48 = tpu.vector_load %arg7[%get3A_46, %get3A_47] {strides = array<i32>} : memref<1x10000xi32, #tpu.memory_space<vmem>>, vector<16xi32>,
      %mul3A_49 = arith.constant 80 : i32
      %mul3A_50 = arith.muli %scan3A_25, %mul3A_49 : i32
      %add3A_51 = arith.constant 16 : i32
      %add3A_52 = arith.addi %mul3A_50, %add3A_51 : i32
      %get3A_53 = arith.constant 0 : i32
      %get3A_54 = arith.index_cast %get3A_53 : i32 to index
      %get3A_55 = arith.index_cast %add3A_52 : i32 to index
      %get3A_56 = tpu.vector_load %arg8[%get3A_54, %get3A_55] {strides = array<i32>} : memref<1x10000xi32, #tpu.memory_space<vmem>>, vector<16xi32>,
      tpu.vector_store_idx %arg10[%get3A_56], %broadcast_in_dim3A_1 {add = true} : memref<10240xf32, #tpu.memory_space<vmem>>[vector<16xi32>], vector<16xf32>,
      %gather3A_57 = tpu.vector_load_idx %arg9[%get3A_56] : memref<10000xf32, #tpu.memory_space<vmem>>[vector<16xi32>], vector<16xf32>,
      tpu.vector_store_idx %arg11[%get3A_48], %gather3A_57 {add = true} : memref<10240xf32, #tpu.memory_space<vmem>>[vector<16xi32>], vector<16xf32>,
      %mul3A_58 = arith.constant 80 : i32
      %mul3A_59 = arith.muli %scan3A_25, %mul3A_58 : i32
      %add3A_60 = arith.constant 32 : i32
      %add3A_61 = arith.addi %mul3A_59, %add3A_60 : i32
      %get3A_62 = arith.constant 0 : i32
      %get3A_63 = arith.index_cast %get3A_62 : i32 to index
      %get3A_64 = arith.index_cast %add3A_61 : i32 to index
      %get3A_65 = tpu.vector_load %arg7[%get3A_63, %get3A_64] {strides = array<i32>} : memref<1x10000xi32, #tpu.memory_space<vmem>>, vector<16xi32>,
      %mul3A_66 = arith.constant 80 : i32
      %mul3A_67 = arith.muli %scan3A_25, %mul3A_66 : i32
      %add3A_68 = arith.constant 32 : i32
      %add3A_69 = arith.addi %mul3A_67, %add3A_68 : i32
      %get3A_70 = arith.constant 0 : i32
      %get3A_71 = arith.index_cast %get3A_70 : i32 to index
      %get3A_72 = arith.index_cast %add3A_69 : i32 to index
      %get3A_73 = tpu.vector_load %arg8[%get3A_71, %get3A_72] {strides = array<i32>} : memref<1x10000xi32, #tpu.memory_space<vmem>>, vector<16xi32>,
      tpu.vector_store_idx %arg10[%get3A_73], %broadcast_in_dim3A_1 {add = true} : memref<10240xf32, #tpu.memory_space<vmem>>[vector<16xi32>], vector<16xf32>,
      %gather3A_74 = tpu.vector_load_idx %arg9[%get3A_73] : memref<10000xf32, #tpu.memory_space<vmem>>[vector<16xi32>], vector<16xf32>,
      tpu.vector_store_idx %arg11[%get3A_65], %gather3A_74 {add = true} : memref<10240xf32, #tpu.memory_space<vmem>>[vector<16xi32>], vector<16xf32>,
      %mul3A_75 = arith.constant 80 : i32
      %mul3A_76 = arith.muli %scan3A_25, %mul3A_75 : i32
      %add3A_77 = arith.constant 48 : i32
      %add3A_78 = arith.addi %mul3A_76, %add3A_77 : i32
      %get3A_79 = arith.constant 0 : i32
      %get3A_80 = arith.index_cast %get3A_79 : i32 to index
      %get3A_81 = arith.index_cast %add3A_78 : i32 to index
      %get3A_82 = tpu.vector_load %arg7[%get3A_80, %get3A_81] {strides = array<i32>} : memref<1x10000xi32, #tpu.memory_space<vmem>>, vector<16xi32>,
      %mul3A_83 = arith.constant 80 : i32
      %mul3A_84 = arith.muli %scan3A_25, %mul3A_83 : i32
      %add3A_85 = arith.constant 48 : i32
      %add3A_86 = arith.addi %mul3A_84, %add3A_85 : i32
      %get3A_87 = arith.constant 0 : i32
      %get3A_88 = arith.index_cast %get3A_87 : i32 to index
      %get3A_89 = arith.index_cast %add3A_86 : i32 to index
      %get3A_90 = tpu.vector_load %arg8[%get3A_88, %get3A_89] {strides = array<i32>} : memref<1x10000xi32, #tpu.memory_space<vmem>>, vector<16xi32>,
      tpu.vector_store_idx %arg10[%get3A_90], %broadcast_in_dim3A_1 {add = true} : memref<10240xf32, #tpu.memory_space<vmem>>[vector<16xi32>], vector<16xf32>,
      %gather3A_91 = tpu.vector_load_idx %arg9[%get3A_90] : memref<10000xf32, #tpu.memory_space<vmem>>[vector<16xi32>], vector<16xf32>,
      tpu.vector_store_idx %arg11[%get3A_82], %gather3A_91 {add = true} : memref<10240xf32, #tpu.memory_space<vmem>>[vector<16xi32>], vector<16xf32>,
      %mul3A_92 = arith.constant 80 : i32
      %mul3A_93 = arith.muli %scan3A_25, %mul3A_92 : i32
      %add3A_94 = arith.constant 64 : i32
      %add3A_95 = arith.addi %mul3A_93, %add3A_94 : i32
      %get3A_96 = arith.constant 0 : i32
      %get3A_97 = arith.index_cast %get3A_96 : i32 to index
      %get3A_98 = arith.index_cast %add3A_95 : i32 to index
      %get3A_99 = tpu.vector_load %arg7[%get3A_97, %get3A_98] {strides = array<i32>} : memref<1x10000xi32, #tpu.memory_space<vmem>>, vector<16xi32>,
      %mul3A_100 = arith.constant 80 : i32
      %mul3A_101 = arith.muli %scan3A_25, %mul3A_100 : i32
      %add3A_102 = arith.constant 64 : i32
      %add3A_103 = arith.addi %mul3A_101, %add3A_102 : i32
      %get3A_104 = arith.constant 0 : i32
      %get3A_105 = arith.index_cast %get3A_104 : i32 to index
      %get3A_106 = arith.index_cast %add3A_103 : i32 to index
      %get3A_107 = tpu.vector_load %arg8[%get3A_105, %get3A_106] {strides = array<i32>} : memref<1x10000xi32, #tpu.memory_space<vmem>>, vector<16xi32>,
      tpu.vector_store_idx %arg10[%get3A_107], %broadcast_in_dim3A_1 {add = true} : memref<10240xf32, #tpu.memory_space<vmem>>[vector<16xi32>], vector<16xf32>,
      %gather3A_108 = tpu.vector_load_idx %arg9[%get3A_107] : memref<10000xf32, #tpu.memory_space<vmem>>[vector<16xi32>], vector<16xf32>,
      tpu.vector_store_idx %arg11[%get3A_99], %gather3A_108 {add = true} : memref<10240xf32, #tpu.memory_space<vmem>>[vector<16xi32>], vector<16xf32>,
    }
    %scan3A_12 = arith.constant 125 : i32
    %scan3A_13 = arith.constant 0 : i32
    %scan3A_14 = arith.constant 0 : i32
    %scan3A_15 = arith.constant 80 : i32
    %scan3A_16 = arith.addi %scan3A_14, %scan3A_15 : i32
    %scan3A_17 = arith.constant 1 : i32
    scf.for %scan3A_25 = %scan3A_14 to %scan3A_16 step %scan3A_17  : i32 {
      %mul3A_26 = arith.constant 128 : i32
      %mul3A_27 = arith.muli %scan3A_25, %mul3A_26 : i32
      %add3A_28 = arith.constant 0 : i32
      %add3A_29 = arith.addi %mul3A_27, %add3A_28 : i32
      %get3A = arith.index_cast %add3A_29 : i32 to index
      %get3A_30 = tpu.vector_load %arg10[%get3A] {strides = array<i32>} : memref<10240xf32, #tpu.memory_space<vmem>>, vector<16xf32>,
      %swap3A = arith.index_cast %scan3A_25 : i32 to index
      %swap3A_31 = arith.constant 0 : index
      %swap3A_32 = tpu.vector_load %arg12[%swap3A, %swap3A_31] {strides = array<i32>} : memref<80x128xf32, #tpu.memory_space<vmem>>, vector<16xf32>,
      tpu.vector_store %arg12[%swap3A, %swap3A_31], %get3A_30 {strides = array<i32>} : memref<80x128xf32, #tpu.memory_space<vmem>>, vector<16xf32>,
      %mul3A_33 = arith.constant 128 : i32
      %mul3A_34 = arith.muli %scan3A_25, %mul3A_33 : i32
      %add3A_35 = arith.constant 16 : i32
      %add3A_36 = arith.addi %mul3A_34, %add3A_35 : i32
      %get3A_37 = arith.index_cast %add3A_36 : i32 to index
      %get3A_38 = tpu.vector_load %arg10[%get3A_37] {strides = array<i32>} : memref<10240xf32, #tpu.memory_space<vmem>>, vector<16xf32>,
      %swap3A_39 = arith.index_cast %scan3A_25 : i32 to index
      %swap3A_40 = arith.constant 16 : index
      %swap3A_41 = tpu.vector_load %arg12[%swap3A_39, %swap3A_40] {strides = array<i32>} : memref<80x128xf32, #tpu.memory_space<vmem>>, vector<16xf32>,
      tpu.vector_store %arg12[%swap3A_39, %swap3A_40], %get3A_38 {strides = array<i32>} : memref<80x128xf32, #tpu.memory_space<vmem>>, vector<16xf32>,
      %mul3A_42 = arith.constant 128 : i32
      %mul3A_43 = arith.muli %scan3A_25, %mul3A_42 : i32
      %add3A_44 = arith.constant 32 : i32
      %add3A_45 = arith.addi %mul3A_43, %add3A_44 : i32
      %get3A_46 = arith.index_cast %add3A_45 : i32 to index
      %get3A_47 = tpu.vector_load %arg10[%get3A_46] {strides = array<i32>} : memref<10240xf32, #tpu.memory_space<vmem>>, vector<16xf32>,
      %swap3A_48 = arith.index_cast %scan3A_25 : i32 to index
      %swap3A_49 = arith.constant 32 : index
      %swap3A_50 = tpu.vector_load %arg12[%swap3A_48, %swap3A_49] {strides = array<i32>} : memref<80x128xf32, #tpu.memory_space<vmem>>, vector<16xf32>,
      tpu.vector_store %arg12[%swap3A_48, %swap3A_49], %get3A_47 {strides = array<i32>} : memref<80x128xf32, #tpu.memory_space<vmem>>, vector<16xf32>,
      %mul3A_51 = arith.constant 128 : i32
      %mul3A_52 = arith.muli %scan3A_25, %mul3A_51 : i32
      %add3A_53 = arith.constant 48 : i32
      %add3A_54 = arith.addi %mul3A_52, %add3A_53 : i32
      %get3A_55 = arith.index_cast %add3A_54 : i32 to index
      %get3A_56 = tpu.vector_load %arg10[%get3A_55] {strides = array<i32>} : memref<10240xf32, #tpu.memory_space<vmem>>, vector<16xf32>,
      %swap3A_57 = arith.index_cast %scan3A_25 : i32 to index
      %swap3A_58 = arith.constant 48 : index
      %swap3A_59 = tpu.vector_load %arg12[%swap3A_57, %swap3A_58] {strides = array<i32>} : memref<80x128xf32, #tpu.memory_space<vmem>>, vector<16xf32>,
      tpu.vector_store %arg12[%swap3A_57, %swap3A_58], %get3A_56 {strides = array<i32>} : memref<80x128xf32, #tpu.memory_space<vmem>>, vector<16xf32>,
      %mul3A_60 = arith.constant 128 : i32
      %mul3A_61 = arith.muli %scan3A_25, %mul3A_60 : i32
      %add3A_62 = arith.constant 64 : i32
      %add3A_63 = arith.addi %mul3A_61, %add3A_62 : i32
      %get3A_64 = arith.index_cast %add3A_63 : i32 to index
      %get3A_65 = tpu.vector_load %arg10[%get3A_64] {strides = array<i32>} : memref<10240xf32, #tpu.memory_space<vmem>>, vector<16xf32>,
      %swap3A_66 = arith.index_cast %scan3A_25 : i32 to index
      %swap3A_67 = arith.constant 64 : index
      %swap3A_68 = tpu.vector_load %arg12[%swap3A_66, %swap3A_67] {strides = array<i32>} : memref<80x128xf32, #tpu.memory_space<vmem>>, vector<16xf32>,
      tpu.vector_store %arg12[%swap3A_66, %swap3A_67], %get3A_65 {strides = array<i32>} : memref<80x128xf32, #tpu.memory_space<vmem>>, vector<16xf32>,
      %mul3A_69 = arith.constant 128 : i32
      %mul3A_70 = arith.muli %scan3A_25, %mul3A_69 : i32
      %add3A_71 = arith.constant 80 : i32
      %add3A_72 = arith.addi %mul3A_70, %add3A_71 : i32
      %get3A_73 = arith.index_cast %add3A_72 : i32 to index
      %get3A_74 = tpu.vector_load %arg10[%get3A_73] {strides = array<i32>} : memref<10240xf32, #tpu.memory_space<vmem>>, vector<16xf32>,
      %swap3A_75 = arith.index_cast %scan3A_25 : i32 to index
      %swap3A_76 = arith.constant 80 : index
      %swap3A_77 = tpu.vector_load %arg12[%swap3A_75, %swap3A_76] {strides = array<i32>} : memref<80x128xf32, #tpu.memory_space<vmem>>, vector<16xf32>,
      tpu.vector_store %arg12[%swap3A_75, %swap3A_76], %get3A_74 {strides = array<i32>} : memref<80x128xf32, #tpu.memory_space<vmem>>, vector<16xf32>,
      %mul3A_78 = arith.constant 128 : i32
      %mul3A_79 = arith.muli %scan3A_25, %mul3A_78 : i32
      %add3A_80 = arith.constant 96 : i32
      %add3A_81 = arith.addi %mul3A_79, %add3A_80 : i32
      %get3A_82 = arith.index_cast %add3A_81 : i32 to index
      %get3A_83 = tpu.vector_load %arg10[%get3A_82] {strides = array<i32>} : memref<10240xf32, #tpu.memory_space<vmem>>, vector<16xf32>,
      %swap3A_84 = arith.index_cast %scan3A_25 : i32 to index
      %swap3A_85 = arith.constant 96 : index
      %swap3A_86 = tpu.vector_load %arg12[%swap3A_84, %swap3A_85] {strides = array<i32>} : memref<80x128xf32, #tpu.memory_space<vmem>>, vector<16xf32>,
      tpu.vector_store %arg12[%swap3A_84, %swap3A_85], %get3A_83 {strides = array<i32>} : memref<80x128xf32, #tpu.memory_space<vmem>>, vector<16xf32>,
      %mul3A_87 = arith.constant 128 : i32
      %mul3A_88 = arith.muli %scan3A_25, %mul3A_87 : i32
      %add3A_89 = arith.constant 112 : i32
      %add3A_90 = arith.addi %mul3A_88, %add3A_89 : i32
      %get3A_91 = arith.index_cast %add3A_90 : i32 to index
      %get3A_92 = tpu.vector_load %arg10[%get3A_91] {strides = array<i32>} : memref<10240xf32, #tpu.memory_space<vmem>>, vector<16xf32>,
      %swap3A_93 = arith.index_cast %scan3A_25 : i32 to index
      %swap3A_94 = arith.constant 112 : index
      %swap3A_95 = tpu.vector_load %arg12[%swap3A_93, %swap3A_94] {strides = array<i32>} : memref<80x128xf32, #tpu.memory_space<vmem>>, vector<16xf32>,
      tpu.vector_store %arg12[%swap3A_93, %swap3A_94], %get3A_92 {strides = array<i32>} : memref<80x128xf32, #tpu.memory_space<vmem>>, vector<16xf32>,
    }
    %scan3A_18 = arith.constant 80 : i32
    "tpu.region"() ({
      %run_scoped3A = tpu.sem_alloc : memref<!tpu.dma_semaphore, #tpu.memory_space<semaphore_mem>>
      %dma_start3A = arith.constant 0 : i32
      %dma_start3A_25 = arith.constant 0 : i32
      %dma_start3A_26 = tpu.memref_slice %arg5[%add3A, %dma_start3A, %dma_start3A_25] : memref<32x80x128xf32, #tpu.memory_space<hbm>> -> memref<1x80x128xf32, #tpu.memory_space<hbm>>
      %dma_start3A_27 = tpu.memref_squeeze %dma_start3A_26 : memref<1x80x128xf32, #tpu.memory_space<hbm>> -> memref<80x128xf32, #tpu.memory_space<hbm>>
      %dma_start3A_28 = arith.constant 0 : i32
      %dma_start3A_29 = arith.constant 0 : i32
      %dma_start3A_30 = tpu.memref_slice %arg5[%add3A, %dma_start3A_28, %dma_start3A_29] : memref<32x80x128xf32, #tpu.memory_space<hbm>> -> memref<1x80x128xf32, #tpu.memory_space<hbm>>
      %dma_start3A_31 = tpu.memref_squeeze %dma_start3A_30 : memref<1x80x128xf32, #tpu.memory_space<hbm>> -> memref<80x128xf32, #tpu.memory_space<hbm>>
      tpu.enqueue_dma source(%arg12 : memref<80x128xf32, #tpu.memory_space<vmem>>) target(%dma_start3A_31 : memref<80x128xf32, #tpu.memory_space<hbm>>) target_semaphore(%run_scoped3A : memref<!tpu.dma_semaphore, #tpu.memory_space<semaphore_mem>>)
      %dma_wait3A = arith.constant 0 : i32
      %dma_wait3A_32 = arith.constant 0 : i32
      %dma_wait3A_33 = tpu.memref_slice %arg5[%add3A, %dma_wait3A, %dma_wait3A_32] : memref<32x80x128xf32, #tpu.memory_space<hbm>> -> memref<1x80x128xf32, #tpu.memory_space<hbm>>
      %dma_wait3A_34 = tpu.memref_squeeze %dma_wait3A_33 : memref<1x80x128xf32, #tpu.memory_space<hbm>> -> memref<80x128xf32, #tpu.memory_space<hbm>>
      %dma_wait3A_35 = arith.constant 0 : i32
      %dma_wait3A_36 = arith.constant 0 : i32
      %dma_wait3A_37 = tpu.memref_slice %arg5[%add3A, %dma_wait3A_35, %dma_wait3A_36] : memref<32x80x128xf32, #tpu.memory_space<hbm>> -> memref<1x80x128xf32, #tpu.memory_space<hbm>>
      %dma_wait3A_38 = tpu.memref_squeeze %dma_wait3A_37 : memref<1x80x128xf32, #tpu.memory_space<hbm>> -> memref<80x128xf32, #tpu.memory_space<hbm>>
      tpu.wait_dma2 semaphore(%run_scoped3A : memref<!tpu.dma_semaphore, #tpu.memory_space<semaphore_mem>>) src(%arg12 : memref<80x128xf32, #tpu.memory_space<vmem>>) dst(%dma_wait3A_38 : memref<80x128xf32, #tpu.memory_space<hbm>>)
      tpu.yield
    }) : () -> ()
    %scan3A_19 = arith.constant 0 : i32
    %scan3A_20 = arith.constant 0 : i32
    %scan3A_21 = arith.constant 80 : i32
    %scan3A_22 = arith.addi %scan3A_20, %scan3A_21 : i32
    %scan3A_23 = arith.constant 1 : i32
    scf.for %scan3A_25 = %scan3A_20 to %scan3A_22 step %scan3A_23  : i32 {
      %mul3A_26 = arith.constant 128 : i32
      %mul3A_27 = arith.muli %scan3A_25, %mul3A_26 : i32
      %add3A_28 = arith.constant 0 : i32
      %add3A_29 = arith.addi %mul3A_27, %add3A_28 : i32
      %get3A = arith.index_cast %add3A_29 : i32 to index
      %get3A_30 = tpu.vector_load %arg11[%get3A] {strides = array<i32>} : memref<10240xf32, #tpu.memory_space<vmem>>, vector<16xf32>,
      %swap3A = arith.index_cast %scan3A_25 : i32 to index
      %swap3A_31 = arith.constant 0 : index
      %swap3A_32 = tpu.vector_load %arg12[%swap3A, %swap3A_31] {strides = array<i32>} : memref<80x128xf32, #tpu.memory_space<vmem>>, vector<16xf32>,
      tpu.vector_store %arg12[%swap3A, %swap3A_31], %get3A_30 {strides = array<i32>} : memref<80x128xf32, #tpu.memory_space<vmem>>, vector<16xf32>,
      %mul3A_33 = arith.constant 128 : i32
      %mul3A_34 = arith.muli %scan3A_25, %mul3A_33 : i32
      %add3A_35 = arith.constant 16 : i32
      %add3A_36 = arith.addi %mul3A_34, %add3A_35 : i32
      %get3A_37 = arith.index_cast %add3A_36 : i32 to index
      %get3A_38 = tpu.vector_load %arg11[%get3A_37] {strides = array<i32>} : memref<10240xf32, #tpu.memory_space<vmem>>, vector<16xf32>,
      %swap3A_39 = arith.index_cast %scan3A_25 : i32 to index
      %swap3A_40 = arith.constant 16 : index
      %swap3A_41 = tpu.vector_load %arg12[%swap3A_39, %swap3A_40] {strides = array<i32>} : memref<80x128xf32, #tpu.memory_space<vmem>>, vector<16xf32>,
      tpu.vector_store %arg12[%swap3A_39, %swap3A_40], %get3A_38 {strides = array<i32>} : memref<80x128xf32, #tpu.memory_space<vmem>>, vector<16xf32>,
      %mul3A_42 = arith.constant 128 : i32
      %mul3A_43 = arith.muli %scan3A_25, %mul3A_42 : i32
      %add3A_44 = arith.constant 32 : i32
      %add3A_45 = arith.addi %mul3A_43, %add3A_44 : i32
      %get3A_46 = arith.index_cast %add3A_45 : i32 to index
      %get3A_47 = tpu.vector_load %arg11[%get3A_46] {strides = array<i32>} : memref<10240xf32, #tpu.memory_space<vmem>>, vector<16xf32>,
      %swap3A_48 = arith.index_cast %scan3A_25 : i32 to index
      %swap3A_49 = arith.constant 32 : index
      %swap3A_50 = tpu.vector_load %arg12[%swap3A_48, %swap3A_49] {strides = array<i32>} : memref<80x128xf32, #tpu.memory_space<vmem>>, vector<16xf32>,
      tpu.vector_store %arg12[%swap3A_48, %swap3A_49], %get3A_47 {strides = array<i32>} : memref<80x128xf32, #tpu.memory_space<vmem>>, vector<16xf32>,
      %mul3A_51 = arith.constant 128 : i32
      %mul3A_52 = arith.muli %scan3A_25, %mul3A_51 : i32
      %add3A_53 = arith.constant 48 : i32
      %add3A_54 = arith.addi %mul3A_52, %add3A_53 : i32
      %get3A_55 = arith.index_cast %add3A_54 : i32 to index
      %get3A_56 = tpu.vector_load %arg11[%get3A_55] {strides = array<i32>} : memref<10240xf32, #tpu.memory_space<vmem>>, vector<16xf32>,
      %swap3A_57 = arith.index_cast %scan3A_25 : i32 to index
      %swap3A_58 = arith.constant 48 : index
      %swap3A_59 = tpu.vector_load %arg12[%swap3A_57, %swap3A_58] {strides = array<i32>} : memref<80x128xf32, #tpu.memory_space<vmem>>, vector<16xf32>,
      tpu.vector_store %arg12[%swap3A_57, %swap3A_58], %get3A_56 {strides = array<i32>} : memref<80x128xf32, #tpu.memory_space<vmem>>, vector<16xf32>,
      %mul3A_60 = arith.constant 128 : i32
      %mul3A_61 = arith.muli %scan3A_25, %mul3A_60 : i32
      %add3A_62 = arith.constant 64 : i32
      %add3A_63 = arith.addi %mul3A_61, %add3A_62 : i32
      %get3A_64 = arith.index_cast %add3A_63 : i32 to index
      %get3A_65 = tpu.vector_load %arg11[%get3A_64] {strides = array<i32>} : memref<10240xf32, #tpu.memory_space<vmem>>, vector<16xf32>,
      %swap3A_66 = arith.index_cast %scan3A_25 : i32 to index
      %swap3A_67 = arith.constant 64 : index
      %swap3A_68 = tpu.vector_load %arg12[%swap3A_66, %swap3A_67] {strides = array<i32>} : memref<80x128xf32, #tpu.memory_space<vmem>>, vector<16xf32>,
      tpu.vector_store %arg12[%swap3A_66, %swap3A_67], %get3A_65 {strides = array<i32>} : memref<80x128xf32, #tpu.memory_space<vmem>>, vector<16xf32>,
      %mul3A_69 = arith.constant 128 : i32
      %mul3A_70 = arith.muli %scan3A_25, %mul3A_69 : i32
      %add3A_71 = arith.constant 80 : i32
      %add3A_72 = arith.addi %mul3A_70, %add3A_71 : i32
      %get3A_73 = arith.index_cast %add3A_72 : i32 to index
      %get3A_74 = tpu.vector_load %arg11[%get3A_73] {strides = array<i32>} : memref<10240xf32, #tpu.memory_space<vmem>>, vector<16xf32>,
      %swap3A_75 = arith.index_cast %scan3A_25 : i32 to index
      %swap3A_76 = arith.constant 80 : index
      %swap3A_77 = tpu.vector_load %arg12[%swap3A_75, %swap3A_76] {strides = array<i32>} : memref<80x128xf32, #tpu.memory_space<vmem>>, vector<16xf32>,
      tpu.vector_store %arg12[%swap3A_75, %swap3A_76], %get3A_74 {strides = array<i32>} : memref<80x128xf32, #tpu.memory_space<vmem>>, vector<16xf32>,
      %mul3A_78 = arith.constant 128 : i32
      %mul3A_79 = arith.muli %scan3A_25, %mul3A_78 : i32
      %add3A_80 = arith.constant 96 : i32
      %add3A_81 = arith.addi %mul3A_79, %add3A_80 : i32
      %get3A_82 = arith.index_cast %add3A_81 : i32 to index
      %get3A_83 = tpu.vector_load %arg11[%get3A_82] {strides = array<i32>} : memref<10240xf32, #tpu.memory_space<vmem>>, vector<16xf32>,
      %swap3A_84 = arith.index_cast %scan3A_25 : i32 to index
      %swap3A_85 = arith.constant 96 : index
      %swap3A_86 = tpu.vector_load %arg12[%swap3A_84, %swap3A_85] {strides = array<i32>} : memref<80x128xf32, #tpu.memory_space<vmem>>, vector<16xf32>,
      tpu.vector_store %arg12[%swap3A_84, %swap3A_85], %get3A_83 {strides = array<i32>} : memref<80x128xf32, #tpu.memory_space<vmem>>, vector<16xf32>,
      %mul3A_87 = arith.constant 128 : i32
      %mul3A_88 = arith.muli %scan3A_25, %mul3A_87 : i32
      %add3A_89 = arith.constant 112 : i32
      %add3A_90 = arith.addi %mul3A_88, %add3A_89 : i32
      %get3A_91 = arith.index_cast %add3A_90 : i32 to index
      %get3A_92 = tpu.vector_load %arg11[%get3A_91] {strides = array<i32>} : memref<10240xf32, #tpu.memory_space<vmem>>, vector<16xf32>,
      %swap3A_93 = arith.index_cast %scan3A_25 : i32 to index
      %swap3A_94 = arith.constant 112 : index
      %swap3A_95 = tpu.vector_load %arg12[%swap3A_93, %swap3A_94] {strides = array<i32>} : memref<80x128xf32, #tpu.memory_space<vmem>>, vector<16xf32>,
      tpu.vector_store %arg12[%swap3A_93, %swap3A_94], %get3A_92 {strides = array<i32>} : memref<80x128xf32, #tpu.memory_space<vmem>>, vector<16xf32>,
    }
    %scan3A_24 = arith.constant 80 : i32
    "tpu.region"() ({
      %run_scoped3A = tpu.sem_alloc : memref<!tpu.dma_semaphore, #tpu.memory_space<semaphore_mem>>
      %dma_start3A = arith.constant 0 : i32
      %dma_start3A_25 = arith.constant 0 : i32
      %dma_start3A_26 = tpu.memref_slice %arg6[%add3A, %dma_start3A, %dma_start3A_25] : memref<32x80x128xf32, #tpu.memory_space<hbm>> -> memref<1x80x128xf32, #tpu.memory_space<hbm>>
      %dma_start3A_27 = tpu.memref_squeeze %dma_start3A_26 : memref<1x80x128xf32, #tpu.memory_space<hbm>> -> memref<80x128xf32, #tpu.memory_space<hbm>>
      %dma_start3A_28 = arith.constant 0 : i32
      %dma_start3A_29 = arith.constant 0 : i32
      %dma_start3A_30 = tpu.memref_slice %arg6[%add3A, %dma_start3A_28, %dma_start3A_29] : memref<32x80x128xf32, #tpu.memory_space<hbm>> -> memref<1x80x128xf32, #tpu.memory_space<hbm>>
      %dma_start3A_31 = tpu.memref_squeeze %dma_start3A_30 : memref<1x80x128xf32, #tpu.memory_space<hbm>> -> memref<80x128xf32, #tpu.memory_space<hbm>>
      tpu.enqueue_dma source(%arg12 : memref<80x128xf32, #tpu.memory_space<vmem>>) target(%dma_start3A_31 : memref<80x128xf32, #tpu.memory_space<hbm>>) target_semaphore(%run_scoped3A : memref<!tpu.dma_semaphore, #tpu.memory_space<semaphore_mem>>)
      %dma_wait3A = arith.constant 0 : i32
      %dma_wait3A_32 = arith.constant 0 : i32
      %dma_wait3A_33 = tpu.memref_slice %arg6[%add3A, %dma_wait3A, %dma_wait3A_32] : memref<32x80x128xf32, #tpu.memory_space<hbm>> -> memref<1x80x128xf32, #tpu.memory_space<hbm>>
      %dma_wait3A_34 = tpu.memref_squeeze %dma_wait3A_33 : memref<1x80x128xf32, #tpu.memory_space<hbm>> -> memref<80x128xf32, #tpu.memory_space<hbm>>
      %dma_wait3A_35 = arith.constant 0 : i32
      %dma_wait3A_36 = arith.constant 0 : i32
      %dma_wait3A_37 = tpu.memref_slice %arg6[%add3A, %dma_wait3A_35, %dma_wait3A_36] : memref<32x80x128xf32, #tpu.memory_space<hbm>> -> memref<1x80x128xf32, #tpu.memory_space<hbm>>
      %dma_wait3A_38 = tpu.memref_squeeze %dma_wait3A_37 : memref<1x80x128xf32, #tpu.memory_space<hbm>> -> memref<80x128xf32, #tpu.memory_space<hbm>>
      tpu.wait_dma2 semaphore(%run_scoped3A : memref<!tpu.dma_semaphore, #tpu.memory_space<semaphore_mem>>) src(%arg12 : memref<80x128xf32, #tpu.memory_space<vmem>>) dst(%dma_wait3A_38 : memref<80x128xf32, #tpu.memory_space<hbm>>)
      tpu.yield
    }) : () -> ()
    return
  }
}

#map = affine_map<(d0, d1) -> (0, 0)>
#map1 = affine_map<(d0, d1) -> (0, 0, 0, 0)>
#map2 = affine_map<(d0, d1) -> (0, 0, 0)>
module attributes {stable_mosaic.version = 14 : i64} {
  func.func @_agg_body(%arg0: i32, %arg1: i32, %arg2: memref<10000x128xf32, #tpu.memory_space<hbm>>, %arg3: memref<32x125x1x80xi32, #tpu.memory_space<hbm>>, %arg4: memref<32x125x80xi32, #tpu.memory_space<hbm>>, %arg5: memref<1000x128xf32, #tpu.memory_space<hbm>>, %arg6: memref<2x10000x128xf32, #tpu.memory_space<hbm>>, %arg7: memref<125x80xi32, #tpu.memory_space<vmem>>, %arg8: memref<80x128xf32, #tpu.memory_space<vmem>>, %arg9: memref<80x128xf32, #tpu.memory_space<vmem>>, %arg10: memref<80x128xf32, #tpu.memory_space<vmem>>, %arg11: memref<!tpu.dma_semaphore, #tpu.memory_space<semaphore_mem>>, %arg12: memref<!tpu.dma_semaphore, #tpu.memory_space<semaphore_mem>>, %arg13: memref<!tpu.dma_semaphore, #tpu.memory_space<semaphore_mem>>, %arg14: memref<!tpu.dma_semaphore, #tpu.memory_space<semaphore_mem>>, %arg15: memref<!tpu.dma_semaphore, #tpu.memory_space<semaphore_mem>>, %arg16: memref<!tpu.dma_semaphore, #tpu.memory_space<semaphore_mem>>, %arg17: memref<1x80xi32, #tpu.memory_space<vmem>>, %arg18: memref<1x80xi32, #tpu.memory_space<vmem>>, %arg19: memref<1x80xi32, #tpu.memory_space<vmem>>, %arg20: memref<!tpu.dma_semaphore, #tpu.memory_space<semaphore_mem>>, %arg21: memref<!tpu.dma_semaphore, #tpu.memory_space<semaphore_mem>>, %arg22: memref<!tpu.dma_semaphore, #tpu.memory_space<semaphore_mem>>, %arg23: memref<10000x128xf32, #tpu.memory_space<vmem_shared>>) attributes {dimension_semantics = [#tpu.dimension_semantics<core_parallel>, #tpu.dimension_semantics<subcore_parallel>], iteration_bounds = array<i64: 2, 16>, scalar_prefetch = 0 : i64, scratch_operands = 17 : i64, tpu.core_type = #tpu.core_type<sc_vector_subcore>, window_params = [{transform_indices = #map}, {transform_indices = #map1}, {transform_indices = #map2}, {transform_indices = #map}, {transform_indices = #map2}]} {
    %mul3A = arith.constant 16 : i32
    %mul3A_0 = arith.muli %arg0, %mul3A : i32
    %add3A = arith.addi %mul3A_0, %arg1 : i32
    "tpu.region"() ({
      %run_scoped3A_215 = tpu.sem_alloc : memref<!tpu.dma_semaphore, #tpu.memory_space<semaphore_mem>>
      %dma_start3A_216 = arith.constant 0 : i32
      %dma_start3A_217 = arith.constant 0 : i32
      %dma_start3A_218 = tpu.memref_slice %arg4[%add3A, %dma_start3A_216, %dma_start3A_217] : memref<32x125x80xi32, #tpu.memory_space<hbm>> -> memref<1x125x80xi32, #tpu.memory_space<hbm>>
      %dma_start3A_219 = tpu.memref_squeeze %dma_start3A_218 : memref<1x125x80xi32, #tpu.memory_space<hbm>> -> memref<125x80xi32, #tpu.memory_space<hbm>>
      %dma_start3A_220 = arith.constant 0 : i32
      %dma_start3A_221 = arith.constant 0 : i32
      %dma_start3A_222 = tpu.memref_slice %arg4[%add3A, %dma_start3A_220, %dma_start3A_221] : memref<32x125x80xi32, #tpu.memory_space<hbm>> -> memref<1x125x80xi32, #tpu.memory_space<hbm>>
      %dma_start3A_223 = tpu.memref_squeeze %dma_start3A_222 : memref<1x125x80xi32, #tpu.memory_space<hbm>> -> memref<125x80xi32, #tpu.memory_space<hbm>>
      tpu.enqueue_dma source(%dma_start3A_223 : memref<125x80xi32, #tpu.memory_space<hbm>>) target(%arg7 : memref<125x80xi32, #tpu.memory_space<vmem>>) target_semaphore(%run_scoped3A_215 : memref<!tpu.dma_semaphore, #tpu.memory_space<semaphore_mem>>)
      %dma_wait3A_224 = arith.constant 0 : i32
      %dma_wait3A_225 = arith.constant 0 : i32
      %dma_wait3A_226 = tpu.memref_slice %arg4[%add3A, %dma_wait3A_224, %dma_wait3A_225] : memref<32x125x80xi32, #tpu.memory_space<hbm>> -> memref<1x125x80xi32, #tpu.memory_space<hbm>>
      %dma_wait3A_227 = tpu.memref_squeeze %dma_wait3A_226 : memref<1x125x80xi32, #tpu.memory_space<hbm>> -> memref<125x80xi32, #tpu.memory_space<hbm>>
      %dma_wait3A_228 = arith.constant 0 : i32
      %dma_wait3A_229 = arith.constant 0 : i32
      %dma_wait3A_230 = tpu.memref_slice %arg4[%add3A, %dma_wait3A_228, %dma_wait3A_229] : memref<32x125x80xi32, #tpu.memory_space<hbm>> -> memref<1x125x80xi32, #tpu.memory_space<hbm>>
      %dma_wait3A_231 = tpu.memref_squeeze %dma_wait3A_230 : memref<1x125x80xi32, #tpu.memory_space<hbm>> -> memref<125x80xi32, #tpu.memory_space<hbm>>
      tpu.wait_dma2 semaphore(%run_scoped3A_215 : memref<!tpu.dma_semaphore, #tpu.memory_space<semaphore_mem>>) src(%dma_wait3A_231 : memref<125x80xi32, #tpu.memory_space<hbm>>) dst(%arg7 : memref<125x80xi32, #tpu.memory_space<vmem>>)
      tpu.yield
    }) : () -> ()
    %lt3A = arith.constant 10 : i32
    %lt3A_1 = arith.cmpi slt, %arg1, %lt3A : i32
    %convert_element_type3A = arith.extui %lt3A_1 : i1 to i32
    %cond3A = arith.constant 0 : i32
    %cond3A_2 = arith.cmpi ne, %convert_element_type3A, %cond3A : i32
    scf.if %cond3A_2 {
      %mul3A_215 = arith.constant 1000 : i32
      %mul3A_216 = arith.muli %arg1, %mul3A_215 : i32
      "tpu.region"() ({
        %run_scoped3A_217 = tpu.sem_alloc : memref<!tpu.dma_semaphore, #tpu.memory_space<semaphore_mem>>
        %dma_start3A_218 = arith.constant 0 : i32
        %dma_start3A_219 = tpu.memref_slice %arg23[%mul3A_216, %dma_start3A_218] : memref<10000x128xf32, #tpu.memory_space<vmem_shared>> -> memref<1000x128xf32, #tpu.memory_space<vmem_shared>>
        tpu.enqueue_dma source(%arg5 : memref<1000x128xf32, #tpu.memory_space<hbm>>) target(%dma_start3A_219 : memref<1000x128xf32, #tpu.memory_space<vmem_shared>>) target_semaphore(%run_scoped3A_217 : memref<!tpu.dma_semaphore, #tpu.memory_space<semaphore_mem>>)
        %dma_wait3A_220 = arith.constant 0 : i32
        %dma_wait3A_221 = tpu.memref_slice %arg23[%mul3A_216, %dma_wait3A_220] : memref<10000x128xf32, #tpu.memory_space<vmem_shared>> -> memref<1000x128xf32, #tpu.memory_space<vmem_shared>>
        tpu.wait_dma2 semaphore(%run_scoped3A_217 : memref<!tpu.dma_semaphore, #tpu.memory_space<semaphore_mem>>) src(%arg5 : memref<1000x128xf32, #tpu.memory_space<hbm>>) dst(%dma_wait3A_221 : memref<1000x128xf32, #tpu.memory_space<vmem_shared>>)
        tpu.yield
      }) : () -> ()
    } else {
    }
    %barrier3A = arith.constant 0 : index
    tpu.barrier barrier_id(%barrier3A)
    %dma_start3A = arith.constant 0 : i32
    %dma_start3A_3 = arith.constant 0 : i32
    %dma_start3A_4 = arith.constant 0 : i32
    %dma_start3A_5 = tpu.memref_slice %arg3[%add3A, %dma_start3A, %dma_start3A_3, %dma_start3A_4] : memref<32x125x1x80xi32, #tpu.memory_space<hbm>> -> memref<1x1x1x80xi32, #tpu.memory_space<hbm>>
    %dma_start3A_6 = tpu.memref_squeeze %dma_start3A_5 : memref<1x1x1x80xi32, #tpu.memory_space<hbm>> -> memref<1x80xi32, #tpu.memory_space<hbm>>
    %dma_start3A_7 = arith.constant 0 : i32
    %dma_start3A_8 = arith.constant 0 : i32
    %dma_start3A_9 = tpu.memref_slice %arg3[%add3A, %dma_start3A, %dma_start3A_7, %dma_start3A_8] : memref<32x125x1x80xi32, #tpu.memory_space<hbm>> -> memref<1x1x1x80xi32, #tpu.memory_space<hbm>>
    %dma_start3A_10 = tpu.memref_squeeze %dma_start3A_9 : memref<1x1x1x80xi32, #tpu.memory_space<hbm>> -> memref<1x80xi32, #tpu.memory_space<hbm>>
    tpu.enqueue_dma source(%dma_start3A_10 : memref<1x80xi32, #tpu.memory_space<hbm>>) target(%arg17 : memref<1x80xi32, #tpu.memory_space<vmem>>) target_semaphore(%arg20 : memref<!tpu.dma_semaphore, #tpu.memory_space<semaphore_mem>>)
    %dma_wait3A = arith.constant 0 : i32
    %dma_wait3A_11 = arith.constant 0 : i32
    %dma_wait3A_12 = arith.constant 0 : i32
    %dma_wait3A_13 = tpu.memref_slice %arg3[%add3A, %dma_wait3A, %dma_wait3A_11, %dma_wait3A_12] : memref<32x125x1x80xi32, #tpu.memory_space<hbm>> -> memref<1x1x1x80xi32, #tpu.memory_space<hbm>>
    %dma_wait3A_14 = tpu.memref_squeeze %dma_wait3A_13 : memref<1x1x1x80xi32, #tpu.memory_space<hbm>> -> memref<1x80xi32, #tpu.memory_space<hbm>>
    %dma_wait3A_15 = arith.constant 0 : i32
    %dma_wait3A_16 = arith.constant 0 : i32
    %dma_wait3A_17 = tpu.memref_slice %arg3[%add3A, %dma_wait3A, %dma_wait3A_15, %dma_wait3A_16] : memref<32x125x1x80xi32, #tpu.memory_space<hbm>> -> memref<1x1x1x80xi32, #tpu.memory_space<hbm>>
    %dma_wait3A_18 = tpu.memref_squeeze %dma_wait3A_17 : memref<1x1x1x80xi32, #tpu.memory_space<hbm>> -> memref<1x80xi32, #tpu.memory_space<hbm>>
    tpu.wait_dma2 semaphore(%arg20 : memref<!tpu.dma_semaphore, #tpu.memory_space<semaphore_mem>>) src(%dma_wait3A_18 : memref<1x80xi32, #tpu.memory_space<hbm>>) dst(%arg17 : memref<1x80xi32, #tpu.memory_space<vmem>>)
    %dma_start3A_19 = arith.constant 0 : i32
    %dma_start3A_20 = arith.constant 0 : i32
    %dma_start3A_21 = tpu.memref_slice %arg17[%dma_start3A_19, %dma_start3A_20] : memref<1x80xi32, #tpu.memory_space<vmem>> -> memref<1x80xi32, #tpu.memory_space<vmem>>
    %dma_start3A_22 = tpu.memref_squeeze %dma_start3A_21 : memref<1x80xi32, #tpu.memory_space<vmem>> -> memref<80xi32, #tpu.memory_space<vmem>>
    %dma_start3A_23 = arith.constant 0 : i32
    %dma_start3A_24 = arith.constant 0 : i32
    %dma_start3A_25 = tpu.memref_slice %arg2[%dma_start3A_23, %dma_start3A_24] : memref<10000x128xf32, #tpu.memory_space<hbm>> -> memref<10000x128xf32, #tpu.memory_space<hbm>>
    tpu.enqueue_indirect_dma source(%dma_start3A_25 : memref<10000x128xf32, #tpu.memory_space<hbm>>) target(%arg8 : memref<80x128xf32, #tpu.memory_space<vmem>>) offsets(%dma_start3A_22 : memref<80xi32, #tpu.memory_space<vmem>>) semaphore(%arg11 : memref<!tpu.dma_semaphore, #tpu.memory_space<semaphore_mem>>)
    %dma_start3A_26 = arith.constant 1 : i32
    %dma_start3A_27 = arith.constant 0 : i32
    %dma_start3A_28 = arith.constant 0 : i32
    %dma_start3A_29 = tpu.memref_slice %arg3[%add3A, %dma_start3A_26, %dma_start3A_27, %dma_start3A_28] : memref<32x125x1x80xi32, #tpu.memory_space<hbm>> -> memref<1x1x1x80xi32, #tpu.memory_space<hbm>>
    %dma_start3A_30 = tpu.memref_squeeze %dma_start3A_29 : memref<1x1x1x80xi32, #tpu.memory_space<hbm>> -> memref<1x80xi32, #tpu.memory_space<hbm>>
    %dma_start3A_31 = arith.constant 0 : i32
    %dma_start3A_32 = arith.constant 0 : i32
    %dma_start3A_33 = tpu.memref_slice %arg3[%add3A, %dma_start3A_26, %dma_start3A_31, %dma_start3A_32] : memref<32x125x1x80xi32, #tpu.memory_space<hbm>> -> memref<1x1x1x80xi32, #tpu.memory_space<hbm>>
    %dma_start3A_34 = tpu.memref_squeeze %dma_start3A_33 : memref<1x1x1x80xi32, #tpu.memory_space<hbm>> -> memref<1x80xi32, #tpu.memory_space<hbm>>
    tpu.enqueue_dma source(%dma_start3A_34 : memref<1x80xi32, #tpu.memory_space<hbm>>) target(%arg18 : memref<1x80xi32, #tpu.memory_space<vmem>>) target_semaphore(%arg21 : memref<!tpu.dma_semaphore, #tpu.memory_space<semaphore_mem>>)
    %dma_wait3A_35 = arith.constant 1 : i32
    %dma_wait3A_36 = arith.constant 0 : i32
    %dma_wait3A_37 = arith.constant 0 : i32
    %dma_wait3A_38 = tpu.memref_slice %arg3[%add3A, %dma_wait3A_35, %dma_wait3A_36, %dma_wait3A_37] : memref<32x125x1x80xi32, #tpu.memory_space<hbm>> -> memref<1x1x1x80xi32, #tpu.memory_space<hbm>>
    %dma_wait3A_39 = tpu.memref_squeeze %dma_wait3A_38 : memref<1x1x1x80xi32, #tpu.memory_space<hbm>> -> memref<1x80xi32, #tpu.memory_space<hbm>>
    %dma_wait3A_40 = arith.constant 0 : i32
    %dma_wait3A_41 = arith.constant 0 : i32
    %dma_wait3A_42 = tpu.memref_slice %arg3[%add3A, %dma_wait3A_35, %dma_wait3A_40, %dma_wait3A_41] : memref<32x125x1x80xi32, #tpu.memory_space<hbm>> -> memref<1x1x1x80xi32, #tpu.memory_space<hbm>>
    %dma_wait3A_43 = tpu.memref_squeeze %dma_wait3A_42 : memref<1x1x1x80xi32, #tpu.memory_space<hbm>> -> memref<1x80xi32, #tpu.memory_space<hbm>>
    tpu.wait_dma2 semaphore(%arg21 : memref<!tpu.dma_semaphore, #tpu.memory_space<semaphore_mem>>) src(%dma_wait3A_43 : memref<1x80xi32, #tpu.memory_space<hbm>>) dst(%arg18 : memref<1x80xi32, #tpu.memory_space<vmem>>)
    %dma_start3A_44 = arith.constant 0 : i32
    %dma_start3A_45 = arith.constant 0 : i32
    %dma_start3A_46 = tpu.memref_slice %arg18[%dma_start3A_44, %dma_start3A_45] : memref<1x80xi32, #tpu.memory_space<vmem>> -> memref<1x80xi32, #tpu.memory_space<vmem>>
    %dma_start3A_47 = tpu.memref_squeeze %dma_start3A_46 : memref<1x80xi32, #tpu.memory_space<vmem>> -> memref<80xi32, #tpu.memory_space<vmem>>
    %dma_start3A_48 = arith.constant 0 : i32
    %dma_start3A_49 = arith.constant 0 : i32
    %dma_start3A_50 = tpu.memref_slice %arg2[%dma_start3A_48, %dma_start3A_49] : memref<10000x128xf32, #tpu.memory_space<hbm>> -> memref<10000x128xf32, #tpu.memory_space<hbm>>
    tpu.enqueue_indirect_dma source(%dma_start3A_50 : memref<10000x128xf32, #tpu.memory_space<hbm>>) target(%arg9 : memref<80x128xf32, #tpu.memory_space<vmem>>) offsets(%dma_start3A_47 : memref<80xi32, #tpu.memory_space<vmem>>) semaphore(%arg12 : memref<!tpu.dma_semaphore, #tpu.memory_space<semaphore_mem>>)
    %dma_start3A_51 = arith.constant 2 : i32
    %dma_start3A_52 = arith.constant 0 : i32
    %dma_start3A_53 = arith.constant 0 : i32
    %dma_start3A_54 = tpu.memref_slice %arg3[%add3A, %dma_start3A_51, %dma_start3A_52, %dma_start3A_53] : memref<32x125x1x80xi32, #tpu.memory_space<hbm>> -> memref<1x1x1x80xi32, #tpu.memory_space<hbm>>
    %dma_start3A_55 = tpu.memref_squeeze %dma_start3A_54 : memref<1x1x1x80xi32, #tpu.memory_space<hbm>> -> memref<1x80xi32, #tpu.memory_space<hbm>>
    %dma_start3A_56 = arith.constant 0 : i32
    %dma_start3A_57 = arith.constant 0 : i32
    %dma_start3A_58 = tpu.memref_slice %arg3[%add3A, %dma_start3A_51, %dma_start3A_56, %dma_start3A_57] : memref<32x125x1x80xi32, #tpu.memory_space<hbm>> -> memref<1x1x1x80xi32, #tpu.memory_space<hbm>>
    %dma_start3A_59 = tpu.memref_squeeze %dma_start3A_58 : memref<1x1x1x80xi32, #tpu.memory_space<hbm>> -> memref<1x80xi32, #tpu.memory_space<hbm>>
    tpu.enqueue_dma source(%dma_start3A_59 : memref<1x80xi32, #tpu.memory_space<hbm>>) target(%arg19 : memref<1x80xi32, #tpu.memory_space<vmem>>) target_semaphore(%arg22 : memref<!tpu.dma_semaphore, #tpu.memory_space<semaphore_mem>>)
    %dma_wait3A_60 = arith.constant 2 : i32
    %dma_wait3A_61 = arith.constant 0 : i32
    %dma_wait3A_62 = arith.constant 0 : i32
    %dma_wait3A_63 = tpu.memref_slice %arg3[%add3A, %dma_wait3A_60, %dma_wait3A_61, %dma_wait3A_62] : memref<32x125x1x80xi32, #tpu.memory_space<hbm>> -> memref<1x1x1x80xi32, #tpu.memory_space<hbm>>
    %dma_wait3A_64 = tpu.memref_squeeze %dma_wait3A_63 : memref<1x1x1x80xi32, #tpu.memory_space<hbm>> -> memref<1x80xi32, #tpu.memory_space<hbm>>
    %dma_wait3A_65 = arith.constant 0 : i32
    %dma_wait3A_66 = arith.constant 0 : i32
    %dma_wait3A_67 = tpu.memref_slice %arg3[%add3A, %dma_wait3A_60, %dma_wait3A_65, %dma_wait3A_66] : memref<32x125x1x80xi32, #tpu.memory_space<hbm>> -> memref<1x1x1x80xi32, #tpu.memory_space<hbm>>
    %dma_wait3A_68 = tpu.memref_squeeze %dma_wait3A_67 : memref<1x1x1x80xi32, #tpu.memory_space<hbm>> -> memref<1x80xi32, #tpu.memory_space<hbm>>
    tpu.wait_dma2 semaphore(%arg22 : memref<!tpu.dma_semaphore, #tpu.memory_space<semaphore_mem>>) src(%dma_wait3A_68 : memref<1x80xi32, #tpu.memory_space<hbm>>) dst(%arg19 : memref<1x80xi32, #tpu.memory_space<vmem>>)
    %dma_start3A_69 = arith.constant 0 : i32
    %dma_start3A_70 = arith.constant 0 : i32
    %dma_start3A_71 = tpu.memref_slice %arg19[%dma_start3A_69, %dma_start3A_70] : memref<1x80xi32, #tpu.memory_space<vmem>> -> memref<1x80xi32, #tpu.memory_space<vmem>>
    %dma_start3A_72 = tpu.memref_squeeze %dma_start3A_71 : memref<1x80xi32, #tpu.memory_space<vmem>> -> memref<80xi32, #tpu.memory_space<vmem>>
    %dma_start3A_73 = arith.constant 0 : i32
    %dma_start3A_74 = arith.constant 0 : i32
    %dma_start3A_75 = tpu.memref_slice %arg2[%dma_start3A_73, %dma_start3A_74] : memref<10000x128xf32, #tpu.memory_space<hbm>> -> memref<10000x128xf32, #tpu.memory_space<hbm>>
    tpu.enqueue_indirect_dma source(%dma_start3A_75 : memref<10000x128xf32, #tpu.memory_space<hbm>>) target(%arg10 : memref<80x128xf32, #tpu.memory_space<vmem>>) offsets(%dma_start3A_72 : memref<80xi32, #tpu.memory_space<vmem>>) semaphore(%arg13 : memref<!tpu.dma_semaphore, #tpu.memory_space<semaphore_mem>>)
    %scan3A = arith.constant 0 : i32
    %scan3A_76 = arith.constant 0 : i32
    %scan3A_77 = arith.constant 40 : i32
    %scan3A_78 = arith.addi %scan3A_76, %scan3A_77 : i32
    %scan3A_79 = arith.constant 1 : i32
    scf.for %scan3A_215 = %scan3A_76 to %scan3A_78 step %scan3A_79  : i32 {
      %mul3A_216 = arith.constant 3 : i32
      %mul3A_217 = arith.muli %mul3A_216, %scan3A_215 : i32
      %dma_wait3A_218 = arith.constant 0 : i32
      %dma_wait3A_219 = arith.constant 0 : i32
      %dma_wait3A_220 = tpu.memref_slice %arg17[%dma_wait3A_218, %dma_wait3A_219] : memref<1x80xi32, #tpu.memory_space<vmem>> -> memref<1x80xi32, #tpu.memory_space<vmem>>
      %dma_wait3A_221 = tpu.memref_squeeze %dma_wait3A_220 : memref<1x80xi32, #tpu.memory_space<vmem>> -> memref<80xi32, #tpu.memory_space<vmem>>
      %dma_wait3A_222 = arith.constant 0 : i32
      %dma_wait3A_223 = arith.constant 0 : i32
      %dma_wait3A_224 = tpu.memref_slice %arg2[%dma_wait3A_222, %dma_wait3A_223] : memref<10000x128xf32, #tpu.memory_space<hbm>> -> memref<10000x128xf32, #tpu.memory_space<hbm>>
      tpu.wait_indirect_dma semaphore(%arg11 : memref<!tpu.dma_semaphore, #tpu.memory_space<semaphore_mem>>) src(%dma_wait3A_224 : memref<10000x128xf32, #tpu.memory_space<hbm>>) dst(%arg8 : memref<80x128xf32, #tpu.memory_space<vmem>>)
      %add3A_225 = arith.constant 0 : i32
      %add3A_226 = arith.addi %mul3A_217, %add3A_225 : i32
      %dma_start3A_227 = arith.constant 0 : i32
      %dma_start3A_228 = tpu.memref_slice %arg7[%add3A_226, %dma_start3A_227] : memref<125x80xi32, #tpu.memory_space<vmem>> -> memref<1x80xi32, #tpu.memory_space<vmem>>
      %dma_start3A_229 = tpu.memref_squeeze %dma_start3A_228 : memref<1x80xi32, #tpu.memory_space<vmem>> -> memref<80xi32, #tpu.memory_space<vmem>>
      %dma_start3A_230 = arith.constant 0 : i32
      %dma_start3A_231 = arith.constant 0 : i32
      %dma_start3A_232 = tpu.memref_slice %arg23[%dma_start3A_230, %dma_start3A_231] : memref<10000x128xf32, #tpu.memory_space<vmem_shared>> -> memref<10000x128xf32, #tpu.memory_space<vmem_shared>>
      tpu.enqueue_indirect_dma source(%arg8 : memref<80x128xf32, #tpu.memory_space<vmem>>) target(%dma_start3A_232 : memref<10000x128xf32, #tpu.memory_space<vmem_shared>>) offsets(%dma_start3A_229 : memref<80xi32, #tpu.memory_space<vmem>>) semaphore(%arg14 : memref<!tpu.dma_semaphore, #tpu.memory_space<semaphore_mem>>) {add = true}
      %add3A_233 = arith.constant 0 : i32
      %add3A_234 = arith.addi %mul3A_217, %add3A_233 : i32
      %add3A_235 = arith.constant 3 : i32
      %add3A_236 = arith.addi %add3A_234, %add3A_235 : i32
      %dma_start3A_237 = arith.constant 0 : i32
      %dma_start3A_238 = arith.constant 0 : i32
      %dma_start3A_239 = tpu.memref_slice %arg3[%add3A, %add3A_236, %dma_start3A_237, %dma_start3A_238] : memref<32x125x1x80xi32, #tpu.memory_space<hbm>> -> memref<1x1x1x80xi32, #tpu.memory_space<hbm>>
      %dma_start3A_240 = tpu.memref_squeeze %dma_start3A_239 : memref<1x1x1x80xi32, #tpu.memory_space<hbm>> -> memref<1x80xi32, #tpu.memory_space<hbm>>
      %dma_start3A_241 = arith.constant 0 : i32
      %dma_start3A_242 = arith.constant 0 : i32
      %dma_start3A_243 = tpu.memref_slice %arg3[%add3A, %add3A_236, %dma_start3A_241, %dma_start3A_242] : memref<32x125x1x80xi32, #tpu.memory_space<hbm>> -> memref<1x1x1x80xi32, #tpu.memory_space<hbm>>
      %dma_start3A_244 = tpu.memref_squeeze %dma_start3A_243 : memref<1x1x1x80xi32, #tpu.memory_space<hbm>> -> memref<1x80xi32, #tpu.memory_space<hbm>>
      tpu.enqueue_dma source(%dma_start3A_244 : memref<1x80xi32, #tpu.memory_space<hbm>>) target(%arg17 : memref<1x80xi32, #tpu.memory_space<vmem>>) target_semaphore(%arg20 : memref<!tpu.dma_semaphore, #tpu.memory_space<semaphore_mem>>)
      %dma_wait3A_245 = arith.constant 0 : i32
      %dma_wait3A_246 = arith.constant 0 : i32
      %dma_wait3A_247 = tpu.memref_slice %arg18[%dma_wait3A_245, %dma_wait3A_246] : memref<1x80xi32, #tpu.memory_space<vmem>> -> memref<1x80xi32, #tpu.memory_space<vmem>>
      %dma_wait3A_248 = tpu.memref_squeeze %dma_wait3A_247 : memref<1x80xi32, #tpu.memory_space<vmem>> -> memref<80xi32, #tpu.memory_space<vmem>>
      %dma_wait3A_249 = arith.constant 0 : i32
      %dma_wait3A_250 = arith.constant 0 : i32
      %dma_wait3A_251 = tpu.memref_slice %arg2[%dma_wait3A_249, %dma_wait3A_250] : memref<10000x128xf32, #tpu.memory_space<hbm>> -> memref<10000x128xf32, #tpu.memory_space<hbm>>
      tpu.wait_indirect_dma semaphore(%arg12 : memref<!tpu.dma_semaphore, #tpu.memory_space<semaphore_mem>>) src(%dma_wait3A_251 : memref<10000x128xf32, #tpu.memory_space<hbm>>) dst(%arg9 : memref<80x128xf32, #tpu.memory_space<vmem>>)
      %add3A_252 = arith.constant 1 : i32
      %add3A_253 = arith.addi %mul3A_217, %add3A_252 : i32
      %dma_start3A_254 = arith.constant 0 : i32
      %dma_start3A_255 = tpu.memref_slice %arg7[%add3A_253, %dma_start3A_254] : memref<125x80xi32, #tpu.memory_space<vmem>> -> memref<1x80xi32, #tpu.memory_space<vmem>>
      %dma_start3A_256 = tpu.memref_squeeze %dma_start3A_255 : memref<1x80xi32, #tpu.memory_space<vmem>> -> memref<80xi32, #tpu.memory_space<vmem>>
      %dma_start3A_257 = arith.constant 0 : i32
      %dma_start3A_258 = arith.constant 0 : i32
      %dma_start3A_259 = tpu.memref_slice %arg23[%dma_start3A_257, %dma_start3A_258] : memref<10000x128xf32, #tpu.memory_space<vmem_shared>> -> memref<10000x128xf32, #tpu.memory_space<vmem_shared>>
      tpu.enqueue_indirect_dma source(%arg9 : memref<80x128xf32, #tpu.memory_space<vmem>>) target(%dma_start3A_259 : memref<10000x128xf32, #tpu.memory_space<vmem_shared>>) offsets(%dma_start3A_256 : memref<80xi32, #tpu.memory_space<vmem>>) semaphore(%arg15 : memref<!tpu.dma_semaphore, #tpu.memory_space<semaphore_mem>>) {add = true}
      %add3A_260 = arith.constant 1 : i32
      %add3A_261 = arith.addi %mul3A_217, %add3A_260 : i32
      %add3A_262 = arith.constant 3 : i32
      %add3A_263 = arith.addi %add3A_261, %add3A_262 : i32
      %dma_start3A_264 = arith.constant 0 : i32
      %dma_start3A_265 = arith.constant 0 : i32
      %dma_start3A_266 = tpu.memref_slice %arg3[%add3A, %add3A_263, %dma_start3A_264, %dma_start3A_265] : memref<32x125x1x80xi32, #tpu.memory_space<hbm>> -> memref<1x1x1x80xi32, #tpu.memory_space<hbm>>
      %dma_start3A_267 = tpu.memref_squeeze %dma_start3A_266 : memref<1x1x1x80xi32, #tpu.memory_space<hbm>> -> memref<1x80xi32, #tpu.memory_space<hbm>>
      %dma_start3A_268 = arith.constant 0 : i32
      %dma_start3A_269 = arith.constant 0 : i32
      %dma_start3A_270 = tpu.memref_slice %arg3[%add3A, %add3A_263, %dma_start3A_268, %dma_start3A_269] : memref<32x125x1x80xi32, #tpu.memory_space<hbm>> -> memref<1x1x1x80xi32, #tpu.memory_space<hbm>>
      %dma_start3A_271 = tpu.memref_squeeze %dma_start3A_270 : memref<1x1x1x80xi32, #tpu.memory_space<hbm>> -> memref<1x80xi32, #tpu.memory_space<hbm>>
      tpu.enqueue_dma source(%dma_start3A_271 : memref<1x80xi32, #tpu.memory_space<hbm>>) target(%arg18 : memref<1x80xi32, #tpu.memory_space<vmem>>) target_semaphore(%arg21 : memref<!tpu.dma_semaphore, #tpu.memory_space<semaphore_mem>>)
      %dma_wait3A_272 = arith.constant 0 : i32
      %dma_wait3A_273 = arith.constant 0 : i32
      %dma_wait3A_274 = tpu.memref_slice %arg19[%dma_wait3A_272, %dma_wait3A_273] : memref<1x80xi32, #tpu.memory_space<vmem>> -> memref<1x80xi32, #tpu.memory_space<vmem>>
      %dma_wait3A_275 = tpu.memref_squeeze %dma_wait3A_274 : memref<1x80xi32, #tpu.memory_space<vmem>> -> memref<80xi32, #tpu.memory_space<vmem>>
      %dma_wait3A_276 = arith.constant 0 : i32
      %dma_wait3A_277 = arith.constant 0 : i32
      %dma_wait3A_278 = tpu.memref_slice %arg2[%dma_wait3A_276, %dma_wait3A_277] : memref<10000x128xf32, #tpu.memory_space<hbm>> -> memref<10000x128xf32, #tpu.memory_space<hbm>>
      tpu.wait_indirect_dma semaphore(%arg13 : memref<!tpu.dma_semaphore, #tpu.memory_space<semaphore_mem>>) src(%dma_wait3A_278 : memref<10000x128xf32, #tpu.memory_space<hbm>>) dst(%arg10 : memref<80x128xf32, #tpu.memory_space<vmem>>)
      %add3A_279 = arith.constant 2 : i32
      %add3A_280 = arith.addi %mul3A_217, %add3A_279 : i32
      %dma_start3A_281 = arith.constant 0 : i32
      %dma_start3A_282 = tpu.memref_slice %arg7[%add3A_280, %dma_start3A_281] : memref<125x80xi32, #tpu.memory_space<vmem>> -> memref<1x80xi32, #tpu.memory_space<vmem>>
      %dma_start3A_283 = tpu.memref_squeeze %dma_start3A_282 : memref<1x80xi32, #tpu.memory_space<vmem>> -> memref<80xi32, #tpu.memory_space<vmem>>
      %dma_start3A_284 = arith.constant 0 : i32
      %dma_start3A_285 = arith.constant 0 : i32
      %dma_start3A_286 = tpu.memref_slice %arg23[%dma_start3A_284, %dma_start3A_285] : memref<10000x128xf32, #tpu.memory_space<vmem_shared>> -> memref<10000x128xf32, #tpu.memory_space<vmem_shared>>
      tpu.enqueue_indirect_dma source(%arg10 : memref<80x128xf32, #tpu.memory_space<vmem>>) target(%dma_start3A_286 : memref<10000x128xf32, #tpu.memory_space<vmem_shared>>) offsets(%dma_start3A_283 : memref<80xi32, #tpu.memory_space<vmem>>) semaphore(%arg16 : memref<!tpu.dma_semaphore, #tpu.memory_space<semaphore_mem>>) {add = true}
      %add3A_287 = arith.constant 2 : i32
      %add3A_288 = arith.addi %mul3A_217, %add3A_287 : i32
      %add3A_289 = arith.constant 3 : i32
      %add3A_290 = arith.addi %add3A_288, %add3A_289 : i32
      %dma_start3A_291 = arith.constant 0 : i32
      %dma_start3A_292 = arith.constant 0 : i32
      %dma_start3A_293 = tpu.memref_slice %arg3[%add3A, %add3A_290, %dma_start3A_291, %dma_start3A_292] : memref<32x125x1x80xi32, #tpu.memory_space<hbm>> -> memref<1x1x1x80xi32, #tpu.memory_space<hbm>>
      %dma_start3A_294 = tpu.memref_squeeze %dma_start3A_293 : memref<1x1x1x80xi32, #tpu.memory_space<hbm>> -> memref<1x80xi32, #tpu.memory_space<hbm>>
      %dma_start3A_295 = arith.constant 0 : i32
      %dma_start3A_296 = arith.constant 0 : i32
      %dma_start3A_297 = tpu.memref_slice %arg3[%add3A, %add3A_290, %dma_start3A_295, %dma_start3A_296] : memref<32x125x1x80xi32, #tpu.memory_space<hbm>> -> memref<1x1x1x80xi32, #tpu.memory_space<hbm>>
      %dma_start3A_298 = tpu.memref_squeeze %dma_start3A_297 : memref<1x1x1x80xi32, #tpu.memory_space<hbm>> -> memref<1x80xi32, #tpu.memory_space<hbm>>
      tpu.enqueue_dma source(%dma_start3A_298 : memref<1x80xi32, #tpu.memory_space<hbm>>) target(%arg19 : memref<1x80xi32, #tpu.memory_space<vmem>>) target_semaphore(%arg22 : memref<!tpu.dma_semaphore, #tpu.memory_space<semaphore_mem>>)
      %add3A_299 = arith.constant 0 : i32
      %add3A_300 = arith.addi %mul3A_217, %add3A_299 : i32
      %dma_wait3A_301 = arith.constant 0 : i32
      %dma_wait3A_302 = tpu.memref_slice %arg7[%add3A_300, %dma_wait3A_301] : memref<125x80xi32, #tpu.memory_space<vmem>> -> memref<1x80xi32, #tpu.memory_space<vmem>>
      %dma_wait3A_303 = tpu.memref_squeeze %dma_wait3A_302 : memref<1x80xi32, #tpu.memory_space<vmem>> -> memref<80xi32, #tpu.memory_space<vmem>>
      %dma_wait3A_304 = arith.constant 0 : i32
      %dma_wait3A_305 = arith.constant 0 : i32
      %dma_wait3A_306 = tpu.memref_slice %arg23[%dma_wait3A_304, %dma_wait3A_305] : memref<10000x128xf32, #tpu.memory_space<vmem_shared>> -> memref<10000x128xf32, #tpu.memory_space<vmem_shared>>
      tpu.wait_indirect_dma semaphore(%arg14 : memref<!tpu.dma_semaphore, #tpu.memory_space<semaphore_mem>>) src(%arg8 : memref<80x128xf32, #tpu.memory_space<vmem>>) dst(%dma_wait3A_306 : memref<10000x128xf32, #tpu.memory_space<vmem_shared>>)
      %add3A_307 = arith.constant 0 : i32
      %add3A_308 = arith.addi %mul3A_217, %add3A_307 : i32
      %add3A_309 = arith.constant 3 : i32
      %add3A_310 = arith.addi %add3A_308, %add3A_309 : i32
      %dma_wait3A_311 = arith.constant 0 : i32
      %dma_wait3A_312 = arith.constant 0 : i32
      %dma_wait3A_313 = tpu.memref_slice %arg3[%add3A, %add3A_310, %dma_wait3A_311, %dma_wait3A_312] : memref<32x125x1x80xi32, #tpu.memory_space<hbm>> -> memref<1x1x1x80xi32, #tpu.memory_space<hbm>>
      %dma_wait3A_314 = tpu.memref_squeeze %dma_wait3A_313 : memref<1x1x1x80xi32, #tpu.memory_space<hbm>> -> memref<1x80xi32, #tpu.memory_space<hbm>>
      %dma_wait3A_315 = arith.constant 0 : i32
      %dma_wait3A_316 = arith.constant 0 : i32
      %dma_wait3A_317 = tpu.memref_slice %arg3[%add3A, %add3A_310, %dma_wait3A_315, %dma_wait3A_316] : memref<32x125x1x80xi32, #tpu.memory_space<hbm>> -> memref<1x1x1x80xi32, #tpu.memory_space<hbm>>
      %dma_wait3A_318 = tpu.memref_squeeze %dma_wait3A_317 : memref<1x1x1x80xi32, #tpu.memory_space<hbm>> -> memref<1x80xi32, #tpu.memory_space<hbm>>
      tpu.wait_dma2 semaphore(%arg20 : memref<!tpu.dma_semaphore, #tpu.memory_space<semaphore_mem>>) src(%dma_wait3A_318 : memref<1x80xi32, #tpu.memory_space<hbm>>) dst(%arg17 : memref<1x80xi32, #tpu.memory_space<vmem>>)
      %dma_start3A_319 = arith.constant 0 : i32
      %dma_start3A_320 = arith.constant 0 : i32
      %dma_start3A_321 = tpu.memref_slice %arg17[%dma_start3A_319, %dma_start3A_320] : memref<1x80xi32, #tpu.memory_space<vmem>> -> memref<1x80xi32, #tpu.memory_space<vmem>>
      %dma_start3A_322 = tpu.memref_squeeze %dma_start3A_321 : memref<1x80xi32, #tpu.memory_space<vmem>> -> memref<80xi32, #tpu.memory_space<vmem>>
      %dma_start3A_323 = arith.constant 0 : i32
      %dma_start3A_324 = arith.constant 0 : i32
      %dma_start3A_325 = tpu.memref_slice %arg2[%dma_start3A_323, %dma_start3A_324] : memref<10000x128xf32, #tpu.memory_space<hbm>> -> memref<10000x128xf32, #tpu.memory_space<hbm>>
      tpu.enqueue_indirect_dma source(%dma_start3A_325 : memref<10000x128xf32, #tpu.memory_space<hbm>>) target(%arg8 : memref<80x128xf32, #tpu.memory_space<vmem>>) offsets(%dma_start3A_322 : memref<80xi32, #tpu.memory_space<vmem>>) semaphore(%arg11 : memref<!tpu.dma_semaphore, #tpu.memory_space<semaphore_mem>>)
      %add3A_326 = arith.constant 1 : i32
      %add3A_327 = arith.addi %mul3A_217, %add3A_326 : i32
      %dma_wait3A_328 = arith.constant 0 : i32
      %dma_wait3A_329 = tpu.memref_slice %arg7[%add3A_327, %dma_wait3A_328] : memref<125x80xi32, #tpu.memory_space<vmem>> -> memref<1x80xi32, #tpu.memory_space<vmem>>
      %dma_wait3A_330 = tpu.memref_squeeze %dma_wait3A_329 : memref<1x80xi32, #tpu.memory_space<vmem>> -> memref<80xi32, #tpu.memory_space<vmem>>
      %dma_wait3A_331 = arith.constant 0 : i32
      %dma_wait3A_332 = arith.constant 0 : i32
      %dma_wait3A_333 = tpu.memref_slice %arg23[%dma_wait3A_331, %dma_wait3A_332] : memref<10000x128xf32, #tpu.memory_space<vmem_shared>> -> memref<10000x128xf32, #tpu.memory_space<vmem_shared>>
      tpu.wait_indirect_dma semaphore(%arg15 : memref<!tpu.dma_semaphore, #tpu.memory_space<semaphore_mem>>) src(%arg9 : memref<80x128xf32, #tpu.memory_space<vmem>>) dst(%dma_wait3A_333 : memref<10000x128xf32, #tpu.memory_space<vmem_shared>>)
      %add3A_334 = arith.constant 1 : i32
      %add3A_335 = arith.addi %mul3A_217, %add3A_334 : i32
      %add3A_336 = arith.constant 3 : i32
      %add3A_337 = arith.addi %add3A_335, %add3A_336 : i32
      %dma_wait3A_338 = arith.constant 0 : i32
      %dma_wait3A_339 = arith.constant 0 : i32
      %dma_wait3A_340 = tpu.memref_slice %arg3[%add3A, %add3A_337, %dma_wait3A_338, %dma_wait3A_339] : memref<32x125x1x80xi32, #tpu.memory_space<hbm>> -> memref<1x1x1x80xi32, #tpu.memory_space<hbm>>
      %dma_wait3A_341 = tpu.memref_squeeze %dma_wait3A_340 : memref<1x1x1x80xi32, #tpu.memory_space<hbm>> -> memref<1x80xi32, #tpu.memory_space<hbm>>
      %dma_wait3A_342 = arith.constant 0 : i32
      %dma_wait3A_343 = arith.constant 0 : i32
      %dma_wait3A_344 = tpu.memref_slice %arg3[%add3A, %add3A_337, %dma_wait3A_342, %dma_wait3A_343] : memref<32x125x1x80xi32, #tpu.memory_space<hbm>> -> memref<1x1x1x80xi32, #tpu.memory_space<hbm>>
      %dma_wait3A_345 = tpu.memref_squeeze %dma_wait3A_344 : memref<1x1x1x80xi32, #tpu.memory_space<hbm>> -> memref<1x80xi32, #tpu.memory_space<hbm>>
      tpu.wait_dma2 semaphore(%arg21 : memref<!tpu.dma_semaphore, #tpu.memory_space<semaphore_mem>>) src(%dma_wait3A_345 : memref<1x80xi32, #tpu.memory_space<hbm>>) dst(%arg18 : memref<1x80xi32, #tpu.memory_space<vmem>>)
      %dma_start3A_346 = arith.constant 0 : i32
      %dma_start3A_347 = arith.constant 0 : i32
      %dma_start3A_348 = tpu.memref_slice %arg18[%dma_start3A_346, %dma_start3A_347] : memref<1x80xi32, #tpu.memory_space<vmem>> -> memref<1x80xi32, #tpu.memory_space<vmem>>
      %dma_start3A_349 = tpu.memref_squeeze %dma_start3A_348 : memref<1x80xi32, #tpu.memory_space<vmem>> -> memref<80xi32, #tpu.memory_space<vmem>>
      %dma_start3A_350 = arith.constant 0 : i32
      %dma_start3A_351 = arith.constant 0 : i32
      %dma_start3A_352 = tpu.memref_slice %arg2[%dma_start3A_350, %dma_start3A_351] : memref<10000x128xf32, #tpu.memory_space<hbm>> -> memref<10000x128xf32, #tpu.memory_space<hbm>>
      tpu.enqueue_indirect_dma source(%dma_start3A_352 : memref<10000x128xf32, #tpu.memory_space<hbm>>) target(%arg9 : memref<80x128xf32, #tpu.memory_space<vmem>>) offsets(%dma_start3A_349 : memref<80xi32, #tpu.memory_space<vmem>>) semaphore(%arg12 : memref<!tpu.dma_semaphore, #tpu.memory_space<semaphore_mem>>)
      %add3A_353 = arith.constant 2 : i32
      %add3A_354 = arith.addi %mul3A_217, %add3A_353 : i32
      %dma_wait3A_355 = arith.constant 0 : i32
      %dma_wait3A_356 = tpu.memref_slice %arg7[%add3A_354, %dma_wait3A_355] : memref<125x80xi32, #tpu.memory_space<vmem>> -> memref<1x80xi32, #tpu.memory_space<vmem>>
      %dma_wait3A_357 = tpu.memref_squeeze %dma_wait3A_356 : memref<1x80xi32, #tpu.memory_space<vmem>> -> memref<80xi32, #tpu.memory_space<vmem>>
      %dma_wait3A_358 = arith.constant 0 : i32
      %dma_wait3A_359 = arith.constant 0 : i32
      %dma_wait3A_360 = tpu.memref_slice %arg23[%dma_wait3A_358, %dma_wait3A_359] : memref<10000x128xf32, #tpu.memory_space<vmem_shared>> -> memref<10000x128xf32, #tpu.memory_space<vmem_shared>>
      tpu.wait_indirect_dma semaphore(%arg16 : memref<!tpu.dma_semaphore, #tpu.memory_space<semaphore_mem>>) src(%arg10 : memref<80x128xf32, #tpu.memory_space<vmem>>) dst(%dma_wait3A_360 : memref<10000x128xf32, #tpu.memory_space<vmem_shared>>)
      %add3A_361 = arith.constant 2 : i32
      %add3A_362 = arith.addi %mul3A_217, %add3A_361 : i32
      %add3A_363 = arith.constant 3 : i32
      %add3A_364 = arith.addi %add3A_362, %add3A_363 : i32
      %dma_wait3A_365 = arith.constant 0 : i32
      %dma_wait3A_366 = arith.constant 0 : i32
      %dma_wait3A_367 = tpu.memref_slice %arg3[%add3A, %add3A_364, %dma_wait3A_365, %dma_wait3A_366] : memref<32x125x1x80xi32, #tpu.memory_space<hbm>> -> memref<1x1x1x80xi32, #tpu.memory_space<hbm>>
      %dma_wait3A_368 = tpu.memref_squeeze %dma_wait3A_367 : memref<1x1x1x80xi32, #tpu.memory_space<hbm>> -> memref<1x80xi32, #tpu.memory_space<hbm>>
      %dma_wait3A_369 = arith.constant 0 : i32
      %dma_wait3A_370 = arith.constant 0 : i32
      %dma_wait3A_371 = tpu.memref_slice %arg3[%add3A, %add3A_364, %dma_wait3A_369, %dma_wait3A_370] : memref<32x125x1x80xi32, #tpu.memory_space<hbm>> -> memref<1x1x1x80xi32, #tpu.memory_space<hbm>>
      %dma_wait3A_372 = tpu.memref_squeeze %dma_wait3A_371 : memref<1x1x1x80xi32, #tpu.memory_space<hbm>> -> memref<1x80xi32, #tpu.memory_space<hbm>>
      tpu.wait_dma2 semaphore(%arg22 : memref<!tpu.dma_semaphore, #tpu.memory_space<semaphore_mem>>) src(%dma_wait3A_372 : memref<1x80xi32, #tpu.memory_space<hbm>>) dst(%arg19 : memref<1x80xi32, #tpu.memory_space<vmem>>)
      %dma_start3A_373 = arith.constant 0 : i32
      %dma_start3A_374 = arith.constant 0 : i32
      %dma_start3A_375 = tpu.memref_slice %arg19[%dma_start3A_373, %dma_start3A_374] : memref<1x80xi32, #tpu.memory_space<vmem>> -> memref<1x80xi32, #tpu.memory_space<vmem>>
      %dma_start3A_376 = tpu.memref_squeeze %dma_start3A_375 : memref<1x80xi32, #tpu.memory_space<vmem>> -> memref<80xi32, #tpu.memory_space<vmem>>
      %dma_start3A_377 = arith.constant 0 : i32
      %dma_start3A_378 = arith.constant 0 : i32
      %dma_start3A_379 = tpu.memref_slice %arg2[%dma_start3A_377, %dma_start3A_378] : memref<10000x128xf32, #tpu.memory_space<hbm>> -> memref<10000x128xf32, #tpu.memory_space<hbm>>
      tpu.enqueue_indirect_dma source(%dma_start3A_379 : memref<10000x128xf32, #tpu.memory_space<hbm>>) target(%arg10 : memref<80x128xf32, #tpu.memory_space<vmem>>) offsets(%dma_start3A_376 : memref<80xi32, #tpu.memory_space<vmem>>) semaphore(%arg13 : memref<!tpu.dma_semaphore, #tpu.memory_space<semaphore_mem>>)
    }
    %scan3A_80 = arith.constant 40 : i32
    %dma_wait3A_81 = arith.constant 0 : i32
    %dma_wait3A_82 = arith.constant 0 : i32
    %dma_wait3A_83 = tpu.memref_slice %arg17[%dma_wait3A_81, %dma_wait3A_82] : memref<1x80xi32, #tpu.memory_space<vmem>> -> memref<1x80xi32, #tpu.memory_space<vmem>>
    %dma_wait3A_84 = tpu.memref_squeeze %dma_wait3A_83 : memref<1x80xi32, #tpu.memory_space<vmem>> -> memref<80xi32, #tpu.memory_space<vmem>>
    %dma_wait3A_85 = arith.constant 0 : i32
    %dma_wait3A_86 = arith.constant 0 : i32
    %dma_wait3A_87 = tpu.memref_slice %arg2[%dma_wait3A_85, %dma_wait3A_86] : memref<10000x128xf32, #tpu.memory_space<hbm>> -> memref<10000x128xf32, #tpu.memory_space<hbm>>
    tpu.wait_indirect_dma semaphore(%arg11 : memref<!tpu.dma_semaphore, #tpu.memory_space<semaphore_mem>>) src(%dma_wait3A_87 : memref<10000x128xf32, #tpu.memory_space<hbm>>) dst(%arg8 : memref<80x128xf32, #tpu.memory_space<vmem>>)
    %dma_start3A_88 = arith.constant 120 : i32
    %dma_start3A_89 = arith.constant 0 : i32
    %dma_start3A_90 = tpu.memref_slice %arg7[%dma_start3A_88, %dma_start3A_89] : memref<125x80xi32, #tpu.memory_space<vmem>> -> memref<1x80xi32, #tpu.memory_space<vmem>>
    %dma_start3A_91 = tpu.memref_squeeze %dma_start3A_90 : memref<1x80xi32, #tpu.memory_space<vmem>> -> memref<80xi32, #tpu.memory_space<vmem>>
    %dma_start3A_92 = arith.constant 0 : i32
    %dma_start3A_93 = arith.constant 0 : i32
    %dma_start3A_94 = tpu.memref_slice %arg23[%dma_start3A_92, %dma_start3A_93] : memref<10000x128xf32, #tpu.memory_space<vmem_shared>> -> memref<10000x128xf32, #tpu.memory_space<vmem_shared>>
    tpu.enqueue_indirect_dma source(%arg8 : memref<80x128xf32, #tpu.memory_space<vmem>>) target(%dma_start3A_94 : memref<10000x128xf32, #tpu.memory_space<vmem_shared>>) offsets(%dma_start3A_91 : memref<80xi32, #tpu.memory_space<vmem>>) semaphore(%arg14 : memref<!tpu.dma_semaphore, #tpu.memory_space<semaphore_mem>>) {add = true}
    %dma_start3A_95 = arith.constant 123 : i32
    %dma_start3A_96 = arith.constant 0 : i32
    %dma_start3A_97 = arith.constant 0 : i32
    %dma_start3A_98 = tpu.memref_slice %arg3[%add3A, %dma_start3A_95, %dma_start3A_96, %dma_start3A_97] : memref<32x125x1x80xi32, #tpu.memory_space<hbm>> -> memref<1x1x1x80xi32, #tpu.memory_space<hbm>>
    %dma_start3A_99 = tpu.memref_squeeze %dma_start3A_98 : memref<1x1x1x80xi32, #tpu.memory_space<hbm>> -> memref<1x80xi32, #tpu.memory_space<hbm>>
    %dma_start3A_100 = arith.constant 0 : i32
    %dma_start3A_101 = arith.constant 0 : i32
    %dma_start3A_102 = tpu.memref_slice %arg3[%add3A, %dma_start3A_95, %dma_start3A_100, %dma_start3A_101] : memref<32x125x1x80xi32, #tpu.memory_space<hbm>> -> memref<1x1x1x80xi32, #tpu.memory_space<hbm>>
    %dma_start3A_103 = tpu.memref_squeeze %dma_start3A_102 : memref<1x1x1x80xi32, #tpu.memory_space<hbm>> -> memref<1x80xi32, #tpu.memory_space<hbm>>
    tpu.enqueue_dma source(%dma_start3A_103 : memref<1x80xi32, #tpu.memory_space<hbm>>) target(%arg17 : memref<1x80xi32, #tpu.memory_space<vmem>>) target_semaphore(%arg20 : memref<!tpu.dma_semaphore, #tpu.memory_space<semaphore_mem>>)
    %dma_wait3A_104 = arith.constant 0 : i32
    %dma_wait3A_105 = arith.constant 0 : i32
    %dma_wait3A_106 = tpu.memref_slice %arg18[%dma_wait3A_104, %dma_wait3A_105] : memref<1x80xi32, #tpu.memory_space<vmem>> -> memref<1x80xi32, #tpu.memory_space<vmem>>
    %dma_wait3A_107 = tpu.memref_squeeze %dma_wait3A_106 : memref<1x80xi32, #tpu.memory_space<vmem>> -> memref<80xi32, #tpu.memory_space<vmem>>
    %dma_wait3A_108 = arith.constant 0 : i32
    %dma_wait3A_109 = arith.constant 0 : i32
    %dma_wait3A_110 = tpu.memref_slice %arg2[%dma_wait3A_108, %dma_wait3A_109] : memref<10000x128xf32, #tpu.memory_space<hbm>> -> memref<10000x128xf32, #tpu.memory_space<hbm>>
    tpu.wait_indirect_dma semaphore(%arg12 : memref<!tpu.dma_semaphore, #tpu.memory_space<semaphore_mem>>) src(%dma_wait3A_110 : memref<10000x128xf32, #tpu.memory_space<hbm>>) dst(%arg9 : memref<80x128xf32, #tpu.memory_space<vmem>>)
    %dma_start3A_111 = arith.constant 121 : i32
    %dma_start3A_112 = arith.constant 0 : i32
    %dma_start3A_113 = tpu.memref_slice %arg7[%dma_start3A_111, %dma_start3A_112] : memref<125x80xi32, #tpu.memory_space<vmem>> -> memref<1x80xi32, #tpu.memory_space<vmem>>
    %dma_start3A_114 = tpu.memref_squeeze %dma_start3A_113 : memref<1x80xi32, #tpu.memory_space<vmem>> -> memref<80xi32, #tpu.memory_space<vmem>>
    %dma_start3A_115 = arith.constant 0 : i32
    %dma_start3A_116 = arith.constant 0 : i32
    %dma_start3A_117 = tpu.memref_slice %arg23[%dma_start3A_115, %dma_start3A_116] : memref<10000x128xf32, #tpu.memory_space<vmem_shared>> -> memref<10000x128xf32, #tpu.memory_space<vmem_shared>>
    tpu.enqueue_indirect_dma source(%arg9 : memref<80x128xf32, #tpu.memory_space<vmem>>) target(%dma_start3A_117 : memref<10000x128xf32, #tpu.memory_space<vmem_shared>>) offsets(%dma_start3A_114 : memref<80xi32, #tpu.memory_space<vmem>>) semaphore(%arg15 : memref<!tpu.dma_semaphore, #tpu.memory_space<semaphore_mem>>) {add = true}
    %dma_start3A_118 = arith.constant 124 : i32
    %dma_start3A_119 = arith.constant 0 : i32
    %dma_start3A_120 = arith.constant 0 : i32
    %dma_start3A_121 = tpu.memref_slice %arg3[%add3A, %dma_start3A_118, %dma_start3A_119, %dma_start3A_120] : memref<32x125x1x80xi32, #tpu.memory_space<hbm>> -> memref<1x1x1x80xi32, #tpu.memory_space<hbm>>
    %dma_start3A_122 = tpu.memref_squeeze %dma_start3A_121 : memref<1x1x1x80xi32, #tpu.memory_space<hbm>> -> memref<1x80xi32, #tpu.memory_space<hbm>>
    %dma_start3A_123 = arith.constant 0 : i32
    %dma_start3A_124 = arith.constant 0 : i32
    %dma_start3A_125 = tpu.memref_slice %arg3[%add3A, %dma_start3A_118, %dma_start3A_123, %dma_start3A_124] : memref<32x125x1x80xi32, #tpu.memory_space<hbm>> -> memref<1x1x1x80xi32, #tpu.memory_space<hbm>>
    %dma_start3A_126 = tpu.memref_squeeze %dma_start3A_125 : memref<1x1x1x80xi32, #tpu.memory_space<hbm>> -> memref<1x80xi32, #tpu.memory_space<hbm>>
    tpu.enqueue_dma source(%dma_start3A_126 : memref<1x80xi32, #tpu.memory_space<hbm>>) target(%arg18 : memref<1x80xi32, #tpu.memory_space<vmem>>) target_semaphore(%arg21 : memref<!tpu.dma_semaphore, #tpu.memory_space<semaphore_mem>>)
    %dma_wait3A_127 = arith.constant 0 : i32
    %dma_wait3A_128 = arith.constant 0 : i32
    %dma_wait3A_129 = tpu.memref_slice %arg19[%dma_wait3A_127, %dma_wait3A_128] : memref<1x80xi32, #tpu.memory_space<vmem>> -> memref<1x80xi32, #tpu.memory_space<vmem>>
    %dma_wait3A_130 = tpu.memref_squeeze %dma_wait3A_129 : memref<1x80xi32, #tpu.memory_space<vmem>> -> memref<80xi32, #tpu.memory_space<vmem>>
    %dma_wait3A_131 = arith.constant 0 : i32
    %dma_wait3A_132 = arith.constant 0 : i32
    %dma_wait3A_133 = tpu.memref_slice %arg2[%dma_wait3A_131, %dma_wait3A_132] : memref<10000x128xf32, #tpu.memory_space<hbm>> -> memref<10000x128xf32, #tpu.memory_space<hbm>>
    tpu.wait_indirect_dma semaphore(%arg13 : memref<!tpu.dma_semaphore, #tpu.memory_space<semaphore_mem>>) src(%dma_wait3A_133 : memref<10000x128xf32, #tpu.memory_space<hbm>>) dst(%arg10 : memref<80x128xf32, #tpu.memory_space<vmem>>)
    %dma_start3A_134 = arith.constant 122 : i32
    %dma_start3A_135 = arith.constant 0 : i32
    %dma_start3A_136 = tpu.memref_slice %arg7[%dma_start3A_134, %dma_start3A_135] : memref<125x80xi32, #tpu.memory_space<vmem>> -> memref<1x80xi32, #tpu.memory_space<vmem>>
    %dma_start3A_137 = tpu.memref_squeeze %dma_start3A_136 : memref<1x80xi32, #tpu.memory_space<vmem>> -> memref<80xi32, #tpu.memory_space<vmem>>
    %dma_start3A_138 = arith.constant 0 : i32
    %dma_start3A_139 = arith.constant 0 : i32
    %dma_start3A_140 = tpu.memref_slice %arg23[%dma_start3A_138, %dma_start3A_139] : memref<10000x128xf32, #tpu.memory_space<vmem_shared>> -> memref<10000x128xf32, #tpu.memory_space<vmem_shared>>
    tpu.enqueue_indirect_dma source(%arg10 : memref<80x128xf32, #tpu.memory_space<vmem>>) target(%dma_start3A_140 : memref<10000x128xf32, #tpu.memory_space<vmem_shared>>) offsets(%dma_start3A_137 : memref<80xi32, #tpu.memory_space<vmem>>) semaphore(%arg16 : memref<!tpu.dma_semaphore, #tpu.memory_space<semaphore_mem>>) {add = true}
    %dma_wait3A_141 = arith.constant 120 : i32
    %dma_wait3A_142 = arith.constant 0 : i32
    %dma_wait3A_143 = tpu.memref_slice %arg7[%dma_wait3A_141, %dma_wait3A_142] : memref<125x80xi32, #tpu.memory_space<vmem>> -> memref<1x80xi32, #tpu.memory_space<vmem>>
    %dma_wait3A_144 = tpu.memref_squeeze %dma_wait3A_143 : memref<1x80xi32, #tpu.memory_space<vmem>> -> memref<80xi32, #tpu.memory_space<vmem>>
    %dma_wait3A_145 = arith.constant 0 : i32
    %dma_wait3A_146 = arith.constant 0 : i32
    %dma_wait3A_147 = tpu.memref_slice %arg23[%dma_wait3A_145, %dma_wait3A_146] : memref<10000x128xf32, #tpu.memory_space<vmem_shared>> -> memref<10000x128xf32, #tpu.memory_space<vmem_shared>>
    tpu.wait_indirect_dma semaphore(%arg14 : memref<!tpu.dma_semaphore, #tpu.memory_space<semaphore_mem>>) src(%arg8 : memref<80x128xf32, #tpu.memory_space<vmem>>) dst(%dma_wait3A_147 : memref<10000x128xf32, #tpu.memory_space<vmem_shared>>)
    %dma_wait3A_148 = arith.constant 123 : i32
    %dma_wait3A_149 = arith.constant 0 : i32
    %dma_wait3A_150 = arith.constant 0 : i32
    %dma_wait3A_151 = tpu.memref_slice %arg3[%add3A, %dma_wait3A_148, %dma_wait3A_149, %dma_wait3A_150] : memref<32x125x1x80xi32, #tpu.memory_space<hbm>> -> memref<1x1x1x80xi32, #tpu.memory_space<hbm>>
    %dma_wait3A_152 = tpu.memref_squeeze %dma_wait3A_151 : memref<1x1x1x80xi32, #tpu.memory_space<hbm>> -> memref<1x80xi32, #tpu.memory_space<hbm>>
    %dma_wait3A_153 = arith.constant 0 : i32
    %dma_wait3A_154 = arith.constant 0 : i32
    %dma_wait3A_155 = tpu.memref_slice %arg3[%add3A, %dma_wait3A_148, %dma_wait3A_153, %dma_wait3A_154] : memref<32x125x1x80xi32, #tpu.memory_space<hbm>> -> memref<1x1x1x80xi32, #tpu.memory_space<hbm>>
    %dma_wait3A_156 = tpu.memref_squeeze %dma_wait3A_155 : memref<1x1x1x80xi32, #tpu.memory_space<hbm>> -> memref<1x80xi32, #tpu.memory_space<hbm>>
    tpu.wait_dma2 semaphore(%arg20 : memref<!tpu.dma_semaphore, #tpu.memory_space<semaphore_mem>>) src(%dma_wait3A_156 : memref<1x80xi32, #tpu.memory_space<hbm>>) dst(%arg17 : memref<1x80xi32, #tpu.memory_space<vmem>>)
    %dma_start3A_157 = arith.constant 0 : i32
    %dma_start3A_158 = arith.constant 0 : i32
    %dma_start3A_159 = tpu.memref_slice %arg17[%dma_start3A_157, %dma_start3A_158] : memref<1x80xi32, #tpu.memory_space<vmem>> -> memref<1x80xi32, #tpu.memory_space<vmem>>
    %dma_start3A_160 = tpu.memref_squeeze %dma_start3A_159 : memref<1x80xi32, #tpu.memory_space<vmem>> -> memref<80xi32, #tpu.memory_space<vmem>>
    %dma_start3A_161 = arith.constant 0 : i32
    %dma_start3A_162 = arith.constant 0 : i32
    %dma_start3A_163 = tpu.memref_slice %arg2[%dma_start3A_161, %dma_start3A_162] : memref<10000x128xf32, #tpu.memory_space<hbm>> -> memref<10000x128xf32, #tpu.memory_space<hbm>>
    tpu.enqueue_indirect_dma source(%dma_start3A_163 : memref<10000x128xf32, #tpu.memory_space<hbm>>) target(%arg8 : memref<80x128xf32, #tpu.memory_space<vmem>>) offsets(%dma_start3A_160 : memref<80xi32, #tpu.memory_space<vmem>>) semaphore(%arg11 : memref<!tpu.dma_semaphore, #tpu.memory_space<semaphore_mem>>)
    %dma_wait3A_164 = arith.constant 121 : i32
    %dma_wait3A_165 = arith.constant 0 : i32
    %dma_wait3A_166 = tpu.memref_slice %arg7[%dma_wait3A_164, %dma_wait3A_165] : memref<125x80xi32, #tpu.memory_space<vmem>> -> memref<1x80xi32, #tpu.memory_space<vmem>>
    %dma_wait3A_167 = tpu.memref_squeeze %dma_wait3A_166 : memref<1x80xi32, #tpu.memory_space<vmem>> -> memref<80xi32, #tpu.memory_space<vmem>>
    %dma_wait3A_168 = arith.constant 0 : i32
    %dma_wait3A_169 = arith.constant 0 : i32
    %dma_wait3A_170 = tpu.memref_slice %arg23[%dma_wait3A_168, %dma_wait3A_169] : memref<10000x128xf32, #tpu.memory_space<vmem_shared>> -> memref<10000x128xf32, #tpu.memory_space<vmem_shared>>
    tpu.wait_indirect_dma semaphore(%arg15 : memref<!tpu.dma_semaphore, #tpu.memory_space<semaphore_mem>>) src(%arg9 : memref<80x128xf32, #tpu.memory_space<vmem>>) dst(%dma_wait3A_170 : memref<10000x128xf32, #tpu.memory_space<vmem_shared>>)
    %dma_wait3A_171 = arith.constant 124 : i32
    %dma_wait3A_172 = arith.constant 0 : i32
    %dma_wait3A_173 = arith.constant 0 : i32
    %dma_wait3A_174 = tpu.memref_slice %arg3[%add3A, %dma_wait3A_171, %dma_wait3A_172, %dma_wait3A_173] : memref<32x125x1x80xi32, #tpu.memory_space<hbm>> -> memref<1x1x1x80xi32, #tpu.memory_space<hbm>>
    %dma_wait3A_175 = tpu.memref_squeeze %dma_wait3A_174 : memref<1x1x1x80xi32, #tpu.memory_space<hbm>> -> memref<1x80xi32, #tpu.memory_space<hbm>>
    %dma_wait3A_176 = arith.constant 0 : i32
    %dma_wait3A_177 = arith.constant 0 : i32
    %dma_wait3A_178 = tpu.memref_slice %arg3[%add3A, %dma_wait3A_171, %dma_wait3A_176, %dma_wait3A_177] : memref<32x125x1x80xi32, #tpu.memory_space<hbm>> -> memref<1x1x1x80xi32, #tpu.memory_space<hbm>>
    %dma_wait3A_179 = tpu.memref_squeeze %dma_wait3A_178 : memref<1x1x1x80xi32, #tpu.memory_space<hbm>> -> memref<1x80xi32, #tpu.memory_space<hbm>>
    tpu.wait_dma2 semaphore(%arg21 : memref<!tpu.dma_semaphore, #tpu.memory_space<semaphore_mem>>) src(%dma_wait3A_179 : memref<1x80xi32, #tpu.memory_space<hbm>>) dst(%arg18 : memref<1x80xi32, #tpu.memory_space<vmem>>)
    %dma_start3A_180 = arith.constant 0 : i32
    %dma_start3A_181 = arith.constant 0 : i32
    %dma_start3A_182 = tpu.memref_slice %arg18[%dma_start3A_180, %dma_start3A_181] : memref<1x80xi32, #tpu.memory_space<vmem>> -> memref<1x80xi32, #tpu.memory_space<vmem>>
    %dma_start3A_183 = tpu.memref_squeeze %dma_start3A_182 : memref<1x80xi32, #tpu.memory_space<vmem>> -> memref<80xi32, #tpu.memory_space<vmem>>
    %dma_start3A_184 = arith.constant 0 : i32
    %dma_start3A_185 = arith.constant 0 : i32
    %dma_start3A_186 = tpu.memref_slice %arg2[%dma_start3A_184, %dma_start3A_185] : memref<10000x128xf32, #tpu.memory_space<hbm>> -> memref<10000x128xf32, #tpu.memory_space<hbm>>
    tpu.enqueue_indirect_dma source(%dma_start3A_186 : memref<10000x128xf32, #tpu.memory_space<hbm>>) target(%arg9 : memref<80x128xf32, #tpu.memory_space<vmem>>) offsets(%dma_start3A_183 : memref<80xi32, #tpu.memory_space<vmem>>) semaphore(%arg12 : memref<!tpu.dma_semaphore, #tpu.memory_space<semaphore_mem>>)
    %dma_wait3A_187 = arith.constant 122 : i32
    %dma_wait3A_188 = arith.constant 0 : i32
    %dma_wait3A_189 = tpu.memref_slice %arg7[%dma_wait3A_187, %dma_wait3A_188] : memref<125x80xi32, #tpu.memory_space<vmem>> -> memref<1x80xi32, #tpu.memory_space<vmem>>
    %dma_wait3A_190 = tpu.memref_squeeze %dma_wait3A_189 : memref<1x80xi32, #tpu.memory_space<vmem>> -> memref<80xi32, #tpu.memory_space<vmem>>
    %dma_wait3A_191 = arith.constant 0 : i32
    %dma_wait3A_192 = arith.constant 0 : i32
    %dma_wait3A_193 = tpu.memref_slice %arg23[%dma_wait3A_191, %dma_wait3A_192] : memref<10000x128xf32, #tpu.memory_space<vmem_shared>> -> memref<10000x128xf32, #tpu.memory_space<vmem_shared>>
    tpu.wait_indirect_dma semaphore(%arg16 : memref<!tpu.dma_semaphore, #tpu.memory_space<semaphore_mem>>) src(%arg10 : memref<80x128xf32, #tpu.memory_space<vmem>>) dst(%dma_wait3A_193 : memref<10000x128xf32, #tpu.memory_space<vmem_shared>>)
    %dma_wait3A_194 = arith.constant 0 : i32
    %dma_wait3A_195 = arith.constant 0 : i32
    %dma_wait3A_196 = tpu.memref_slice %arg17[%dma_wait3A_194, %dma_wait3A_195] : memref<1x80xi32, #tpu.memory_space<vmem>> -> memref<1x80xi32, #tpu.memory_space<vmem>>
    %dma_wait3A_197 = tpu.memref_squeeze %dma_wait3A_196 : memref<1x80xi32, #tpu.memory_space<vmem>> -> memref<80xi32, #tpu.memory_space<vmem>>
    %dma_wait3A_198 = arith.constant 0 : i32
    %dma_wait3A_199 = arith.constant 0 : i32
    %dma_wait3A_200 = tpu.memref_slice %arg2[%dma_wait3A_198, %dma_wait3A_199] : memref<10000x128xf32, #tpu.memory_space<hbm>> -> memref<10000x128xf32, #tpu.memory_space<hbm>>
    tpu.wait_indirect_dma semaphore(%arg11 : memref<!tpu.dma_semaphore, #tpu.memory_space<semaphore_mem>>) src(%dma_wait3A_200 : memref<10000x128xf32, #tpu.memory_space<hbm>>) dst(%arg8 : memref<80x128xf32, #tpu.memory_space<vmem>>)
    %run_scoped3A = arith.constant 123 : i32
    "tpu.region"() ({
      %run_scoped3A_215 = tpu.sem_alloc : memref<!tpu.dma_semaphore, #tpu.memory_space<semaphore_mem>>
      %dma_start3A_216 = arith.constant 0 : i32
      %dma_start3A_217 = tpu.memref_slice %arg7[%run_scoped3A, %dma_start3A_216] : memref<125x80xi32, #tpu.memory_space<vmem>> -> memref<1x80xi32, #tpu.memory_space<vmem>>
      %dma_start3A_218 = tpu.memref_squeeze %dma_start3A_217 : memref<1x80xi32, #tpu.memory_space<vmem>> -> memref<80xi32, #tpu.memory_space<vmem>>
      %dma_start3A_219 = arith.constant 0 : i32
      %dma_start3A_220 = arith.constant 0 : i32
      %dma_start3A_221 = tpu.memref_slice %arg23[%dma_start3A_219, %dma_start3A_220] : memref<10000x128xf32, #tpu.memory_space<vmem_shared>> -> memref<10000x128xf32, #tpu.memory_space<vmem_shared>>
      tpu.enqueue_indirect_dma source(%arg8 : memref<80x128xf32, #tpu.memory_space<vmem>>) target(%dma_start3A_221 : memref<10000x128xf32, #tpu.memory_space<vmem_shared>>) offsets(%dma_start3A_218 : memref<80xi32, #tpu.memory_space<vmem>>) semaphore(%run_scoped3A_215 : memref<!tpu.dma_semaphore, #tpu.memory_space<semaphore_mem>>) {add = true}
      %dma_wait3A_222 = arith.constant 0 : i32
      %dma_wait3A_223 = tpu.memref_slice %arg7[%run_scoped3A, %dma_wait3A_222] : memref<125x80xi32, #tpu.memory_space<vmem>> -> memref<1x80xi32, #tpu.memory_space<vmem>>
      %dma_wait3A_224 = tpu.memref_squeeze %dma_wait3A_223 : memref<1x80xi32, #tpu.memory_space<vmem>> -> memref<80xi32, #tpu.memory_space<vmem>>
      %dma_wait3A_225 = arith.constant 0 : i32
      %dma_wait3A_226 = arith.constant 0 : i32
      %dma_wait3A_227 = tpu.memref_slice %arg23[%dma_wait3A_225, %dma_wait3A_226] : memref<10000x128xf32, #tpu.memory_space<vmem_shared>> -> memref<10000x128xf32, #tpu.memory_space<vmem_shared>>
      tpu.wait_indirect_dma semaphore(%run_scoped3A_215 : memref<!tpu.dma_semaphore, #tpu.memory_space<semaphore_mem>>) src(%arg8 : memref<80x128xf32, #tpu.memory_space<vmem>>) dst(%dma_wait3A_227 : memref<10000x128xf32, #tpu.memory_space<vmem_shared>>)
      tpu.yield
    }) : () -> ()
    %dma_wait3A_201 = arith.constant 0 : i32
    %dma_wait3A_202 = arith.constant 0 : i32
    %dma_wait3A_203 = tpu.memref_slice %arg18[%dma_wait3A_201, %dma_wait3A_202] : memref<1x80xi32, #tpu.memory_space<vmem>> -> memref<1x80xi32, #tpu.memory_space<vmem>>
    %dma_wait3A_204 = tpu.memref_squeeze %dma_wait3A_203 : memref<1x80xi32, #tpu.memory_space<vmem>> -> memref<80xi32, #tpu.memory_space<vmem>>
    %dma_wait3A_205 = arith.constant 0 : i32
    %dma_wait3A_206 = arith.constant 0 : i32
    %dma_wait3A_207 = tpu.memref_slice %arg2[%dma_wait3A_205, %dma_wait3A_206] : memref<10000x128xf32, #tpu.memory_space<hbm>> -> memref<10000x128xf32, #tpu.memory_space<hbm>>
    tpu.wait_indirect_dma semaphore(%arg12 : memref<!tpu.dma_semaphore, #tpu.memory_space<semaphore_mem>>) src(%dma_wait3A_207 : memref<10000x128xf32, #tpu.memory_space<hbm>>) dst(%arg9 : memref<80x128xf32, #tpu.memory_space<vmem>>)
    %run_scoped3A_208 = arith.constant 124 : i32
    "tpu.region"() ({
      %run_scoped3A_215 = tpu.sem_alloc : memref<!tpu.dma_semaphore, #tpu.memory_space<semaphore_mem>>
      %dma_start3A_216 = arith.constant 0 : i32
      %dma_start3A_217 = tpu.memref_slice %arg7[%run_scoped3A_208, %dma_start3A_216] : memref<125x80xi32, #tpu.memory_space<vmem>> -> memref<1x80xi32, #tpu.memory_space<vmem>>
      %dma_start3A_218 = tpu.memref_squeeze %dma_start3A_217 : memref<1x80xi32, #tpu.memory_space<vmem>> -> memref<80xi32, #tpu.memory_space<vmem>>
      %dma_start3A_219 = arith.constant 0 : i32
      %dma_start3A_220 = arith.constant 0 : i32
      %dma_start3A_221 = tpu.memref_slice %arg23[%dma_start3A_219, %dma_start3A_220] : memref<10000x128xf32, #tpu.memory_space<vmem_shared>> -> memref<10000x128xf32, #tpu.memory_space<vmem_shared>>
      tpu.enqueue_indirect_dma source(%arg9 : memref<80x128xf32, #tpu.memory_space<vmem>>) target(%dma_start3A_221 : memref<10000x128xf32, #tpu.memory_space<vmem_shared>>) offsets(%dma_start3A_218 : memref<80xi32, #tpu.memory_space<vmem>>) semaphore(%run_scoped3A_215 : memref<!tpu.dma_semaphore, #tpu.memory_space<semaphore_mem>>) {add = true}
      %dma_wait3A_222 = arith.constant 0 : i32
      %dma_wait3A_223 = tpu.memref_slice %arg7[%run_scoped3A_208, %dma_wait3A_222] : memref<125x80xi32, #tpu.memory_space<vmem>> -> memref<1x80xi32, #tpu.memory_space<vmem>>
      %dma_wait3A_224 = tpu.memref_squeeze %dma_wait3A_223 : memref<1x80xi32, #tpu.memory_space<vmem>> -> memref<80xi32, #tpu.memory_space<vmem>>
      %dma_wait3A_225 = arith.constant 0 : i32
      %dma_wait3A_226 = arith.constant 0 : i32
      %dma_wait3A_227 = tpu.memref_slice %arg23[%dma_wait3A_225, %dma_wait3A_226] : memref<10000x128xf32, #tpu.memory_space<vmem_shared>> -> memref<10000x128xf32, #tpu.memory_space<vmem_shared>>
      tpu.wait_indirect_dma semaphore(%run_scoped3A_215 : memref<!tpu.dma_semaphore, #tpu.memory_space<semaphore_mem>>) src(%arg9 : memref<80x128xf32, #tpu.memory_space<vmem>>) dst(%dma_wait3A_227 : memref<10000x128xf32, #tpu.memory_space<vmem_shared>>)
      tpu.yield
    }) : () -> ()
    %barrier3A_209 = arith.constant 0 : index
    tpu.barrier barrier_id(%barrier3A_209)
    %lt3A_210 = arith.constant 10 : i32
    %lt3A_211 = arith.cmpi slt, %arg1, %lt3A_210 : i32
    %convert_element_type3A_212 = arith.extui %lt3A_211 : i1 to i32
    %cond3A_213 = arith.constant 0 : i32
    %cond3A_214 = arith.cmpi ne, %convert_element_type3A_212, %cond3A_213 : i32
    scf.if %cond3A_214 {
      %mul3A_215 = arith.constant 1000 : i32
      %mul3A_216 = arith.muli %arg1, %mul3A_215 : i32
      "tpu.region"() ({
        %run_scoped3A_217 = tpu.sem_alloc : memref<!tpu.dma_semaphore, #tpu.memory_space<semaphore_mem>>
        %dma_start3A_218 = arith.constant 0 : i32
        %dma_start3A_219 = arith.constant 0 : i32
        %dma_start3A_220 = tpu.memref_slice %arg6[%arg0, %dma_start3A_218, %dma_start3A_219] : memref<2x10000x128xf32, #tpu.memory_space<hbm>> -> memref<1x10000x128xf32, #tpu.memory_space<hbm>>
        %dma_start3A_221 = tpu.memref_squeeze %dma_start3A_220 : memref<1x10000x128xf32, #tpu.memory_space<hbm>> -> memref<10000x128xf32, #tpu.memory_space<hbm>>
        %dma_start3A_222 = arith.constant 0 : i32
        %dma_start3A_223 = tpu.memref_slice %dma_start3A_221[%mul3A_216, %dma_start3A_222] : memref<10000x128xf32, #tpu.memory_space<hbm>> -> memref<1000x128xf32, #tpu.memory_space<hbm>>
        %dma_start3A_224 = arith.constant 0 : i32
        %dma_start3A_225 = tpu.memref_slice %arg23[%mul3A_216, %dma_start3A_224] : memref<10000x128xf32, #tpu.memory_space<vmem_shared>> -> memref<1000x128xf32, #tpu.memory_space<vmem_shared>>
        tpu.enqueue_dma source(%dma_start3A_225 : memref<1000x128xf32, #tpu.memory_space<vmem_shared>>) target(%dma_start3A_223 : memref<1000x128xf32, #tpu.memory_space<hbm>>) target_semaphore(%run_scoped3A_217 : memref<!tpu.dma_semaphore, #tpu.memory_space<semaphore_mem>>)
        %dma_wait3A_226 = arith.constant 0 : i32
        %dma_wait3A_227 = arith.constant 0 : i32
        %dma_wait3A_228 = tpu.memref_slice %arg6[%arg0, %dma_wait3A_226, %dma_wait3A_227] : memref<2x10000x128xf32, #tpu.memory_space<hbm>> -> memref<1x10000x128xf32, #tpu.memory_space<hbm>>
        %dma_wait3A_229 = tpu.memref_squeeze %dma_wait3A_228 : memref<1x10000x128xf32, #tpu.memory_space<hbm>> -> memref<10000x128xf32, #tpu.memory_space<hbm>>
        %dma_wait3A_230 = arith.constant 0 : i32
        %dma_wait3A_231 = tpu.memref_slice %dma_wait3A_229[%mul3A_216, %dma_wait3A_230] : memref<10000x128xf32, #tpu.memory_space<hbm>> -> memref<1000x128xf32, #tpu.memory_space<hbm>>
        %dma_wait3A_232 = arith.constant 0 : i32
        %dma_wait3A_233 = tpu.memref_slice %arg23[%mul3A_216, %dma_wait3A_232] : memref<10000x128xf32, #tpu.memory_space<vmem_shared>> -> memref<1000x128xf32, #tpu.memory_space<vmem_shared>>
        tpu.wait_dma2 semaphore(%run_scoped3A_217 : memref<!tpu.dma_semaphore, #tpu.memory_space<semaphore_mem>>) src(%dma_wait3A_233 : memref<1000x128xf32, #tpu.memory_space<vmem_shared>>) dst(%dma_wait3A_231 : memref<1000x128xf32, #tpu.memory_space<hbm>>)
        tpu.yield
      }) : () -> ()
    } else {
    }
    return
  }
}

#map = affine_map<(d0, d1) -> (0, 0)>
#map1 = affine_map<(d0, d1) -> (0, 0, 0, 0)>
#map2 = affine_map<(d0, d1) -> (0, 0, 0)>
module attributes {stable_mosaic.version = 14 : i64} {
  func.func @_agg_body(%arg0: i32, %arg1: i32, %arg2: memref<10000x128xf32, #tpu.memory_space<hbm>>, %arg3: memref<32x125x1x80xi32, #tpu.memory_space<hbm>>, %arg4: memref<32x125x80xi32, #tpu.memory_space<hbm>>, %arg5: memref<1000x128xf32, #tpu.memory_space<hbm>>, %arg6: memref<2x10000x128xf32, #tpu.memory_space<hbm>>, %arg7: memref<125x80xi32, #tpu.memory_space<vmem>>, %arg8: memref<80x128xf32, #tpu.memory_space<vmem>>, %arg9: memref<80x128xf32, #tpu.memory_space<vmem>>, %arg10: memref<80x128xf32, #tpu.memory_space<vmem>>, %arg11: memref<!tpu.dma_semaphore, #tpu.memory_space<semaphore_mem>>, %arg12: memref<!tpu.dma_semaphore, #tpu.memory_space<semaphore_mem>>, %arg13: memref<!tpu.dma_semaphore, #tpu.memory_space<semaphore_mem>>, %arg14: memref<!tpu.dma_semaphore, #tpu.memory_space<semaphore_mem>>, %arg15: memref<!tpu.dma_semaphore, #tpu.memory_space<semaphore_mem>>, %arg16: memref<!tpu.dma_semaphore, #tpu.memory_space<semaphore_mem>>, %arg17: memref<1x80xi32, #tpu.memory_space<vmem>>, %arg18: memref<1x80xi32, #tpu.memory_space<vmem>>, %arg19: memref<1x80xi32, #tpu.memory_space<vmem>>, %arg20: memref<!tpu.dma_semaphore, #tpu.memory_space<semaphore_mem>>, %arg21: memref<!tpu.dma_semaphore, #tpu.memory_space<semaphore_mem>>, %arg22: memref<!tpu.dma_semaphore, #tpu.memory_space<semaphore_mem>>, %arg23: memref<10000x128xf32, #tpu.memory_space<vmem_shared>>) attributes {dimension_semantics = [#tpu.dimension_semantics<core_parallel>, #tpu.dimension_semantics<subcore_parallel>], iteration_bounds = array<i64: 2, 16>, scalar_prefetch = 0 : i64, scratch_operands = 17 : i64, tpu.core_type = #tpu.core_type<sc_vector_subcore>, window_params = [{transform_indices = #map}, {transform_indices = #map1}, {transform_indices = #map2}, {transform_indices = #map}, {transform_indices = #map2}]} {
    %mul3A = arith.constant 16 : i32
    %mul3A_0 = arith.muli %arg0, %mul3A : i32
    %add3A = arith.addi %mul3A_0, %arg1 : i32
    "tpu.region"() ({
      %run_scoped3A_215 = tpu.sem_alloc : memref<!tpu.dma_semaphore, #tpu.memory_space<semaphore_mem>>
      %dma_start3A_216 = arith.constant 0 : i32
      %dma_start3A_217 = arith.constant 0 : i32
      %dma_start3A_218 = tpu.memref_slice %arg4[%add3A, %dma_start3A_216, %dma_start3A_217] : memref<32x125x80xi32, #tpu.memory_space<hbm>> -> memref<1x125x80xi32, #tpu.memory_space<hbm>>
      %dma_start3A_219 = tpu.memref_squeeze %dma_start3A_218 : memref<1x125x80xi32, #tpu.memory_space<hbm>> -> memref<125x80xi32, #tpu.memory_space<hbm>>
      %dma_start3A_220 = arith.constant 0 : i32
      %dma_start3A_221 = arith.constant 0 : i32
      %dma_start3A_222 = tpu.memref_slice %arg4[%add3A, %dma_start3A_220, %dma_start3A_221] : memref<32x125x80xi32, #tpu.memory_space<hbm>> -> memref<1x125x80xi32, #tpu.memory_space<hbm>>
      %dma_start3A_223 = tpu.memref_squeeze %dma_start3A_222 : memref<1x125x80xi32, #tpu.memory_space<hbm>> -> memref<125x80xi32, #tpu.memory_space<hbm>>
      tpu.enqueue_dma source(%dma_start3A_223 : memref<125x80xi32, #tpu.memory_space<hbm>>) target(%arg7 : memref<125x80xi32, #tpu.memory_space<vmem>>) target_semaphore(%run_scoped3A_215 : memref<!tpu.dma_semaphore, #tpu.memory_space<semaphore_mem>>)
      %dma_wait3A_224 = arith.constant 0 : i32
      %dma_wait3A_225 = arith.constant 0 : i32
      %dma_wait3A_226 = tpu.memref_slice %arg4[%add3A, %dma_wait3A_224, %dma_wait3A_225] : memref<32x125x80xi32, #tpu.memory_space<hbm>> -> memref<1x125x80xi32, #tpu.memory_space<hbm>>
      %dma_wait3A_227 = tpu.memref_squeeze %dma_wait3A_226 : memref<1x125x80xi32, #tpu.memory_space<hbm>> -> memref<125x80xi32, #tpu.memory_space<hbm>>
      %dma_wait3A_228 = arith.constant 0 : i32
      %dma_wait3A_229 = arith.constant 0 : i32
      %dma_wait3A_230 = tpu.memref_slice %arg4[%add3A, %dma_wait3A_228, %dma_wait3A_229] : memref<32x125x80xi32, #tpu.memory_space<hbm>> -> memref<1x125x80xi32, #tpu.memory_space<hbm>>
      %dma_wait3A_231 = tpu.memref_squeeze %dma_wait3A_230 : memref<1x125x80xi32, #tpu.memory_space<hbm>> -> memref<125x80xi32, #tpu.memory_space<hbm>>
      tpu.wait_dma2 semaphore(%run_scoped3A_215 : memref<!tpu.dma_semaphore, #tpu.memory_space<semaphore_mem>>) src(%dma_wait3A_231 : memref<125x80xi32, #tpu.memory_space<hbm>>) dst(%arg7 : memref<125x80xi32, #tpu.memory_space<vmem>>)
      tpu.yield
    }) : () -> ()
    %lt3A = arith.constant 10 : i32
    %lt3A_1 = arith.cmpi slt, %arg1, %lt3A : i32
    %convert_element_type3A = arith.extui %lt3A_1 : i1 to i32
    %cond3A = arith.constant 0 : i32
    %cond3A_2 = arith.cmpi ne, %convert_element_type3A, %cond3A : i32
    scf.if %cond3A_2 {
      %mul3A_215 = arith.constant 1000 : i32
      %mul3A_216 = arith.muli %arg1, %mul3A_215 : i32
      "tpu.region"() ({
        %run_scoped3A_217 = tpu.sem_alloc : memref<!tpu.dma_semaphore, #tpu.memory_space<semaphore_mem>>
        %dma_start3A_218 = arith.constant 0 : i32
        %dma_start3A_219 = tpu.memref_slice %arg23[%mul3A_216, %dma_start3A_218] : memref<10000x128xf32, #tpu.memory_space<vmem_shared>> -> memref<1000x128xf32, #tpu.memory_space<vmem_shared>>
        tpu.enqueue_dma source(%arg5 : memref<1000x128xf32, #tpu.memory_space<hbm>>) target(%dma_start3A_219 : memref<1000x128xf32, #tpu.memory_space<vmem_shared>>) target_semaphore(%run_scoped3A_217 : memref<!tpu.dma_semaphore, #tpu.memory_space<semaphore_mem>>)
        %dma_wait3A_220 = arith.constant 0 : i32
        %dma_wait3A_221 = tpu.memref_slice %arg23[%mul3A_216, %dma_wait3A_220] : memref<10000x128xf32, #tpu.memory_space<vmem_shared>> -> memref<1000x128xf32, #tpu.memory_space<vmem_shared>>
        tpu.wait_dma2 semaphore(%run_scoped3A_217 : memref<!tpu.dma_semaphore, #tpu.memory_space<semaphore_mem>>) src(%arg5 : memref<1000x128xf32, #tpu.memory_space<hbm>>) dst(%dma_wait3A_221 : memref<1000x128xf32, #tpu.memory_space<vmem_shared>>)
        tpu.yield
      }) : () -> ()
    } else {
    }
    %barrier3A = arith.constant 0 : index
    tpu.barrier barrier_id(%barrier3A)
    %dma_start3A = arith.constant 0 : i32
    %dma_start3A_3 = arith.constant 0 : i32
    %dma_start3A_4 = arith.constant 0 : i32
    %dma_start3A_5 = tpu.memref_slice %arg3[%add3A, %dma_start3A, %dma_start3A_3, %dma_start3A_4] : memref<32x125x1x80xi32, #tpu.memory_space<hbm>> -> memref<1x1x1x80xi32, #tpu.memory_space<hbm>>
    %dma_start3A_6 = tpu.memref_squeeze %dma_start3A_5 : memref<1x1x1x80xi32, #tpu.memory_space<hbm>> -> memref<1x80xi32, #tpu.memory_space<hbm>>
    %dma_start3A_7 = arith.constant 0 : i32
    %dma_start3A_8 = arith.constant 0 : i32
    %dma_start3A_9 = tpu.memref_slice %arg3[%add3A, %dma_start3A, %dma_start3A_7, %dma_start3A_8] : memref<32x125x1x80xi32, #tpu.memory_space<hbm>> -> memref<1x1x1x80xi32, #tpu.memory_space<hbm>>
    %dma_start3A_10 = tpu.memref_squeeze %dma_start3A_9 : memref<1x1x1x80xi32, #tpu.memory_space<hbm>> -> memref<1x80xi32, #tpu.memory_space<hbm>>
    tpu.enqueue_dma source(%dma_start3A_10 : memref<1x80xi32, #tpu.memory_space<hbm>>) target(%arg17 : memref<1x80xi32, #tpu.memory_space<vmem>>) target_semaphore(%arg20 : memref<!tpu.dma_semaphore, #tpu.memory_space<semaphore_mem>>)
    %dma_wait3A = arith.constant 0 : i32
    %dma_wait3A_11 = arith.constant 0 : i32
    %dma_wait3A_12 = arith.constant 0 : i32
    %dma_wait3A_13 = tpu.memref_slice %arg3[%add3A, %dma_wait3A, %dma_wait3A_11, %dma_wait3A_12] : memref<32x125x1x80xi32, #tpu.memory_space<hbm>> -> memref<1x1x1x80xi32, #tpu.memory_space<hbm>>
    %dma_wait3A_14 = tpu.memref_squeeze %dma_wait3A_13 : memref<1x1x1x80xi32, #tpu.memory_space<hbm>> -> memref<1x80xi32, #tpu.memory_space<hbm>>
    %dma_wait3A_15 = arith.constant 0 : i32
    %dma_wait3A_16 = arith.constant 0 : i32
    %dma_wait3A_17 = tpu.memref_slice %arg3[%add3A, %dma_wait3A, %dma_wait3A_15, %dma_wait3A_16] : memref<32x125x1x80xi32, #tpu.memory_space<hbm>> -> memref<1x1x1x80xi32, #tpu.memory_space<hbm>>
    %dma_wait3A_18 = tpu.memref_squeeze %dma_wait3A_17 : memref<1x1x1x80xi32, #tpu.memory_space<hbm>> -> memref<1x80xi32, #tpu.memory_space<hbm>>
    tpu.wait_dma2 semaphore(%arg20 : memref<!tpu.dma_semaphore, #tpu.memory_space<semaphore_mem>>) src(%dma_wait3A_18 : memref<1x80xi32, #tpu.memory_space<hbm>>) dst(%arg17 : memref<1x80xi32, #tpu.memory_space<vmem>>)
    %dma_start3A_19 = arith.constant 0 : i32
    %dma_start3A_20 = arith.constant 0 : i32
    %dma_start3A_21 = tpu.memref_slice %arg17[%dma_start3A_19, %dma_start3A_20] : memref<1x80xi32, #tpu.memory_space<vmem>> -> memref<1x80xi32, #tpu.memory_space<vmem>>
    %dma_start3A_22 = tpu.memref_squeeze %dma_start3A_21 : memref<1x80xi32, #tpu.memory_space<vmem>> -> memref<80xi32, #tpu.memory_space<vmem>>
    %dma_start3A_23 = arith.constant 0 : i32
    %dma_start3A_24 = arith.constant 0 : i32
    %dma_start3A_25 = tpu.memref_slice %arg2[%dma_start3A_23, %dma_start3A_24] : memref<10000x128xf32, #tpu.memory_space<hbm>> -> memref<10000x128xf32, #tpu.memory_space<hbm>>
    tpu.enqueue_indirect_dma source(%dma_start3A_25 : memref<10000x128xf32, #tpu.memory_space<hbm>>) target(%arg8 : memref<80x128xf32, #tpu.memory_space<vmem>>) offsets(%dma_start3A_22 : memref<80xi32, #tpu.memory_space<vmem>>) semaphore(%arg11 : memref<!tpu.dma_semaphore, #tpu.memory_space<semaphore_mem>>)
    %dma_start3A_26 = arith.constant 1 : i32
    %dma_start3A_27 = arith.constant 0 : i32
    %dma_start3A_28 = arith.constant 0 : i32
    %dma_start3A_29 = tpu.memref_slice %arg3[%add3A, %dma_start3A_26, %dma_start3A_27, %dma_start3A_28] : memref<32x125x1x80xi32, #tpu.memory_space<hbm>> -> memref<1x1x1x80xi32, #tpu.memory_space<hbm>>
    %dma_start3A_30 = tpu.memref_squeeze %dma_start3A_29 : memref<1x1x1x80xi32, #tpu.memory_space<hbm>> -> memref<1x80xi32, #tpu.memory_space<hbm>>
    %dma_start3A_31 = arith.constant 0 : i32
    %dma_start3A_32 = arith.constant 0 : i32
    %dma_start3A_33 = tpu.memref_slice %arg3[%add3A, %dma_start3A_26, %dma_start3A_31, %dma_start3A_32] : memref<32x125x1x80xi32, #tpu.memory_space<hbm>> -> memref<1x1x1x80xi32, #tpu.memory_space<hbm>>
    %dma_start3A_34 = tpu.memref_squeeze %dma_start3A_33 : memref<1x1x1x80xi32, #tpu.memory_space<hbm>> -> memref<1x80xi32, #tpu.memory_space<hbm>>
    tpu.enqueue_dma source(%dma_start3A_34 : memref<1x80xi32, #tpu.memory_space<hbm>>) target(%arg18 : memref<1x80xi32, #tpu.memory_space<vmem>>) target_semaphore(%arg21 : memref<!tpu.dma_semaphore, #tpu.memory_space<semaphore_mem>>)
    %dma_wait3A_35 = arith.constant 1 : i32
    %dma_wait3A_36 = arith.constant 0 : i32
    %dma_wait3A_37 = arith.constant 0 : i32
    %dma_wait3A_38 = tpu.memref_slice %arg3[%add3A, %dma_wait3A_35, %dma_wait3A_36, %dma_wait3A_37] : memref<32x125x1x80xi32, #tpu.memory_space<hbm>> -> memref<1x1x1x80xi32, #tpu.memory_space<hbm>>
    %dma_wait3A_39 = tpu.memref_squeeze %dma_wait3A_38 : memref<1x1x1x80xi32, #tpu.memory_space<hbm>> -> memref<1x80xi32, #tpu.memory_space<hbm>>
    %dma_wait3A_40 = arith.constant 0 : i32
    %dma_wait3A_41 = arith.constant 0 : i32
    %dma_wait3A_42 = tpu.memref_slice %arg3[%add3A, %dma_wait3A_35, %dma_wait3A_40, %dma_wait3A_41] : memref<32x125x1x80xi32, #tpu.memory_space<hbm>> -> memref<1x1x1x80xi32, #tpu.memory_space<hbm>>
    %dma_wait3A_43 = tpu.memref_squeeze %dma_wait3A_42 : memref<1x1x1x80xi32, #tpu.memory_space<hbm>> -> memref<1x80xi32, #tpu.memory_space<hbm>>
    tpu.wait_dma2 semaphore(%arg21 : memref<!tpu.dma_semaphore, #tpu.memory_space<semaphore_mem>>) src(%dma_wait3A_43 : memref<1x80xi32, #tpu.memory_space<hbm>>) dst(%arg18 : memref<1x80xi32, #tpu.memory_space<vmem>>)
    %dma_start3A_44 = arith.constant 0 : i32
    %dma_start3A_45 = arith.constant 0 : i32
    %dma_start3A_46 = tpu.memref_slice %arg18[%dma_start3A_44, %dma_start3A_45] : memref<1x80xi32, #tpu.memory_space<vmem>> -> memref<1x80xi32, #tpu.memory_space<vmem>>
    %dma_start3A_47 = tpu.memref_squeeze %dma_start3A_46 : memref<1x80xi32, #tpu.memory_space<vmem>> -> memref<80xi32, #tpu.memory_space<vmem>>
    %dma_start3A_48 = arith.constant 0 : i32
    %dma_start3A_49 = arith.constant 0 : i32
    %dma_start3A_50 = tpu.memref_slice %arg2[%dma_start3A_48, %dma_start3A_49] : memref<10000x128xf32, #tpu.memory_space<hbm>> -> memref<10000x128xf32, #tpu.memory_space<hbm>>
    tpu.enqueue_indirect_dma source(%dma_start3A_50 : memref<10000x128xf32, #tpu.memory_space<hbm>>) target(%arg9 : memref<80x128xf32, #tpu.memory_space<vmem>>) offsets(%dma_start3A_47 : memref<80xi32, #tpu.memory_space<vmem>>) semaphore(%arg12 : memref<!tpu.dma_semaphore, #tpu.memory_space<semaphore_mem>>)
    %dma_start3A_51 = arith.constant 2 : i32
    %dma_start3A_52 = arith.constant 0 : i32
    %dma_start3A_53 = arith.constant 0 : i32
    %dma_start3A_54 = tpu.memref_slice %arg3[%add3A, %dma_start3A_51, %dma_start3A_52, %dma_start3A_53] : memref<32x125x1x80xi32, #tpu.memory_space<hbm>> -> memref<1x1x1x80xi32, #tpu.memory_space<hbm>>
    %dma_start3A_55 = tpu.memref_squeeze %dma_start3A_54 : memref<1x1x1x80xi32, #tpu.memory_space<hbm>> -> memref<1x80xi32, #tpu.memory_space<hbm>>
    %dma_start3A_56 = arith.constant 0 : i32
    %dma_start3A_57 = arith.constant 0 : i32
    %dma_start3A_58 = tpu.memref_slice %arg3[%add3A, %dma_start3A_51, %dma_start3A_56, %dma_start3A_57] : memref<32x125x1x80xi32, #tpu.memory_space<hbm>> -> memref<1x1x1x80xi32, #tpu.memory_space<hbm>>
    %dma_start3A_59 = tpu.memref_squeeze %dma_start3A_58 : memref<1x1x1x80xi32, #tpu.memory_space<hbm>> -> memref<1x80xi32, #tpu.memory_space<hbm>>
    tpu.enqueue_dma source(%dma_start3A_59 : memref<1x80xi32, #tpu.memory_space<hbm>>) target(%arg19 : memref<1x80xi32, #tpu.memory_space<vmem>>) target_semaphore(%arg22 : memref<!tpu.dma_semaphore, #tpu.memory_space<semaphore_mem>>)
    %dma_wait3A_60 = arith.constant 2 : i32
    %dma_wait3A_61 = arith.constant 0 : i32
    %dma_wait3A_62 = arith.constant 0 : i32
    %dma_wait3A_63 = tpu.memref_slice %arg3[%add3A, %dma_wait3A_60, %dma_wait3A_61, %dma_wait3A_62] : memref<32x125x1x80xi32, #tpu.memory_space<hbm>> -> memref<1x1x1x80xi32, #tpu.memory_space<hbm>>
    %dma_wait3A_64 = tpu.memref_squeeze %dma_wait3A_63 : memref<1x1x1x80xi32, #tpu.memory_space<hbm>> -> memref<1x80xi32, #tpu.memory_space<hbm>>
    %dma_wait3A_65 = arith.constant 0 : i32
    %dma_wait3A_66 = arith.constant 0 : i32
    %dma_wait3A_67 = tpu.memref_slice %arg3[%add3A, %dma_wait3A_60, %dma_wait3A_65, %dma_wait3A_66] : memref<32x125x1x80xi32, #tpu.memory_space<hbm>> -> memref<1x1x1x80xi32, #tpu.memory_space<hbm>>
    %dma_wait3A_68 = tpu.memref_squeeze %dma_wait3A_67 : memref<1x1x1x80xi32, #tpu.memory_space<hbm>> -> memref<1x80xi32, #tpu.memory_space<hbm>>
    tpu.wait_dma2 semaphore(%arg22 : memref<!tpu.dma_semaphore, #tpu.memory_space<semaphore_mem>>) src(%dma_wait3A_68 : memref<1x80xi32, #tpu.memory_space<hbm>>) dst(%arg19 : memref<1x80xi32, #tpu.memory_space<vmem>>)
    %dma_start3A_69 = arith.constant 0 : i32
    %dma_start3A_70 = arith.constant 0 : i32
    %dma_start3A_71 = tpu.memref_slice %arg19[%dma_start3A_69, %dma_start3A_70] : memref<1x80xi32, #tpu.memory_space<vmem>> -> memref<1x80xi32, #tpu.memory_space<vmem>>
    %dma_start3A_72 = tpu.memref_squeeze %dma_start3A_71 : memref<1x80xi32, #tpu.memory_space<vmem>> -> memref<80xi32, #tpu.memory_space<vmem>>
    %dma_start3A_73 = arith.constant 0 : i32
    %dma_start3A_74 = arith.constant 0 : i32
    %dma_start3A_75 = tpu.memref_slice %arg2[%dma_start3A_73, %dma_start3A_74] : memref<10000x128xf32, #tpu.memory_space<hbm>> -> memref<10000x128xf32, #tpu.memory_space<hbm>>
    tpu.enqueue_indirect_dma source(%dma_start3A_75 : memref<10000x128xf32, #tpu.memory_space<hbm>>) target(%arg10 : memref<80x128xf32, #tpu.memory_space<vmem>>) offsets(%dma_start3A_72 : memref<80xi32, #tpu.memory_space<vmem>>) semaphore(%arg13 : memref<!tpu.dma_semaphore, #tpu.memory_space<semaphore_mem>>)
    %scan3A = arith.constant 0 : i32
    %scan3A_76 = arith.constant 0 : i32
    %scan3A_77 = arith.constant 40 : i32
    %scan3A_78 = arith.addi %scan3A_76, %scan3A_77 : i32
    %scan3A_79 = arith.constant 1 : i32
    scf.for %scan3A_215 = %scan3A_76 to %scan3A_78 step %scan3A_79  : i32 {
      %mul3A_216 = arith.constant 3 : i32
      %mul3A_217 = arith.muli %mul3A_216, %scan3A_215 : i32
      %dma_wait3A_218 = arith.constant 0 : i32
      %dma_wait3A_219 = arith.constant 0 : i32
      %dma_wait3A_220 = tpu.memref_slice %arg17[%dma_wait3A_218, %dma_wait3A_219] : memref<1x80xi32, #tpu.memory_space<vmem>> -> memref<1x80xi32, #tpu.memory_space<vmem>>
      %dma_wait3A_221 = tpu.memref_squeeze %dma_wait3A_220 : memref<1x80xi32, #tpu.memory_space<vmem>> -> memref<80xi32, #tpu.memory_space<vmem>>
      %dma_wait3A_222 = arith.constant 0 : i32
      %dma_wait3A_223 = arith.constant 0 : i32
      %dma_wait3A_224 = tpu.memref_slice %arg2[%dma_wait3A_222, %dma_wait3A_223] : memref<10000x128xf32, #tpu.memory_space<hbm>> -> memref<10000x128xf32, #tpu.memory_space<hbm>>
      tpu.wait_indirect_dma semaphore(%arg11 : memref<!tpu.dma_semaphore, #tpu.memory_space<semaphore_mem>>) src(%dma_wait3A_224 : memref<10000x128xf32, #tpu.memory_space<hbm>>) dst(%arg8 : memref<80x128xf32, #tpu.memory_space<vmem>>)
      %add3A_225 = arith.constant 0 : i32
      %add3A_226 = arith.addi %mul3A_217, %add3A_225 : i32
      %dma_start3A_227 = arith.constant 0 : i32
      %dma_start3A_228 = tpu.memref_slice %arg7[%add3A_226, %dma_start3A_227] : memref<125x80xi32, #tpu.memory_space<vmem>> -> memref<1x80xi32, #tpu.memory_space<vmem>>
      %dma_start3A_229 = tpu.memref_squeeze %dma_start3A_228 : memref<1x80xi32, #tpu.memory_space<vmem>> -> memref<80xi32, #tpu.memory_space<vmem>>
      %dma_start3A_230 = arith.constant 0 : i32
      %dma_start3A_231 = arith.constant 0 : i32
      %dma_start3A_232 = tpu.memref_slice %arg23[%dma_start3A_230, %dma_start3A_231] : memref<10000x128xf32, #tpu.memory_space<vmem_shared>> -> memref<10000x128xf32, #tpu.memory_space<vmem_shared>>
      tpu.enqueue_indirect_dma source(%arg8 : memref<80x128xf32, #tpu.memory_space<vmem>>) target(%dma_start3A_232 : memref<10000x128xf32, #tpu.memory_space<vmem_shared>>) offsets(%dma_start3A_229 : memref<80xi32, #tpu.memory_space<vmem>>) semaphore(%arg14 : memref<!tpu.dma_semaphore, #tpu.memory_space<semaphore_mem>>) {add = true}
      %add3A_233 = arith.constant 0 : i32
      %add3A_234 = arith.addi %mul3A_217, %add3A_233 : i32
      %add3A_235 = arith.constant 3 : i32
      %add3A_236 = arith.addi %add3A_234, %add3A_235 : i32
      %dma_start3A_237 = arith.constant 0 : i32
      %dma_start3A_238 = arith.constant 0 : i32
      %dma_start3A_239 = tpu.memref_slice %arg3[%add3A, %add3A_236, %dma_start3A_237, %dma_start3A_238] : memref<32x125x1x80xi32, #tpu.memory_space<hbm>> -> memref<1x1x1x80xi32, #tpu.memory_space<hbm>>
      %dma_start3A_240 = tpu.memref_squeeze %dma_start3A_239 : memref<1x1x1x80xi32, #tpu.memory_space<hbm>> -> memref<1x80xi32, #tpu.memory_space<hbm>>
      %dma_start3A_241 = arith.constant 0 : i32
      %dma_start3A_242 = arith.constant 0 : i32
      %dma_start3A_243 = tpu.memref_slice %arg3[%add3A, %add3A_236, %dma_start3A_241, %dma_start3A_242] : memref<32x125x1x80xi32, #tpu.memory_space<hbm>> -> memref<1x1x1x80xi32, #tpu.memory_space<hbm>>
      %dma_start3A_244 = tpu.memref_squeeze %dma_start3A_243 : memref<1x1x1x80xi32, #tpu.memory_space<hbm>> -> memref<1x80xi32, #tpu.memory_space<hbm>>
      tpu.enqueue_dma source(%dma_start3A_244 : memref<1x80xi32, #tpu.memory_space<hbm>>) target(%arg17 : memref<1x80xi32, #tpu.memory_space<vmem>>) target_semaphore(%arg20 : memref<!tpu.dma_semaphore, #tpu.memory_space<semaphore_mem>>)
      %dma_wait3A_245 = arith.constant 0 : i32
      %dma_wait3A_246 = arith.constant 0 : i32
      %dma_wait3A_247 = tpu.memref_slice %arg18[%dma_wait3A_245, %dma_wait3A_246] : memref<1x80xi32, #tpu.memory_space<vmem>> -> memref<1x80xi32, #tpu.memory_space<vmem>>
      %dma_wait3A_248 = tpu.memref_squeeze %dma_wait3A_247 : memref<1x80xi32, #tpu.memory_space<vmem>> -> memref<80xi32, #tpu.memory_space<vmem>>
      %dma_wait3A_249 = arith.constant 0 : i32
      %dma_wait3A_250 = arith.constant 0 : i32
      %dma_wait3A_251 = tpu.memref_slice %arg2[%dma_wait3A_249, %dma_wait3A_250] : memref<10000x128xf32, #tpu.memory_space<hbm>> -> memref<10000x128xf32, #tpu.memory_space<hbm>>
      tpu.wait_indirect_dma semaphore(%arg12 : memref<!tpu.dma_semaphore, #tpu.memory_space<semaphore_mem>>) src(%dma_wait3A_251 : memref<10000x128xf32, #tpu.memory_space<hbm>>) dst(%arg9 : memref<80x128xf32, #tpu.memory_space<vmem>>)
      %add3A_252 = arith.constant 1 : i32
      %add3A_253 = arith.addi %mul3A_217, %add3A_252 : i32
      %dma_start3A_254 = arith.constant 0 : i32
      %dma_start3A_255 = tpu.memref_slice %arg7[%add3A_253, %dma_start3A_254] : memref<125x80xi32, #tpu.memory_space<vmem>> -> memref<1x80xi32, #tpu.memory_space<vmem>>
      %dma_start3A_256 = tpu.memref_squeeze %dma_start3A_255 : memref<1x80xi32, #tpu.memory_space<vmem>> -> memref<80xi32, #tpu.memory_space<vmem>>
      %dma_start3A_257 = arith.constant 0 : i32
      %dma_start3A_258 = arith.constant 0 : i32
      %dma_start3A_259 = tpu.memref_slice %arg23[%dma_start3A_257, %dma_start3A_258] : memref<10000x128xf32, #tpu.memory_space<vmem_shared>> -> memref<10000x128xf32, #tpu.memory_space<vmem_shared>>
      tpu.enqueue_indirect_dma source(%arg9 : memref<80x128xf32, #tpu.memory_space<vmem>>) target(%dma_start3A_259 : memref<10000x128xf32, #tpu.memory_space<vmem_shared>>) offsets(%dma_start3A_256 : memref<80xi32, #tpu.memory_space<vmem>>) semaphore(%arg15 : memref<!tpu.dma_semaphore, #tpu.memory_space<semaphore_mem>>) {add = true}
      %add3A_260 = arith.constant 1 : i32
      %add3A_261 = arith.addi %mul3A_217, %add3A_260 : i32
      %add3A_262 = arith.constant 3 : i32
      %add3A_263 = arith.addi %add3A_261, %add3A_262 : i32
      %dma_start3A_264 = arith.constant 0 : i32
      %dma_start3A_265 = arith.constant 0 : i32
      %dma_start3A_266 = tpu.memref_slice %arg3[%add3A, %add3A_263, %dma_start3A_264, %dma_start3A_265] : memref<32x125x1x80xi32, #tpu.memory_space<hbm>> -> memref<1x1x1x80xi32, #tpu.memory_space<hbm>>
      %dma_start3A_267 = tpu.memref_squeeze %dma_start3A_266 : memref<1x1x1x80xi32, #tpu.memory_space<hbm>> -> memref<1x80xi32, #tpu.memory_space<hbm>>
      %dma_start3A_268 = arith.constant 0 : i32
      %dma_start3A_269 = arith.constant 0 : i32
      %dma_start3A_270 = tpu.memref_slice %arg3[%add3A, %add3A_263, %dma_start3A_268, %dma_start3A_269] : memref<32x125x1x80xi32, #tpu.memory_space<hbm>> -> memref<1x1x1x80xi32, #tpu.memory_space<hbm>>
      %dma_start3A_271 = tpu.memref_squeeze %dma_start3A_270 : memref<1x1x1x80xi32, #tpu.memory_space<hbm>> -> memref<1x80xi32, #tpu.memory_space<hbm>>
      tpu.enqueue_dma source(%dma_start3A_271 : memref<1x80xi32, #tpu.memory_space<hbm>>) target(%arg18 : memref<1x80xi32, #tpu.memory_space<vmem>>) target_semaphore(%arg21 : memref<!tpu.dma_semaphore, #tpu.memory_space<semaphore_mem>>)
      %dma_wait3A_272 = arith.constant 0 : i32
      %dma_wait3A_273 = arith.constant 0 : i32
      %dma_wait3A_274 = tpu.memref_slice %arg19[%dma_wait3A_272, %dma_wait3A_273] : memref<1x80xi32, #tpu.memory_space<vmem>> -> memref<1x80xi32, #tpu.memory_space<vmem>>
      %dma_wait3A_275 = tpu.memref_squeeze %dma_wait3A_274 : memref<1x80xi32, #tpu.memory_space<vmem>> -> memref<80xi32, #tpu.memory_space<vmem>>
      %dma_wait3A_276 = arith.constant 0 : i32
      %dma_wait3A_277 = arith.constant 0 : i32
      %dma_wait3A_278 = tpu.memref_slice %arg2[%dma_wait3A_276, %dma_wait3A_277] : memref<10000x128xf32, #tpu.memory_space<hbm>> -> memref<10000x128xf32, #tpu.memory_space<hbm>>
      tpu.wait_indirect_dma semaphore(%arg13 : memref<!tpu.dma_semaphore, #tpu.memory_space<semaphore_mem>>) src(%dma_wait3A_278 : memref<10000x128xf32, #tpu.memory_space<hbm>>) dst(%arg10 : memref<80x128xf32, #tpu.memory_space<vmem>>)
      %add3A_279 = arith.constant 2 : i32
      %add3A_280 = arith.addi %mul3A_217, %add3A_279 : i32
      %dma_start3A_281 = arith.constant 0 : i32
      %dma_start3A_282 = tpu.memref_slice %arg7[%add3A_280, %dma_start3A_281] : memref<125x80xi32, #tpu.memory_space<vmem>> -> memref<1x80xi32, #tpu.memory_space<vmem>>
      %dma_start3A_283 = tpu.memref_squeeze %dma_start3A_282 : memref<1x80xi32, #tpu.memory_space<vmem>> -> memref<80xi32, #tpu.memory_space<vmem>>
      %dma_start3A_284 = arith.constant 0 : i32
      %dma_start3A_285 = arith.constant 0 : i32
      %dma_start3A_286 = tpu.memref_slice %arg23[%dma_start3A_284, %dma_start3A_285] : memref<10000x128xf32, #tpu.memory_space<vmem_shared>> -> memref<10000x128xf32, #tpu.memory_space<vmem_shared>>
      tpu.enqueue_indirect_dma source(%arg10 : memref<80x128xf32, #tpu.memory_space<vmem>>) target(%dma_start3A_286 : memref<10000x128xf32, #tpu.memory_space<vmem_shared>>) offsets(%dma_start3A_283 : memref<80xi32, #tpu.memory_space<vmem>>) semaphore(%arg16 : memref<!tpu.dma_semaphore, #tpu.memory_space<semaphore_mem>>) {add = true}
      %add3A_287 = arith.constant 2 : i32
      %add3A_288 = arith.addi %mul3A_217, %add3A_287 : i32
      %add3A_289 = arith.constant 3 : i32
      %add3A_290 = arith.addi %add3A_288, %add3A_289 : i32
      %dma_start3A_291 = arith.constant 0 : i32
      %dma_start3A_292 = arith.constant 0 : i32
      %dma_start3A_293 = tpu.memref_slice %arg3[%add3A, %add3A_290, %dma_start3A_291, %dma_start3A_292] : memref<32x125x1x80xi32, #tpu.memory_space<hbm>> -> memref<1x1x1x80xi32, #tpu.memory_space<hbm>>
      %dma_start3A_294 = tpu.memref_squeeze %dma_start3A_293 : memref<1x1x1x80xi32, #tpu.memory_space<hbm>> -> memref<1x80xi32, #tpu.memory_space<hbm>>
      %dma_start3A_295 = arith.constant 0 : i32
      %dma_start3A_296 = arith.constant 0 : i32
      %dma_start3A_297 = tpu.memref_slice %arg3[%add3A, %add3A_290, %dma_start3A_295, %dma_start3A_296] : memref<32x125x1x80xi32, #tpu.memory_space<hbm>> -> memref<1x1x1x80xi32, #tpu.memory_space<hbm>>
      %dma_start3A_298 = tpu.memref_squeeze %dma_start3A_297 : memref<1x1x1x80xi32, #tpu.memory_space<hbm>> -> memref<1x80xi32, #tpu.memory_space<hbm>>
      tpu.enqueue_dma source(%dma_start3A_298 : memref<1x80xi32, #tpu.memory_space<hbm>>) target(%arg19 : memref<1x80xi32, #tpu.memory_space<vmem>>) target_semaphore(%arg22 : memref<!tpu.dma_semaphore, #tpu.memory_space<semaphore_mem>>)
      %add3A_299 = arith.constant 0 : i32
      %add3A_300 = arith.addi %mul3A_217, %add3A_299 : i32
      %dma_wait3A_301 = arith.constant 0 : i32
      %dma_wait3A_302 = tpu.memref_slice %arg7[%add3A_300, %dma_wait3A_301] : memref<125x80xi32, #tpu.memory_space<vmem>> -> memref<1x80xi32, #tpu.memory_space<vmem>>
      %dma_wait3A_303 = tpu.memref_squeeze %dma_wait3A_302 : memref<1x80xi32, #tpu.memory_space<vmem>> -> memref<80xi32, #tpu.memory_space<vmem>>
      %dma_wait3A_304 = arith.constant 0 : i32
      %dma_wait3A_305 = arith.constant 0 : i32
      %dma_wait3A_306 = tpu.memref_slice %arg23[%dma_wait3A_304, %dma_wait3A_305] : memref<10000x128xf32, #tpu.memory_space<vmem_shared>> -> memref<10000x128xf32, #tpu.memory_space<vmem_shared>>
      tpu.wait_indirect_dma semaphore(%arg14 : memref<!tpu.dma_semaphore, #tpu.memory_space<semaphore_mem>>) src(%arg8 : memref<80x128xf32, #tpu.memory_space<vmem>>) dst(%dma_wait3A_306 : memref<10000x128xf32, #tpu.memory_space<vmem_shared>>)
      %add3A_307 = arith.constant 0 : i32
      %add3A_308 = arith.addi %mul3A_217, %add3A_307 : i32
      %add3A_309 = arith.constant 3 : i32
      %add3A_310 = arith.addi %add3A_308, %add3A_309 : i32
      %dma_wait3A_311 = arith.constant 0 : i32
      %dma_wait3A_312 = arith.constant 0 : i32
      %dma_wait3A_313 = tpu.memref_slice %arg3[%add3A, %add3A_310, %dma_wait3A_311, %dma_wait3A_312] : memref<32x125x1x80xi32, #tpu.memory_space<hbm>> -> memref<1x1x1x80xi32, #tpu.memory_space<hbm>>
      %dma_wait3A_314 = tpu.memref_squeeze %dma_wait3A_313 : memref<1x1x1x80xi32, #tpu.memory_space<hbm>> -> memref<1x80xi32, #tpu.memory_space<hbm>>
      %dma_wait3A_315 = arith.constant 0 : i32
      %dma_wait3A_316 = arith.constant 0 : i32
      %dma_wait3A_317 = tpu.memref_slice %arg3[%add3A, %add3A_310, %dma_wait3A_315, %dma_wait3A_316] : memref<32x125x1x80xi32, #tpu.memory_space<hbm>> -> memref<1x1x1x80xi32, #tpu.memory_space<hbm>>
      %dma_wait3A_318 = tpu.memref_squeeze %dma_wait3A_317 : memref<1x1x1x80xi32, #tpu.memory_space<hbm>> -> memref<1x80xi32, #tpu.memory_space<hbm>>
      tpu.wait_dma2 semaphore(%arg20 : memref<!tpu.dma_semaphore, #tpu.memory_space<semaphore_mem>>) src(%dma_wait3A_318 : memref<1x80xi32, #tpu.memory_space<hbm>>) dst(%arg17 : memref<1x80xi32, #tpu.memory_space<vmem>>)
      %dma_start3A_319 = arith.constant 0 : i32
      %dma_start3A_320 = arith.constant 0 : i32
      %dma_start3A_321 = tpu.memref_slice %arg17[%dma_start3A_319, %dma_start3A_320] : memref<1x80xi32, #tpu.memory_space<vmem>> -> memref<1x80xi32, #tpu.memory_space<vmem>>
      %dma_start3A_322 = tpu.memref_squeeze %dma_start3A_321 : memref<1x80xi32, #tpu.memory_space<vmem>> -> memref<80xi32, #tpu.memory_space<vmem>>
      %dma_start3A_323 = arith.constant 0 : i32
      %dma_start3A_324 = arith.constant 0 : i32
      %dma_start3A_325 = tpu.memref_slice %arg2[%dma_start3A_323, %dma_start3A_324] : memref<10000x128xf32, #tpu.memory_space<hbm>> -> memref<10000x128xf32, #tpu.memory_space<hbm>>
      tpu.enqueue_indirect_dma source(%dma_start3A_325 : memref<10000x128xf32, #tpu.memory_space<hbm>>) target(%arg8 : memref<80x128xf32, #tpu.memory_space<vmem>>) offsets(%dma_start3A_322 : memref<80xi32, #tpu.memory_space<vmem>>) semaphore(%arg11 : memref<!tpu.dma_semaphore, #tpu.memory_space<semaphore_mem>>)
      %add3A_326 = arith.constant 1 : i32
      %add3A_327 = arith.addi %mul3A_217, %add3A_326 : i32
      %dma_wait3A_328 = arith.constant 0 : i32
      %dma_wait3A_329 = tpu.memref_slice %arg7[%add3A_327, %dma_wait3A_328] : memref<125x80xi32, #tpu.memory_space<vmem>> -> memref<1x80xi32, #tpu.memory_space<vmem>>
      %dma_wait3A_330 = tpu.memref_squeeze %dma_wait3A_329 : memref<1x80xi32, #tpu.memory_space<vmem>> -> memref<80xi32, #tpu.memory_space<vmem>>
      %dma_wait3A_331 = arith.constant 0 : i32
      %dma_wait3A_332 = arith.constant 0 : i32
      %dma_wait3A_333 = tpu.memref_slice %arg23[%dma_wait3A_331, %dma_wait3A_332] : memref<10000x128xf32, #tpu.memory_space<vmem_shared>> -> memref<10000x128xf32, #tpu.memory_space<vmem_shared>>
      tpu.wait_indirect_dma semaphore(%arg15 : memref<!tpu.dma_semaphore, #tpu.memory_space<semaphore_mem>>) src(%arg9 : memref<80x128xf32, #tpu.memory_space<vmem>>) dst(%dma_wait3A_333 : memref<10000x128xf32, #tpu.memory_space<vmem_shared>>)
      %add3A_334 = arith.constant 1 : i32
      %add3A_335 = arith.addi %mul3A_217, %add3A_334 : i32
      %add3A_336 = arith.constant 3 : i32
      %add3A_337 = arith.addi %add3A_335, %add3A_336 : i32
      %dma_wait3A_338 = arith.constant 0 : i32
      %dma_wait3A_339 = arith.constant 0 : i32
      %dma_wait3A_340 = tpu.memref_slice %arg3[%add3A, %add3A_337, %dma_wait3A_338, %dma_wait3A_339] : memref<32x125x1x80xi32, #tpu.memory_space<hbm>> -> memref<1x1x1x80xi32, #tpu.memory_space<hbm>>
      %dma_wait3A_341 = tpu.memref_squeeze %dma_wait3A_340 : memref<1x1x1x80xi32, #tpu.memory_space<hbm>> -> memref<1x80xi32, #tpu.memory_space<hbm>>
      %dma_wait3A_342 = arith.constant 0 : i32
      %dma_wait3A_343 = arith.constant 0 : i32
      %dma_wait3A_344 = tpu.memref_slice %arg3[%add3A, %add3A_337, %dma_wait3A_342, %dma_wait3A_343] : memref<32x125x1x80xi32, #tpu.memory_space<hbm>> -> memref<1x1x1x80xi32, #tpu.memory_space<hbm>>
      %dma_wait3A_345 = tpu.memref_squeeze %dma_wait3A_344 : memref<1x1x1x80xi32, #tpu.memory_space<hbm>> -> memref<1x80xi32, #tpu.memory_space<hbm>>
      tpu.wait_dma2 semaphore(%arg21 : memref<!tpu.dma_semaphore, #tpu.memory_space<semaphore_mem>>) src(%dma_wait3A_345 : memref<1x80xi32, #tpu.memory_space<hbm>>) dst(%arg18 : memref<1x80xi32, #tpu.memory_space<vmem>>)
      %dma_start3A_346 = arith.constant 0 : i32
      %dma_start3A_347 = arith.constant 0 : i32
      %dma_start3A_348 = tpu.memref_slice %arg18[%dma_start3A_346, %dma_start3A_347] : memref<1x80xi32, #tpu.memory_space<vmem>> -> memref<1x80xi32, #tpu.memory_space<vmem>>
      %dma_start3A_349 = tpu.memref_squeeze %dma_start3A_348 : memref<1x80xi32, #tpu.memory_space<vmem>> -> memref<80xi32, #tpu.memory_space<vmem>>
      %dma_start3A_350 = arith.constant 0 : i32
      %dma_start3A_351 = arith.constant 0 : i32
      %dma_start3A_352 = tpu.memref_slice %arg2[%dma_start3A_350, %dma_start3A_351] : memref<10000x128xf32, #tpu.memory_space<hbm>> -> memref<10000x128xf32, #tpu.memory_space<hbm>>
      tpu.enqueue_indirect_dma source(%dma_start3A_352 : memref<10000x128xf32, #tpu.memory_space<hbm>>) target(%arg9 : memref<80x128xf32, #tpu.memory_space<vmem>>) offsets(%dma_start3A_349 : memref<80xi32, #tpu.memory_space<vmem>>) semaphore(%arg12 : memref<!tpu.dma_semaphore, #tpu.memory_space<semaphore_mem>>)
      %add3A_353 = arith.constant 2 : i32
      %add3A_354 = arith.addi %mul3A_217, %add3A_353 : i32
      %dma_wait3A_355 = arith.constant 0 : i32
      %dma_wait3A_356 = tpu.memref_slice %arg7[%add3A_354, %dma_wait3A_355] : memref<125x80xi32, #tpu.memory_space<vmem>> -> memref<1x80xi32, #tpu.memory_space<vmem>>
      %dma_wait3A_357 = tpu.memref_squeeze %dma_wait3A_356 : memref<1x80xi32, #tpu.memory_space<vmem>> -> memref<80xi32, #tpu.memory_space<vmem>>
      %dma_wait3A_358 = arith.constant 0 : i32
      %dma_wait3A_359 = arith.constant 0 : i32
      %dma_wait3A_360 = tpu.memref_slice %arg23[%dma_wait3A_358, %dma_wait3A_359] : memref<10000x128xf32, #tpu.memory_space<vmem_shared>> -> memref<10000x128xf32, #tpu.memory_space<vmem_shared>>
      tpu.wait_indirect_dma semaphore(%arg16 : memref<!tpu.dma_semaphore, #tpu.memory_space<semaphore_mem>>) src(%arg10 : memref<80x128xf32, #tpu.memory_space<vmem>>) dst(%dma_wait3A_360 : memref<10000x128xf32, #tpu.memory_space<vmem_shared>>)
      %add3A_361 = arith.constant 2 : i32
      %add3A_362 = arith.addi %mul3A_217, %add3A_361 : i32
      %add3A_363 = arith.constant 3 : i32
      %add3A_364 = arith.addi %add3A_362, %add3A_363 : i32
      %dma_wait3A_365 = arith.constant 0 : i32
      %dma_wait3A_366 = arith.constant 0 : i32
      %dma_wait3A_367 = tpu.memref_slice %arg3[%add3A, %add3A_364, %dma_wait3A_365, %dma_wait3A_366] : memref<32x125x1x80xi32, #tpu.memory_space<hbm>> -> memref<1x1x1x80xi32, #tpu.memory_space<hbm>>
      %dma_wait3A_368 = tpu.memref_squeeze %dma_wait3A_367 : memref<1x1x1x80xi32, #tpu.memory_space<hbm>> -> memref<1x80xi32, #tpu.memory_space<hbm>>
      %dma_wait3A_369 = arith.constant 0 : i32
      %dma_wait3A_370 = arith.constant 0 : i32
      %dma_wait3A_371 = tpu.memref_slice %arg3[%add3A, %add3A_364, %dma_wait3A_369, %dma_wait3A_370] : memref<32x125x1x80xi32, #tpu.memory_space<hbm>> -> memref<1x1x1x80xi32, #tpu.memory_space<hbm>>
      %dma_wait3A_372 = tpu.memref_squeeze %dma_wait3A_371 : memref<1x1x1x80xi32, #tpu.memory_space<hbm>> -> memref<1x80xi32, #tpu.memory_space<hbm>>
      tpu.wait_dma2 semaphore(%arg22 : memref<!tpu.dma_semaphore, #tpu.memory_space<semaphore_mem>>) src(%dma_wait3A_372 : memref<1x80xi32, #tpu.memory_space<hbm>>) dst(%arg19 : memref<1x80xi32, #tpu.memory_space<vmem>>)
      %dma_start3A_373 = arith.constant 0 : i32
      %dma_start3A_374 = arith.constant 0 : i32
      %dma_start3A_375 = tpu.memref_slice %arg19[%dma_start3A_373, %dma_start3A_374] : memref<1x80xi32, #tpu.memory_space<vmem>> -> memref<1x80xi32, #tpu.memory_space<vmem>>
      %dma_start3A_376 = tpu.memref_squeeze %dma_start3A_375 : memref<1x80xi32, #tpu.memory_space<vmem>> -> memref<80xi32, #tpu.memory_space<vmem>>
      %dma_start3A_377 = arith.constant 0 : i32
      %dma_start3A_378 = arith.constant 0 : i32
      %dma_start3A_379 = tpu.memref_slice %arg2[%dma_start3A_377, %dma_start3A_378] : memref<10000x128xf32, #tpu.memory_space<hbm>> -> memref<10000x128xf32, #tpu.memory_space<hbm>>
      tpu.enqueue_indirect_dma source(%dma_start3A_379 : memref<10000x128xf32, #tpu.memory_space<hbm>>) target(%arg10 : memref<80x128xf32, #tpu.memory_space<vmem>>) offsets(%dma_start3A_376 : memref<80xi32, #tpu.memory_space<vmem>>) semaphore(%arg13 : memref<!tpu.dma_semaphore, #tpu.memory_space<semaphore_mem>>)
    }
    %scan3A_80 = arith.constant 40 : i32
    %dma_wait3A_81 = arith.constant 0 : i32
    %dma_wait3A_82 = arith.constant 0 : i32
    %dma_wait3A_83 = tpu.memref_slice %arg17[%dma_wait3A_81, %dma_wait3A_82] : memref<1x80xi32, #tpu.memory_space<vmem>> -> memref<1x80xi32, #tpu.memory_space<vmem>>
    %dma_wait3A_84 = tpu.memref_squeeze %dma_wait3A_83 : memref<1x80xi32, #tpu.memory_space<vmem>> -> memref<80xi32, #tpu.memory_space<vmem>>
    %dma_wait3A_85 = arith.constant 0 : i32
    %dma_wait3A_86 = arith.constant 0 : i32
    %dma_wait3A_87 = tpu.memref_slice %arg2[%dma_wait3A_85, %dma_wait3A_86] : memref<10000x128xf32, #tpu.memory_space<hbm>> -> memref<10000x128xf32, #tpu.memory_space<hbm>>
    tpu.wait_indirect_dma semaphore(%arg11 : memref<!tpu.dma_semaphore, #tpu.memory_space<semaphore_mem>>) src(%dma_wait3A_87 : memref<10000x128xf32, #tpu.memory_space<hbm>>) dst(%arg8 : memref<80x128xf32, #tpu.memory_space<vmem>>)
    %dma_start3A_88 = arith.constant 120 : i32
    %dma_start3A_89 = arith.constant 0 : i32
    %dma_start3A_90 = tpu.memref_slice %arg7[%dma_start3A_88, %dma_start3A_89] : memref<125x80xi32, #tpu.memory_space<vmem>> -> memref<1x80xi32, #tpu.memory_space<vmem>>
    %dma_start3A_91 = tpu.memref_squeeze %dma_start3A_90 : memref<1x80xi32, #tpu.memory_space<vmem>> -> memref<80xi32, #tpu.memory_space<vmem>>
    %dma_start3A_92 = arith.constant 0 : i32
    %dma_start3A_93 = arith.constant 0 : i32
    %dma_start3A_94 = tpu.memref_slice %arg23[%dma_start3A_92, %dma_start3A_93] : memref<10000x128xf32, #tpu.memory_space<vmem_shared>> -> memref<10000x128xf32, #tpu.memory_space<vmem_shared>>
    tpu.enqueue_indirect_dma source(%arg8 : memref<80x128xf32, #tpu.memory_space<vmem>>) target(%dma_start3A_94 : memref<10000x128xf32, #tpu.memory_space<vmem_shared>>) offsets(%dma_start3A_91 : memref<80xi32, #tpu.memory_space<vmem>>) semaphore(%arg14 : memref<!tpu.dma_semaphore, #tpu.memory_space<semaphore_mem>>) {add = true}
    %dma_start3A_95 = arith.constant 123 : i32
    %dma_start3A_96 = arith.constant 0 : i32
    %dma_start3A_97 = arith.constant 0 : i32
    %dma_start3A_98 = tpu.memref_slice %arg3[%add3A, %dma_start3A_95, %dma_start3A_96, %dma_start3A_97] : memref<32x125x1x80xi32, #tpu.memory_space<hbm>> -> memref<1x1x1x80xi32, #tpu.memory_space<hbm>>
    %dma_start3A_99 = tpu.memref_squeeze %dma_start3A_98 : memref<1x1x1x80xi32, #tpu.memory_space<hbm>> -> memref<1x80xi32, #tpu.memory_space<hbm>>
    %dma_start3A_100 = arith.constant 0 : i32
    %dma_start3A_101 = arith.constant 0 : i32
    %dma_start3A_102 = tpu.memref_slice %arg3[%add3A, %dma_start3A_95, %dma_start3A_100, %dma_start3A_101] : memref<32x125x1x80xi32, #tpu.memory_space<hbm>> -> memref<1x1x1x80xi32, #tpu.memory_space<hbm>>
    %dma_start3A_103 = tpu.memref_squeeze %dma_start3A_102 : memref<1x1x1x80xi32, #tpu.memory_space<hbm>> -> memref<1x80xi32, #tpu.memory_space<hbm>>
    tpu.enqueue_dma source(%dma_start3A_103 : memref<1x80xi32, #tpu.memory_space<hbm>>) target(%arg17 : memref<1x80xi32, #tpu.memory_space<vmem>>) target_semaphore(%arg20 : memref<!tpu.dma_semaphore, #tpu.memory_space<semaphore_mem>>)
    %dma_wait3A_104 = arith.constant 0 : i32
    %dma_wait3A_105 = arith.constant 0 : i32
    %dma_wait3A_106 = tpu.memref_slice %arg18[%dma_wait3A_104, %dma_wait3A_105] : memref<1x80xi32, #tpu.memory_space<vmem>> -> memref<1x80xi32, #tpu.memory_space<vmem>>
    %dma_wait3A_107 = tpu.memref_squeeze %dma_wait3A_106 : memref<1x80xi32, #tpu.memory_space<vmem>> -> memref<80xi32, #tpu.memory_space<vmem>>
    %dma_wait3A_108 = arith.constant 0 : i32
    %dma_wait3A_109 = arith.constant 0 : i32
    %dma_wait3A_110 = tpu.memref_slice %arg2[%dma_wait3A_108, %dma_wait3A_109] : memref<10000x128xf32, #tpu.memory_space<hbm>> -> memref<10000x128xf32, #tpu.memory_space<hbm>>
    tpu.wait_indirect_dma semaphore(%arg12 : memref<!tpu.dma_semaphore, #tpu.memory_space<semaphore_mem>>) src(%dma_wait3A_110 : memref<10000x128xf32, #tpu.memory_space<hbm>>) dst(%arg9 : memref<80x128xf32, #tpu.memory_space<vmem>>)
    %dma_start3A_111 = arith.constant 121 : i32
    %dma_start3A_112 = arith.constant 0 : i32
    %dma_start3A_113 = tpu.memref_slice %arg7[%dma_start3A_111, %dma_start3A_112] : memref<125x80xi32, #tpu.memory_space<vmem>> -> memref<1x80xi32, #tpu.memory_space<vmem>>
    %dma_start3A_114 = tpu.memref_squeeze %dma_start3A_113 : memref<1x80xi32, #tpu.memory_space<vmem>> -> memref<80xi32, #tpu.memory_space<vmem>>
    %dma_start3A_115 = arith.constant 0 : i32
    %dma_start3A_116 = arith.constant 0 : i32
    %dma_start3A_117 = tpu.memref_slice %arg23[%dma_start3A_115, %dma_start3A_116] : memref<10000x128xf32, #tpu.memory_space<vmem_shared>> -> memref<10000x128xf32, #tpu.memory_space<vmem_shared>>
    tpu.enqueue_indirect_dma source(%arg9 : memref<80x128xf32, #tpu.memory_space<vmem>>) target(%dma_start3A_117 : memref<10000x128xf32, #tpu.memory_space<vmem_shared>>) offsets(%dma_start3A_114 : memref<80xi32, #tpu.memory_space<vmem>>) semaphore(%arg15 : memref<!tpu.dma_semaphore, #tpu.memory_space<semaphore_mem>>) {add = true}
    %dma_start3A_118 = arith.constant 124 : i32
    %dma_start3A_119 = arith.constant 0 : i32
    %dma_start3A_120 = arith.constant 0 : i32
    %dma_start3A_121 = tpu.memref_slice %arg3[%add3A, %dma_start3A_118, %dma_start3A_119, %dma_start3A_120] : memref<32x125x1x80xi32, #tpu.memory_space<hbm>> -> memref<1x1x1x80xi32, #tpu.memory_space<hbm>>
    %dma_start3A_122 = tpu.memref_squeeze %dma_start3A_121 : memref<1x1x1x80xi32, #tpu.memory_space<hbm>> -> memref<1x80xi32, #tpu.memory_space<hbm>>
    %dma_start3A_123 = arith.constant 0 : i32
    %dma_start3A_124 = arith.constant 0 : i32
    %dma_start3A_125 = tpu.memref_slice %arg3[%add3A, %dma_start3A_118, %dma_start3A_123, %dma_start3A_124] : memref<32x125x1x80xi32, #tpu.memory_space<hbm>> -> memref<1x1x1x80xi32, #tpu.memory_space<hbm>>
    %dma_start3A_126 = tpu.memref_squeeze %dma_start3A_125 : memref<1x1x1x80xi32, #tpu.memory_space<hbm>> -> memref<1x80xi32, #tpu.memory_space<hbm>>
    tpu.enqueue_dma source(%dma_start3A_126 : memref<1x80xi32, #tpu.memory_space<hbm>>) target(%arg18 : memref<1x80xi32, #tpu.memory_space<vmem>>) target_semaphore(%arg21 : memref<!tpu.dma_semaphore, #tpu.memory_space<semaphore_mem>>)
    %dma_wait3A_127 = arith.constant 0 : i32
    %dma_wait3A_128 = arith.constant 0 : i32
    %dma_wait3A_129 = tpu.memref_slice %arg19[%dma_wait3A_127, %dma_wait3A_128] : memref<1x80xi32, #tpu.memory_space<vmem>> -> memref<1x80xi32, #tpu.memory_space<vmem>>
    %dma_wait3A_130 = tpu.memref_squeeze %dma_wait3A_129 : memref<1x80xi32, #tpu.memory_space<vmem>> -> memref<80xi32, #tpu.memory_space<vmem>>
    %dma_wait3A_131 = arith.constant 0 : i32
    %dma_wait3A_132 = arith.constant 0 : i32
    %dma_wait3A_133 = tpu.memref_slice %arg2[%dma_wait3A_131, %dma_wait3A_132] : memref<10000x128xf32, #tpu.memory_space<hbm>> -> memref<10000x128xf32, #tpu.memory_space<hbm>>
    tpu.wait_indirect_dma semaphore(%arg13 : memref<!tpu.dma_semaphore, #tpu.memory_space<semaphore_mem>>) src(%dma_wait3A_133 : memref<10000x128xf32, #tpu.memory_space<hbm>>) dst(%arg10 : memref<80x128xf32, #tpu.memory_space<vmem>>)
    %dma_start3A_134 = arith.constant 122 : i32
    %dma_start3A_135 = arith.constant 0 : i32
    %dma_start3A_136 = tpu.memref_slice %arg7[%dma_start3A_134, %dma_start3A_135] : memref<125x80xi32, #tpu.memory_space<vmem>> -> memref<1x80xi32, #tpu.memory_space<vmem>>
    %dma_start3A_137 = tpu.memref_squeeze %dma_start3A_136 : memref<1x80xi32, #tpu.memory_space<vmem>> -> memref<80xi32, #tpu.memory_space<vmem>>
    %dma_start3A_138 = arith.constant 0 : i32
    %dma_start3A_139 = arith.constant 0 : i32
    %dma_start3A_140 = tpu.memref_slice %arg23[%dma_start3A_138, %dma_start3A_139] : memref<10000x128xf32, #tpu.memory_space<vmem_shared>> -> memref<10000x128xf32, #tpu.memory_space<vmem_shared>>
    tpu.enqueue_indirect_dma source(%arg10 : memref<80x128xf32, #tpu.memory_space<vmem>>) target(%dma_start3A_140 : memref<10000x128xf32, #tpu.memory_space<vmem_shared>>) offsets(%dma_start3A_137 : memref<80xi32, #tpu.memory_space<vmem>>) semaphore(%arg16 : memref<!tpu.dma_semaphore, #tpu.memory_space<semaphore_mem>>) {add = true}
    %dma_wait3A_141 = arith.constant 120 : i32
    %dma_wait3A_142 = arith.constant 0 : i32
    %dma_wait3A_143 = tpu.memref_slice %arg7[%dma_wait3A_141, %dma_wait3A_142] : memref<125x80xi32, #tpu.memory_space<vmem>> -> memref<1x80xi32, #tpu.memory_space<vmem>>
    %dma_wait3A_144 = tpu.memref_squeeze %dma_wait3A_143 : memref<1x80xi32, #tpu.memory_space<vmem>> -> memref<80xi32, #tpu.memory_space<vmem>>
    %dma_wait3A_145 = arith.constant 0 : i32
    %dma_wait3A_146 = arith.constant 0 : i32
    %dma_wait3A_147 = tpu.memref_slice %arg23[%dma_wait3A_145, %dma_wait3A_146] : memref<10000x128xf32, #tpu.memory_space<vmem_shared>> -> memref<10000x128xf32, #tpu.memory_space<vmem_shared>>
    tpu.wait_indirect_dma semaphore(%arg14 : memref<!tpu.dma_semaphore, #tpu.memory_space<semaphore_mem>>) src(%arg8 : memref<80x128xf32, #tpu.memory_space<vmem>>) dst(%dma_wait3A_147 : memref<10000x128xf32, #tpu.memory_space<vmem_shared>>)
    %dma_wait3A_148 = arith.constant 123 : i32
    %dma_wait3A_149 = arith.constant 0 : i32
    %dma_wait3A_150 = arith.constant 0 : i32
    %dma_wait3A_151 = tpu.memref_slice %arg3[%add3A, %dma_wait3A_148, %dma_wait3A_149, %dma_wait3A_150] : memref<32x125x1x80xi32, #tpu.memory_space<hbm>> -> memref<1x1x1x80xi32, #tpu.memory_space<hbm>>
    %dma_wait3A_152 = tpu.memref_squeeze %dma_wait3A_151 : memref<1x1x1x80xi32, #tpu.memory_space<hbm>> -> memref<1x80xi32, #tpu.memory_space<hbm>>
    %dma_wait3A_153 = arith.constant 0 : i32
    %dma_wait3A_154 = arith.constant 0 : i32
    %dma_wait3A_155 = tpu.memref_slice %arg3[%add3A, %dma_wait3A_148, %dma_wait3A_153, %dma_wait3A_154] : memref<32x125x1x80xi32, #tpu.memory_space<hbm>> -> memref<1x1x1x80xi32, #tpu.memory_space<hbm>>
    %dma_wait3A_156 = tpu.memref_squeeze %dma_wait3A_155 : memref<1x1x1x80xi32, #tpu.memory_space<hbm>> -> memref<1x80xi32, #tpu.memory_space<hbm>>
    tpu.wait_dma2 semaphore(%arg20 : memref<!tpu.dma_semaphore, #tpu.memory_space<semaphore_mem>>) src(%dma_wait3A_156 : memref<1x80xi32, #tpu.memory_space<hbm>>) dst(%arg17 : memref<1x80xi32, #tpu.memory_space<vmem>>)
    %dma_start3A_157 = arith.constant 0 : i32
    %dma_start3A_158 = arith.constant 0 : i32
    %dma_start3A_159 = tpu.memref_slice %arg17[%dma_start3A_157, %dma_start3A_158] : memref<1x80xi32, #tpu.memory_space<vmem>> -> memref<1x80xi32, #tpu.memory_space<vmem>>
    %dma_start3A_160 = tpu.memref_squeeze %dma_start3A_159 : memref<1x80xi32, #tpu.memory_space<vmem>> -> memref<80xi32, #tpu.memory_space<vmem>>
    %dma_start3A_161 = arith.constant 0 : i32
    %dma_start3A_162 = arith.constant 0 : i32
    %dma_start3A_163 = tpu.memref_slice %arg2[%dma_start3A_161, %dma_start3A_162] : memref<10000x128xf32, #tpu.memory_space<hbm>> -> memref<10000x128xf32, #tpu.memory_space<hbm>>
    tpu.enqueue_indirect_dma source(%dma_start3A_163 : memref<10000x128xf32, #tpu.memory_space<hbm>>) target(%arg8 : memref<80x128xf32, #tpu.memory_space<vmem>>) offsets(%dma_start3A_160 : memref<80xi32, #tpu.memory_space<vmem>>) semaphore(%arg11 : memref<!tpu.dma_semaphore, #tpu.memory_space<semaphore_mem>>)
    %dma_wait3A_164 = arith.constant 121 : i32
    %dma_wait3A_165 = arith.constant 0 : i32
    %dma_wait3A_166 = tpu.memref_slice %arg7[%dma_wait3A_164, %dma_wait3A_165] : memref<125x80xi32, #tpu.memory_space<vmem>> -> memref<1x80xi32, #tpu.memory_space<vmem>>
    %dma_wait3A_167 = tpu.memref_squeeze %dma_wait3A_166 : memref<1x80xi32, #tpu.memory_space<vmem>> -> memref<80xi32, #tpu.memory_space<vmem>>
    %dma_wait3A_168 = arith.constant 0 : i32
    %dma_wait3A_169 = arith.constant 0 : i32
    %dma_wait3A_170 = tpu.memref_slice %arg23[%dma_wait3A_168, %dma_wait3A_169] : memref<10000x128xf32, #tpu.memory_space<vmem_shared>> -> memref<10000x128xf32, #tpu.memory_space<vmem_shared>>
    tpu.wait_indirect_dma semaphore(%arg15 : memref<!tpu.dma_semaphore, #tpu.memory_space<semaphore_mem>>) src(%arg9 : memref<80x128xf32, #tpu.memory_space<vmem>>) dst(%dma_wait3A_170 : memref<10000x128xf32, #tpu.memory_space<vmem_shared>>)
    %dma_wait3A_171 = arith.constant 124 : i32
    %dma_wait3A_172 = arith.constant 0 : i32
    %dma_wait3A_173 = arith.constant 0 : i32
    %dma_wait3A_174 = tpu.memref_slice %arg3[%add3A, %dma_wait3A_171, %dma_wait3A_172, %dma_wait3A_173] : memref<32x125x1x80xi32, #tpu.memory_space<hbm>> -> memref<1x1x1x80xi32, #tpu.memory_space<hbm>>
    %dma_wait3A_175 = tpu.memref_squeeze %dma_wait3A_174 : memref<1x1x1x80xi32, #tpu.memory_space<hbm>> -> memref<1x80xi32, #tpu.memory_space<hbm>>
    %dma_wait3A_176 = arith.constant 0 : i32
    %dma_wait3A_177 = arith.constant 0 : i32
    %dma_wait3A_178 = tpu.memref_slice %arg3[%add3A, %dma_wait3A_171, %dma_wait3A_176, %dma_wait3A_177] : memref<32x125x1x80xi32, #tpu.memory_space<hbm>> -> memref<1x1x1x80xi32, #tpu.memory_space<hbm>>
    %dma_wait3A_179 = tpu.memref_squeeze %dma_wait3A_178 : memref<1x1x1x80xi32, #tpu.memory_space<hbm>> -> memref<1x80xi32, #tpu.memory_space<hbm>>
    tpu.wait_dma2 semaphore(%arg21 : memref<!tpu.dma_semaphore, #tpu.memory_space<semaphore_mem>>) src(%dma_wait3A_179 : memref<1x80xi32, #tpu.memory_space<hbm>>) dst(%arg18 : memref<1x80xi32, #tpu.memory_space<vmem>>)
    %dma_start3A_180 = arith.constant 0 : i32
    %dma_start3A_181 = arith.constant 0 : i32
    %dma_start3A_182 = tpu.memref_slice %arg18[%dma_start3A_180, %dma_start3A_181] : memref<1x80xi32, #tpu.memory_space<vmem>> -> memref<1x80xi32, #tpu.memory_space<vmem>>
    %dma_start3A_183 = tpu.memref_squeeze %dma_start3A_182 : memref<1x80xi32, #tpu.memory_space<vmem>> -> memref<80xi32, #tpu.memory_space<vmem>>
    %dma_start3A_184 = arith.constant 0 : i32
    %dma_start3A_185 = arith.constant 0 : i32
    %dma_start3A_186 = tpu.memref_slice %arg2[%dma_start3A_184, %dma_start3A_185] : memref<10000x128xf32, #tpu.memory_space<hbm>> -> memref<10000x128xf32, #tpu.memory_space<hbm>>
    tpu.enqueue_indirect_dma source(%dma_start3A_186 : memref<10000x128xf32, #tpu.memory_space<hbm>>) target(%arg9 : memref<80x128xf32, #tpu.memory_space<vmem>>) offsets(%dma_start3A_183 : memref<80xi32, #tpu.memory_space<vmem>>) semaphore(%arg12 : memref<!tpu.dma_semaphore, #tpu.memory_space<semaphore_mem>>)
    %dma_wait3A_187 = arith.constant 122 : i32
    %dma_wait3A_188 = arith.constant 0 : i32
    %dma_wait3A_189 = tpu.memref_slice %arg7[%dma_wait3A_187, %dma_wait3A_188] : memref<125x80xi32, #tpu.memory_space<vmem>> -> memref<1x80xi32, #tpu.memory_space<vmem>>
    %dma_wait3A_190 = tpu.memref_squeeze %dma_wait3A_189 : memref<1x80xi32, #tpu.memory_space<vmem>> -> memref<80xi32, #tpu.memory_space<vmem>>
    %dma_wait3A_191 = arith.constant 0 : i32
    %dma_wait3A_192 = arith.constant 0 : i32
    %dma_wait3A_193 = tpu.memref_slice %arg23[%dma_wait3A_191, %dma_wait3A_192] : memref<10000x128xf32, #tpu.memory_space<vmem_shared>> -> memref<10000x128xf32, #tpu.memory_space<vmem_shared>>
    tpu.wait_indirect_dma semaphore(%arg16 : memref<!tpu.dma_semaphore, #tpu.memory_space<semaphore_mem>>) src(%arg10 : memref<80x128xf32, #tpu.memory_space<vmem>>) dst(%dma_wait3A_193 : memref<10000x128xf32, #tpu.memory_space<vmem_shared>>)
    %dma_wait3A_194 = arith.constant 0 : i32
    %dma_wait3A_195 = arith.constant 0 : i32
    %dma_wait3A_196 = tpu.memref_slice %arg17[%dma_wait3A_194, %dma_wait3A_195] : memref<1x80xi32, #tpu.memory_space<vmem>> -> memref<1x80xi32, #tpu.memory_space<vmem>>
    %dma_wait3A_197 = tpu.memref_squeeze %dma_wait3A_196 : memref<1x80xi32, #tpu.memory_space<vmem>> -> memref<80xi32, #tpu.memory_space<vmem>>
    %dma_wait3A_198 = arith.constant 0 : i32
    %dma_wait3A_199 = arith.constant 0 : i32
    %dma_wait3A_200 = tpu.memref_slice %arg2[%dma_wait3A_198, %dma_wait3A_199] : memref<10000x128xf32, #tpu.memory_space<hbm>> -> memref<10000x128xf32, #tpu.memory_space<hbm>>
    tpu.wait_indirect_dma semaphore(%arg11 : memref<!tpu.dma_semaphore, #tpu.memory_space<semaphore_mem>>) src(%dma_wait3A_200 : memref<10000x128xf32, #tpu.memory_space<hbm>>) dst(%arg8 : memref<80x128xf32, #tpu.memory_space<vmem>>)
    %run_scoped3A = arith.constant 123 : i32
    "tpu.region"() ({
      %run_scoped3A_215 = tpu.sem_alloc : memref<!tpu.dma_semaphore, #tpu.memory_space<semaphore_mem>>
      %dma_start3A_216 = arith.constant 0 : i32
      %dma_start3A_217 = tpu.memref_slice %arg7[%run_scoped3A, %dma_start3A_216] : memref<125x80xi32, #tpu.memory_space<vmem>> -> memref<1x80xi32, #tpu.memory_space<vmem>>
      %dma_start3A_218 = tpu.memref_squeeze %dma_start3A_217 : memref<1x80xi32, #tpu.memory_space<vmem>> -> memref<80xi32, #tpu.memory_space<vmem>>
      %dma_start3A_219 = arith.constant 0 : i32
      %dma_start3A_220 = arith.constant 0 : i32
      %dma_start3A_221 = tpu.memref_slice %arg23[%dma_start3A_219, %dma_start3A_220] : memref<10000x128xf32, #tpu.memory_space<vmem_shared>> -> memref<10000x128xf32, #tpu.memory_space<vmem_shared>>
      tpu.enqueue_indirect_dma source(%arg8 : memref<80x128xf32, #tpu.memory_space<vmem>>) target(%dma_start3A_221 : memref<10000x128xf32, #tpu.memory_space<vmem_shared>>) offsets(%dma_start3A_218 : memref<80xi32, #tpu.memory_space<vmem>>) semaphore(%run_scoped3A_215 : memref<!tpu.dma_semaphore, #tpu.memory_space<semaphore_mem>>) {add = true}
      %dma_wait3A_222 = arith.constant 0 : i32
      %dma_wait3A_223 = tpu.memref_slice %arg7[%run_scoped3A, %dma_wait3A_222] : memref<125x80xi32, #tpu.memory_space<vmem>> -> memref<1x80xi32, #tpu.memory_space<vmem>>
      %dma_wait3A_224 = tpu.memref_squeeze %dma_wait3A_223 : memref<1x80xi32, #tpu.memory_space<vmem>> -> memref<80xi32, #tpu.memory_space<vmem>>
      %dma_wait3A_225 = arith.constant 0 : i32
      %dma_wait3A_226 = arith.constant 0 : i32
      %dma_wait3A_227 = tpu.memref_slice %arg23[%dma_wait3A_225, %dma_wait3A_226] : memref<10000x128xf32, #tpu.memory_space<vmem_shared>> -> memref<10000x128xf32, #tpu.memory_space<vmem_shared>>
      tpu.wait_indirect_dma semaphore(%run_scoped3A_215 : memref<!tpu.dma_semaphore, #tpu.memory_space<semaphore_mem>>) src(%arg8 : memref<80x128xf32, #tpu.memory_space<vmem>>) dst(%dma_wait3A_227 : memref<10000x128xf32, #tpu.memory_space<vmem_shared>>)
      tpu.yield
    }) : () -> ()
    %dma_wait3A_201 = arith.constant 0 : i32
    %dma_wait3A_202 = arith.constant 0 : i32
    %dma_wait3A_203 = tpu.memref_slice %arg18[%dma_wait3A_201, %dma_wait3A_202] : memref<1x80xi32, #tpu.memory_space<vmem>> -> memref<1x80xi32, #tpu.memory_space<vmem>>
    %dma_wait3A_204 = tpu.memref_squeeze %dma_wait3A_203 : memref<1x80xi32, #tpu.memory_space<vmem>> -> memref<80xi32, #tpu.memory_space<vmem>>
    %dma_wait3A_205 = arith.constant 0 : i32
    %dma_wait3A_206 = arith.constant 0 : i32
    %dma_wait3A_207 = tpu.memref_slice %arg2[%dma_wait3A_205, %dma_wait3A_206] : memref<10000x128xf32, #tpu.memory_space<hbm>> -> memref<10000x128xf32, #tpu.memory_space<hbm>>
    tpu.wait_indirect_dma semaphore(%arg12 : memref<!tpu.dma_semaphore, #tpu.memory_space<semaphore_mem>>) src(%dma_wait3A_207 : memref<10000x128xf32, #tpu.memory_space<hbm>>) dst(%arg9 : memref<80x128xf32, #tpu.memory_space<vmem>>)
    %run_scoped3A_208 = arith.constant 124 : i32
    "tpu.region"() ({
      %run_scoped3A_215 = tpu.sem_alloc : memref<!tpu.dma_semaphore, #tpu.memory_space<semaphore_mem>>
      %dma_start3A_216 = arith.constant 0 : i32
      %dma_start3A_217 = tpu.memref_slice %arg7[%run_scoped3A_208, %dma_start3A_216] : memref<125x80xi32, #tpu.memory_space<vmem>> -> memref<1x80xi32, #tpu.memory_space<vmem>>
      %dma_start3A_218 = tpu.memref_squeeze %dma_start3A_217 : memref<1x80xi32, #tpu.memory_space<vmem>> -> memref<80xi32, #tpu.memory_space<vmem>>
      %dma_start3A_219 = arith.constant 0 : i32
      %dma_start3A_220 = arith.constant 0 : i32
      %dma_start3A_221 = tpu.memref_slice %arg23[%dma_start3A_219, %dma_start3A_220] : memref<10000x128xf32, #tpu.memory_space<vmem_shared>> -> memref<10000x128xf32, #tpu.memory_space<vmem_shared>>
      tpu.enqueue_indirect_dma source(%arg9 : memref<80x128xf32, #tpu.memory_space<vmem>>) target(%dma_start3A_221 : memref<10000x128xf32, #tpu.memory_space<vmem_shared>>) offsets(%dma_start3A_218 : memref<80xi32, #tpu.memory_space<vmem>>) semaphore(%run_scoped3A_215 : memref<!tpu.dma_semaphore, #tpu.memory_space<semaphore_mem>>) {add = true}
      %dma_wait3A_222 = arith.constant 0 : i32
      %dma_wait3A_223 = tpu.memref_slice %arg7[%run_scoped3A_208, %dma_wait3A_222] : memref<125x80xi32, #tpu.memory_space<vmem>> -> memref<1x80xi32, #tpu.memory_space<vmem>>
      %dma_wait3A_224 = tpu.memref_squeeze %dma_wait3A_223 : memref<1x80xi32, #tpu.memory_space<vmem>> -> memref<80xi32, #tpu.memory_space<vmem>>
      %dma_wait3A_225 = arith.constant 0 : i32
      %dma_wait3A_226 = arith.constant 0 : i32
      %dma_wait3A_227 = tpu.memref_slice %arg23[%dma_wait3A_225, %dma_wait3A_226] : memref<10000x128xf32, #tpu.memory_space<vmem_shared>> -> memref<10000x128xf32, #tpu.memory_space<vmem_shared>>
      tpu.wait_indirect_dma semaphore(%run_scoped3A_215 : memref<!tpu.dma_semaphore, #tpu.memory_space<semaphore_mem>>) src(%arg9 : memref<80x128xf32, #tpu.memory_space<vmem>>) dst(%dma_wait3A_227 : memref<10000x128xf32, #tpu.memory_space<vmem_shared>>)
      tpu.yield
    }) : () -> ()
    %barrier3A_209 = arith.constant 0 : index
    tpu.barrier barrier_id(%barrier3A_209)
    %lt3A_210 = arith.constant 10 : i32
    %lt3A_211 = arith.cmpi slt, %arg1, %lt3A_210 : i32
    %convert_element_type3A_212 = arith.extui %lt3A_211 : i1 to i32
    %cond3A_213 = arith.constant 0 : i32
    %cond3A_214 = arith.cmpi ne, %convert_element_type3A_212, %cond3A_213 : i32
    scf.if %cond3A_214 {
      %mul3A_215 = arith.constant 1000 : i32
      %mul3A_216 = arith.muli %arg1, %mul3A_215 : i32
      "tpu.region"() ({
        %run_scoped3A_217 = tpu.sem_alloc : memref<!tpu.dma_semaphore, #tpu.memory_space<semaphore_mem>>
        %dma_start3A_218 = arith.constant 0 : i32
        %dma_start3A_219 = arith.constant 0 : i32
        %dma_start3A_220 = tpu.memref_slice %arg6[%arg0, %dma_start3A_218, %dma_start3A_219] : memref<2x10000x128xf32, #tpu.memory_space<hbm>> -> memref<1x10000x128xf32, #tpu.memory_space<hbm>>
        %dma_start3A_221 = tpu.memref_squeeze %dma_start3A_220 : memref<1x10000x128xf32, #tpu.memory_space<hbm>> -> memref<10000x128xf32, #tpu.memory_space<hbm>>
        %dma_start3A_222 = arith.constant 0 : i32
        %dma_start3A_223 = tpu.memref_slice %dma_start3A_221[%mul3A_216, %dma_start3A_222] : memref<10000x128xf32, #tpu.memory_space<hbm>> -> memref<1000x128xf32, #tpu.memory_space<hbm>>
        %dma_start3A_224 = arith.constant 0 : i32
        %dma_start3A_225 = tpu.memref_slice %arg23[%mul3A_216, %dma_start3A_224] : memref<10000x128xf32, #tpu.memory_space<vmem_shared>> -> memref<1000x128xf32, #tpu.memory_space<vmem_shared>>
        tpu.enqueue_dma source(%dma_start3A_225 : memref<1000x128xf32, #tpu.memory_space<vmem_shared>>) target(%dma_start3A_223 : memref<1000x128xf32, #tpu.memory_space<hbm>>) target_semaphore(%run_scoped3A_217 : memref<!tpu.dma_semaphore, #tpu.memory_space<semaphore_mem>>)
        %dma_wait3A_226 = arith.constant 0 : i32
        %dma_wait3A_227 = arith.constant 0 : i32
        %dma_wait3A_228 = tpu.memref_slice %arg6[%arg0, %dma_wait3A_226, %dma_wait3A_227] : memref<2x10000x128xf32, #tpu.memory_space<hbm>> -> memref<1x10000x128xf32, #tpu.memory_space<hbm>>
        %dma_wait3A_229 = tpu.memref_squeeze %dma_wait3A_228 : memref<1x10000x128xf32, #tpu.memory_space<hbm>> -> memref<10000x128xf32, #tpu.memory_space<hbm>>
        %dma_wait3A_230 = arith.constant 0 : i32
        %dma_wait3A_231 = tpu.memref_slice %dma_wait3A_229[%mul3A_216, %dma_wait3A_230] : memref<10000x128xf32, #tpu.memory_space<hbm>> -> memref<1000x128xf32, #tpu.memory_space<hbm>>
        %dma_wait3A_232 = arith.constant 0 : i32
        %dma_wait3A_233 = tpu.memref_slice %arg23[%mul3A_216, %dma_wait3A_232] : memref<10000x128xf32, #tpu.memory_space<vmem_shared>> -> memref<1000x128xf32, #tpu.memory_space<vmem_shared>>
        tpu.wait_dma2 semaphore(%run_scoped3A_217 : memref<!tpu.dma_semaphore, #tpu.memory_space<semaphore_mem>>) src(%dma_wait3A_233 : memref<1000x128xf32, #tpu.memory_space<vmem_shared>>) dst(%dma_wait3A_231 : memref<1000x128xf32, #tpu.memory_space<hbm>>)
        tpu.yield
      }) : () -> ()
    } else {
    }
    return
  }
}

module attributes {stable_mosaic.version = 14 : i64} {
  func.func @_mm_body(%arg0: memref<10000x128xf32, #tpu.memory_space<vmem>>, %arg1: memref<128x128xf32, #tpu.memory_space<vmem>>, %arg2: memref<10000x128xf32, #tpu.memory_space<vmem>>) attributes {dimension_semantics = [], scalar_prefetch = 0 : i64, scratch_operands = 0 : i64, tpu.core_type = #tpu.core_type<tc>} {
    %get3A = arith.constant 0 : index
    %get3A_0 = arith.constant 0 : index
    %get3A_1 = vector.load %arg0[%get3A, %get3A_0] : memref<10000x128xf32, #tpu.memory_space<vmem>>, vector<10000x128xf32>
    %get3A_2 = arith.constant 0 : index
    %get3A_3 = arith.constant 0 : index
    %get3A_4 = vector.load %arg1[%get3A_2, %get3A_3] : memref<128x128xf32, #tpu.memory_space<vmem>>, vector<128x128xf32>
    %dot_general3A = arith.constant dense<0.000000e+00> : vector<10000x128xf32>
    %dot_general3A_5 = tpu.matmul %get3A_1, %get3A_4, %dot_general3A {dimension_numbers = #tpu.dot_dimension_numbers<[1], [1], [0], [0], [0, 0, 1, 0], [], []>, transpose_lhs_hint = false} : vector<10000x128xf32>, vector<128x128xf32>, vector<10000x128xf32> -> vector<10000x128xf32>
    %swap3A = arith.constant 0 : index
    %swap3A_6 = arith.constant 0 : index
    %swap3A_7 = vector.load %arg2[%swap3A, %swap3A_6] : memref<10000x128xf32, #tpu.memory_space<vmem>>, vector<10000x128xf32>
    tpu.vector_store %arg2[%swap3A, %swap3A_6], %dot_general3A_5 {strides = array<i32>} : memref<10000x128xf32, #tpu.memory_space<vmem>>, vector<10000x128xf32>,
    return
  }
}

module attributes {stable_mosaic.version = 14 : i64} {
  func.func @_degred_body(%arg0: memref<32x80x128xf32, #tpu.memory_space<vmem>>, %arg1: memref<32x80x128xf32, #tpu.memory_space<vmem>>, %arg2: memref<80x128xf32, #tpu.memory_space<vmem>>, %arg3: memref<80x128xf32, #tpu.memory_space<vmem>>) attributes {dimension_semantics = [], scalar_prefetch = 0 : i64, scratch_operands = 0 : i64, tpu.core_type = #tpu.core_type<tc>} {
    %get3A = arith.constant 0 : index
    %get3A_0 = arith.constant 0 : index
    %get3A_1 = arith.constant 0 : index
    %get3A_2 = vector.load %arg0[%get3A, %get3A_0, %get3A_1] : memref<32x80x128xf32, #tpu.memory_space<vmem>>, vector<32x80x128xf32>
    %reduce_sum3A = arith.constant dense<0.000000e+00> : vector<80x128xf32>
    %reduce_sum3A_3 = vector.multi_reduction <add>, %get3A_2, %reduce_sum3A [0] : vector<32x80x128xf32> to vector<80x128xf32>
    %gt3A = arith.constant 0.000000e+00 : f32
    %gt3A_4 = vector.broadcast %gt3A : f32 to vector<80x128xf32>
    %gt3A_5 = arith.cmpf ogt, %reduce_sum3A_3, %gt3A_4 : vector<80x128xf32>
    %jit3A = arith.constant 1.000000e+00 : f32
    %broadcast_in_dim3A = vector.broadcast %jit3A : f32 to vector<80x128xf32>
    %select_n3A = arith.select %gt3A_5, %reduce_sum3A_3, %broadcast_in_dim3A : vector<80x128xi1>, vector<80x128xf32>
    %gt3A_6 = arith.constant 0.000000e+00 : f32
    %gt3A_7 = vector.broadcast %gt3A_6 : f32 to vector<80x128xf32>
    %gt3A_8 = arith.cmpf ogt, %reduce_sum3A_3, %gt3A_7 : vector<80x128xf32>
    %div3A = arith.constant 1.000000e+00 : f32
    %div3A_9 = vector.broadcast %div3A : f32 to vector<80x128xf32>
    %div3A_10 = arith.divf %div3A_9, %select_n3A : vector<80x128xf32>
    %jit3A_11 = arith.constant 0.000000e+00 : f32
    %broadcast_in_dim3A_12 = vector.broadcast %jit3A_11 : f32 to vector<80x128xf32>
    %select_n3A_13 = arith.select %gt3A_8, %div3A_10, %broadcast_in_dim3A_12 : vector<80x128xi1>, vector<80x128xf32>
    %swap3A = arith.constant 0 : index
    %swap3A_14 = arith.constant 0 : index
    %swap3A_15 = vector.load %arg2[%swap3A, %swap3A_14] : memref<80x128xf32, #tpu.memory_space<vmem>>, vector<80x128xf32>
    tpu.vector_store %arg2[%swap3A, %swap3A_14], %select_n3A_13 {strides = array<i32>} : memref<80x128xf32, #tpu.memory_space<vmem>>, vector<80x128xf32>,
    %get3A_16 = arith.constant 0 : index
    %get3A_17 = arith.constant 0 : index
    %get3A_18 = arith.constant 0 : index
    %get3A_19 = vector.load %arg1[%get3A_16, %get3A_17, %get3A_18] : memref<32x80x128xf32, #tpu.memory_space<vmem>>, vector<32x80x128xf32>
    %reduce_sum3A_20 = arith.constant dense<0.000000e+00> : vector<80x128xf32>
    %reduce_sum3A_21 = vector.multi_reduction <add>, %get3A_19, %reduce_sum3A_20 [0] : vector<32x80x128xf32> to vector<80x128xf32>
    %gt3A_22 = arith.constant 0.000000e+00 : f32
    %gt3A_23 = vector.broadcast %gt3A_22 : f32 to vector<80x128xf32>
    %gt3A_24 = arith.cmpf ogt, %reduce_sum3A_21, %gt3A_23 : vector<80x128xf32>
    %jit3A_25 = arith.constant 1.000000e+00 : f32
    %broadcast_in_dim3A_26 = vector.broadcast %jit3A_25 : f32 to vector<80x128xf32>
    %select_n3A_27 = arith.select %gt3A_24, %reduce_sum3A_21, %broadcast_in_dim3A_26 : vector<80x128xi1>, vector<80x128xf32>
    %gt3A_28 = arith.constant 0.000000e+00 : f32
    %gt3A_29 = vector.broadcast %gt3A_28 : f32 to vector<80x128xf32>
    %gt3A_30 = arith.cmpf ogt, %reduce_sum3A_21, %gt3A_29 : vector<80x128xf32>
    %div3A_31 = arith.constant 1.000000e+00 : f32
    %div3A_32 = vector.broadcast %div3A_31 : f32 to vector<80x128xf32>
    %div3A_33 = arith.divf %div3A_32, %select_n3A_27 : vector<80x128xf32>
    %jit3A_34 = arith.constant 0.000000e+00 : f32
    %broadcast_in_dim3A_35 = vector.broadcast %jit3A_34 : f32 to vector<80x128xf32>
    %select_n3A_36 = arith.select %gt3A_30, %div3A_33, %broadcast_in_dim3A_35 : vector<80x128xi1>, vector<80x128xf32>
    %swap3A_37 = arith.constant 0 : index
    %swap3A_38 = arith.constant 0 : index
    %swap3A_39 = vector.load %arg3[%swap3A_37, %swap3A_38] : memref<80x128xf32, #tpu.memory_space<vmem>>, vector<80x128xf32>
    tpu.vector_store %arg3[%swap3A_37, %swap3A_38], %select_n3A_36 {strides = array<i32>} : memref<80x128xf32, #tpu.memory_space<vmem>>, vector<80x128xf32>,
    return
  }
}

module attributes {stable_mosaic.version = 14 : i64} {
  func.func @_scale_body(%arg0: memref<2x10000x128xf32, #tpu.memory_space<vmem>>, %arg1: memref<10000x1xf32, #tpu.memory_space<vmem>>, %arg2: memref<10000x128xf32, #tpu.memory_space<vmem>>) attributes {dimension_semantics = [], scalar_prefetch = 0 : i64, scratch_operands = 0 : i64, tpu.core_type = #tpu.core_type<tc>} {
    %get3A = arith.constant 0 : index
    %get3A_0 = arith.constant 0 : index
    %get3A_1 = arith.constant 0 : index
    %get3A_2 = vector.load %arg0[%get3A, %get3A_0, %get3A_1] : memref<2x10000x128xf32, #tpu.memory_space<vmem>>, vector<2x10000x128xf32>
    %slice3A = vector.extract_strided_slice %get3A_2 {offsets = [0, 0, 0], sizes = [1, 10000, 128], strides = [1, 1, 1]} : vector<2x10000x128xf32> to vector<1x10000x128xf32>
    %squeeze3A = vector.shape_cast %slice3A : vector<1x10000x128xf32> to vector<10000x128xf32>
    %slice3A_3 = vector.extract_strided_slice %get3A_2 {offsets = [1, 0, 0], sizes = [1, 10000, 128], strides = [1, 1, 1]} : vector<2x10000x128xf32> to vector<1x10000x128xf32>
    %squeeze3A_4 = vector.shape_cast %slice3A_3 : vector<1x10000x128xf32> to vector<10000x128xf32>
    %add3A = arith.addf %squeeze3A, %squeeze3A_4 : vector<10000x128xf32>
    %get3A_5 = arith.constant 0 : index
    %get3A_6 = arith.constant 0 : index
    %get3A_7 = vector.load %arg1[%get3A_5, %get3A_6] : memref<10000x1xf32, #tpu.memory_space<vmem>>, vector<10000x1xf32>
    %mul3A = vector.broadcast %get3A_7 : vector<10000x1xf32> to vector<10000x128xf32>
    %mul3A_8 = arith.mulf %add3A, %mul3A : vector<10000x128xf32>
    %swap3A = arith.constant 0 : index
    %swap3A_9 = arith.constant 0 : index
    %swap3A_10 = vector.load %arg2[%swap3A, %swap3A_9] : memref<10000x128xf32, #tpu.memory_space<vmem>>, vector<10000x128xf32>
    tpu.vector_store %arg2[%swap3A, %swap3A_9], %mul3A_8 {strides = array<i32>} : memref<10000x128xf32, #tpu.memory_space<vmem>>, vector<10000x128xf32>,
    return
  }
}

module attributes {stable_mosaic.version = 14 : i64} {
  func.func @_mid_body(%arg0: memref<2x10000x128xf32, #tpu.memory_space<vmem>>, %arg1: memref<10000x1xf32, #tpu.memory_space<vmem>>, %arg2: memref<128xf32, #tpu.memory_space<vmem>>, %arg3: memref<128xf32, #tpu.memory_space<vmem>>, %arg4: memref<128xf32, #tpu.memory_space<vmem>>, %arg5: memref<128x128xf32, #tpu.memory_space<vmem>>, %arg6: memref<10000x128xf32, #tpu.memory_space<vmem>>) attributes {dimension_semantics = [], scalar_prefetch = 0 : i64, scratch_operands = 0 : i64, tpu.core_type = #tpu.core_type<tc>} {
    %get3A = arith.constant 0 : index
    %get3A_0 = arith.constant 0 : index
    %get3A_1 = arith.constant 0 : index
    %get3A_2 = vector.load %arg0[%get3A, %get3A_0, %get3A_1] : memref<2x10000x128xf32, #tpu.memory_space<vmem>>, vector<2x10000x128xf32>
    %slice3A = vector.extract_strided_slice %get3A_2 {offsets = [0, 0, 0], sizes = [1, 10000, 128], strides = [1, 1, 1]} : vector<2x10000x128xf32> to vector<1x10000x128xf32>
    %squeeze3A = vector.shape_cast %slice3A : vector<1x10000x128xf32> to vector<10000x128xf32>
    %slice3A_3 = vector.extract_strided_slice %get3A_2 {offsets = [1, 0, 0], sizes = [1, 10000, 128], strides = [1, 1, 1]} : vector<2x10000x128xf32> to vector<1x10000x128xf32>
    %squeeze3A_4 = vector.shape_cast %slice3A_3 : vector<1x10000x128xf32> to vector<10000x128xf32>
    %add3A = arith.addf %squeeze3A, %squeeze3A_4 : vector<10000x128xf32>
    %get3A_5 = arith.constant 0 : index
    %get3A_6 = arith.constant 0 : index
    %get3A_7 = vector.load %arg1[%get3A_5, %get3A_6] : memref<10000x1xf32, #tpu.memory_space<vmem>>, vector<10000x1xf32>
    %mul3A = vector.broadcast %get3A_7 : vector<10000x1xf32> to vector<10000x128xf32>
    %mul3A_8 = arith.mulf %add3A, %mul3A : vector<10000x128xf32>
    %get3A_9 = arith.constant 0 : index
    %get3A_10 = vector.load %arg2[%get3A_9] : memref<128xf32, #tpu.memory_space<vmem>>, vector<128xf32>
    %broadcast_in_dim3A = vector.shape_cast %get3A_10 : vector<128xf32> to vector<1x128xf32>
    %add3A_11 = vector.broadcast %broadcast_in_dim3A : vector<1x128xf32> to vector<10000x128xf32>
    %add3A_12 = arith.addf %mul3A_8, %add3A_11 : vector<10000x128xf32>
    %reduce_sum3A = arith.constant dense<0.000000e+00> : vector<128xf32>
    %reduce_sum3A_13 = vector.multi_reduction <add>, %add3A_12, %reduce_sum3A [0] : vector<10000x128xf32> to vector<128xf32>
    %broadcast_in_dim3A_14 = vector.shape_cast %reduce_sum3A_13 : vector<128xf32> to vector<1x128xf32>
    %div3A = arith.constant 1.000000e+04 : f32
    %div3A_15 = vector.broadcast %div3A : f32 to vector<1x128xf32>
    %div3A_16 = arith.divf %broadcast_in_dim3A_14, %div3A_15 : vector<1x128xf32>
    %sub3A = vector.broadcast %div3A_16 : vector<1x128xf32> to vector<10000x128xf32>
    %sub3A_17 = arith.subf %add3A_12, %sub3A : vector<10000x128xf32>
    %integer_pow3A = arith.mulf %sub3A_17, %sub3A_17 : vector<10000x128xf32>
    %reduce_sum3A_18 = arith.constant dense<0.000000e+00> : vector<128xf32>
    %reduce_sum3A_19 = vector.multi_reduction <add>, %integer_pow3A, %reduce_sum3A_18 [0] : vector<10000x128xf32> to vector<128xf32>
    %broadcast_in_dim3A_20 = vector.shape_cast %reduce_sum3A_19 : vector<128xf32> to vector<1x128xf32>
    %div3A_21 = arith.constant 1.000000e+04 : f32
    %div3A_22 = vector.broadcast %div3A_21 : f32 to vector<1x128xf32>
    %div3A_23 = arith.divf %broadcast_in_dim3A_20, %div3A_22 : vector<1x128xf32>
    %get3A_24 = arith.constant 0 : index
    %get3A_25 = vector.load %arg3[%get3A_24] : memref<128xf32, #tpu.memory_space<vmem>>, vector<128xf32>
    %broadcast_in_dim3A_26 = vector.shape_cast %get3A_25 : vector<128xf32> to vector<1x128xf32>
    %sub3A_27 = vector.broadcast %div3A_16 : vector<1x128xf32> to vector<10000x128xf32>
    %sub3A_28 = arith.subf %add3A_12, %sub3A_27 : vector<10000x128xf32>
    %mul3A_29 = vector.broadcast %broadcast_in_dim3A_26 : vector<1x128xf32> to vector<10000x128xf32>
    %mul3A_30 = arith.mulf %mul3A_29, %sub3A_28 : vector<10000x128xf32>
    %add3A_31 = arith.constant 9.99999974E-6 : f32
    %add3A_32 = vector.broadcast %add3A_31 : f32 to vector<1x128xf32>
    %add3A_33 = arith.addf %div3A_23, %add3A_32 : vector<1x128xf32>
    %sqrt3A = math.sqrt %add3A_33 : vector<1x128xf32>
    %div3A_34 = vector.broadcast %sqrt3A : vector<1x128xf32> to vector<10000x128xf32>
    %div3A_35 = arith.divf %mul3A_30, %div3A_34 : vector<10000x128xf32>
    %get3A_36 = arith.constant 0 : index
    %get3A_37 = vector.load %arg4[%get3A_36] : memref<128xf32, #tpu.memory_space<vmem>>, vector<128xf32>
    %broadcast_in_dim3A_38 = vector.shape_cast %get3A_37 : vector<128xf32> to vector<1x128xf32>
    %add3A_39 = vector.broadcast %broadcast_in_dim3A_38 : vector<1x128xf32> to vector<10000x128xf32>
    %add3A_40 = arith.addf %div3A_35, %add3A_39 : vector<10000x128xf32>
    %get3A_41 = arith.constant 0 : index
    %get3A_42 = arith.constant 0 : index
    %get3A_43 = vector.load %arg5[%get3A_41, %get3A_42] : memref<128x128xf32, #tpu.memory_space<vmem>>, vector<128x128xf32>
    %dot_general3A = arith.constant dense<0.000000e+00> : vector<10000x128xf32>
    %dot_general3A_44 = tpu.matmul %add3A_40, %get3A_43, %dot_general3A {dimension_numbers = #tpu.dot_dimension_numbers<[1], [1], [0], [0], [0, 0, 1, 0], [], []>, transpose_lhs_hint = false} : vector<10000x128xf32>, vector<128x128xf32>, vector<10000x128xf32> -> vector<10000x128xf32>
    %swap3A = arith.constant 0 : index
    %swap3A_45 = arith.constant 0 : index
    %swap3A_46 = vector.load %arg6[%swap3A, %swap3A_45] : memref<10000x128xf32, #tpu.memory_space<vmem>>, vector<10000x128xf32>
    tpu.vector_store %arg6[%swap3A, %swap3A_45], %dot_general3A_44 {strides = array<i32>} : memref<10000x128xf32, #tpu.memory_space<vmem>>, vector<10000x128xf32>,
    return
  }
}

module attributes {stable_mosaic.version = 14 : i64} {
  func.func @_final_body(%arg0: memref<2x10000x128xf32, #tpu.memory_space<vmem>>, %arg1: memref<10000x1xf32, #tpu.memory_space<vmem>>, %arg2: memref<128xf32, #tpu.memory_space<vmem>>, %arg3: memref<10000x128xf32, #tpu.memory_space<vmem>>) attributes {dimension_semantics = [], scalar_prefetch = 0 : i64, scratch_operands = 0 : i64, tpu.core_type = #tpu.core_type<tc>} {
    %get3A = arith.constant 0 : index
    %get3A_0 = arith.constant 0 : index
    %get3A_1 = arith.constant 0 : index
    %get3A_2 = vector.load %arg0[%get3A, %get3A_0, %get3A_1] : memref<2x10000x128xf32, #tpu.memory_space<vmem>>, vector<2x10000x128xf32>
    %slice3A = vector.extract_strided_slice %get3A_2 {offsets = [0, 0, 0], sizes = [1, 10000, 128], strides = [1, 1, 1]} : vector<2x10000x128xf32> to vector<1x10000x128xf32>
    %squeeze3A = vector.shape_cast %slice3A : vector<1x10000x128xf32> to vector<10000x128xf32>
    %slice3A_3 = vector.extract_strided_slice %get3A_2 {offsets = [1, 0, 0], sizes = [1, 10000, 128], strides = [1, 1, 1]} : vector<2x10000x128xf32> to vector<1x10000x128xf32>
    %squeeze3A_4 = vector.shape_cast %slice3A_3 : vector<1x10000x128xf32> to vector<10000x128xf32>
    %add3A = arith.addf %squeeze3A, %squeeze3A_4 : vector<10000x128xf32>
    %get3A_5 = arith.constant 0 : index
    %get3A_6 = arith.constant 0 : index
    %get3A_7 = vector.load %arg1[%get3A_5, %get3A_6] : memref<10000x1xf32, #tpu.memory_space<vmem>>, vector<10000x1xf32>
    %mul3A = vector.broadcast %get3A_7 : vector<10000x1xf32> to vector<10000x128xf32>
    %mul3A_8 = arith.mulf %add3A, %mul3A : vector<10000x128xf32>
    %get3A_9 = arith.constant 0 : index
    %get3A_10 = vector.load %arg2[%get3A_9] : memref<128xf32, #tpu.memory_space<vmem>>, vector<128xf32>
    %broadcast_in_dim3A = vector.shape_cast %get3A_10 : vector<128xf32> to vector<1x128xf32>
    %add3A_11 = vector.broadcast %broadcast_in_dim3A : vector<1x128xf32> to vector<10000x128xf32>
    %add3A_12 = arith.addf %mul3A_8, %add3A_11 : vector<10000x128xf32>
    %swap3A = arith.constant 0 : index
    %swap3A_13 = arith.constant 0 : index
    %swap3A_14 = vector.load %arg3[%swap3A, %swap3A_13] : memref<10000x128xf32, #tpu.memory_space<vmem>>, vector<10000x128xf32>
    tpu.vector_store %arg3[%swap3A, %swap3A_13], %add3A_12 {strides = array<i32>} : memref<10000x128xf32, #tpu.memory_space<vmem>>, vector<10000x128xf32>,
    return
  }
}

</mosaic_0001>

<sc_bundles>
// kernel: kernel.13.cloned.1.call-start
scs
__scs_entry_jumppad:
0x0: {  	(pc) =	sbr.rel $0x88, $3  }
0x1: {  	(tag) =	ssettag $0x0;
	lr =	simm.s32 $0x1  }
0x2: {  	[smem:$0x3F98] =	sst lr;
	_ =	strace $0xD0000000  }
0x3: {  	_ = 	snop  }
0x4: {  	_ = 	snop  }
0x5: {  	_ = 	snop  }
0x6: {  	_ = 	snop  }
0x7: {  	_ = 	snop  }
__scs_overlays_trampoline_lowered:
0x8: {  	[smem:$0x3FA7] =	sst s0  }
0x9: {  	[smem:$0x3FA8] =	sst s1  }
0xa: {  	[smem:$0x3FA9] =	sst s2  }
0xb: {  	[smem:$0x3FAA] =	sst s3  }
0xc: {  	[smem:$0x3FAB] =	sst s4  }
0xd: {  	[smem:$0x3FAC] =	sst s5  }
0xe: {  	[smem:$0x3FAD] =	sst s6  }
0xf: {  	[smem:$0x3FAE] =	sst s7  }
0x10: {  	[smem:$0x3FAF] =	sst s8  }
0x11: {  	[smem:$0x3FB0] =	sst s9;
	s0 =	simm.s32 @!p0 $0x0  }
0x12: {  	s1 =	sld [smem:$0x3F96];
	s0 =	simm.s32 @p0 $0x1  }
0x13: {  	[smem:$0x3FB1] =	sst s0;
	s0 =	simm.s32 @!p1 $0x0  }
0x14: {  	s2 =	sld [smem:$0x3F95];
	s0 =	simm.s32 @p1 $0x1  }
0x15: {  	[smem:$0x3FB2] =	sst s0;
	s0 =	simm.s32 @!p2 $0x0  }
0x16: {  	s3 =	sld [smem:$0x3FDB];
	s0 =	simm.s32 @p2 $0x1  }
0x17: {  	s4 =	simm.s32 $0x1BF5;
	[smem:$0x3FB4] =	sst s0  }
0x18: {  	s0 =	sld [smem:$0x3F97];
	_ =	swait.ge [sflag:s4], $0x0  }
0x19: {  	s7 =	sld [smem:$0x3F98]  }
0x1a: {  	s8 =	sadd.s32 $0xFFFFE003, lr  }
0x1b: {  	s9 =	sadd.s32 $0xFFFFFEF7, lr;
	s5 =	simm.s32 $0xFFFFFFFF;
	p2 =	slt.u32 s8, $0xFFFFF086  }
0x1c: {  	p1 =	slt.u32 s9, $0xF7A;
	s5 =	simm.s32 @!p2 $0x0  }
0x1d: {  	s5 =	simm.s32 @p1 $0x1;
	p0 =	seq.s32 s7, s2  }
0x1e: {  	s7 =	smul.u32 @!p0 $0xF7A, s2;
	p2 =	seq.s32 @!p0 s5, $0x0  }
0x1f: {  	s9 =	smul.u32 $0xF7A, s1;
	s8 =	simm.s32 @!p0 $0x1BF5;
	p2 =	por !p2, p0  }
0x20: {  	[sflag:s8] =	ssyncset.s32 @!p0 $0xFFFFF086;
	s6 =	sadd.s32 @!p0 s3, s7;
	s7 =	simm.s32 @!p0 $0x108  }
0x21: {  	s3 =	sadd.s32 s3, s9;
	s6 =	sadd.s32 @!p0 $0x88, s6;
	s7 =	simm.s32 @p2 $0x1082  }
0x22: {  	[simem:s7], [sflag:s8] =	dma.local @!p0 [hbm:s6], $0xF7A  }
0x23: {  	s9 =	sor.u32 $0xD0000000, s2;
	s6 =	simm.s32 $0x108;
	_ =	swait.ge @!p0 [sflag:s8], $0x0  }
0x24: {  	s3 =	sadd.s32 $0x88, s3;
	s6 =	simm.s32 @!p1 $0x1082;
	[sflag:s4] =	ssyncset.s32 $0xFFFFF086  }
0x25: {  	[simem:s6], [sflag:s4] =	dma.local [hbm:s3], $0xF7A  }
0x26: {  	[smem:$0x3F98] =	sst s1;
	(tag) =	ssettag s2;
	_ =	strace s9  }
0x27: {  	s1 =	sld [smem:$0x3FA8]  }
0x28: {  	s2 =	sld [smem:$0x3FA9]  }
0x29: {  	s4 =	sld [smem:$0x3FAB]  }
0x2a: {  	p0 =	seq.s32 s5, $0x0;
	s5 =	sld [smem:$0x3FAC]  }
0x2b: {  	s6 =	sld [smem:$0x3FAD]  }
0x2c: {  	s7 =	sld [smem:$0x3FAE]  }
0x2d: {  	s3 =	simm.s32 $0x108;
	s8 =	sld [smem:$0x3FAF]  }
0x2e: {  	s3 =	simm.s32 @!p0 $0x1082;
	s9 =	sld [smem:$0x3FB0]  }
0x2f: {  	lr =	sadd.s32 s0, s3;
	s0 =	sld [smem:$0x3FA7]  }
0x30: {  	s3 =	sld [smem:$0x3FAA]  }
0x31: {  	[smem:$0x3FB3] =	sst s10  }
0x32: {  	s10 =	sld [smem:$0x3FB1];
	_ =	sdelay $0x3  }
0x33: {  	p0 =	seq.s32 s10, $0x1;
	s10 =	sld [smem:$0x3FB3];
	_ =	sdelay $0x3  }
0x34: {  	[smem:$0x3FB3] =	sst s10  }
0x35: {  	s10 =	sld [smem:$0x3FB2];
	_ =	sdelay $0x3  }
0x36: {  	p1 =	seq.s32 s10, $0x1;
	s10 =	sld [smem:$0x3FB3];
	_ =	sdelay $0x3  }
0x37: {  	[smem:$0x3FB3] =	sst s10  }
0x38: {  	s10 =	sld [smem:$0x3FB4]  }
0x39: {  	_ = 	snop;
	(pc) =	sbr.ind lr, $3  }
0x3a: {  	_ = 	snop  }
0x3b: {  	_ = 	snop  }
0x3c: {  	p2 =	seq.s32 s10, $0x1;
	s10 =	sld [smem:$0x3FB3]  }
0x3d: {  	_ =	shalt  }
0x3e: {  	_ =	shalt  }
0x3f: {  	_ =	shalt  }
0x40: {  	_ =	shalt  }
0x41: {  	_ =	shalt  }
0x42: {  	_ =	shalt  }
0x43: {  	_ =	shalt  }
0x44: {  	_ =	shalt  }
0x45: {  	_ =	shalt  }
0x46: {  	_ =	shalt  }
0x47: {  	_ =	shalt  }
0x48: {  	_ =	shalt  }
0x49: {  	_ =	shalt  }
0x4a: {  	_ =	shalt  }
0x4b: {  	_ =	shalt  }
0x4c: {  	_ =	shalt  }
0x4d: {  	_ =	shalt  }
0x4e: {  	_ =	shalt  }
0x4f: {  	_ =	shalt  }
0x50: {  	_ =	shalt  }
0x51: {  	_ =	shalt  }
0x52: {  	_ =	shalt  }
0x53: {  	_ =	shalt  }
0x54: {  	_ =	shalt  }
0x55: {  	_ =	shalt  }
0x56: {  	_ =	shalt  }
0x57: {  	_ =	shalt  }
0x58: {  	_ =	shalt  }
0x59: {  	_ =	shalt  }
0x5a: {  	_ =	shalt  }
0x5b: {  	_ =	shalt  }
0x5c: {  	_ =	shalt  }
0x5d: {  	_ =	shalt  }
0x5e: {  	_ =	shalt  }
0x5f: {  	_ =	shalt  }
0x60: {  	_ =	shalt  }
0x61: {  	_ =	shalt  }
0x62: {  	_ =	shalt  }
0x63: {  	_ =	shalt  }
0x64: {  	_ =	shalt  }
0x65: {  	_ =	shalt  }
0x66: {  	_ =	shalt  }
0x67: {  	_ =	shalt  }
0x68: {  	_ =	shalt  }
0x69: {  	_ =	shalt  }
0x6a: {  	_ =	shalt  }
0x6b: {  	_ =	shalt  }
0x6c: {  	_ =	shalt  }
0x6d: {  	_ =	shalt  }
0x6e: {  	_ =	shalt  }
0x6f: {  	_ =	shalt  }
0x70: {  	_ =	shalt  }
0x71: {  	_ =	shalt  }
0x72: {  	_ =	shalt  }
0x73: {  	_ =	shalt  }
0x74: {  	_ =	shalt  }
0x75: {  	_ =	shalt  }
0x76: {  	_ =	shalt  }
0x77: {  	_ =	shalt  }
0x78: {  	_ =	shalt  }
0x79: {  	_ =	shalt  }
0x7a: {  	_ =	shalt  }
0x7b: {  	_ =	shalt  }
0x7c: {  	_ =	shalt  }
0x7d: {  	_ =	shalt  }
0x7e: {  	_ =	shalt  }
0x7f: {  	_ =	shalt  }
0x80: {  	_ =	shalt  }
0x81: {  	_ =	shalt  }
0x82: {  	_ =	shalt  }
0x83: {  	_ =	shalt  }
0x84: {  	_ =	shalt  }
0x85: {  	_ =	shalt  }
0x86: {  	_ =	shalt  }
0x87: {  	_ =	shalt  }
.Lfunc_end0:
.L_simem_size_0:
called_computation_lowered:
.L_overlay_start_0:
0x88: {  	s2 =	sld [smem:$0x3FD9]  }
0x89: {  	s3 =	sld [smem:$0x3FFE];
	_ =	sdelay $0x1  }
0x8a: {  	s1 =	srdreg.scid  }
0x8b: {  	s0 =	sand.u32 $0x1, s1  }
0x8c: {  	s17 =	sshll.u32 s0, $0xA;
	s2 =	sadd.s32 s3, s2  }
0x8d: {  	s2 =	sadd.s32 s2, s17  }
0x8e: {  	[smem:$0x3FBF] =	sst s2  }
0x8f: {  	_ = 	snop  }
0x90: {  	s2 =	sld [smem:$0x3FC7];
	(tm) =	ssettm $0x1  }
0x91: {  	s18 =	sld [smem:$0x3FFB];
	_ =	sdelay $0x3  }
0x92: {  	_ =	strace s18  }
0x93: {  	s3 =	sld [smem:$0x3FFC];
	_ =	sdelay $0x3  }
0x94: {  	_ =	strace s3  }
0x95: {  	s3 =	sld [smem:$0x3FFD];
	_ =	sdelay $0x3  }
0x96: {  	_ =	strace s3  }
0x97: {  	_ =	strace $0x8FFFFFFF  }
0x98: {  	s19 =	sld [smem:$0x3FDB];
	_ =	sdelay $0x1  }
0x99: {  	s4 =	simm.s32 $_scs_section_size  }
0x9a: {  	s5 =	simm.s32 $_size__tile_overlayer_lowered;
	s6 =	simm.s32 $_tile_overlayer_lowered  }
0x9b: {  	s22 =	simm.s32 $0x1BFF;
	s21 =	sshll.u32 s6, $0x1;
	s3 =	sadd.s32 s4, s19  }
0x9c: {  	s7 =	simm.s32 $0x0;
	s20 =	sshll.u32 s5, $0x1;
	s5 =	sadd.s32 s21, s3  }
0x9d: {  	[timem:s7], [sflag:s22] =	dma.local [hbm:s5], s20  }
0x9e: {  	_ =	swait.ge [sflag:s22], s20  }
0x9f: {  	s4 =	ssub.s32 $0x0, s20;
	[sflag:s22] =	ssyncset.done $0x0  }
0xa0: {  	[sflag:s22] =	ssyncadd.s32 s4;
	_ =	sdelay $0x1  }
0xa1: {  	s23 =	simm.s32 $0x1B8B  }
0xa2: {  	_ =	swait.ge [sflag:s23], $0x1  }
0xa3: {  	[sflag:s23] =	ssyncset.done $0x0  }
0xa4: {  	s25 =	simm.s32 $0x1B8E;
	s24 =	sld [smem:$0x3FFE];
	[sflag:s23] =	ssyncadd.s32 $0xFFFFFFFF  }
0xa5: {  	s26 =	simm.s32 $execute0_lowered;
	[smem:$0x3FD2] =	sst s25  }
0xa6: {  	s5 =	sshll.u32 s26, $0x1;
	_ =	strace $0x80000046;
	[dreg:$0x1] =	wrdreg $0xFFFFFFFF  }
0xa7: {  	s28 =	simm.s32 $_size_execute0_lowered;
	s3 =	sadd.s32 s3, s5;
	[dreg:$0x0] =	wrdreg $0x0  }
0xa8: {  	s5 =	sshll.u32 s28, $0x1;
	[dreg:$0x2] =	wrdreg s3  }
0xa9: {  	[dreg:$0x3] =	wrdreg s5  }
0xaa: {  	[dreg:$0x4] =	wrdreg $0xC0  }
0xab: {  	_ =	task [dreg:s7], $0x5FFFF  }
0xac: {  	[dreg:$0x1] =	wrdreg $0xFFFFFFFF  }
0xad: {  	[dreg:$0x0] =	wrdreg $0x60  }
0xae: {  	[dreg:$0x2] =	wrdreg s24  }
0xaf: {  	[dreg:$0x3] =	wrdreg s2  }
0xb0: {  	[dreg:$0x4] =	wrdreg $0x9  }
0xb1: {  	_ =	task.clear_ibuf [dreg:s7], $0x5FFFF;
	_ =	strace $0x90000046  }
0xb2: {  	s29 =	simm.s32 $0x9;
	_ =	strace $0x80000048  }
0xb3: {  	_ =	swait.ge [sflag:s29], $0x1  }
0xb4: {  	[sflag:s29] =	ssyncadd.s32 $0xFFFFFFFF  }
0xb5: {  	_ =	strace $0x90000048  }
0xb6: {  	_ =	sfence  }
0xb7: {  	s30 =	sld [smem:$0x0];
	_ =	sdelay $0x2  }
0xb8: {  	s31 =	sshll.u32 s1, $0xD;
	s1 =	sshrl.u32 s1, $0x2  }
0xb9: {  	s3 =	sand.u32 $0x4000, s31;
	s1 =	sadd.s32 s1, s30  }
0xba: {  	s0 =	sor.u32 s3, s0;
	s1 =	sshll.u32 s1, $0x11  }
0xbb: {  	s0 =	sor.u32 s1, s0  }
0xbc: {  	s0 =	sadd.s32 $0x8F2B, s0  }
0xbd: {  	[sflag:s0] =	ssyncadd.remote.s32 $0x1  }
0xbe: {  	_ =	sfence.sel $0xFFFF  }
0xbf: {  	[dreg:$0x0] =	wrdreg $0xFFFFFFFF;
	(pc) =	sbr.abs _section_cstart, $3  }
0xc0: {  	[dreg:$0x1] =	wrdreg $0xFFFFFFFF  }
0xc1: {  	_ =	task.clear_ibuf [dreg:s7], $0x2FFFF;
	_ =	strace $0x9FFFFFFF  }
0xc2: {  	(tm) =	ssettm $0x7FFFFFFF  }
0xc3: {  	_ =	shalt  }
tec
execute0_lowered:
.L_overlay_start_1:
0x0: {  	(tag) =	ssettag $0x1  }
0x1: {  	s5 =	rddreg [dreg:$0x0]  }
0x2: {  	s0 =	srdreg.scid;
	s2 =	rddreg [dreg:$0x1]  }
0x3: {  	s3 =	simm.s32 $0x0;
	s10 =	simm.s32 $0x2780;
	s11 =	simm.s32 $0x4F00  }
0x4: {  	s12 =	simm.s32 $0x7680;
	s13 =	simm.s32 $0x9E80;
	s4 =	sand.u32 $0x1, s0  }
0x5: {  	s14 =	simm.s32 $0xC680;
	s0 =	stileid.u32;
	s1 =	sshll.u32 s4, $0x4  }
0x6: {  	s15 =	simm.s32 $0x0;
	s4 =	ssub.s32 $0x2, s4;
	s6 =	sor.u32 s0, s1  }
0x7: {  	[smem:$0x7FF] =	sst s3;
	s8 =	sshrl.u32 s4, $0x1;
	s7 =	smul.u32 $0x4F0, s6  }
0x8: {  	s1 =	rddreg [dreg:$0x2];
	s6 =	smul.u32 $0x500, s6;
	s8 =	ssub.s32 s4, s8  }
0x9: {  	_ =	strace $0x80000047;
	s8 =	smax.u32 s8, $0x1;
	s7 =	sadd.s32 s7, s5  }
0xa: {  	s9 =	sadd.s32 s6, s5;
	s4 =	sadd.s32 $0xD800, s7;
	s5 =	sadd.s32 $0x3A00, s7  }
0xb: {  	v0 =	vimm.f32 $0.0e+00;
	v1 =	vimm.f32 $1.000000000e+00;
	s6 =	sadd.s32 $0x17600, s9;
	s7 =	sadd.s32 $0x21600, s9;
	s9 =	simm.s32 $0x1  }
.LBB2_1:
0xc: {  	[tilespmem:s3], [sflag:$0x1] =	stream.linear.gather [hbm4b:s4+s3], $0x2780, $0x38;
	[tilespmem:$0xEE80] =	vst v63  }
0xd: {  	_ =	swait.ge [sflag:s9], $0x2780  }
0xe: {  	[sflag:s9] =	ssyncset.done $0x0  }
0xf: {  	[sflag:s9] =	ssyncadd.s32 $0xFFFFD880  }
0x10: {  	[tilespmem:s10], [sflag:$0x1] =	stream.linear.gather [hbm4b:s5+s3], $0x2780, $0x38;
	[tilespmem:$0xEE80] =	vst v63  }
0x11: {  	_ =	swait.ge [sflag:s9], $0x2780  }
0x12: {  	[sflag:s9] =	ssyncset.done $0x0  }
0x13: {  	[sflag:s9] =	ssyncadd.s32 $0xFFFFD880  }
0x14: {  	[tilespmem:s11], [sflag:$0x1] =	stream.linear.gather [hbm4b:s2+s3], $0x2780, $0x38;
	[tilespmem:$0xEE80] =	vst v63  }
0x15: {  	_ =	swait.ge [sflag:s9], $0x2780  }
0x16: {  	[sflag:s9] =	ssyncset.done $0x0  }
0x17: {  	s16 =	simm.s32 $0x40;
	s17 =	simm.s32 $0x0;
	[sflag:s9] =	ssyncadd.s32 $0xFFFFD880  }
.LBB2_2:
0x18: {  	p0 =	sne.s32 s16, $0x9FC0;
	[tilespmem:s17+$0x7680] =	vst v0;
	s18 =	smov.u32 s16;
	s16 =	sadd.s32 $0x40, s16  }
.Ltmp0:
0x19: {  	[tilespmem:s17+$0x9E80] =	vst v0;
	(pc) =	sbr.rel @p0 .LBB2_2-.Ltmp0, $2  }
0x1a: {  	_ =	sdelay $0x2  }
0x1b: {  	s17 =	sshra.s32 s18, $0x2  }
0x1c: {  	[tilespmem:s17+$0x7680] =	vst v0  }
0x1d: {  	s16 =	simm.s32 $0x0;
	[tilespmem:s17+$0x9E80] =	vst v0  }
.LBB2_4:
0x1e: {  	s17 =	sshra.s32 s16, $0x2  }
0x1f: {  	v2 =	vld [tilespmem:s17+$0x2780];
	_ =	sdelay $0x5  }
0x20: {  	v3 =	vld [tilespmem:s17+$0x0];
	_ =	sdelay $0x1  }
0x21: {  	[tilespmem:v2+s12+$0x0] =	vst.idx.add.f32.msk $0xffff, v1  }
0x22: {  	v2 =	vld.idx.msk [tilespmem:v2+s11+$0x0], $0xffff;
	_ =	sdelay $0x4  }
0x23: {  	[tilespmem:v3+s13+$0x0] =	vst.idx.add.f32.msk $0xffff, v2  }
0x24: {  	v2 =	vld [tilespmem:s17+$0x2790];
	_ =	sdelay $0x5  }
0x25: {  	v3 =	vld [tilespmem:s17+$0x10];
	_ =	sdelay $0x1  }
0x26: {  	[tilespmem:v2+s12+$0x0] =	vst.idx.add.f32.msk $0xffff, v1  }
0x27: {  	v2 =	vld.idx.msk [tilespmem:v2+s11+$0x0], $0xffff;
	_ =	sdelay $0x4  }
0x28: {  	[tilespmem:v3+s13+$0x0] =	vst.idx.add.f32.msk $0xffff, v2  }
0x29: {  	v2 =	vld [tilespmem:s17+$0x27A0];
	_ =	sdelay $0x5  }
0x2a: {  	v3 =	vld [tilespmem:s17+$0x20];
	_ =	sdelay $0x1  }
0x2b: {  	[tilespmem:v2+s12+$0x0] =	vst.idx.add.f32.msk $0xffff, v1  }
0x2c: {  	v2 =	vld.idx.msk [tilespmem:v2+s11+$0x0], $0xffff;
	_ =	sdelay $0x4  }
0x2d: {  	[tilespmem:v3+s13+$0x0] =	vst.idx.add.f32.msk $0xffff, v2  }
0x2e: {  	v2 =	vld [tilespmem:s17+$0x27B0];
	_ =	sdelay $0x5  }
0x2f: {  	v3 =	vld [tilespmem:s17+$0x30];
	_ =	sdelay $0x1  }
0x30: {  	[tilespmem:v2+s12+$0x0] =	vst.idx.add.f32.msk $0xffff, v1  }
0x31: {  	v2 =	vld.idx.msk [tilespmem:v2+s11+$0x0], $0xffff;
	_ =	sdelay $0x4  }
0x32: {  	[tilespmem:v3+s13+$0x0] =	vst.idx.add.f32.msk $0xffff, v2  }
0x33: {  	v2 =	vld [tilespmem:s17+$0x27C0];
	_ =	sdelay $0x5  }
0x34: {  	v3 =	vld [tilespmem:s17+$0x40];
	_ =	sdelay $0x1  }
0x35: {  	[tilespmem:v2+s12+$0x0] =	vst.idx.add.f32.msk $0xffff, v1  }
0x36: {  	p0 =	sne.s32 s16, $0x9B00;
	v2 =	vld.idx.msk [tilespmem:v2+s11+$0x0], $0xffff  }
.Ltmp1:
0x37: {  	_ = 	snop;
	(pc) =	sbr.rel @p0 .LBB2_4-.Ltmp1, $2  }
0x38: {  	_ =	sdelay $0x2  }
0x39: {  	s16 =	sadd.s32 $0x140, s16;
	[tilespmem:v3+s13+$0x0] =	vst.idx.add.f32.msk $0xffff, v2  }
0x3a: {  	s16 =	simm.s32 $0x0  }
0x3b: {  	v5 =	vld [tilespmem:s16+$0x76F0]  }
0x3c: {  	v6 =	vld [tilespmem:s16+$0x7680]  }
0x3d: {  	v7 =	vld [tilespmem:s16+$0x7690]  }
0x3e: {  	v4 =	vld [tilespmem:s16+$0x76A0]  }
0x3f: {  	v2 =	vld [tilespmem:s16+$0x76B0]  }
0x40: {  	v3 =	vld [tilespmem:s16+$0x76C0];
	[tilespmem:s16+$0xC6F0] =	vst v5  }
0x41: {  	[tilespmem:s16+$0xC680] =	vst v6;
	v5 =	vld [tilespmem:s16+$0x76D0]  }
0x42: {  	s17 =	simm.s32 $0x80;
	s18 =	simm.s32 $0x400;
	[tilespmem:s16+$0xC690] =	vst v7;
	v6 =	vld [tilespmem:s16+$0x76E0]  }
.LBB2_6:
0x43: {  	p0 =	sne.s32 s18, $0x9E00;
	v7 =	vld [tilespmem:s17+$0x76F0];
	[tilespmem:s16+$0xC6A0] =	vst v4  }
0x44: {  	v8 =	vld [tilespmem:s17+$0x7680];
	[tilespmem:s16+$0xC6B0] =	vst v2  }
0x45: {  	v9 =	vld [tilespmem:s17+$0x7690];
	[tilespmem:s16+$0xC6C0] =	vst v3  }
.Ltmp2:
0x46: {  	v4 =	vld [tilespmem:s17+$0x76A0];
	[tilespmem:s16+$0xC6D0] =	vst v5;
	(pc) =	sbr.rel @p0 .LBB2_6-.Ltmp2, $4  }
0x47: {  	v2 =	vld [tilespmem:s17+$0x76B0];
	[tilespmem:s16+$0xC6E0] =	vst v6;
	s16 =	smov.u32 s17  }
0x48: {  	v3 =	vld [tilespmem:s16+$0x76C0];
	[tilespmem:s16+$0xC6F0] =	vst v7  }
0x49: {  	[tilespmem:s16+$0xC680] =	vst v8;
	v5 =	vld [tilespmem:s16+$0x76D0]  }
0x4a: {  	s17 =	sshra.s32 s18, $0x2;
	s18 =	sadd.s32 $0x200, s18;
	[tilespmem:s16+$0xC690] =	vst v9;
	v6 =	vld [tilespmem:s16+$0x76E0]  }
0x4b: {  	v7 =	vld [tilespmem:s17+$0x76F0];
	[tilespmem:s16+$0xC6A0] =	vst v4  }
0x4c: {  	v4 =	vld [tilespmem:s17+$0x7680];
	[tilespmem:s16+$0xC6B0] =	vst v2  }
0x4d: {  	v2 =	vld [tilespmem:s17+$0x7690];
	[tilespmem:s16+$0xC6C0] =	vst v3  }
0x4e: {  	v3 =	vld [tilespmem:s17+$0x76A0];
	[tilespmem:s16+$0xC6D0] =	vst v5  }
0x4f: {  	v5 =	vld [tilespmem:s17+$0x76B0];
	[tilespmem:s16+$0xC6E0] =	vst v6  }
0x50: {  	v6 =	vld [tilespmem:s17+$0x76C0];
	[tilespmem:s17+$0xC6F0] =	vst v7  }
0x51: {  	[tilespmem:s17+$0xC680] =	vst v4;
	v4 =	vld [tilespmem:s17+$0x76D0]  }
0x52: {  	[tilespmem:s17+$0xC690] =	vst v2;
	v2 =	vld [tilespmem:s17+$0x76E0]  }
0x53: {  	[tilespmem:s17+$0xC6A0] =	vst v3  }
0x54: {  	[tilespmem:s17+$0xC6B0] =	vst v5  }
0x55: {  	[tilespmem:s17+$0xC6C0] =	vst v6  }
0x56: {  	[tilespmem:s17+$0xC6D0] =	vst v4  }
0x57: {  	s31 =	simm.s32 $0x0;
	[tilespmem:s17+$0xC6E0] =	vst v2  }
0x58: {  	[hbm4b:s6+s31] =	stream.linear.scatter [tilespmem:s14], [sflag:$0x1], $0x2800, $0x38;
	[tilespmem:$0xEE80] =	vst v63  }
0x59: {  	_ =	swait.ge [sflag:s9], $0x2800  }
0x5a: {  	[sflag:s9] =	ssyncset.done $0x0  }
0x5b: {  	s16 =	simm.s32 $0x0;
	[sflag:s9] =	ssyncadd.s32 $0xFFFFD800  }
0x5c: {  	v5 =	vld [tilespmem:s16+$0x9EF0]  }
0x5d: {  	v6 =	vld [tilespmem:s16+$0x9E80]  }
0x5e: {  	v7 =	vld [tilespmem:s16+$0x9E90]  }
0x5f: {  	v4 =	vld [tilespmem:s16+$0x9EA0]  }
0x60: {  	v2 =	vld [tilespmem:s16+$0x9EB0]  }
0x61: {  	v3 =	vld [tilespmem:s16+$0x9EC0];
	[tilespmem:s16+$0xC6F0] =	vst v5  }
0x62: {  	[tilespmem:s16+$0xC680] =	vst v6;
	v5 =	vld [tilespmem:s16+$0x9ED0]  }
0x63: {  	s18 =	simm.s32 $0x400;
	s17 =	simm.s32 $0x80;
	[tilespmem:s16+$0xC690] =	vst v7;
	v6 =	vld [tilespmem:s16+$0x9EE0]  }
.LBB2_8:
0x64: {  	p0 =	sne.s32 s18, $0x9E00;
	v7 =	vld [tilespmem:s17+$0x9EF0];
	[tilespmem:s16+$0xC6A0] =	vst v4  }
0x65: {  	v8 =	vld [tilespmem:s17+$0x9E80];
	[tilespmem:s16+$0xC6B0] =	vst v2  }
0x66: {  	v9 =	vld [tilespmem:s17+$0x9E90];
	[tilespmem:s16+$0xC6C0] =	vst v3  }
.Ltmp3:
0x67: {  	v4 =	vld [tilespmem:s17+$0x9EA0];
	[tilespmem:s16+$0xC6D0] =	vst v5;
	(pc) =	sbr.rel @p0 .LBB2_8-.Ltmp3, $4  }
0x68: {  	v2 =	vld [tilespmem:s17+$0x9EB0];
	[tilespmem:s16+$0xC6E0] =	vst v6;
	s16 =	smov.u32 s17  }
0x69: {  	v3 =	vld [tilespmem:s16+$0x9EC0];
	[tilespmem:s16+$0xC6F0] =	vst v7  }
0x6a: {  	[tilespmem:s16+$0xC680] =	vst v8;
	v5 =	vld [tilespmem:s16+$0x9ED0]  }
0x6b: {  	s17 =	sshra.s32 s18, $0x2;
	s18 =	sadd.s32 $0x200, s18;
	[tilespmem:s16+$0xC690] =	vst v9;
	v6 =	vld [tilespmem:s16+$0x9EE0]  }
0x6c: {  	v7 =	vld [tilespmem:s17+$0x9EF0];
	[tilespmem:s16+$0xC6A0] =	vst v4  }
0x6d: {  	v4 =	vld [tilespmem:s17+$0x9E80];
	[tilespmem:s16+$0xC6B0] =	vst v2  }
0x6e: {  	v2 =	vld [tilespmem:s17+$0x9E90];
	[tilespmem:s16+$0xC6C0] =	vst v3  }
0x6f: {  	v3 =	vld [tilespmem:s17+$0x9EA0];
	[tilespmem:s16+$0xC6D0] =	vst v5  }
0x70: {  	v5 =	vld [tilespmem:s17+$0x9EB0];
	[tilespmem:s16+$0xC6E0] =	vst v6  }
0x71: {  	v6 =	vld [tilespmem:s17+$0x9EC0];
	[tilespmem:s17+$0xC6F0] =	vst v7  }
0x72: {  	v63 =	vld [tilespmem:s17+$0x9ED0];
	[tilespmem:s17+$0xC680] =	vst v4  }
0x73: {  	[tilespmem:s17+$0xC690] =	vst v2;
	v2 =	vld [tilespmem:s17+$0x9EE0]  }
0x74: {  	[tilespmem:s17+$0xC6A0] =	vst v3  }
0x75: {  	[tilespmem:s17+$0xC6B0] =	vst v5  }
0x76: {  	s15 =	sadd.s32 $0x1, s15;
	[tilespmem:s17+$0xC6C0] =	vst v6  }
0x77: {  	p0 =	sne.s32 s15, s8;
	[tilespmem:s17+$0xC6D0] =	vst v63  }
.Ltmp4:
0x78: {  	[tilespmem:s17+$0xC6E0] =	vst v2;
	(pc) =	sbr.rel @p0 .LBB2_1-.Ltmp4, $4  }
0x79: {  	[hbm4b:s7+s3] =	stream.linear.scatter [tilespmem:s14], [sflag:$0x1], $0x2800, $0x38;
	[tilespmem:$0xEE80] =	vst v63  }
0x7a: {  	_ =	swait.ge [sflag:s9], $0x2800  }
0x7b: {  	[sflag:s9] =	ssyncset.done $0x0  }
0x7c: {  	[sflag:s9] =	ssyncadd.s32 $0xFFFFD800  }
0x7d: {  	_ =	sfence.sel $0x180000  }
0x7e: {  	[bflag:$0x0] =	sbarrier.arrive $0xFFFF  }
0x7f: {  	p0 =	sne.s32 s0, $0x0;
	_ =	strace $0x90000047  }
0x80: {  	s0 =	sadd.s32 @!p0 $0x100000, s1;
	[bflag:$0x2] =	sbarrier.arrive $0xFFFF  }
0x81: {  	[sflag:s0] =	ssyncadd.tile.s32 @!p0 $0x1;
	_ =	shalt  }
.Lfunc_end2:
_tile_overlayer_lowered:
.L_overlay_start_2:
0x82: {  	(tag) =	ssettag $0x2  }
0x83: {  	s0 =	rddreg [dreg:$0x0];
	s2 =	stileid.u32  }
0x84: {  	s1 =	rddreg [dreg:$0x1];
	p0 =	sne.s32 s2, $0x0  }
0x85: {  	s3 =	rddreg [dreg:$0x2];
	[bflag:$0x3] =	sbarrier.arrive $0xFFFF;
	s2 =	simm.s32 @!p0 $0x1C01  }
0x86: {  	[timem:s3], [sflag:s2] =	dma.local @!p0 [hbm:s0], s1  }
0x87: {  	s0 =	simm.s32 @!p0 $0x1  }
0x88: {  	_ =	swait.ge @!p0 [sflag:s0], s1  }
0x89: {  	s1 =	ssub.s32 @!p0 $0x0, s1;
	[sflag:s0] =	ssyncset.done @!p0 $0x0  }
0x8a: {  	[sflag:s0] =	ssyncadd.s32 @!p0 s1  }
0x8b: {  	[bflag:$0x3] =	sbarrier.arrive $0xFFFF  }
0x8c: {  	_ =	shalt  }

// kernel: kernel.16.cloned.1.call-start
scs
__scs_entry_jumppad:
0x0: {  	(pc) =	sbr.rel $0x88, $3  }
0x1: {  	(tag) =	ssettag $0x0;
	lr =	simm.s32 $0x1  }
0x2: {  	[smem:$0x3F98] =	sst lr;
	_ =	strace $0xD0000000  }
0x3: {  	_ = 	snop  }
0x4: {  	_ = 	snop  }
0x5: {  	_ = 	snop  }
0x6: {  	_ = 	snop  }
0x7: {  	_ = 	snop  }
__scs_overlays_trampoline_lowered:
0x8: {  	[smem:$0x3FA7] =	sst s0  }
0x9: {  	[smem:$0x3FA8] =	sst s1  }
0xa: {  	[smem:$0x3FA9] =	sst s2  }
0xb: {  	[smem:$0x3FAA] =	sst s3  }
0xc: {  	[smem:$0x3FAB] =	sst s4  }
0xd: {  	[smem:$0x3FAC] =	sst s5  }
0xe: {  	[smem:$0x3FAD] =	sst s6  }
0xf: {  	[smem:$0x3FAE] =	sst s7  }
0x10: {  	[smem:$0x3FAF] =	sst s8  }
0x11: {  	[smem:$0x3FB0] =	sst s9;
	s0 =	simm.s32 @!p0 $0x0  }
0x12: {  	s1 =	sld [smem:$0x3F96];
	s0 =	simm.s32 @p0 $0x1  }
0x13: {  	[smem:$0x3FB1] =	sst s0;
	s0 =	simm.s32 @!p1 $0x0  }
0x14: {  	s2 =	sld [smem:$0x3F95];
	s0 =	simm.s32 @p1 $0x1  }
0x15: {  	[smem:$0x3FB2] =	sst s0;
	s0 =	simm.s32 @!p2 $0x0  }
0x16: {  	s3 =	sld [smem:$0x3FDB];
	s0 =	simm.s32 @p2 $0x1  }
0x17: {  	s4 =	simm.s32 $0x1BF5;
	[smem:$0x3FB4] =	sst s0  }
0x18: {  	s0 =	sld [smem:$0x3F97];
	_ =	swait.ge [sflag:s4], $0x0  }
0x19: {  	s7 =	sld [smem:$0x3F98]  }
0x1a: {  	s8 =	sadd.s32 $0xFFFFE003, lr  }
0x1b: {  	s9 =	sadd.s32 $0xFFFFFEF7, lr;
	s5 =	simm.s32 $0xFFFFFFFF;
	p2 =	slt.u32 s8, $0xFFFFF086  }
0x1c: {  	p1 =	slt.u32 s9, $0xF7A;
	s5 =	simm.s32 @!p2 $0x0  }
0x1d: {  	s5 =	simm.s32 @p1 $0x1;
	p0 =	seq.s32 s7, s2  }
0x1e: {  	s7 =	smul.u32 @!p0 $0xF7A, s2;
	p2 =	seq.s32 @!p0 s5, $0x0  }
0x1f: {  	s9 =	smul.u32 $0xF7A, s1;
	s8 =	simm.s32 @!p0 $0x1BF5;
	p2 =	por !p2, p0  }
0x20: {  	[sflag:s8] =	ssyncset.s32 @!p0 $0xFFFFF086;
	s6 =	sadd.s32 @!p0 s3, s7;
	s7 =	simm.s32 @!p0 $0x108  }
0x21: {  	s3 =	sadd.s32 s3, s9;
	s6 =	sadd.s32 @!p0 $0x88, s6;
	s7 =	simm.s32 @p2 $0x1082  }
0x22: {  	[simem:s7], [sflag:s8] =	dma.local @!p0 [hbm:s6], $0xF7A  }
0x23: {  	s9 =	sor.u32 $0xD0000000, s2;
	s6 =	simm.s32 $0x108;
	_ =	swait.ge @!p0 [sflag:s8], $0x0  }
0x24: {  	s3 =	sadd.s32 $0x88, s3;
	s6 =	simm.s32 @!p1 $0x1082;
	[sflag:s4] =	ssyncset.s32 $0xFFFFF086  }
0x25: {  	[simem:s6], [sflag:s4] =	dma.local [hbm:s3], $0xF7A  }
0x26: {  	[smem:$0x3F98] =	sst s1;
	(tag) =	ssettag s2;
	_ =	strace s9  }
0x27: {  	s1 =	sld [smem:$0x3FA8]  }
0x28: {  	s2 =	sld [smem:$0x3FA9]  }
0x29: {  	s4 =	sld [smem:$0x3FAB]  }
0x2a: {  	p0 =	seq.s32 s5, $0x0;
	s5 =	sld [smem:$0x3FAC]  }
0x2b: {  	s6 =	sld [smem:$0x3FAD]  }
0x2c: {  	s7 =	sld [smem:$0x3FAE]  }
0x2d: {  	s3 =	simm.s32 $0x108;
	s8 =	sld [smem:$0x3FAF]  }
0x2e: {  	s3 =	simm.s32 @!p0 $0x1082;
	s9 =	sld [smem:$0x3FB0]  }
0x2f: {  	lr =	sadd.s32 s0, s3;
	s0 =	sld [smem:$0x3FA7]  }
0x30: {  	s3 =	sld [smem:$0x3FAA]  }
0x31: {  	[smem:$0x3FB3] =	sst s10  }
0x32: {  	s10 =	sld [smem:$0x3FB1];
	_ =	sdelay $0x3  }
0x33: {  	p0 =	seq.s32 s10, $0x1;
	s10 =	sld [smem:$0x3FB3];
	_ =	sdelay $0x3  }
0x34: {  	[smem:$0x3FB3] =	sst s10  }
0x35: {  	s10 =	sld [smem:$0x3FB2];
	_ =	sdelay $0x3  }
0x36: {  	p1 =	seq.s32 s10, $0x1;
	s10 =	sld [smem:$0x3FB3];
	_ =	sdelay $0x3  }
0x37: {  	[smem:$0x3FB3] =	sst s10  }
0x38: {  	s10 =	sld [smem:$0x3FB4]  }
0x39: {  	_ = 	snop;
	(pc) =	sbr.ind lr, $3  }
0x3a: {  	_ = 	snop  }
0x3b: {  	_ = 	snop  }
0x3c: {  	p2 =	seq.s32 s10, $0x1;
	s10 =	sld [smem:$0x3FB3]  }
0x3d: {  	_ =	shalt  }
0x3e: {  	_ =	shalt  }
0x3f: {  	_ =	shalt  }
0x40: {  	_ =	shalt  }
0x41: {  	_ =	shalt  }
0x42: {  	_ =	shalt  }
0x43: {  	_ =	shalt  }
0x44: {  	_ =	shalt  }
0x45: {  	_ =	shalt  }
0x46: {  	_ =	shalt  }
0x47: {  	_ =	shalt  }
0x48: {  	_ =	shalt  }
0x49: {  	_ =	shalt  }
0x4a: {  	_ =	shalt  }
0x4b: {  	_ =	shalt  }
0x4c: {  	_ =	shalt  }
0x4d: {  	_ =	shalt  }
0x4e: {  	_ =	shalt  }
0x4f: {  	_ =	shalt  }
0x50: {  	_ =	shalt  }
0x51: {  	_ =	shalt  }
0x52: {  	_ =	shalt  }
0x53: {  	_ =	shalt  }
0x54: {  	_ =	shalt  }
0x55: {  	_ =	shalt  }
0x56: {  	_ =	shalt  }
0x57: {  	_ =	shalt  }
0x58: {  	_ =	shalt  }
0x59: {  	_ =	shalt  }
0x5a: {  	_ =	shalt  }
0x5b: {  	_ =	shalt  }
0x5c: {  	_ =	shalt  }
0x5d: {  	_ =	shalt  }
0x5e: {  	_ =	shalt  }
0x5f: {  	_ =	shalt  }
0x60: {  	_ =	shalt  }
0x61: {  	_ =	shalt  }
0x62: {  	_ =	shalt  }
0x63: {  	_ =	shalt  }
0x64: {  	_ =	shalt  }
0x65: {  	_ =	shalt  }
0x66: {  	_ =	shalt  }
0x67: {  	_ =	shalt  }
0x68: {  	_ =	shalt  }
0x69: {  	_ =	shalt  }
0x6a: {  	_ =	shalt  }
0x6b: {  	_ =	shalt  }
0x6c: {  	_ =	shalt  }
0x6d: {  	_ =	shalt  }
0x6e: {  	_ =	shalt  }
0x6f: {  	_ =	shalt  }
0x70: {  	_ =	shalt  }
0x71: {  	_ =	shalt  }
0x72: {  	_ =	shalt  }
0x73: {  	_ =	shalt  }
0x74: {  	_ =	shalt  }
0x75: {  	_ =	shalt  }
0x76: {  	_ =	shalt  }
0x77: {  	_ =	shalt  }
0x78: {  	_ =	shalt  }
0x79: {  	_ =	shalt  }
0x7a: {  	_ =	shalt  }
0x7b: {  	_ =	shalt  }
0x7c: {  	_ =	shalt  }
0x7d: {  	_ =	shalt  }
0x7e: {  	_ =	shalt  }
0x7f: {  	_ =	shalt  }
0x80: {  	_ =	shalt  }
0x81: {  	_ =	shalt  }
0x82: {  	_ =	shalt  }
0x83: {  	_ =	shalt  }
0x84: {  	_ =	shalt  }
0x85: {  	_ =	shalt  }
0x86: {  	_ =	shalt  }
0x87: {  	_ =	shalt  }
.Lfunc_end0:
.L_simem_size_0:
called_computation.1_lowered:
.L_overlay_start_0:
0x88: {  	s2 =	sld [smem:$0x3FD9]  }
0x89: {  	s3 =	sld [smem:$0x3FFE];
	_ =	sdelay $0x1  }
0x8a: {  	s1 =	srdreg.scid  }
0x8b: {  	s0 =	sand.u32 $0x1, s1  }
0x8c: {  	s17 =	sshll.u32 s0, $0xA;
	s2 =	sadd.s32 s3, s2  }
0x8d: {  	s2 =	sadd.s32 s2, s17  }
0x8e: {  	[smem:$0x3FBF] =	sst s2  }
0x8f: {  	_ = 	snop  }
0x90: {  	s18 =	sld [smem:$0x3FD0];
	(tm) =	ssettm $0x1  }
0x91: {  	s19 =	sld [smem:$0x3FFB];
	_ =	sdelay $0x3  }
0x92: {  	_ =	strace s19  }
0x93: {  	s2 =	sld [smem:$0x3FFC];
	_ =	sdelay $0x3  }
0x94: {  	_ =	strace s2  }
0x95: {  	s2 =	sld [smem:$0x3FFD];
	_ =	sdelay $0x3  }
0x96: {  	_ =	strace s2  }
0x97: {  	_ =	strace $0x8FFFFFFF  }
0x98: {  	s20 =	sld [smem:$0x3FDB];
	_ =	sdelay $0x1  }
0x99: {  	s4 =	simm.s32 $_scs_section_size  }
0x9a: {  	s5 =	simm.s32 $_size__tile_overlayer_lowered;
	s6 =	simm.s32 $_tile_overlayer_lowered  }
0x9b: {  	s7 =	simm.s32 $0x1BFF;
	s21 =	sshll.u32 s6, $0x1;
	s4 =	sadd.s32 s4, s20  }
0x9c: {  	s22 =	simm.s32 $0x0;
	s5 =	sshll.u32 s5, $0x1;
	s6 =	sadd.s32 s21, s4  }
0x9d: {  	[timem:s22], [sflag:s7] =	dma.local [hbm:s6], s5  }
0x9e: {  	_ =	swait.ge [sflag:s7], s5  }
0x9f: {  	s5 =	ssub.s32 $0x0, s5;
	[sflag:s7] =	ssyncset.done $0x0  }
0xa0: {  	[sflag:s7] =	ssyncadd.s32 s5;
	_ =	sdelay $0x1  }
0xa1: {  	s23 =	simm.s32 $0x1B8B  }
0xa2: {  	_ =	swait.ge [sflag:s23], $0x1  }
0xa3: {  	[sflag:s23] =	ssyncset.done $0x0  }
0xa4: {  	[sflag:s23] =	ssyncadd.s32 $0xFFFFFFFF  }
0xa5: {  	s5 =	sld [smem:$0x0]  }
0xa6: {  	s6 =	sand.u32 $0xFFFFFFFE, s1  }
0xa7: {  	p0 =	sne.s32 s1, s6  }
0xa8: {  	s6 =	sshll.u32 @p0 s6, $0xE  }
0xa9: {  	s6 =	sadd.s32 @p0 $0x11B8D, s6;
	s7 =	sshll.u32 @p0 s5, $0x11  }
0xaa: {  	s6 =	sor.u32 @p0 s7, s6  }
0xab: {  	[sflag:s6] =	ssyncadd.remote.s32 @p0 $0x1;
	_ =	sdelay $0x1  }
0xac: {  	s6 =	simm.s32 @p0 $0x1B8D  }
0xad: {  	_ =	swait.eq @p0 [sflag:s6], $0x1  }
0xae: {  	[sflag:s6] =	ssyncadd.s32 @p0 $0xFFFFFFFF  }
0xaf: {  	s7 =	sshll.u32 @!p0 s1, $0xE  }
0xb0: {  	s7 =	sor.u32 @!p0 $0x4000, s7;
	s6 =	simm.s32 @!p0 $0x1B8D  }
0xb1: {  	s5 =	sshll.u32 @!p0 s5, $0x11;
	s7 =	sadd.s32 @!p0 $0x11B8D, s7;
	_ =	swait.eq @!p0 [sflag:s6], $0x1  }
0xb2: {  	s5 =	sor.u32 @!p0 s5, s7;
	[sflag:s6] =	ssyncadd.s32 @!p0 $0xFFFFFFFF  }
0xb3: {  	s25 =	simm.s32 $0x1B8E;
	s24 =	sld [smem:$0x3FFE];
	[sflag:s5] =	ssyncadd.remote.s32 @!p0 $0x1  }
0xb4: {  	s26 =	simm.s32 $execute0_lowered;
	[smem:$0x3FD2] =	sst s25  }
0xb5: {  	s6 =	sshll.u32 s26, $0x1;
	_ =	strace $0x80000049;
	[dreg:$0x1] =	wrdreg $0xFFFFFFFF  }
0xb6: {  	s28 =	simm.s32 $_size_execute0_lowered;
	s4 =	sadd.s32 s4, s6;
	[dreg:$0x0] =	wrdreg $0x0  }
0xb7: {  	s6 =	sshll.u32 s28, $0x1;
	[dreg:$0x2] =	wrdreg s4  }
0xb8: {  	[dreg:$0x3] =	wrdreg s6  }
0xb9: {  	[dreg:$0x4] =	wrdreg $0xC0  }
0xba: {  	_ =	task [dreg:s22], $0x5FFFF  }
0xbb: {  	[dreg:$0x1] =	wrdreg $0xFFFFFFFF  }
0xbc: {  	[dreg:$0x0] =	wrdreg $0x60  }
0xbd: {  	[dreg:$0x2] =	wrdreg s18  }
0xbe: {  	[dreg:$0x3] =	wrdreg s24  }
0xbf: {  	[dreg:$0x4] =	wrdreg $0xB9800  }
0xc0: {  	[dreg:$0x5] =	wrdreg $0xA  }
0xc1: {  	_ =	task.clear_ibuf [dreg:s22], $0x6FFFF;
	_ =	strace $0x90000049  }
0xc2: {  	s29 =	simm.s32 $0xA;
	_ =	strace $0x8000004B  }
0xc3: {  	_ =	swait.ge [sflag:s29], $0x1  }
0xc4: {  	[sflag:s29] =	ssyncadd.s32 $0xFFFFFFFF  }
0xc5: {  	_ =	strace $0x9000004B  }
0xc6: {  	_ =	sfence  }
0xc7: {  	s30 =	sld [smem:$0x0];
	_ =	sdelay $0x2  }
0xc8: {  	s31 =	sshll.u32 s1, $0xD;
	s1 =	sshrl.u32 s1, $0x2  }
0xc9: {  	s4 =	sand.u32 $0x4000, s31;
	s1 =	sadd.s32 s1, s30  }
0xca: {  	s0 =	sor.u32 s4, s0;
	s1 =	sshll.u32 s1, $0x11  }
0xcb: {  	s0 =	sor.u32 s1, s0  }
0xcc: {  	s0 =	sadd.s32 $0x8F2B, s0  }
0xcd: {  	[sflag:s0] =	ssyncadd.remote.s32 $0x1  }
0xce: {  	_ =	sfence.sel $0xFFFF  }
0xcf: {  	[dreg:$0x0] =	wrdreg $0xFFFFFFFF;
	(pc) =	sbr.abs _section_cstart, $3  }
0xd0: {  	[dreg:$0x1] =	wrdreg $0xFFFFFFFF  }
0xd1: {  	_ =	task.clear_ibuf [dreg:s22], $0x2FFFF;
	_ =	strace $0x9FFFFFFF  }
0xd2: {  	(tm) =	ssettm $0x7FFFFFFF  }
0xd3: {  	_ =	shalt  }
tec
execute0_lowered:
.L_overlay_start_1:
0x0: {  	(tag) =	ssettag $0x1  }
0x1: {  	s1 =	rddreg [dreg:$0x0]  }
0x2: {  	s0 =	rddreg [dreg:$0x1]  }
0x3: {  	s2 =	rddreg [dreg:$0x2];
	s3 =	srdreg.scid;
	s4 =	simm.s32 $0x0  }
0x4: {  	s12 =	stileid.u32;
	s28 =	simm.s32 $0x6800;
	s29 =	simm.s32 $0xB900  }
0x5: {  	s30 =	simm.s32 $0x9;
	s31 =	simm.s32 $0x9000;
	s3 =	sand.u32 $0x1, s3  }
0x6: {  	[smem:$0x7FF] =	sst s4;
	s10 =	smul.u32 $0x7D000, s12;
	s11 =	sadd.s32 $0x4B000, s0  }
0x7: {  	p0 =	sgt.u32 s12, $0x9;
	s5 =	sshll.u32 s3, $0x4;
	_ =	strace $0x8000004A  }
0x8: {  	s8 =	smul.u32 $0x27100, s3;
	s9 =	ssub.s32 $0x2, s3;
	[dreg:$0x4] =	wrdreg s11  }
0x9: {  	s3 =	smul.u32 $0x3E800, s3;
	s11 =	simm.s32 $0x0;
	s6 =	sor.u32 s12, s5  }
0xa: {  	s5 =	sadd.s32 $0x3B600, s0;
	s17 =	sshrl.u32 s9, $0x1;
	s19 =	sshrl.u32 s10, $0x2  }
0xb: {  	s10 =	simm.s32 $0x6;
	s7 =	sshll.u32 s6, $0xB;
	s6 =	smul.u32 $0x3E80, s6  }
0xc: {  	s18 =	ssub.s32 s9, s17;
	s9 =	smul.u32 $0x3E80, s12;
	s17 =	simm.s32 $0xA  }
0xd: {  	s7 =	sadd.s32 s7, s0;
	s0 =	sadd.s32 s8, s0;
	s23 =	smax.u32 s18, $0x1  }
0xe: {  	s7 =	sadd.s32 $0x2B600, s7;
	s6 =	sshrl.u32 s6, $0x3;
	s0 =	sadd.s32 $0x4F000, s0  }
0xf: {  	s3 =	sadd.s32 s9, s3;
	[dreg:$0xb] =	wrdreg s23;
	s23 =	simm.s32 $0x4000  }
0x10: {  	[dreg:$0x5] =	wrdreg s7;
	s7 =	sadd.s32 s19, s2;
	s6 =	sadd.s32 s5, s6  }
0x11: {  	s24 =	sadd.s32 $0x280, s3;
	s25 =	sadd.s32 $0x200, s3;
	s16 =	sadd.s32 $0x180, s3  }
0x12: {  	s0 =	sadd.s32 @!p0 s9, s0;
	s3 =	simm.s32 $0x2;
	[dreg:$0x6] =	wrdreg s6  }
0x13: {  	s9 =	simm.s32 $0x5;
	s20 =	sadd.s32 $0x10, s6;
	[dreg:$0xe] =	wrdreg s0  }
0x14: {  	s21 =	sadd.s32 $0x20, s6;
	s22 =	sadd.s32 $0x7B0, s6;
	[dreg:$0x7] =	wrdreg s20  }
0x15: {  	s6 =	sadd.s32 $0x7C0, s6;
	s8 =	sshrl.u32 s25, $0x3;
	[dreg:$0x8] =	wrdreg s21  }
0x16: {  	s19 =	sshrl.u32 @!p0 s7, $0x3;
	s25 =	simm.s32 $0xB880;
	[dreg:$0x9] =	wrdreg s22  }
0x17: {  	s0 =	simm.s32 $0x1;
	s7 =	simm.s32 $0x4;
	[dreg:$0xa] =	wrdreg s6  }
0x18: {  	s6 =	sshrl.u32 s24, $0x3;
	s26 =	sadd.s32 s8, s5;
	s20 =	simm.s32 $0xB800  }
0x19: {  	s21 =	simm.s32 $0x7;
	s6 =	sadd.s32 s6, s5;
	[dreg:$0xd] =	wrdreg s26  }
0x1a: {  	s22 =	simm.s32 $0x50;
	[dreg:$0xc] =	wrdreg s6;
	s6 =	sshll.u32 @!p0 s12, $0x6  }
0x1b: {  	s26 =	simm.s32 $0x8;
	s18 =	sor.u32 @!p0 $0x1C0A, s6;
	s6 =	simm.s32 $0x3  }
.LBB2_1:
0x1c: {  	s8 =	rddreg [dreg:$0x5]  }
0x1d: {  	[tilespmem:s4], [sflag:$0xA] =	stream.linear.gather [hbm4b:s8+s4], $0x3E80, $0x38;
	[tilespmem:$0x1F200] =	vst v63  }
0x1e: {  	_ =	swait.ge [sflag:s17], $0x3E80  }
0x1f: {  	[sflag:s17] =	ssyncset.done $0x0  }
0x20: {  	s8 =	rddreg [dreg:$0x4];
	[sflag:s17] =	ssyncadd.s32 $0xFFFFC180  }
0x21: {  	[spmem:s19], [sflag:s18] =	dma.local @!p0 [hbm:s8], $0x3E80  }
0x22: {  	s8 =	simm.s32 @!p0 $0xA  }
0x23: {  	_ =	swait.ge @!p0 [sflag:s8], $0x3E80  }
0x24: {  	[sflag:s8] =	ssyncset.done @!p0 $0x0  }
0x25: {  	[sflag:s8] =	ssyncadd.s32 @!p0 $0xFFFFC180  }
0x26: {  	[bflag:$0x0] =	sbarrier.arrive $0xFFFF  }
0x27: {  	s13 =	rddreg [dreg:$0x6]  }
0x28: {  	[tilespmem:s20], [sflag:$0x7] =	stream.linear.gather [hbm4b:s13+s4], $0x80, $0x38;
	[tilespmem:$0x1F200] =	vst v63  }
0x29: {  	_ =	swait.ge [sflag:s21], $0x80  }
0x2a: {  	[sflag:s21] =	ssyncset.done $0x0  }
0x2b: {  	[sflag:s21] =	ssyncadd.s32 $0xFFFFFF80  }
0x2c: {  	[tilespmem:s23], [sflag:$0x1] =	stream.indirect.gather [hbm4b:s1+s22], $0x80, s20, s22, $0xb8;
	[tilespmem:$0x1F200] =	vst v63  }
0x2d: {  	s14 =	rddreg [dreg:$0x7]  }
0x2e: {  	[tilespmem:s25], [sflag:$0x8] =	stream.linear.gather [hbm4b:s14+s4], $0x80, $0x38;
	[tilespmem:$0x1F200] =	vst v63  }
0x2f: {  	_ =	swait.ge [sflag:s26], $0x80  }
0x30: {  	[sflag:s26] =	ssyncset.done $0x0  }
0x31: {  	[sflag:s26] =	ssyncadd.s32 $0xFFFFFF80  }
0x32: {  	[tilespmem:s28], [sflag:$0x2] =	stream.indirect.gather [hbm4b:s1+s22], $0x80, s25, s22, $0xb8;
	[tilespmem:$0x1F200] =	vst v63  }
0x33: {  	s15 =	rddreg [dreg:$0x8]  }
0x34: {  	[tilespmem:s29], [sflag:$0x9] =	stream.linear.gather [hbm4b:s15+s4], $0x80, $0x38;
	[tilespmem:$0x1F200] =	vst v63  }
0x35: {  	_ =	swait.ge [sflag:s30], $0x80  }
0x36: {  	[sflag:s30] =	ssyncset.done $0x0  }
0x37: {  	[sflag:s30] =	ssyncadd.s32 $0xFFFFFF80  }
0x38: {  	[tilespmem:s31], [sflag:$0x3] =	stream.indirect.gather [hbm4b:s1+s22], $0x80, s29, s22, $0xb8;
	[tilespmem:$0x1F200] =	vst v63  }
0x39: {  	_ =	swait.ge [sflag:s0], $0x2800  }
0x3a: {  	[sflag:s0] =	ssyncset.done $0x0  }
0x3b: {  	s24 =	simm.s32 $0x0;
	s12 =	sshrl.u32 s16, $0x3;
	[sflag:s0] =	ssyncadd.s32 $0xFFFFD800  }
0x3c: {  	[spmem:s2] =	stream.indirect.scatter.add.f32 [tilespmem:s23], [sflag:$0x4], $0x80, s24, s22, $0xb8;
	[tilespmem:$0x1F200] =	vst v63  }
0x3d: {  	s13 =	sadd.s32 s5, s12  }
0x3e: {  	[tilespmem:s20], [sflag:$0x7] =	stream.linear.gather [hbm4b:s13+s4], $0x80, $0x38;
	[tilespmem:$0x1F200] =	vst v63  }
0x3f: {  	_ =	swait.ge [sflag:s3], $0x2800  }
0x40: {  	[sflag:s3] =	ssyncset.done $0x0  }
0x41: {  	s14 =	simm.s32 $0x80;
	[sflag:s3] =	ssyncadd.s32 $0xFFFFD800  }
0x42: {  	[spmem:s2] =	stream.indirect.scatter.add.f32 [tilespmem:s28], [sflag:$0x5], $0x80, s14, s22, $0xb8;
	[tilespmem:$0x1F200] =	vst v63  }
0x43: {  	s14 =	rddreg [dreg:$0xd]  }
0x44: {  	[tilespmem:s25], [sflag:$0x8] =	stream.linear.gather [hbm4b:s14+s4], $0x80, $0x38;
	[tilespmem:$0x1F200] =	vst v63  }
0x45: {  	_ =	swait.ge [sflag:s6], $0x2800  }
0x46: {  	[sflag:s6] =	ssyncset.done $0x0  }
0x47: {  	s15 =	simm.s32 $0x100;
	[sflag:s6] =	ssyncadd.s32 $0xFFFFD800  }
0x48: {  	[spmem:s2] =	stream.indirect.scatter.add.f32 [tilespmem:s31], [sflag:$0x6], $0x80, s15, s22, $0xb8;
	[tilespmem:$0x1F200] =	vst v63  }
0x49: {  	s24 =	rddreg [dreg:$0xc]  }
0x4a: {  	[tilespmem:s29], [sflag:$0x9] =	stream.linear.gather [hbm4b:s24+s4], $0x80, $0x38;
	[tilespmem:$0x1F200] =	vst v63  }
0x4b: {  	_ =	swait.ge [sflag:s7], $0x2800  }
0x4c: {  	[sflag:s7] =	ssyncset.done $0x0  }
0x4d: {  	[sflag:s7] =	ssyncadd.s32 $0xFFFFD800  }
0x4e: {  	_ =	swait.ge [sflag:s21], $0x80  }
0x4f: {  	[sflag:s21] =	ssyncset.done $0x0  }
0x50: {  	[sflag:s21] =	ssyncadd.s32 $0xFFFFFF80  }
0x51: {  	[tilespmem:s23], [sflag:$0x1] =	stream.indirect.gather [hbm4b:s1+s22], $0x80, s20, s22, $0xb8;
	[tilespmem:$0x1F200] =	vst v63  }
0x52: {  	_ =	swait.ge [sflag:s9], $0x2800  }
0x53: {  	[sflag:s9] =	ssyncset.done $0x0  }
0x54: {  	[sflag:s9] =	ssyncadd.s32 $0xFFFFD800  }
0x55: {  	_ =	swait.ge [sflag:s26], $0x80  }
0x56: {  	[sflag:s26] =	ssyncset.done $0x0  }
0x57: {  	[sflag:s26] =	ssyncadd.s32 $0xFFFFFF80  }
0x58: {  	[tilespmem:s28], [sflag:$0x2] =	stream.indirect.gather [hbm4b:s1+s22], $0x80, s25, s22, $0xb8;
	[tilespmem:$0x1F200] =	vst v63  }
0x59: {  	_ =	swait.ge [sflag:s10], $0x2800  }
0x5a: {  	[sflag:s10] =	ssyncset.done $0x0  }
0x5b: {  	[sflag:s10] =	ssyncadd.s32 $0xFFFFD800  }
0x5c: {  	_ =	swait.ge [sflag:s30], $0x80  }
0x5d: {  	s12 =	simm.s32 $0x600;
	s13 =	sadd.s32 $0x180, s16;
	[sflag:s30] =	ssyncset.done $0x0  }
0x5e: {  	s8 =	sadd.s32 $0x30, s14;
	s24 =	sadd.s32 $0x30, s24;
	[sflag:s30] =	ssyncadd.s32 $0xFFFFFF80  }
.LBB2_2:
0x5f: {  	[tilespmem:s31], [sflag:$0x3] =	stream.indirect.gather [hbm4b:s1+s22], $0x80, s29, s22, $0xb8;
	[tilespmem:$0x1F200] =	vst v63  }
0x60: {  	s14 =	smov.u32 s12  }
0x61: {  	p1 =	sne.s32 s12, $0xEA00;
	s12 =	sadd.s32 $0x600, s12;
	_ =	swait.ge [sflag:s0], $0x2800  }
0x62: {  	[sflag:s0] =	ssyncset.done $0x0  }
0x63: {  	s15 =	sshrl.u32 s13, $0x3;
	s14 =	sshra.s32 s14, $0x2;
	[sflag:s0] =	ssyncadd.s32 $0xFFFFD800  }
0x64: {  	[spmem:s2] =	stream.indirect.scatter.add.f32 [tilespmem:s23], [sflag:$0x4], $0x80, s14, s22, $0xb8;
	[tilespmem:$0x1F200] =	vst v63  }
0x65: {  	s15 =	sadd.s32 s5, s15  }
0x66: {  	[tilespmem:s20], [sflag:$0x7] =	stream.linear.gather [hbm4b:s15+s4], $0x80, $0x38;
	[tilespmem:$0x1F200] =	vst v63  }
0x67: {  	_ =	swait.ge [sflag:s3], $0x2800  }
0x68: {  	[sflag:s3] =	ssyncset.done $0x0  }
0x69: {  	s15 =	sadd.s32 $0x80, s14;
	[sflag:s3] =	ssyncadd.s32 $0xFFFFD800  }
0x6a: {  	[spmem:s2] =	stream.indirect.scatter.add.f32 [tilespmem:s28], [sflag:$0x5], $0x80, s15, s22, $0xb8;
	[tilespmem:$0x1F200] =	vst v63  }
0x6b: {  	_ = 	snop  }
0x6c: {  	[tilespmem:s25], [sflag:$0x8] =	stream.linear.gather [hbm4b:s8+s4], $0x80, $0x38;
	[tilespmem:$0x1F200] =	vst v63  }
0x6d: {  	_ =	swait.ge [sflag:s6], $0x2800  }
0x6e: {  	[sflag:s6] =	ssyncset.done $0x0  }
0x6f: {  	s14 =	sadd.s32 $0x100, s14;
	[sflag:s6] =	ssyncadd.s32 $0xFFFFD800  }
0x70: {  	[spmem:s2] =	stream.indirect.scatter.add.f32 [tilespmem:s31], [sflag:$0x6], $0x80, s14, s22, $0xb8;
	[tilespmem:$0x1F200] =	vst v63  }
0x71: {  	_ = 	snop  }
0x72: {  	[tilespmem:s29], [sflag:$0x9] =	stream.linear.gather [hbm4b:s24+s4], $0x80, $0x38;
	[tilespmem:$0x1F200] =	vst v63  }
0x73: {  	_ =	swait.ge [sflag:s7], $0x2800  }
0x74: {  	[sflag:s7] =	ssyncset.done $0x0  }
0x75: {  	[sflag:s7] =	ssyncadd.s32 $0xFFFFD800  }
0x76: {  	_ =	swait.ge [sflag:s21], $0x80  }
0x77: {  	[sflag:s21] =	ssyncset.done $0x0  }
0x78: {  	[sflag:s21] =	ssyncadd.s32 $0xFFFFFF80  }
0x79: {  	[tilespmem:s23], [sflag:$0x1] =	stream.indirect.gather [hbm4b:s1+s22], $0x80, s20, s22, $0xb8;
	[tilespmem:$0x1F200] =	vst v63  }
0x7a: {  	_ =	swait.ge [sflag:s9], $0x2800  }
0x7b: {  	[sflag:s9] =	ssyncset.done $0x0  }
0x7c: {  	[sflag:s9] =	ssyncadd.s32 $0xFFFFD800  }
0x7d: {  	_ =	swait.ge [sflag:s26], $0x80  }
0x7e: {  	[sflag:s26] =	ssyncset.done $0x0  }
0x7f: {  	[sflag:s26] =	ssyncadd.s32 $0xFFFFFF80  }
0x80: {  	[tilespmem:s28], [sflag:$0x2] =	stream.indirect.gather [hbm4b:s1+s22], $0x80, s25, s22, $0xb8;
	[tilespmem:$0x1F200] =	vst v63  }
0x81: {  	_ =	swait.ge [sflag:s10], $0x2800  }
.Ltmp0:
0x82: {  	[sflag:s10] =	ssyncset.done $0x0;
	(pc) =	sbr.rel @p1 .LBB2_2-.Ltmp0, $4  }
0x83: {  	[sflag:s10] =	ssyncadd.s32 $0xFFFFD800  }
0x84: {  	_ =	swait.ge [sflag:s30], $0x80  }
0x85: {  	s13 =	sadd.s32 $0x180, s13;
	[sflag:s30] =	ssyncset.done $0x0  }
0x86: {  	s8 =	sadd.s32 $0x30, s8;
	s24 =	sadd.s32 $0x30, s24;
	[sflag:s30] =	ssyncadd.s32 $0xFFFFFF80  }
0x87: {  	[tilespmem:s31], [sflag:$0x3] =	stream.indirect.gather [hbm4b:s1+s22], $0x80, s29, s22, $0xb8;
	[tilespmem:$0x1F200] =	vst v63  }
0x88: {  	_ =	swait.ge [sflag:s0], $0x2800  }
0x89: {  	[sflag:s0] =	ssyncset.done $0x0  }
0x8a: {  	s8 =	simm.s32 $0x3C00;
	[sflag:s0] =	ssyncadd.s32 $0xFFFFD800  }
0x8b: {  	[spmem:s2] =	stream.indirect.scatter.add.f32 [tilespmem:s23], [sflag:$0x4], $0x80, s8, s22, $0xb8;
	[tilespmem:$0x1F200] =	vst v63  }
0x8c: {  	s24 =	rddreg [dreg:$0x9]  }
0x8d: {  	[tilespmem:s20], [sflag:$0x7] =	stream.linear.gather [hbm4b:s24+s4], $0x80, $0x38;
	[tilespmem:$0x1F200] =	vst v63  }
0x8e: {  	_ =	swait.ge [sflag:s3], $0x2800  }
0x8f: {  	[sflag:s3] =	ssyncset.done $0x0  }
0x90: {  	s12 =	simm.s32 $0x3C80;
	[sflag:s3] =	ssyncadd.s32 $0xFFFFD800  }
0x91: {  	[spmem:s2] =	stream.indirect.scatter.add.f32 [tilespmem:s28], [sflag:$0x5], $0x80, s12, s22, $0xb8;
	[tilespmem:$0x1F200] =	vst v63  }
0x92: {  	s13 =	rddreg [dreg:$0xa]  }
0x93: {  	[tilespmem:s25], [sflag:$0x8] =	stream.linear.gather [hbm4b:s13+s4], $0x80, $0x38;
	[tilespmem:$0x1F200] =	vst v63  }
0x94: {  	_ =	swait.ge [sflag:s6], $0x2800  }
0x95: {  	[sflag:s6] =	ssyncset.done $0x0  }
0x96: {  	s14 =	simm.s32 $0x3D00;
	[sflag:s6] =	ssyncadd.s32 $0xFFFFD800  }
0x97: {  	[spmem:s2] =	stream.indirect.scatter.add.f32 [tilespmem:s31], [sflag:$0x6], $0x80, s14, s22, $0xb8;
	[tilespmem:$0x1F200] =	vst v63  }
0x98: {  	_ =	swait.ge [sflag:s7], $0x2800  }
0x99: {  	[sflag:s7] =	ssyncset.done $0x0  }
0x9a: {  	[sflag:s7] =	ssyncadd.s32 $0xFFFFD800  }
0x9b: {  	_ =	swait.ge [sflag:s21], $0x80  }
0x9c: {  	[sflag:s21] =	ssyncset.done $0x0  }
0x9d: {  	[sflag:s21] =	ssyncadd.s32 $0xFFFFFF80  }
0x9e: {  	[tilespmem:s23], [sflag:$0x1] =	stream.indirect.gather [hbm4b:s1+s22], $0x80, s20, s22, $0xb8;
	[tilespmem:$0x1F200] =	vst v63  }
0x9f: {  	_ =	swait.ge [sflag:s9], $0x2800  }
0xa0: {  	[sflag:s9] =	ssyncset.done $0x0  }
0xa1: {  	[sflag:s9] =	ssyncadd.s32 $0xFFFFD800  }
0xa2: {  	_ =	swait.ge [sflag:s26], $0x80  }
0xa3: {  	[sflag:s26] =	ssyncset.done $0x0  }
0xa4: {  	[sflag:s26] =	ssyncadd.s32 $0xFFFFFF80  }
0xa5: {  	[tilespmem:s28], [sflag:$0x2] =	stream.indirect.gather [hbm4b:s1+s22], $0x80, s25, s22, $0xb8;
	[tilespmem:$0x1F200] =	vst v63  }
0xa6: {  	_ =	swait.ge [sflag:s10], $0x2800  }
0xa7: {  	[sflag:s10] =	ssyncset.done $0x0  }
0xa8: {  	[sflag:s10] =	ssyncadd.s32 $0xFFFFD800  }
0xa9: {  	_ =	swait.ge [sflag:s0], $0x2800  }
0xaa: {  	[sflag:s0] =	ssyncset.done $0x0  }
0xab: {  	s15 =	simm.s32 $0x3D80;
	[sflag:s0] =	ssyncadd.s32 $0xFFFFD800  }
0xac: {  	[spmem:s2] =	stream.indirect.scatter.add.f32 [tilespmem:s23], [sflag:$0xA], $0x80, s15, s22, $0xb8;
	[tilespmem:$0x1F200] =	vst v63  }
0xad: {  	_ =	swait.ge [sflag:s17], $0x2800  }
0xae: {  	[sflag:s17] =	ssyncset.done $0x0  }
0xaf: {  	[sflag:s17] =	ssyncadd.s32 $0xFFFFD800  }
0xb0: {  	_ =	swait.ge [sflag:s3], $0x2800  }
0xb1: {  	[sflag:s3] =	ssyncset.done $0x0  }
0xb2: {  	s24 =	simm.s32 $0x3E00;
	[sflag:s3] =	ssyncadd.s32 $0xFFFFD800  }
0xb3: {  	[spmem:s2] =	stream.indirect.scatter.add.f32 [tilespmem:s28], [sflag:$0xA], $0x80, s24, s22, $0xb8;
	[tilespmem:$0x1F200] =	vst v63  }
0xb4: {  	_ =	swait.ge [sflag:s17], $0x2800  }
0xb5: {  	[sflag:s17] =	ssyncset.done $0x0  }
0xb6: {  	[sflag:s17] =	ssyncadd.s32 $0xFFFFD800  }
0xb7: {  	[bflag:$0x0] =	sbarrier.arrive $0xFFFF  }
0xb8: {  	s8 =	rddreg [dreg:$0xe]  }
0xb9: {  	[hbm:s8], [sflag:s18] =	dma.local @!p0 [spmem:s19], $0x3E80  }
0xba: {  	s8 =	simm.s32 @!p0 $0xA  }
0xbb: {  	_ =	swait.ge @!p0 [sflag:s8], $0x3E80  }
0xbc: {  	s11 =	sadd.s32 $0x1, s11;
	s12 =	rddreg [dreg:$0xb]  }
0xbd: {  	p1 =	sne.s32 s11, s12  }
.Ltmp1:
0xbe: {  	_ = 	snop;
	(pc) =	sbr.rel @p1 .LBB2_1-.Ltmp1, $3  }
0xbf: {  	_ =	sdelay $0x1  }
0xc0: {  	[sflag:s8] =	ssyncset.done @!p0 $0x0  }
0xc1: {  	[sflag:s8] =	ssyncadd.s32 @!p0 $0xFFFFC180  }
0xc2: {  	_ =	sfence.sel $0x180000  }
0xc3: {  	[bflag:$0x0] =	sbarrier.arrive $0xFFFF  }
0xc4: {  	_ =	strace $0x9000004A  }
0xc5: {  	s0 =	stileid.u32;
	[bflag:$0x2] =	sbarrier.arrive $0xFFFF  }
0xc6: {  	p0 =	sne.s32 s0, $0x0;
	s0 =	rddreg [dreg:$0x3]  }
0xc7: {  	s0 =	sadd.s32 @!p0 $0x100000, s0  }
0xc8: {  	[sflag:s0] =	ssyncadd.tile.s32 @!p0 $0x1;
	_ =	shalt  }
.Lfunc_end2:
_tile_overlayer_lowered:
.L_overlay_start_2:
0xc9: {  	(tag) =	ssettag $0x2  }
0xca: {  	s0 =	rddreg [dreg:$0x0];
	s2 =	stileid.u32  }
0xcb: {  	s1 =	rddreg [dreg:$0x1];
	p0 =	sne.s32 s2, $0x0  }
0xcc: {  	s3 =	rddreg [dreg:$0x2];
	[bflag:$0x3] =	sbarrier.arrive $0xFFFF;
	s2 =	simm.s32 @!p0 $0x1C0A  }
0xcd: {  	[timem:s3], [sflag:s2] =	dma.local @!p0 [hbm:s0], s1  }
0xce: {  	s0 =	simm.s32 @!p0 $0xA  }
0xcf: {  	_ =	swait.ge @!p0 [sflag:s0], s1  }
0xd0: {  	s1 =	ssub.s32 @!p0 $0x0, s1;
	[sflag:s0] =	ssyncset.done @!p0 $0x0  }
0xd1: {  	[sflag:s0] =	ssyncadd.s32 @!p0 s1  }
0xd2: {  	[bflag:$0x3] =	sbarrier.arrive $0xFFFF  }
0xd3: {  	_ =	shalt  }

// kernel: kernel.19.cloned.1.call-start
scs
__scs_entry_jumppad:
0x0: {  	(pc) =	sbr.rel $0x88, $3  }
0x1: {  	(tag) =	ssettag $0x0;
	lr =	simm.s32 $0x1  }
0x2: {  	[smem:$0x3F98] =	sst lr;
	_ =	strace $0xD0000000  }
0x3: {  	_ = 	snop  }
0x4: {  	_ = 	snop  }
0x5: {  	_ = 	snop  }
0x6: {  	_ = 	snop  }
0x7: {  	_ = 	snop  }
__scs_overlays_trampoline_lowered:
0x8: {  	[smem:$0x3FA7] =	sst s0  }
0x9: {  	[smem:$0x3FA8] =	sst s1  }
0xa: {  	[smem:$0x3FA9] =	sst s2  }
0xb: {  	[smem:$0x3FAA] =	sst s3  }
0xc: {  	[smem:$0x3FAB] =	sst s4  }
0xd: {  	[smem:$0x3FAC] =	sst s5  }
0xe: {  	[smem:$0x3FAD] =	sst s6  }
0xf: {  	[smem:$0x3FAE] =	sst s7  }
0x10: {  	[smem:$0x3FAF] =	sst s8  }
0x11: {  	[smem:$0x3FB0] =	sst s9;
	s0 =	simm.s32 @!p0 $0x0  }
0x12: {  	s1 =	sld [smem:$0x3F96];
	s0 =	simm.s32 @p0 $0x1  }
0x13: {  	[smem:$0x3FB1] =	sst s0;
	s0 =	simm.s32 @!p1 $0x0  }
0x14: {  	s2 =	sld [smem:$0x3F95];
	s0 =	simm.s32 @p1 $0x1  }
0x15: {  	[smem:$0x3FB2] =	sst s0;
	s0 =	simm.s32 @!p2 $0x0  }
0x16: {  	s3 =	sld [smem:$0x3FDB];
	s0 =	simm.s32 @p2 $0x1  }
0x17: {  	s4 =	simm.s32 $0x1BF5;
	[smem:$0x3FB4] =	sst s0  }
0x18: {  	s0 =	sld [smem:$0x3F97];
	_ =	swait.ge [sflag:s4], $0x0  }
0x19: {  	s7 =	sld [smem:$0x3F98]  }
0x1a: {  	s8 =	sadd.s32 $0xFFFFE003, lr  }
0x1b: {  	s9 =	sadd.s32 $0xFFFFFEF7, lr;
	s5 =	simm.s32 $0xFFFFFFFF;
	p2 =	slt.u32 s8, $0xFFFFF086  }
0x1c: {  	p1 =	slt.u32 s9, $0xF7A;
	s5 =	simm.s32 @!p2 $0x0  }
0x1d: {  	s5 =	simm.s32 @p1 $0x1;
	p0 =	seq.s32 s7, s2  }
0x1e: {  	s7 =	smul.u32 @!p0 $0xF7A, s2;
	p2 =	seq.s32 @!p0 s5, $0x0  }
0x1f: {  	s9 =	smul.u32 $0xF7A, s1;
	s8 =	simm.s32 @!p0 $0x1BF5;
	p2 =	por !p2, p0  }
0x20: {  	[sflag:s8] =	ssyncset.s32 @!p0 $0xFFFFF086;
	s6 =	sadd.s32 @!p0 s3, s7;
	s7 =	simm.s32 @!p0 $0x108  }
0x21: {  	s3 =	sadd.s32 s3, s9;
	s6 =	sadd.s32 @!p0 $0x88, s6;
	s7 =	simm.s32 @p2 $0x1082  }
0x22: {  	[simem:s7], [sflag:s8] =	dma.local @!p0 [hbm:s6], $0xF7A  }
0x23: {  	s9 =	sor.u32 $0xD0000000, s2;
	s6 =	simm.s32 $0x108;
	_ =	swait.ge @!p0 [sflag:s8], $0x0  }
0x24: {  	s3 =	sadd.s32 $0x88, s3;
	s6 =	simm.s32 @!p1 $0x1082;
	[sflag:s4] =	ssyncset.s32 $0xFFFFF086  }
0x25: {  	[simem:s6], [sflag:s4] =	dma.local [hbm:s3], $0xF7A  }
0x26: {  	[smem:$0x3F98] =	sst s1;
	(tag) =	ssettag s2;
	_ =	strace s9  }
0x27: {  	s1 =	sld [smem:$0x3FA8]  }
0x28: {  	s2 =	sld [smem:$0x3FA9]  }
0x29: {  	s4 =	sld [smem:$0x3FAB]  }
0x2a: {  	p0 =	seq.s32 s5, $0x0;
	s5 =	sld [smem:$0x3FAC]  }
0x2b: {  	s6 =	sld [smem:$0x3FAD]  }
0x2c: {  	s7 =	sld [smem:$0x3FAE]  }
0x2d: {  	s3 =	simm.s32 $0x108;
	s8 =	sld [smem:$0x3FAF]  }
0x2e: {  	s3 =	simm.s32 @!p0 $0x1082;
	s9 =	sld [smem:$0x3FB0]  }
0x2f: {  	lr =	sadd.s32 s0, s3;
	s0 =	sld [smem:$0x3FA7]  }
0x30: {  	s3 =	sld [smem:$0x3FAA]  }
0x31: {  	[smem:$0x3FB3] =	sst s10  }
0x32: {  	s10 =	sld [smem:$0x3FB1];
	_ =	sdelay $0x3  }
0x33: {  	p0 =	seq.s32 s10, $0x1;
	s10 =	sld [smem:$0x3FB3];
	_ =	sdelay $0x3  }
0x34: {  	[smem:$0x3FB3] =	sst s10  }
0x35: {  	s10 =	sld [smem:$0x3FB2];
	_ =	sdelay $0x3  }
0x36: {  	p1 =	seq.s32 s10, $0x1;
	s10 =	sld [smem:$0x3FB3];
	_ =	sdelay $0x3  }
0x37: {  	[smem:$0x3FB3] =	sst s10  }
0x38: {  	s10 =	sld [smem:$0x3FB4]  }
0x39: {  	_ = 	snop;
	(pc) =	sbr.ind lr, $3  }
0x3a: {  	_ = 	snop  }
0x3b: {  	_ = 	snop  }
0x3c: {  	p2 =	seq.s32 s10, $0x1;
	s10 =	sld [smem:$0x3FB3]  }
0x3d: {  	_ =	shalt  }
0x3e: {  	_ =	shalt  }
0x3f: {  	_ =	shalt  }
0x40: {  	_ =	shalt  }
0x41: {  	_ =	shalt  }
0x42: {  	_ =	shalt  }
0x43: {  	_ =	shalt  }
0x44: {  	_ =	shalt  }
0x45: {  	_ =	shalt  }
0x46: {  	_ =	shalt  }
0x47: {  	_ =	shalt  }
0x48: {  	_ =	shalt  }
0x49: {  	_ =	shalt  }
0x4a: {  	_ =	shalt  }
0x4b: {  	_ =	shalt  }
0x4c: {  	_ =	shalt  }
0x4d: {  	_ =	shalt  }
0x4e: {  	_ =	shalt  }
0x4f: {  	_ =	shalt  }
0x50: {  	_ =	shalt  }
0x51: {  	_ =	shalt  }
0x52: {  	_ =	shalt  }
0x53: {  	_ =	shalt  }
0x54: {  	_ =	shalt  }
0x55: {  	_ =	shalt  }
0x56: {  	_ =	shalt  }
0x57: {  	_ =	shalt  }
0x58: {  	_ =	shalt  }
0x59: {  	_ =	shalt  }
0x5a: {  	_ =	shalt  }
0x5b: {  	_ =	shalt  }
0x5c: {  	_ =	shalt  }
0x5d: {  	_ =	shalt  }
0x5e: {  	_ =	shalt  }
0x5f: {  	_ =	shalt  }
0x60: {  	_ =	shalt  }
0x61: {  	_ =	shalt  }
0x62: {  	_ =	shalt  }
0x63: {  	_ =	shalt  }
0x64: {  	_ =	shalt  }
0x65: {  	_ =	shalt  }
0x66: {  	_ =	shalt  }
0x67: {  	_ =	shalt  }
0x68: {  	_ =	shalt  }
0x69: {  	_ =	shalt  }
0x6a: {  	_ =	shalt  }
0x6b: {  	_ =	shalt  }
0x6c: {  	_ =	shalt  }
0x6d: {  	_ =	shalt  }
0x6e: {  	_ =	shalt  }
0x6f: {  	_ =	shalt  }
0x70: {  	_ =	shalt  }
0x71: {  	_ =	shalt  }
0x72: {  	_ =	shalt  }
0x73: {  	_ =	shalt  }
0x74: {  	_ =	shalt  }
0x75: {  	_ =	shalt  }
0x76: {  	_ =	shalt  }
0x77: {  	_ =	shalt  }
0x78: {  	_ =	shalt  }
0x79: {  	_ =	shalt  }
0x7a: {  	_ =	shalt  }
0x7b: {  	_ =	shalt  }
0x7c: {  	_ =	shalt  }
0x7d: {  	_ =	shalt  }
0x7e: {  	_ =	shalt  }
0x7f: {  	_ =	shalt  }
0x80: {  	_ =	shalt  }
0x81: {  	_ =	shalt  }
0x82: {  	_ =	shalt  }
0x83: {  	_ =	shalt  }
0x84: {  	_ =	shalt  }
0x85: {  	_ =	shalt  }
0x86: {  	_ =	shalt  }
0x87: {  	_ =	shalt  }
.Lfunc_end0:
.L_simem_size_0:
called_computation.2_lowered:
.L_overlay_start_0:
0x88: {  	s2 =	sld [smem:$0x3FD9]  }
0x89: {  	s3 =	sld [smem:$0x3FFE];
	_ =	sdelay $0x1  }
0x8a: {  	s1 =	srdreg.scid  }
0x8b: {  	s0 =	sand.u32 $0x1, s1  }
0x8c: {  	s17 =	sshll.u32 s0, $0xA;
	s2 =	sadd.s32 s3, s2  }
0x8d: {  	s2 =	sadd.s32 s2, s17  }
0x8e: {  	[smem:$0x3FBF] =	sst s2  }
0x8f: {  	_ = 	snop  }
0x90: {  	s2 =	sld [smem:$0x3FD0];
	(tm) =	ssettm $0x1  }
0x91: {  	s18 =	sld [smem:$0x3FFB];
	_ =	sdelay $0x3  }
0x92: {  	_ =	strace s18  }
0x93: {  	s3 =	sld [smem:$0x3FFC];
	_ =	sdelay $0x3  }
0x94: {  	_ =	strace s3  }
0x95: {  	s3 =	sld [smem:$0x3FFD];
	_ =	sdelay $0x3  }
0x96: {  	_ =	strace s3  }
0x97: {  	_ =	strace $0x8FFFFFFF  }
0x98: {  	s19 =	sld [smem:$0x3FDB];
	_ =	sdelay $0x1  }
0x99: {  	s4 =	simm.s32 $_scs_section_size  }
0x9a: {  	s5 =	simm.s32 $_size__tile_overlayer_lowered;
	s6 =	simm.s32 $_tile_overlayer_lowered  }
0x9b: {  	s22 =	simm.s32 $0x1BFF;
	s21 =	sshll.u32 s6, $0x1;
	s3 =	sadd.s32 s4, s19  }
0x9c: {  	s7 =	simm.s32 $0x0;
	s20 =	sshll.u32 s5, $0x1;
	s5 =	sadd.s32 s21, s3  }
0x9d: {  	[timem:s7], [sflag:s22] =	dma.local [hbm:s5], s20  }
0x9e: {  	_ =	swait.ge [sflag:s22], s20  }
0x9f: {  	s4 =	ssub.s32 $0x0, s20;
	[sflag:s22] =	ssyncset.done $0x0  }
0xa0: {  	[sflag:s22] =	ssyncadd.s32 s4;
	_ =	sdelay $0x1  }
0xa1: {  	s23 =	simm.s32 $0x1B8B  }
0xa2: {  	_ =	swait.ge [sflag:s23], $0x1  }
0xa3: {  	[sflag:s23] =	ssyncset.done $0x0  }
0xa4: {  	s25 =	simm.s32 $0x1B8E;
	s24 =	sld [smem:$0x3FFE];
	[sflag:s23] =	ssyncadd.s32 $0xFFFFFFFF  }
0xa5: {  	s26 =	simm.s32 $execute0_lowered;
	[smem:$0x3FD2] =	sst s25  }
0xa6: {  	s5 =	sshll.u32 s26, $0x1;
	_ =	strace $0x8000004C;
	[dreg:$0x1] =	wrdreg $0xFFFFFFFF  }
0xa7: {  	s28 =	simm.s32 $_size_execute0_lowered;
	s3 =	sadd.s32 s3, s5;
	[dreg:$0x0] =	wrdreg $0x0  }
0xa8: {  	s5 =	sshll.u32 s28, $0x1;
	[dreg:$0x2] =	wrdreg s3  }
0xa9: {  	[dreg:$0x3] =	wrdreg s5  }
0xaa: {  	[dreg:$0x4] =	wrdreg $0xC0  }
0xab: {  	_ =	task [dreg:s7], $0x5FFFF  }
0xac: {  	[dreg:$0x1] =	wrdreg $0xFFFFFFFF  }
0xad: {  	[dreg:$0x0] =	wrdreg $0x60  }
0xae: {  	[dreg:$0x2] =	wrdreg s2  }
0xaf: {  	[dreg:$0x3] =	wrdreg s24  }
0xb0: {  	[dreg:$0x4] =	wrdreg $0xB9800  }
0xb1: {  	[dreg:$0x5] =	wrdreg $0x9  }
0xb2: {  	_ =	task.clear_ibuf [dreg:s7], $0x6FFFF;
	_ =	strace $0x9000004C  }
0xb3: {  	s29 =	simm.s32 $0x9;
	_ =	strace $0x8000004E  }
0xb4: {  	_ =	swait.ge [sflag:s29], $0x1  }
0xb5: {  	[sflag:s29] =	ssyncadd.s32 $0xFFFFFFFF  }
0xb6: {  	_ =	strace $0x9000004E  }
0xb7: {  	_ =	sfence  }
0xb8: {  	s30 =	sld [smem:$0x0];
	_ =	sdelay $0x2  }
0xb9: {  	s31 =	sshll.u32 s1, $0xD;
	s1 =	sshrl.u32 s1, $0x2  }
0xba: {  	s3 =	sand.u32 $0x4000, s31;
	s1 =	sadd.s32 s1, s30  }
0xbb: {  	s0 =	sor.u32 s3, s0;
	s1 =	sshll.u32 s1, $0x11  }
0xbc: {  	s0 =	sor.u32 s1, s0  }
0xbd: {  	s0 =	sadd.s32 $0x8F2B, s0  }
0xbe: {  	[sflag:s0] =	ssyncadd.remote.s32 $0x1  }
0xbf: {  	_ =	sfence.sel $0xFFFF  }
0xc0: {  	[dreg:$0x0] =	wrdreg $0xFFFFFFFF;
	(pc) =	sbr.abs _section_cstart, $3  }
0xc1: {  	[dreg:$0x1] =	wrdreg $0xFFFFFFFF  }
0xc2: {  	_ =	task.clear_ibuf [dreg:s7], $0x2FFFF;
	_ =	strace $0x9FFFFFFF  }
0xc3: {  	(tm) =	ssettm $0x7FFFFFFF  }
tec
execute0_lowered:
.L_overlay_start_1:
0x0: {  	(tag) =	ssettag $0x1  }
0x1: {  	s1 =	rddreg [dreg:$0x0]  }
0x2: {  	s0 =	rddreg [dreg:$0x1]  }
0x3: {  	s2 =	rddreg [dreg:$0x2];
	s3 =	srdreg.scid;
	s4 =	simm.s32 $0x0  }
0x4: {  	s12 =	stileid.u32;
	s28 =	simm.s32 $0x6800;
	s29 =	simm.s32 $0xB900  }
0x5: {  	s30 =	simm.s32 $0x9;
	s31 =	simm.s32 $0x9000;
	s3 =	sand.u32 $0x1, s3  }
0x6: {  	[smem:$0x7FF] =	sst s4;
	s10 =	smul.u32 $0x7D000, s12;
	s11 =	sadd.s32 $0x4B000, s0  }
0x7: {  	p0 =	sgt.u32 s12, $0x9;
	s5 =	sshll.u32 s3, $0x4;
	_ =	strace $0x8000004D  }
0x8: {  	s8 =	smul.u32 $0x27100, s3;
	s9 =	ssub.s32 $0x2, s3;
	[dreg:$0x4] =	wrdreg s11  }
0x9: {  	s3 =	smul.u32 $0x3E800, s3;
	s11 =	simm.s32 $0x0;
	s6 =	sor.u32 s12, s5  }
0xa: {  	s5 =	sadd.s32 $0x9D200, s0;
	s17 =	sshrl.u32 s9, $0x1;
	s19 =	sshrl.u32 s10, $0x2  }
0xb: {  	s10 =	simm.s32 $0x6;
	s7 =	sshll.u32 s6, $0xB;
	s6 =	smul.u32 $0x3E80, s6  }
0xc: {  	s18 =	ssub.s32 s9, s17;
	s9 =	smul.u32 $0x3E80, s12;
	s17 =	simm.s32 $0xA  }
0xd: {  	s7 =	sadd.s32 s7, s0;
	s0 =	sadd.s32 s8, s0;
	s23 =	smax.u32 s18, $0x1  }
0xe: {  	s7 =	sadd.s32 $0xACC00, s7;
	s6 =	sshrl.u32 s6, $0x3;
	s0 =	sadd.s32 $0x4F000, s0  }
0xf: {  	s3 =	sadd.s32 s9, s3;
	[dreg:$0xb] =	wrdreg s23;
	s23 =	simm.s32 $0x4000  }
0x10: {  	[dreg:$0x5] =	wrdreg s7;
	s7 =	sadd.s32 s19, s2;
	s6 =	sadd.s32 s5, s6  }
0x11: {  	s24 =	sadd.s32 $0x280, s3;
	s25 =	sadd.s32 $0x200, s3;
	s16 =	sadd.s32 $0x180, s3  }
0x12: {  	s0 =	sadd.s32 @!p0 s9, s0;
	s3 =	simm.s32 $0x2;
	[dreg:$0x6] =	wrdreg s6  }
0x13: {  	s9 =	simm.s32 $0x5;
	s20 =	sadd.s32 $0x10, s6;
	[dreg:$0xe] =	wrdreg s0  }
0x14: {  	s21 =	sadd.s32 $0x20, s6;
	s22 =	sadd.s32 $0x7B0, s6;
	[dreg:$0x7] =	wrdreg s20  }
0x15: {  	s6 =	sadd.s32 $0x7C0, s6;
	s8 =	sshrl.u32 s25, $0x3;
	[dreg:$0x8] =	wrdreg s21  }
0x16: {  	s19 =	sshrl.u32 @!p0 s7, $0x3;
	s25 =	simm.s32 $0xB880;
	[dreg:$0x9] =	wrdreg s22  }
0x17: {  	s0 =	simm.s32 $0x1;
	s7 =	simm.s32 $0x4;
	[dreg:$0xa] =	wrdreg s6  }
0x18: {  	s6 =	sshrl.u32 s24, $0x3;
	s26 =	sadd.s32 s8, s5;
	s20 =	simm.s32 $0xB800  }
0x19: {  	s21 =	simm.s32 $0x7;
	s6 =	sadd.s32 s6, s5;
	[dreg:$0xd] =	wrdreg s26  }
0x1a: {  	s22 =	simm.s32 $0x50;
	[dreg:$0xc] =	wrdreg s6;
	s6 =	sshll.u32 @!p0 s12, $0x6  }
0x1b: {  	s26 =	simm.s32 $0x8;
	s18 =	sor.u32 @!p0 $0x1C0A, s6;
	s6 =	simm.s32 $0x3  }
.LBB2_1:
0x1c: {  	s8 =	rddreg [dreg:$0x5]  }
0x1d: {  	[tilespmem:s4], [sflag:$0xA] =	stream.linear.gather [hbm4b:s8+s4], $0x3E80, $0x38;
	[tilespmem:$0x1F200] =	vst v63  }
0x1e: {  	_ =	swait.ge [sflag:s17], $0x3E80  }
0x1f: {  	[sflag:s17] =	ssyncset.done $0x0  }
0x20: {  	s8 =	rddreg [dreg:$0x4];
	[sflag:s17] =	ssyncadd.s32 $0xFFFFC180  }
0x21: {  	[spmem:s19], [sflag:s18] =	dma.local @!p0 [hbm:s8], $0x3E80  }
0x22: {  	s8 =	simm.s32 @!p0 $0xA  }
0x23: {  	_ =	swait.ge @!p0 [sflag:s8], $0x3E80  }
0x24: {  	[sflag:s8] =	ssyncset.done @!p0 $0x0  }
0x25: {  	[sflag:s8] =	ssyncadd.s32 @!p0 $0xFFFFC180  }
0x26: {  	[bflag:$0x0] =	sbarrier.arrive $0xFFFF  }
0x27: {  	s13 =	rddreg [dreg:$0x6]  }
0x28: {  	[tilespmem:s20], [sflag:$0x7] =	stream.linear.gather [hbm4b:s13+s4], $0x80, $0x38;
	[tilespmem:$0x1F200] =	vst v63  }
0x29: {  	_ =	swait.ge [sflag:s21], $0x80  }
0x2a: {  	[sflag:s21] =	ssyncset.done $0x0  }
0x2b: {  	[sflag:s21] =	ssyncadd.s32 $0xFFFFFF80  }
0x2c: {  	[tilespmem:s23], [sflag:$0x1] =	stream.indirect.gather [hbm4b:s1+s22], $0x80, s20, s22, $0xb8;
	[tilespmem:$0x1F200] =	vst v63  }
0x2d: {  	s14 =	rddreg [dreg:$0x7]  }
0x2e: {  	[tilespmem:s25], [sflag:$0x8] =	stream.linear.gather [hbm4b:s14+s4], $0x80, $0x38;
	[tilespmem:$0x1F200] =	vst v63  }
0x2f: {  	_ =	swait.ge [sflag:s26], $0x80  }
0x30: {  	[sflag:s26] =	ssyncset.done $0x0  }
0x31: {  	[sflag:s26] =	ssyncadd.s32 $0xFFFFFF80  }
0x32: {  	[tilespmem:s28], [sflag:$0x2] =	stream.indirect.gather [hbm4b:s1+s22], $0x80, s25, s22, $0xb8;
	[tilespmem:$0x1F200] =	vst v63  }
0x33: {  	s15 =	rddreg [dreg:$0x8]  }
0x34: {  	[tilespmem:s29], [sflag:$0x9] =	stream.linear.gather [hbm4b:s15+s4], $0x80, $0x38;
	[tilespmem:$0x1F200] =	vst v63  }
0x35: {  	_ =	swait.ge [sflag:s30], $0x80  }
0x36: {  	[sflag:s30] =	ssyncset.done $0x0  }
0x37: {  	[sflag:s30] =	ssyncadd.s32 $0xFFFFFF80  }
0x38: {  	[tilespmem:s31], [sflag:$0x3] =	stream.indirect.gather [hbm4b:s1+s22], $0x80, s29, s22, $0xb8;
	[tilespmem:$0x1F200] =	vst v63  }
0x39: {  	_ =	swait.ge [sflag:s0], $0x2800  }
0x3a: {  	[sflag:s0] =	ssyncset.done $0x0  }
0x3b: {  	s24 =	simm.s32 $0x0;
	s12 =	sshrl.u32 s16, $0x3;
	[sflag:s0] =	ssyncadd.s32 $0xFFFFD800  }
0x3c: {  	[spmem:s2] =	stream.indirect.scatter.add.f32 [tilespmem:s23], [sflag:$0x4], $0x80, s24, s22, $0xb8;
	[tilespmem:$0x1F200] =	vst v63  }
0x3d: {  	s13 =	sadd.s32 s5, s12  }
0x3e: {  	[tilespmem:s20], [sflag:$0x7] =	stream.linear.gather [hbm4b:s13+s4], $0x80, $0x38;
	[tilespmem:$0x1F200] =	vst v63  }
0x3f: {  	_ =	swait.ge [sflag:s3], $0x2800  }
0x40: {  	[sflag:s3] =	ssyncset.done $0x0  }
0x41: {  	s14 =	simm.s32 $0x80;
	[sflag:s3] =	ssyncadd.s32 $0xFFFFD800  }
0x42: {  	[spmem:s2] =	stream.indirect.scatter.add.f32 [tilespmem:s28], [sflag:$0x5], $0x80, s14, s22, $0xb8;
	[tilespmem:$0x1F200] =	vst v63  }
0x43: {  	s14 =	rddreg [dreg:$0xd]  }
0x44: {  	[tilespmem:s25], [sflag:$0x8] =	stream.linear.gather [hbm4b:s14+s4], $0x80, $0x38;
	[tilespmem:$0x1F200] =	vst v63  }
0x45: {  	_ =	swait.ge [sflag:s6], $0x2800  }
0x46: {  	[sflag:s6] =	ssyncset.done $0x0  }
0x47: {  	s15 =	simm.s32 $0x100;
	[sflag:s6] =	ssyncadd.s32 $0xFFFFD800  }
0x48: {  	[spmem:s2] =	stream.indirect.scatter.add.f32 [tilespmem:s31], [sflag:$0x6], $0x80, s15, s22, $0xb8;
	[tilespmem:$0x1F200] =	vst v63  }
0x49: {  	s24 =	rddreg [dreg:$0xc]  }
0x4a: {  	[tilespmem:s29], [sflag:$0x9] =	stream.linear.gather [hbm4b:s24+s4], $0x80, $0x38;
	[tilespmem:$0x1F200] =	vst v63  }
0x4b: {  	_ =	swait.ge [sflag:s7], $0x2800  }
0x4c: {  	[sflag:s7] =	ssyncset.done $0x0  }
0x4d: {  	[sflag:s7] =	ssyncadd.s32 $0xFFFFD800  }
0x4e: {  	_ =	swait.ge [sflag:s21], $0x80  }
0x4f: {  	[sflag:s21] =	ssyncset.done $0x0  }
0x50: {  	[sflag:s21] =	ssyncadd.s32 $0xFFFFFF80  }
0x51: {  	[tilespmem:s23], [sflag:$0x1] =	stream.indirect.gather [hbm4b:s1+s22], $0x80, s20, s22, $0xb8;
	[tilespmem:$0x1F200] =	vst v63  }
0x52: {  	_ =	swait.ge [sflag:s9], $0x2800  }
0x53: {  	[sflag:s9] =	ssyncset.done $0x0  }
0x54: {  	[sflag:s9] =	ssyncadd.s32 $0xFFFFD800  }
0x55: {  	_ =	swait.ge [sflag:s26], $0x80  }
0x56: {  	[sflag:s26] =	ssyncset.done $0x0  }
0x57: {  	[sflag:s26] =	ssyncadd.s32 $0xFFFFFF80  }
0x58: {  	[tilespmem:s28], [sflag:$0x2] =	stream.indirect.gather [hbm4b:s1+s22], $0x80, s25, s22, $0xb8;
	[tilespmem:$0x1F200] =	vst v63  }
0x59: {  	_ =	swait.ge [sflag:s10], $0x2800  }
0x5a: {  	[sflag:s10] =	ssyncset.done $0x0  }
0x5b: {  	[sflag:s10] =	ssyncadd.s32 $0xFFFFD800  }
0x5c: {  	_ =	swait.ge [sflag:s30], $0x80  }
0x5d: {  	s12 =	simm.s32 $0x600;
	s13 =	sadd.s32 $0x180, s16;
	[sflag:s30] =	ssyncset.done $0x0  }
0x5e: {  	s8 =	sadd.s32 $0x30, s14;
	s24 =	sadd.s32 $0x30, s24;
	[sflag:s30] =	ssyncadd.s32 $0xFFFFFF80  }
.LBB2_2:
0x5f: {  	[tilespmem:s31], [sflag:$0x3] =	stream.indirect.gather [hbm4b:s1+s22], $0x80, s29, s22, $0xb8;
	[tilespmem:$0x1F200] =	vst v63  }
0x60: {  	s14 =	smov.u32 s12  }
0x61: {  	p1 =	sne.s32 s12, $0xEA00;
	s12 =	sadd.s32 $0x600, s12;
	_ =	swait.ge [sflag:s0], $0x2800  }
0x62: {  	[sflag:s0] =	ssyncset.done $0x0  }
0x63: {  	s15 =	sshrl.u32 s13, $0x3;
	s14 =	sshra.s32 s14, $0x2;
	[sflag:s0] =	ssyncadd.s32 $0xFFFFD800  }
0x64: {  	[spmem:s2] =	stream.indirect.scatter.add.f32 [tilespmem:s23], [sflag:$0x4], $0x80, s14, s22, $0xb8;
	[tilespmem:$0x1F200] =	vst v63  }
0x65: {  	s15 =	sadd.s32 s5, s15  }
0x66: {  	[tilespmem:s20], [sflag:$0x7] =	stream.linear.gather [hbm4b:s15+s4], $0x80, $0x38;
	[tilespmem:$0x1F200] =	vst v63  }
0x67: {  	_ =	swait.ge [sflag:s3], $0x2800  }
0x68: {  	[sflag:s3] =	ssyncset.done $0x0  }
0x69: {  	s15 =	sadd.s32 $0x80, s14;
	[sflag:s3] =	ssyncadd.s32 $0xFFFFD800  }
0x6a: {  	[spmem:s2] =	stream.indirect.scatter.add.f32 [tilespmem:s28], [sflag:$0x5], $0x80, s15, s22, $0xb8;
	[tilespmem:$0x1F200] =	vst v63  }
0x6b: {  	_ = 	snop  }
0x6c: {  	[tilespmem:s25], [sflag:$0x8] =	stream.linear.gather [hbm4b:s8+s4], $0x80, $0x38;
	[tilespmem:$0x1F200] =	vst v63  }
0x6d: {  	_ =	swait.ge [sflag:s6], $0x2800  }
0x6e: {  	[sflag:s6] =	ssyncset.done $0x0  }
0x6f: {  	s14 =	sadd.s32 $0x100, s14;
	[sflag:s6] =	ssyncadd.s32 $0xFFFFD800  }
0x70: {  	[spmem:s2] =	stream.indirect.scatter.add.f32 [tilespmem:s31], [sflag:$0x6], $0x80, s14, s22, $0xb8;
	[tilespmem:$0x1F200] =	vst v63  }
0x71: {  	_ = 	snop  }
0x72: {  	[tilespmem:s29], [sflag:$0x9] =	stream.linear.gather [hbm4b:s24+s4], $0x80, $0x38;
	[tilespmem:$0x1F200] =	vst v63  }
0x73: {  	_ =	swait.ge [sflag:s7], $0x2800  }
0x74: {  	[sflag:s7] =	ssyncset.done $0x0  }
0x75: {  	[sflag:s7] =	ssyncadd.s32 $0xFFFFD800  }
0x76: {  	_ =	swait.ge [sflag:s21], $0x80  }
0x77: {  	[sflag:s21] =	ssyncset.done $0x0  }
0x78: {  	[sflag:s21] =	ssyncadd.s32 $0xFFFFFF80  }
0x79: {  	[tilespmem:s23], [sflag:$0x1] =	stream.indirect.gather [hbm4b:s1+s22], $0x80, s20, s22, $0xb8;
	[tilespmem:$0x1F200] =	vst v63  }
0x7a: {  	_ =	swait.ge [sflag:s9], $0x2800  }
0x7b: {  	[sflag:s9] =	ssyncset.done $0x0  }
0x7c: {  	[sflag:s9] =	ssyncadd.s32 $0xFFFFD800  }
0x7d: {  	_ =	swait.ge [sflag:s26], $0x80  }
0x7e: {  	[sflag:s26] =	ssyncset.done $0x0  }
0x7f: {  	[sflag:s26] =	ssyncadd.s32 $0xFFFFFF80  }
0x80: {  	[tilespmem:s28], [sflag:$0x2] =	stream.indirect.gather [hbm4b:s1+s22], $0x80, s25, s22, $0xb8;
	[tilespmem:$0x1F200] =	vst v63  }
0x81: {  	_ =	swait.ge [sflag:s10], $0x2800  }
.Ltmp0:
0x82: {  	[sflag:s10] =	ssyncset.done $0x0;
	(pc) =	sbr.rel @p1 .LBB2_2-.Ltmp0, $4  }
0x83: {  	[sflag:s10] =	ssyncadd.s32 $0xFFFFD800  }
0x84: {  	_ =	swait.ge [sflag:s30], $0x80  }
0x85: {  	s13 =	sadd.s32 $0x180, s13;
	[sflag:s30] =	ssyncset.done $0x0  }
0x86: {  	s8 =	sadd.s32 $0x30, s8;
	s24 =	sadd.s32 $0x30, s24;
	[sflag:s30] =	ssyncadd.s32 $0xFFFFFF80  }
0x87: {  	[tilespmem:s31], [sflag:$0x3] =	stream.indirect.gather [hbm4b:s1+s22], $0x80, s29, s22, $0xb8;
	[tilespmem:$0x1F200] =	vst v63  }
0x88: {  	_ =	swait.ge [sflag:s0], $0x2800  }
0x89: {  	[sflag:s0] =	ssyncset.done $0x0  }
0x8a: {  	s8 =	simm.s32 $0x3C00;
	[sflag:s0] =	ssyncadd.s32 $0xFFFFD800  }
0x8b: {  	[spmem:s2] =	stream.indirect.scatter.add.f32 [tilespmem:s23], [sflag:$0x4], $0x80, s8, s22, $0xb8;
	[tilespmem:$0x1F200] =	vst v63  }
0x8c: {  	s24 =	rddreg [dreg:$0x9]  }
0x8d: {  	[tilespmem:s20], [sflag:$0x7] =	stream.linear.gather [hbm4b:s24+s4], $0x80, $0x38;
	[tilespmem:$0x1F200] =	vst v63  }
0x8e: {  	_ =	swait.ge [sflag:s3], $0x2800  }
0x8f: {  	[sflag:s3] =	ssyncset.done $0x0  }
0x90: {  	s12 =	simm.s32 $0x3C80;
	[sflag:s3] =	ssyncadd.s32 $0xFFFFD800  }
0x91: {  	[spmem:s2] =	stream.indirect.scatter.add.f32 [tilespmem:s28], [sflag:$0x5], $0x80, s12, s22, $0xb8;
	[tilespmem:$0x1F200] =	vst v63  }
0x92: {  	s13 =	rddreg [dreg:$0xa]  }
0x93: {  	[tilespmem:s25], [sflag:$0x8] =	stream.linear.gather [hbm4b:s13+s4], $0x80, $0x38;
	[tilespmem:$0x1F200] =	vst v63  }
0x94: {  	_ =	swait.ge [sflag:s6], $0x2800  }
0x95: {  	[sflag:s6] =	ssyncset.done $0x0  }
0x96: {  	s14 =	simm.s32 $0x3D00;
	[sflag:s6] =	ssyncadd.s32 $0xFFFFD800  }
0x97: {  	[spmem:s2] =	stream.indirect.scatter.add.f32 [tilespmem:s31], [sflag:$0x6], $0x80, s14, s22, $0xb8;
	[tilespmem:$0x1F200] =	vst v63  }
0x98: {  	_ =	swait.ge [sflag:s7], $0x2800  }
0x99: {  	[sflag:s7] =	ssyncset.done $0x0  }
0x9a: {  	[sflag:s7] =	ssyncadd.s32 $0xFFFFD800  }
0x9b: {  	_ =	swait.ge [sflag:s21], $0x80  }
0x9c: {  	[sflag:s21] =	ssyncset.done $0x0  }
0x9d: {  	[sflag:s21] =	ssyncadd.s32 $0xFFFFFF80  }
0x9e: {  	[tilespmem:s23], [sflag:$0x1] =	stream.indirect.gather [hbm4b:s1+s22], $0x80, s20, s22, $0xb8;
	[tilespmem:$0x1F200] =	vst v63  }
0x9f: {  	_ =	swait.ge [sflag:s9], $0x2800  }
0xa0: {  	[sflag:s9] =	ssyncset.done $0x0  }
0xa1: {  	[sflag:s9] =	ssyncadd.s32 $0xFFFFD800  }
0xa2: {  	_ =	swait.ge [sflag:s26], $0x80  }
0xa3: {  	[sflag:s26] =	ssyncset.done $0x0  }
0xa4: {  	[sflag:s26] =	ssyncadd.s32 $0xFFFFFF80  }
0xa5: {  	[tilespmem:s28], [sflag:$0x2] =	stream.indirect.gather [hbm4b:s1+s22], $0x80, s25, s22, $0xb8;
	[tilespmem:$0x1F200] =	vst v63  }
0xa6: {  	_ =	swait.ge [sflag:s10], $0x2800  }
0xa7: {  	[sflag:s10] =	ssyncset.done $0x0  }
0xa8: {  	[sflag:s10] =	ssyncadd.s32 $0xFFFFD800  }
0xa9: {  	_ =	swait.ge [sflag:s0], $0x2800  }
0xaa: {  	[sflag:s0] =	ssyncset.done $0x0  }
0xab: {  	s15 =	simm.s32 $0x3D80;
	[sflag:s0] =	ssyncadd.s32 $0xFFFFD800  }
0xac: {  	[spmem:s2] =	stream.indirect.scatter.add.f32 [tilespmem:s23], [sflag:$0xA], $0x80, s15, s22, $0xb8;
	[tilespmem:$0x1F200] =	vst v63  }
0xad: {  	_ =	swait.ge [sflag:s17], $0x2800  }
0xae: {  	[sflag:s17] =	ssyncset.done $0x0  }
0xaf: {  	[sflag:s17] =	ssyncadd.s32 $0xFFFFD800  }
0xb0: {  	_ =	swait.ge [sflag:s3], $0x2800  }
0xb1: {  	[sflag:s3] =	ssyncset.done $0x0  }
0xb2: {  	s24 =	simm.s32 $0x3E00;
	[sflag:s3] =	ssyncadd.s32 $0xFFFFD800  }
0xb3: {  	[spmem:s2] =	stream.indirect.scatter.add.f32 [tilespmem:s28], [sflag:$0xA], $0x80, s24, s22, $0xb8;
	[tilespmem:$0x1F200] =	vst v63  }
0xb4: {  	_ =	swait.ge [sflag:s17], $0x2800  }
0xb5: {  	[sflag:s17] =	ssyncset.done $0x0  }
0xb6: {  	[sflag:s17] =	ssyncadd.s32 $0xFFFFD800  }
0xb7: {  	[bflag:$0x0] =	sbarrier.arrive $0xFFFF  }
0xb8: {  	s8 =	rddreg [dreg:$0xe]  }
0xb9: {  	[hbm:s8], [sflag:s18] =	dma.local @!p0 [spmem:s19], $0x3E80  }
0xba: {  	s8 =	simm.s32 @!p0 $0xA  }
0xbb: {  	_ =	swait.ge @!p0 [sflag:s8], $0x3E80  }
0xbc: {  	s11 =	sadd.s32 $0x1, s11;
	s12 =	rddreg [dreg:$0xb]  }
0xbd: {  	p1 =	sne.s32 s11, s12  }
.Ltmp1:
0xbe: {  	_ = 	snop;
	(pc) =	sbr.rel @p1 .LBB2_1-.Ltmp1, $3  }
0xbf: {  	_ =	sdelay $0x1  }
0xc0: {  	[sflag:s8] =	ssyncset.done @!p0 $0x0  }
0xc1: {  	[sflag:s8] =	ssyncadd.s32 @!p0 $0xFFFFC180  }
0xc2: {  	_ =	sfence.sel $0x180000  }
0xc3: {  	[bflag:$0x0] =	sbarrier.arrive $0xFFFF  }
0xc4: {  	_ =	strace $0x9000004D  }
0xc5: {  	s0 =	stileid.u32;
	[bflag:$0x2] =	sbarrier.arrive $0xFFFF  }
0xc6: {  	p0 =	sne.s32 s0, $0x0;
	s0 =	rddreg [dreg:$0x3]  }
0xc7: {  	s0 =	sadd.s32 @!p0 $0x100000, s0  }
0xc8: {  	[sflag:s0] =	ssyncadd.tile.s32 @!p0 $0x1;
	_ =	shalt  }
.Lfunc_end2:
_tile_overlayer_lowered:
.L_overlay_start_2:
0xc9: {  	(tag) =	ssettag $0x2  }
0xca: {  	s0 =	rddreg [dreg:$0x0];
	s2 =	stileid.u32  }
0xcb: {  	s1 =	rddreg [dreg:$0x1];
	p0 =	sne.s32 s2, $0x0  }
0xcc: {  	s3 =	rddreg [dreg:$0x2];
	[bflag:$0x3] =	sbarrier.arrive $0xFFFF;
	s2 =	simm.s32 @!p0 $0x1C0A  }
0xcd: {  	[timem:s3], [sflag:s2] =	dma.local @!p0 [hbm:s0], s1  }
0xce: {  	s0 =	simm.s32 @!p0 $0xA  }
0xcf: {  	_ =	swait.ge @!p0 [sflag:s0], s1  }
0xd0: {  	s1 =	ssub.s32 @!p0 $0x0, s1;
	[sflag:s0] =	ssyncset.done @!p0 $0x0  }
0xd1: {  	[sflag:s0] =	ssyncadd.s32 @!p0 s1  }
0xd2: {  	[bflag:$0x3] =	sbarrier.arrive $0xFFFF  }
0xd3: {  	_ =	shalt  }

// kernel: kernel.22.cloned.1.call-start
scs
__scs_entry_jumppad:
0x0: {  	(pc) =	sbr.rel $0x88, $3  }
0x1: {  	(tag) =	ssettag $0x0;
	lr =	simm.s32 $0x1  }
0x2: {  	[smem:$0x3F98] =	sst lr;
	_ =	strace $0xD0000000  }
0x3: {  	_ = 	snop  }
0x4: {  	_ = 	snop  }
0x5: {  	_ = 	snop  }
0x6: {  	_ = 	snop  }
0x7: {  	_ = 	snop  }
__scs_overlays_trampoline_lowered:
0x8: {  	[smem:$0x3FA7] =	sst s0  }
0x9: {  	[smem:$0x3FA8] =	sst s1  }
0xa: {  	[smem:$0x3FA9] =	sst s2  }
0xb: {  	[smem:$0x3FAA] =	sst s3  }
0xc: {  	[smem:$0x3FAB] =	sst s4  }
0xd: {  	[smem:$0x3FAC] =	sst s5  }
0xe: {  	[smem:$0x3FAD] =	sst s6  }
0xf: {  	[smem:$0x3FAE] =	sst s7  }
0x10: {  	[smem:$0x3FAF] =	sst s8  }
0x11: {  	[smem:$0x3FB0] =	sst s9;
	s0 =	simm.s32 @!p0 $0x0  }
0x12: {  	s1 =	sld [smem:$0x3F96];
	s0 =	simm.s32 @p0 $0x1  }
0x13: {  	[smem:$0x3FB1] =	sst s0;
	s0 =	simm.s32 @!p1 $0x0  }
0x14: {  	s2 =	sld [smem:$0x3F95];
	s0 =	simm.s32 @p1 $0x1  }
0x15: {  	[smem:$0x3FB2] =	sst s0;
	s0 =	simm.s32 @!p2 $0x0  }
0x16: {  	s3 =	sld [smem:$0x3FDB];
	s0 =	simm.s32 @p2 $0x1  }
0x17: {  	s4 =	simm.s32 $0x1BF5;
	[smem:$0x3FB4] =	sst s0  }
0x18: {  	s0 =	sld [smem:$0x3F97];
	_ =	swait.ge [sflag:s4], $0x0  }
0x19: {  	s7 =	sld [smem:$0x3F98]  }
0x1a: {  	s8 =	sadd.s32 $0xFFFFE003, lr  }
0x1b: {  	s9 =	sadd.s32 $0xFFFFFEF7, lr;
	s5 =	simm.s32 $0xFFFFFFFF;
	p2 =	slt.u32 s8, $0xFFFFF086  }
0x1c: {  	p1 =	slt.u32 s9, $0xF7A;
	s5 =	simm.s32 @!p2 $0x0  }
0x1d: {  	s5 =	simm.s32 @p1 $0x1;
	p0 =	seq.s32 s7, s2  }
0x1e: {  	s7 =	smul.u32 @!p0 $0xF7A, s2;
	p2 =	seq.s32 @!p0 s5, $0x0  }
0x1f: {  	s9 =	smul.u32 $0xF7A, s1;
	s8 =	simm.s32 @!p0 $0x1BF5;
	p2 =	por !p2, p0  }
0x20: {  	[sflag:s8] =	ssyncset.s32 @!p0 $0xFFFFF086;
	s6 =	sadd.s32 @!p0 s3, s7;
	s7 =	simm.s32 @!p0 $0x108  }
0x21: {  	s3 =	sadd.s32 s3, s9;
	s6 =	sadd.s32 @!p0 $0x88, s6;
	s7 =	simm.s32 @p2 $0x1082  }
0x22: {  	[simem:s7], [sflag:s8] =	dma.local @!p0 [hbm:s6], $0xF7A  }
0x23: {  	s9 =	sor.u32 $0xD0000000, s2;
	s6 =	simm.s32 $0x108;
	_ =	swait.ge @!p0 [sflag:s8], $0x0  }
0x24: {  	s3 =	sadd.s32 $0x88, s3;
	s6 =	simm.s32 @!p1 $0x1082;
	[sflag:s4] =	ssyncset.s32 $0xFFFFF086  }
0x25: {  	[simem:s6], [sflag:s4] =	dma.local [hbm:s3], $0xF7A  }
0x26: {  	[smem:$0x3F98] =	sst s1;
	(tag) =	ssettag s2;
	_ =	strace s9  }
0x27: {  	s1 =	sld [smem:$0x3FA8]  }
0x28: {  	s2 =	sld [smem:$0x3FA9]  }
0x29: {  	s4 =	sld [smem:$0x3FAB]  }
0x2a: {  	p0 =	seq.s32 s5, $0x0;
	s5 =	sld [smem:$0x3FAC]  }
0x2b: {  	s6 =	sld [smem:$0x3FAD]  }
0x2c: {  	s7 =	sld [smem:$0x3FAE]  }
0x2d: {  	s3 =	simm.s32 $0x108;
	s8 =	sld [smem:$0x3FAF]  }
0x2e: {  	s3 =	simm.s32 @!p0 $0x1082;
	s9 =	sld [smem:$0x3FB0]  }
0x2f: {  	lr =	sadd.s32 s0, s3;
	s0 =	sld [smem:$0x3FA7]  }
0x30: {  	s3 =	sld [smem:$0x3FAA]  }
0x31: {  	[smem:$0x3FB3] =	sst s10  }
0x32: {  	s10 =	sld [smem:$0x3FB1];
	_ =	sdelay $0x3  }
0x33: {  	p0 =	seq.s32 s10, $0x1;
	s10 =	sld [smem:$0x3FB3];
	_ =	sdelay $0x3  }
0x34: {  	[smem:$0x3FB3] =	sst s10  }
0x35: {  	s10 =	sld [smem:$0x3FB2];
	_ =	sdelay $0x3  }
0x36: {  	p1 =	seq.s32 s10, $0x1;
	s10 =	sld [smem:$0x3FB3];
	_ =	sdelay $0x3  }
0x37: {  	[smem:$0x3FB3] =	sst s10  }
0x38: {  	s10 =	sld [smem:$0x3FB4]  }
0x39: {  	_ = 	snop;
	(pc) =	sbr.ind lr, $3  }
0x3a: {  	_ = 	snop  }
0x3b: {  	_ = 	snop  }
0x3c: {  	p2 =	seq.s32 s10, $0x1;
	s10 =	sld [smem:$0x3FB3]  }
0x3d: {  	_ =	shalt  }
0x3e: {  	_ =	shalt  }
0x3f: {  	_ =	shalt  }
0x40: {  	_ =	shalt  }
0x41: {  	_ =	shalt  }
0x42: {  	_ =	shalt  }
0x43: {  	_ =	shalt  }
0x44: {  	_ =	shalt  }
0x45: {  	_ =	shalt  }
0x46: {  	_ =	shalt  }
0x47: {  	_ =	shalt  }
0x48: {  	_ =	shalt  }
0x49: {  	_ =	shalt  }
0x4a: {  	_ =	shalt  }
0x4b: {  	_ =	shalt  }
0x4c: {  	_ =	shalt  }
0x4d: {  	_ =	shalt  }
0x4e: {  	_ =	shalt  }
0x4f: {  	_ =	shalt  }
0x50: {  	_ =	shalt  }
0x51: {  	_ =	shalt  }
0x52: {  	_ =	shalt  }
0x53: {  	_ =	shalt  }
0x54: {  	_ =	shalt  }
0x55: {  	_ =	shalt  }
0x56: {  	_ =	shalt  }
0x57: {  	_ =	shalt  }
0x58: {  	_ =	shalt  }
0x59: {  	_ =	shalt  }
0x5a: {  	_ =	shalt  }
0x5b: {  	_ =	shalt  }
0x5c: {  	_ =	shalt  }
0x5d: {  	_ =	shalt  }
0x5e: {  	_ =	shalt  }
0x5f: {  	_ =	shalt  }
0x60: {  	_ =	shalt  }
0x61: {  	_ =	shalt  }
0x62: {  	_ =	shalt  }
0x63: {  	_ =	shalt  }
0x64: {  	_ =	shalt  }
0x65: {  	_ =	shalt  }
0x66: {  	_ =	shalt  }
0x67: {  	_ =	shalt  }
0x68: {  	_ =	shalt  }
0x69: {  	_ =	shalt  }
0x6a: {  	_ =	shalt  }
0x6b: {  	_ =	shalt  }
0x6c: {  	_ =	shalt  }
0x6d: {  	_ =	shalt  }
0x6e: {  	_ =	shalt  }
0x6f: {  	_ =	shalt  }
0x70: {  	_ =	shalt  }
0x71: {  	_ =	shalt  }
0x72: {  	_ =	shalt  }
0x73: {  	_ =	shalt  }
0x74: {  	_ =	shalt  }
0x75: {  	_ =	shalt  }
0x76: {  	_ =	shalt  }
0x77: {  	_ =	shalt  }
0x78: {  	_ =	shalt  }
0x79: {  	_ =	shalt  }
0x7a: {  	_ =	shalt  }
0x7b: {  	_ =	shalt  }
0x7c: {  	_ =	shalt  }
0x7d: {  	_ =	shalt  }
0x7e: {  	_ =	shalt  }
0x7f: {  	_ =	shalt  }
0x80: {  	_ =	shalt  }
0x81: {  	_ =	shalt  }
0x82: {  	_ =	shalt  }
0x83: {  	_ =	shalt  }
0x84: {  	_ =	shalt  }
0x85: {  	_ =	shalt  }
0x86: {  	_ =	shalt  }
0x87: {  	_ =	shalt  }
.Lfunc_end0:
.L_simem_size_0:
called_computation.3_lowered:
.L_overlay_start_0:
0x88: {  	s2 =	sld [smem:$0x3FD9]  }
0x89: {  	s3 =	sld [smem:$0x3FFE];
	_ =	sdelay $0x1  }
0x8a: {  	s1 =	srdreg.scid  }
0x8b: {  	s0 =	sand.u32 $0x1, s1  }
0x8c: {  	s17 =	sshll.u32 s0, $0xA;
	s2 =	sadd.s32 s3, s2  }
0x8d: {  	s2 =	sadd.s32 s2, s17  }
0x8e: {  	[smem:$0x3FBF] =	sst s2  }
0x8f: {  	_ = 	snop  }
0x90: {  	s2 =	sld [smem:$0x3FD0];
	(tm) =	ssettm $0x1  }
0x91: {  	s18 =	sld [smem:$0x3FFB];
	_ =	sdelay $0x3  }
0x92: {  	_ =	strace s18  }
0x93: {  	s3 =	sld [smem:$0x3FFC];
	_ =	sdelay $0x3  }
0x94: {  	_ =	strace s3  }
0x95: {  	s3 =	sld [smem:$0x3FFD];
	_ =	sdelay $0x3  }
0x96: {  	_ =	strace s3  }
0x97: {  	_ =	strace $0x8FFFFFFF  }
0x98: {  	s19 =	sld [smem:$0x3FDB];
	_ =	sdelay $0x1  }
0x99: {  	s4 =	simm.s32 $_scs_section_size  }
0x9a: {  	s5 =	simm.s32 $_size__tile_overlayer_lowered;
	s6 =	simm.s32 $_tile_overlayer_lowered  }
0x9b: {  	s22 =	simm.s32 $0x1BFF;
	s21 =	sshll.u32 s6, $0x1;
	s3 =	sadd.s32 s4, s19  }
0x9c: {  	s7 =	simm.s32 $0x0;
	s20 =	sshll.u32 s5, $0x1;
	s5 =	sadd.s32 s21, s3  }
0x9d: {  	[timem:s7], [sflag:s22] =	dma.local [hbm:s5], s20  }
0x9e: {  	_ =	swait.ge [sflag:s22], s20  }
0x9f: {  	s4 =	ssub.s32 $0x0, s20;
	[sflag:s22] =	ssyncset.done $0x0  }
0xa0: {  	[sflag:s22] =	ssyncadd.s32 s4;
	_ =	sdelay $0x1  }
0xa1: {  	s23 =	simm.s32 $0x1B8B  }
0xa2: {  	_ =	swait.ge [sflag:s23], $0x1  }
0xa3: {  	[sflag:s23] =	ssyncset.done $0x0  }
0xa4: {  	s25 =	simm.s32 $0x1B8E;
	s24 =	sld [smem:$0x3FFE];
	[sflag:s23] =	ssyncadd.s32 $0xFFFFFFFF  }
0xa5: {  	s26 =	simm.s32 $execute0_lowered;
	[smem:$0x3FD2] =	sst s25  }
0xa6: {  	s5 =	sshll.u32 s26, $0x1;
	_ =	strace $0x8000004F;
	[dreg:$0x1] =	wrdreg $0xFFFFFFFF  }
0xa7: {  	s28 =	simm.s32 $_size_execute0_lowered;
	s3 =	sadd.s32 s3, s5;
	[dreg:$0x0] =	wrdreg $0x0  }
0xa8: {  	s5 =	sshll.u32 s28, $0x1;
	[dreg:$0x2] =	wrdreg s3  }
0xa9: {  	[dreg:$0x3] =	wrdreg s5  }
0xaa: {  	[dreg:$0x4] =	wrdreg $0xC0  }
0xab: {  	_ =	task [dreg:s7], $0x5FFFF  }
0xac: {  	[dreg:$0x1] =	wrdreg $0xFFFFFFFF  }
0xad: {  	[dreg:$0x0] =	wrdreg $0x60  }
0xae: {  	[dreg:$0x2] =	wrdreg s2  }
0xaf: {  	[dreg:$0x3] =	wrdreg s24  }
0xb0: {  	[dreg:$0x4] =	wrdreg $0xB9800  }
0xb1: {  	[dreg:$0x5] =	wrdreg $0x9  }
0xb2: {  	_ =	task.clear_ibuf [dreg:s7], $0x6FFFF;
	_ =	strace $0x9000004F  }
0xb3: {  	s29 =	simm.s32 $0x9;
	_ =	strace $0x80000051  }
0xb4: {  	_ =	swait.ge [sflag:s29], $0x1  }
0xb5: {  	[sflag:s29] =	ssyncadd.s32 $0xFFFFFFFF  }
0xb6: {  	_ =	strace $0x90000051  }
0xb7: {  	_ =	sfence  }
0xb8: {  	s30 =	sld [smem:$0x0];
	_ =	sdelay $0x2  }
0xb9: {  	s31 =	sshll.u32 s1, $0xD;
	s1 =	sshrl.u32 s1, $0x2  }
0xba: {  	s3 =	sand.u32 $0x4000, s31;
	s1 =	sadd.s32 s1, s30  }
0xbb: {  	s0 =	sor.u32 s3, s0;
	s1 =	sshll.u32 s1, $0x11  }
0xbc: {  	s0 =	sor.u32 s1, s0  }
0xbd: {  	s0 =	sadd.s32 $0x8F2B, s0  }
0xbe: {  	[sflag:s0] =	ssyncadd.remote.s32 $0x1  }
0xbf: {  	_ =	sfence.sel $0xFFFF  }
0xc0: {  	[dreg:$0x0] =	wrdreg $0xFFFFFFFF;
	(pc) =	sbr.abs _section_cstart, $3  }
0xc1: {  	[dreg:$0x1] =	wrdreg $0xFFFFFFFF  }
0xc2: {  	_ =	task.clear_ibuf [dreg:s7], $0x2FFFF;
	_ =	strace $0x9FFFFFFF  }
0xc3: {  	(tm) =	ssettm $0x7FFFFFFF  }
tec
execute0_lowered:
.L_overlay_start_1:
0x0: {  	(tag) =	ssettag $0x1  }
0x1: {  	s1 =	rddreg [dreg:$0x0]  }
0x2: {  	s0 =	rddreg [dreg:$0x1]  }
0x3: {  	s2 =	rddreg [dreg:$0x2];
	s3 =	srdreg.scid;
	s4 =	simm.s32 $0x0  }
0x4: {  	s12 =	stileid.u32;
	s28 =	simm.s32 $0x6800;
	s29 =	simm.s32 $0xB900  }
0x5: {  	s30 =	simm.s32 $0x9;
	s31 =	simm.s32 $0x9000;
	s3 =	sand.u32 $0x1, s3  }
0x6: {  	[smem:$0x7FF] =	sst s4;
	s10 =	smul.u32 $0x7D000, s12;
	s11 =	sadd.s32 $0x4B000, s0  }
0x7: {  	p0 =	sgt.u32 s12, $0x9;
	s5 =	sshll.u32 s3, $0x4;
	_ =	strace $0x80000050  }
0x8: {  	s8 =	smul.u32 $0x27100, s3;
	s9 =	ssub.s32 $0x2, s3;
	[dreg:$0x4] =	wrdreg s11  }
0x9: {  	s3 =	smul.u32 $0x3E800, s3;
	s11 =	simm.s32 $0x0;
	s6 =	sor.u32 s12, s5  }
0xa: {  	s5 =	sadd.s32 $0x3B600, s0;
	s17 =	sshrl.u32 s9, $0x1;
	s19 =	sshrl.u32 s10, $0x2  }
0xb: {  	s10 =	simm.s32 $0x6;
	s7 =	sshll.u32 s6, $0xB;
	s6 =	smul.u32 $0x3E80, s6  }
0xc: {  	s18 =	ssub.s32 s9, s17;
	s9 =	smul.u32 $0x3E80, s12;
	s17 =	simm.s32 $0xA  }
0xd: {  	s7 =	sadd.s32 s7, s0;
	s0 =	sadd.s32 s8, s0;
	s23 =	smax.u32 s18, $0x1  }
0xe: {  	s7 =	sadd.s32 $0x2B600, s7;
	s6 =	sshrl.u32 s6, $0x3;
	s0 =	sadd.s32 $0x4F000, s0  }
0xf: {  	s3 =	sadd.s32 s9, s3;
	[dreg:$0xb] =	wrdreg s23;
	s23 =	simm.s32 $0x4000  }
0x10: {  	[dreg:$0x5] =	wrdreg s7;
	s7 =	sadd.s32 s19, s2;
	s6 =	sadd.s32 s5, s6  }
0x11: {  	s24 =	sadd.s32 $0x280, s3;
	s25 =	sadd.s32 $0x200, s3;
	s16 =	sadd.s32 $0x180, s3  }
0x12: {  	s0 =	sadd.s32 @!p0 s9, s0;
	s3 =	simm.s32 $0x2;
	[dreg:$0x6] =	wrdreg s6  }
0x13: {  	s9 =	simm.s32 $0x5;
	s20 =	sadd.s32 $0x10, s6;
	[dreg:$0xe] =	wrdreg s0  }
0x14: {  	s21 =	sadd.s32 $0x20, s6;
	s22 =	sadd.s32 $0x7B0, s6;
	[dreg:$0x7] =	wrdreg s20  }
0x15: {  	s6 =	sadd.s32 $0x7C0, s6;
	s8 =	sshrl.u32 s25, $0x3;
	[dreg:$0x8] =	wrdreg s21  }
0x16: {  	s19 =	sshrl.u32 @!p0 s7, $0x3;
	s25 =	simm.s32 $0xB880;
	[dreg:$0x9] =	wrdreg s22  }
0x17: {  	s0 =	simm.s32 $0x1;
	s7 =	simm.s32 $0x4;
	[dreg:$0xa] =	wrdreg s6  }
0x18: {  	s6 =	sshrl.u32 s24, $0x3;
	s26 =	sadd.s32 s8, s5;
	s20 =	simm.s32 $0xB800  }
0x19: {  	s21 =	simm.s32 $0x7;
	s6 =	sadd.s32 s6, s5;
	[dreg:$0xd] =	wrdreg s26  }
0x1a: {  	s22 =	simm.s32 $0x50;
	[dreg:$0xc] =	wrdreg s6;
	s6 =	sshll.u32 @!p0 s12, $0x6  }
0x1b: {  	s26 =	simm.s32 $0x8;
	s18 =	sor.u32 @!p0 $0x1C0A, s6;
	s6 =	simm.s32 $0x3  }
.LBB2_1:
0x1c: {  	s8 =	rddreg [dreg:$0x5]  }
0x1d: {  	[tilespmem:s4], [sflag:$0xA] =	stream.linear.gather [hbm4b:s8+s4], $0x3E80, $0x38;
	[tilespmem:$0x1F200] =	vst v63  }
0x1e: {  	_ =	swait.ge [sflag:s17], $0x3E80  }
0x1f: {  	[sflag:s17] =	ssyncset.done $0x0  }
0x20: {  	s8 =	rddreg [dreg:$0x4];
	[sflag:s17] =	ssyncadd.s32 $0xFFFFC180  }
0x21: {  	[spmem:s19], [sflag:s18] =	dma.local @!p0 [hbm:s8], $0x3E80  }
0x22: {  	s8 =	simm.s32 @!p0 $0xA  }
0x23: {  	_ =	swait.ge @!p0 [sflag:s8], $0x3E80  }
0x24: {  	[sflag:s8] =	ssyncset.done @!p0 $0x0  }
0x25: {  	[sflag:s8] =	ssyncadd.s32 @!p0 $0xFFFFC180  }
0x26: {  	[bflag:$0x0] =	sbarrier.arrive $0xFFFF  }
0x27: {  	s13 =	rddreg [dreg:$0x6]  }
0x28: {  	[tilespmem:s20], [sflag:$0x7] =	stream.linear.gather [hbm4b:s13+s4], $0x80, $0x38;
	[tilespmem:$0x1F200] =	vst v63  }
0x29: {  	_ =	swait.ge [sflag:s21], $0x80  }
0x2a: {  	[sflag:s21] =	ssyncset.done $0x0  }
0x2b: {  	[sflag:s21] =	ssyncadd.s32 $0xFFFFFF80  }
0x2c: {  	[tilespmem:s23], [sflag:$0x1] =	stream.indirect.gather [hbm4b:s1+s22], $0x80, s20, s22, $0xb8;
	[tilespmem:$0x1F200] =	vst v63  }
0x2d: {  	s14 =	rddreg [dreg:$0x7]  }
0x2e: {  	[tilespmem:s25], [sflag:$0x8] =	stream.linear.gather [hbm4b:s14+s4], $0x80, $0x38;
	[tilespmem:$0x1F200] =	vst v63  }
0x2f: {  	_ =	swait.ge [sflag:s26], $0x80  }
0x30: {  	[sflag:s26] =	ssyncset.done $0x0  }
0x31: {  	[sflag:s26] =	ssyncadd.s32 $0xFFFFFF80  }
0x32: {  	[tilespmem:s28], [sflag:$0x2] =	stream.indirect.gather [hbm4b:s1+s22], $0x80, s25, s22, $0xb8;
	[tilespmem:$0x1F200] =	vst v63  }
0x33: {  	s15 =	rddreg [dreg:$0x8]  }
0x34: {  	[tilespmem:s29], [sflag:$0x9] =	stream.linear.gather [hbm4b:s15+s4], $0x80, $0x38;
	[tilespmem:$0x1F200] =	vst v63  }
0x35: {  	_ =	swait.ge [sflag:s30], $0x80  }
0x36: {  	[sflag:s30] =	ssyncset.done $0x0  }
0x37: {  	[sflag:s30] =	ssyncadd.s32 $0xFFFFFF80  }
0x38: {  	[tilespmem:s31], [sflag:$0x3] =	stream.indirect.gather [hbm4b:s1+s22], $0x80, s29, s22, $0xb8;
	[tilespmem:$0x1F200] =	vst v63  }
0x39: {  	_ =	swait.ge [sflag:s0], $0x2800  }
0x3a: {  	[sflag:s0] =	ssyncset.done $0x0  }
0x3b: {  	s24 =	simm.s32 $0x0;
	s12 =	sshrl.u32 s16, $0x3;
	[sflag:s0] =	ssyncadd.s32 $0xFFFFD800  }
0x3c: {  	[spmem:s2] =	stream.indirect.scatter.add.f32 [tilespmem:s23], [sflag:$0x4], $0x80, s24, s22, $0xb8;
	[tilespmem:$0x1F200] =	vst v63  }
0x3d: {  	s13 =	sadd.s32 s5, s12  }
0x3e: {  	[tilespmem:s20], [sflag:$0x7] =	stream.linear.gather [hbm4b:s13+s4], $0x80, $0x38;
	[tilespmem:$0x1F200] =	vst v63  }
0x3f: {  	_ =	swait.ge [sflag:s3], $0x2800  }
0x40: {  	[sflag:s3] =	ssyncset.done $0x0  }
0x41: {  	s14 =	simm.s32 $0x80;
	[sflag:s3] =	ssyncadd.s32 $0xFFFFD800  }
0x42: {  	[spmem:s2] =	stream.indirect.scatter.add.f32 [tilespmem:s28], [sflag:$0x5], $0x80, s14, s22, $0xb8;
	[tilespmem:$0x1F200] =	vst v63  }
0x43: {  	s14 =	rddreg [dreg:$0xd]  }
0x44: {  	[tilespmem:s25], [sflag:$0x8] =	stream.linear.gather [hbm4b:s14+s4], $0x80, $0x38;
	[tilespmem:$0x1F200] =	vst v63  }
0x45: {  	_ =	swait.ge [sflag:s6], $0x2800  }
0x46: {  	[sflag:s6] =	ssyncset.done $0x0  }
0x47: {  	s15 =	simm.s32 $0x100;
	[sflag:s6] =	ssyncadd.s32 $0xFFFFD800  }
0x48: {  	[spmem:s2] =	stream.indirect.scatter.add.f32 [tilespmem:s31], [sflag:$0x6], $0x80, s15, s22, $0xb8;
	[tilespmem:$0x1F200] =	vst v63  }
0x49: {  	s24 =	rddreg [dreg:$0xc]  }
0x4a: {  	[tilespmem:s29], [sflag:$0x9] =	stream.linear.gather [hbm4b:s24+s4], $0x80, $0x38;
	[tilespmem:$0x1F200] =	vst v63  }
0x4b: {  	_ =	swait.ge [sflag:s7], $0x2800  }
0x4c: {  	[sflag:s7] =	ssyncset.done $0x0  }
0x4d: {  	[sflag:s7] =	ssyncadd.s32 $0xFFFFD800  }
0x4e: {  	_ =	swait.ge [sflag:s21], $0x80  }
0x4f: {  	[sflag:s21] =	ssyncset.done $0x0  }
0x50: {  	[sflag:s21] =	ssyncadd.s32 $0xFFFFFF80  }
0x51: {  	[tilespmem:s23], [sflag:$0x1] =	stream.indirect.gather [hbm4b:s1+s22], $0x80, s20, s22, $0xb8;
	[tilespmem:$0x1F200] =	vst v63  }
0x52: {  	_ =	swait.ge [sflag:s9], $0x2800  }
0x53: {  	[sflag:s9] =	ssyncset.done $0x0  }
0x54: {  	[sflag:s9] =	ssyncadd.s32 $0xFFFFD800  }
0x55: {  	_ =	swait.ge [sflag:s26], $0x80  }
0x56: {  	[sflag:s26] =	ssyncset.done $0x0  }
0x57: {  	[sflag:s26] =	ssyncadd.s32 $0xFFFFFF80  }
0x58: {  	[tilespmem:s28], [sflag:$0x2] =	stream.indirect.gather [hbm4b:s1+s22], $0x80, s25, s22, $0xb8;
	[tilespmem:$0x1F200] =	vst v63  }
0x59: {  	_ =	swait.ge [sflag:s10], $0x2800  }
0x5a: {  	[sflag:s10] =	ssyncset.done $0x0  }
0x5b: {  	[sflag:s10] =	ssyncadd.s32 $0xFFFFD800  }
0x5c: {  	_ =	swait.ge [sflag:s30], $0x80  }
0x5d: {  	s12 =	simm.s32 $0x600;
	s13 =	sadd.s32 $0x180, s16;
	[sflag:s30] =	ssyncset.done $0x0  }
0x5e: {  	s8 =	sadd.s32 $0x30, s14;
	s24 =	sadd.s32 $0x30, s24;
	[sflag:s30] =	ssyncadd.s32 $0xFFFFFF80  }
.LBB2_2:
0x5f: {  	[tilespmem:s31], [sflag:$0x3] =	stream.indirect.gather [hbm4b:s1+s22], $0x80, s29, s22, $0xb8;
	[tilespmem:$0x1F200] =	vst v63  }
0x60: {  	s14 =	smov.u32 s12  }
0x61: {  	p1 =	sne.s32 s12, $0xEA00;
	s12 =	sadd.s32 $0x600, s12;
	_ =	swait.ge [sflag:s0], $0x2800  }
0x62: {  	[sflag:s0] =	ssyncset.done $0x0  }
0x63: {  	s15 =	sshrl.u32 s13, $0x3;
	s14 =	sshra.s32 s14, $0x2;
	[sflag:s0] =	ssyncadd.s32 $0xFFFFD800  }
0x64: {  	[spmem:s2] =	stream.indirect.scatter.add.f32 [tilespmem:s23], [sflag:$0x4], $0x80, s14, s22, $0xb8;
	[tilespmem:$0x1F200] =	vst v63  }
0x65: {  	s15 =	sadd.s32 s5, s15  }
0x66: {  	[tilespmem:s20], [sflag:$0x7] =	stream.linear.gather [hbm4b:s15+s4], $0x80, $0x38;
	[tilespmem:$0x1F200] =	vst v63  }
0x67: {  	_ =	swait.ge [sflag:s3], $0x2800  }
0x68: {  	[sflag:s3] =	ssyncset.done $0x0  }
0x69: {  	s15 =	sadd.s32 $0x80, s14;
	[sflag:s3] =	ssyncadd.s32 $0xFFFFD800  }
0x6a: {  	[spmem:s2] =	stream.indirect.scatter.add.f32 [tilespmem:s28], [sflag:$0x5], $0x80, s15, s22, $0xb8;
	[tilespmem:$0x1F200] =	vst v63  }
0x6b: {  	_ = 	snop  }
0x6c: {  	[tilespmem:s25], [sflag:$0x8] =	stream.linear.gather [hbm4b:s8+s4], $0x80, $0x38;
	[tilespmem:$0x1F200] =	vst v63  }
0x6d: {  	_ =	swait.ge [sflag:s6], $0x2800  }
0x6e: {  	[sflag:s6] =	ssyncset.done $0x0  }
0x6f: {  	s14 =	sadd.s32 $0x100, s14;
	[sflag:s6] =	ssyncadd.s32 $0xFFFFD800  }
0x70: {  	[spmem:s2] =	stream.indirect.scatter.add.f32 [tilespmem:s31], [sflag:$0x6], $0x80, s14, s22, $0xb8;
	[tilespmem:$0x1F200] =	vst v63  }
0x71: {  	_ = 	snop  }
0x72: {  	[tilespmem:s29], [sflag:$0x9] =	stream.linear.gather [hbm4b:s24+s4], $0x80, $0x38;
	[tilespmem:$0x1F200] =	vst v63  }
0x73: {  	_ =	swait.ge [sflag:s7], $0x2800  }
0x74: {  	[sflag:s7] =	ssyncset.done $0x0  }
0x75: {  	[sflag:s7] =	ssyncadd.s32 $0xFFFFD800  }
0x76: {  	_ =	swait.ge [sflag:s21], $0x80  }
0x77: {  	[sflag:s21] =	ssyncset.done $0x0  }
0x78: {  	[sflag:s21] =	ssyncadd.s32 $0xFFFFFF80  }
0x79: {  	[tilespmem:s23], [sflag:$0x1] =	stream.indirect.gather [hbm4b:s1+s22], $0x80, s20, s22, $0xb8;
	[tilespmem:$0x1F200] =	vst v63  }
0x7a: {  	_ =	swait.ge [sflag:s9], $0x2800  }
0x7b: {  	[sflag:s9] =	ssyncset.done $0x0  }
0x7c: {  	[sflag:s9] =	ssyncadd.s32 $0xFFFFD800  }
0x7d: {  	_ =	swait.ge [sflag:s26], $0x80  }
0x7e: {  	[sflag:s26] =	ssyncset.done $0x0  }
0x7f: {  	[sflag:s26] =	ssyncadd.s32 $0xFFFFFF80  }
0x80: {  	[tilespmem:s28], [sflag:$0x2] =	stream.indirect.gather [hbm4b:s1+s22], $0x80, s25, s22, $0xb8;
	[tilespmem:$0x1F200] =	vst v63  }
0x81: {  	_ =	swait.ge [sflag:s10], $0x2800  }
.Ltmp0:
0x82: {  	[sflag:s10] =	ssyncset.done $0x0;
	(pc) =	sbr.rel @p1 .LBB2_2-.Ltmp0, $4  }
0x83: {  	[sflag:s10] =	ssyncadd.s32 $0xFFFFD800  }
0x84: {  	_ =	swait.ge [sflag:s30], $0x80  }
0x85: {  	s13 =	sadd.s32 $0x180, s13;
	[sflag:s30] =	ssyncset.done $0x0  }
0x86: {  	s8 =	sadd.s32 $0x30, s8;
	s24 =	sadd.s32 $0x30, s24;
	[sflag:s30] =	ssyncadd.s32 $0xFFFFFF80  }
0x87: {  	[tilespmem:s31], [sflag:$0x3] =	stream.indirect.gather [hbm4b:s1+s22], $0x80, s29, s22, $0xb8;
	[tilespmem:$0x1F200] =	vst v63  }
0x88: {  	_ =	swait.ge [sflag:s0], $0x2800  }
0x89: {  	[sflag:s0] =	ssyncset.done $0x0  }
0x8a: {  	s8 =	simm.s32 $0x3C00;
	[sflag:s0] =	ssyncadd.s32 $0xFFFFD800  }
0x8b: {  	[spmem:s2] =	stream.indirect.scatter.add.f32 [tilespmem:s23], [sflag:$0x4], $0x80, s8, s22, $0xb8;
	[tilespmem:$0x1F200] =	vst v63  }
0x8c: {  	s24 =	rddreg [dreg:$0x9]  }
0x8d: {  	[tilespmem:s20], [sflag:$0x7] =	stream.linear.gather [hbm4b:s24+s4], $0x80, $0x38;
	[tilespmem:$0x1F200] =	vst v63  }
0x8e: {  	_ =	swait.ge [sflag:s3], $0x2800  }
0x8f: {  	[sflag:s3] =	ssyncset.done $0x0  }
0x90: {  	s12 =	simm.s32 $0x3C80;
	[sflag:s3] =	ssyncadd.s32 $0xFFFFD800  }
0x91: {  	[spmem:s2] =	stream.indirect.scatter.add.f32 [tilespmem:s28], [sflag:$0x5], $0x80, s12, s22, $0xb8;
	[tilespmem:$0x1F200] =	vst v63  }
0x92: {  	s13 =	rddreg [dreg:$0xa]  }
0x93: {  	[tilespmem:s25], [sflag:$0x8] =	stream.linear.gather [hbm4b:s13+s4], $0x80, $0x38;
	[tilespmem:$0x1F200] =	vst v63  }
0x94: {  	_ =	swait.ge [sflag:s6], $0x2800  }
0x95: {  	[sflag:s6] =	ssyncset.done $0x0  }
0x96: {  	s14 =	simm.s32 $0x3D00;
	[sflag:s6] =	ssyncadd.s32 $0xFFFFD800  }
0x97: {  	[spmem:s2] =	stream.indirect.scatter.add.f32 [tilespmem:s31], [sflag:$0x6], $0x80, s14, s22, $0xb8;
	[tilespmem:$0x1F200] =	vst v63  }
0x98: {  	_ =	swait.ge [sflag:s7], $0x2800  }
0x99: {  	[sflag:s7] =	ssyncset.done $0x0  }
0x9a: {  	[sflag:s7] =	ssyncadd.s32 $0xFFFFD800  }
0x9b: {  	_ =	swait.ge [sflag:s21], $0x80  }
0x9c: {  	[sflag:s21] =	ssyncset.done $0x0  }
0x9d: {  	[sflag:s21] =	ssyncadd.s32 $0xFFFFFF80  }
0x9e: {  	[tilespmem:s23], [sflag:$0x1] =	stream.indirect.gather [hbm4b:s1+s22], $0x80, s20, s22, $0xb8;
	[tilespmem:$0x1F200] =	vst v63  }
0x9f: {  	_ =	swait.ge [sflag:s9], $0x2800  }
0xa0: {  	[sflag:s9] =	ssyncset.done $0x0  }
0xa1: {  	[sflag:s9] =	ssyncadd.s32 $0xFFFFD800  }
0xa2: {  	_ =	swait.ge [sflag:s26], $0x80  }
0xa3: {  	[sflag:s26] =	ssyncset.done $0x0  }
0xa4: {  	[sflag:s26] =	ssyncadd.s32 $0xFFFFFF80  }
0xa5: {  	[tilespmem:s28], [sflag:$0x2] =	stream.indirect.gather [hbm4b:s1+s22], $0x80, s25, s22, $0xb8;
	[tilespmem:$0x1F200] =	vst v63  }
0xa6: {  	_ =	swait.ge [sflag:s10], $0x2800  }
0xa7: {  	[sflag:s10] =	ssyncset.done $0x0  }
0xa8: {  	[sflag:s10] =	ssyncadd.s32 $0xFFFFD800  }
0xa9: {  	_ =	swait.ge [sflag:s0], $0x2800  }
0xaa: {  	[sflag:s0] =	ssyncset.done $0x0  }
0xab: {  	s15 =	simm.s32 $0x3D80;
	[sflag:s0] =	ssyncadd.s32 $0xFFFFD800  }
0xac: {  	[spmem:s2] =	stream.indirect.scatter.add.f32 [tilespmem:s23], [sflag:$0xA], $0x80, s15, s22, $0xb8;
	[tilespmem:$0x1F200] =	vst v63  }
0xad: {  	_ =	swait.ge [sflag:s17], $0x2800  }
0xae: {  	[sflag:s17] =	ssyncset.done $0x0  }
0xaf: {  	[sflag:s17] =	ssyncadd.s32 $0xFFFFD800  }
0xb0: {  	_ =	swait.ge [sflag:s3], $0x2800  }
0xb1: {  	[sflag:s3] =	ssyncset.done $0x0  }
0xb2: {  	s24 =	simm.s32 $0x3E00;
	[sflag:s3] =	ssyncadd.s32 $0xFFFFD800  }
0xb3: {  	[spmem:s2] =	stream.indirect.scatter.add.f32 [tilespmem:s28], [sflag:$0xA], $0x80, s24, s22, $0xb8;
	[tilespmem:$0x1F200] =	vst v63  }
0xb4: {  	_ =	swait.ge [sflag:s17], $0x2800  }
0xb5: {  	[sflag:s17] =	ssyncset.done $0x0  }
0xb6: {  	[sflag:s17] =	ssyncadd.s32 $0xFFFFD800  }
0xb7: {  	[bflag:$0x0] =	sbarrier.arrive $0xFFFF  }
0xb8: {  	s8 =	rddreg [dreg:$0xe]  }
0xb9: {  	[hbm:s8], [sflag:s18] =	dma.local @!p0 [spmem:s19], $0x3E80  }
0xba: {  	s8 =	simm.s32 @!p0 $0xA  }
0xbb: {  	_ =	swait.ge @!p0 [sflag:s8], $0x3E80  }
0xbc: {  	s11 =	sadd.s32 $0x1, s11;
	s12 =	rddreg [dreg:$0xb]  }
0xbd: {  	p1 =	sne.s32 s11, s12  }
.Ltmp1:
0xbe: {  	_ = 	snop;
	(pc) =	sbr.rel @p1 .LBB2_1-.Ltmp1, $3  }
0xbf: {  	_ =	sdelay $0x1  }
0xc0: {  	[sflag:s8] =	ssyncset.done @!p0 $0x0  }
0xc1: {  	[sflag:s8] =	ssyncadd.s32 @!p0 $0xFFFFC180  }
0xc2: {  	_ =	sfence.sel $0x180000  }
0xc3: {  	[bflag:$0x0] =	sbarrier.arrive $0xFFFF  }
0xc4: {  	_ =	strace $0x90000050  }
0xc5: {  	s0 =	stileid.u32;
	[bflag:$0x2] =	sbarrier.arrive $0xFFFF  }
0xc6: {  	p0 =	sne.s32 s0, $0x0;
	s0 =	rddreg [dreg:$0x3]  }
0xc7: {  	s0 =	sadd.s32 @!p0 $0x100000, s0  }
0xc8: {  	[sflag:s0] =	ssyncadd.tile.s32 @!p0 $0x1;
	_ =	shalt  }
.Lfunc_end2:
_tile_overlayer_lowered:
.L_overlay_start_2:
0xc9: {  	(tag) =	ssettag $0x2  }
0xca: {  	s0 =	rddreg [dreg:$0x0];
	s2 =	stileid.u32  }
0xcb: {  	s1 =	rddreg [dreg:$0x1];
	p0 =	sne.s32 s2, $0x0  }
0xcc: {  	s3 =	rddreg [dreg:$0x2];
	[bflag:$0x3] =	sbarrier.arrive $0xFFFF;
	s2 =	simm.s32 @!p0 $0x1C0A  }
0xcd: {  	[timem:s3], [sflag:s2] =	dma.local @!p0 [hbm:s0], s1  }
0xce: {  	s0 =	simm.s32 @!p0 $0xA  }
0xcf: {  	_ =	swait.ge @!p0 [sflag:s0], s1  }
0xd0: {  	s1 =	ssub.s32 @!p0 $0x0, s1;
	[sflag:s0] =	ssyncset.done @!p0 $0x0  }
0xd1: {  	[sflag:s0] =	ssyncadd.s32 @!p0 s1  }
0xd2: {  	[bflag:$0x3] =	sbarrier.arrive $0xFFFF  }
0xd3: {  	_ =	shalt  }

// kernel: kernel.25.cloned.1.call-start
scs
__scs_entry_jumppad:
0x0: {  	(pc) =	sbr.rel $0x88, $3  }
0x1: {  	(tag) =	ssettag $0x0;
	lr =	simm.s32 $0x1  }
0x2: {  	[smem:$0x3F98] =	sst lr;
	_ =	strace $0xD0000000  }
0x3: {  	_ = 	snop  }
0x4: {  	_ = 	snop  }
0x5: {  	_ = 	snop  }
0x6: {  	_ = 	snop  }
0x7: {  	_ = 	snop  }
__scs_overlays_trampoline_lowered:
0x8: {  	[smem:$0x3FA7] =	sst s0  }
0x9: {  	[smem:$0x3FA8] =	sst s1  }
0xa: {  	[smem:$0x3FA9] =	sst s2  }
0xb: {  	[smem:$0x3FAA] =	sst s3  }
0xc: {  	[smem:$0x3FAB] =	sst s4  }
0xd: {  	[smem:$0x3FAC] =	sst s5  }
0xe: {  	[smem:$0x3FAD] =	sst s6  }
0xf: {  	[smem:$0x3FAE] =	sst s7  }
0x10: {  	[smem:$0x3FAF] =	sst s8  }
0x11: {  	[smem:$0x3FB0] =	sst s9;
	s0 =	simm.s32 @!p0 $0x0  }
0x12: {  	s1 =	sld [smem:$0x3F96];
	s0 =	simm.s32 @p0 $0x1  }
0x13: {  	[smem:$0x3FB1] =	sst s0;
	s0 =	simm.s32 @!p1 $0x0  }
0x14: {  	s2 =	sld [smem:$0x3F95];
	s0 =	simm.s32 @p1 $0x1  }
0x15: {  	[smem:$0x3FB2] =	sst s0;
	s0 =	simm.s32 @!p2 $0x0  }
0x16: {  	s3 =	sld [smem:$0x3FDB];
	s0 =	simm.s32 @p2 $0x1  }
0x17: {  	s4 =	simm.s32 $0x1BF5;
	[smem:$0x3FB4] =	sst s0  }
0x18: {  	s0 =	sld [smem:$0x3F97];
	_ =	swait.ge [sflag:s4], $0x0  }
0x19: {  	s7 =	sld [smem:$0x3F98]  }
0x1a: {  	s8 =	sadd.s32 $0xFFFFE003, lr  }
0x1b: {  	s9 =	sadd.s32 $0xFFFFFEF7, lr;
	s5 =	simm.s32 $0xFFFFFFFF;
	p2 =	slt.u32 s8, $0xFFFFF086  }
0x1c: {  	p1 =	slt.u32 s9, $0xF7A;
	s5 =	simm.s32 @!p2 $0x0  }
0x1d: {  	s5 =	simm.s32 @p1 $0x1;
	p0 =	seq.s32 s7, s2  }
0x1e: {  	s7 =	smul.u32 @!p0 $0xF7A, s2;
	p2 =	seq.s32 @!p0 s5, $0x0  }
0x1f: {  	s9 =	smul.u32 $0xF7A, s1;
	s8 =	simm.s32 @!p0 $0x1BF5;
	p2 =	por !p2, p0  }
0x20: {  	[sflag:s8] =	ssyncset.s32 @!p0 $0xFFFFF086;
	s6 =	sadd.s32 @!p0 s3, s7;
	s7 =	simm.s32 @!p0 $0x108  }
0x21: {  	s3 =	sadd.s32 s3, s9;
	s6 =	sadd.s32 @!p0 $0x88, s6;
	s7 =	simm.s32 @p2 $0x1082  }
0x22: {  	[simem:s7], [sflag:s8] =	dma.local @!p0 [hbm:s6], $0xF7A  }
0x23: {  	s9 =	sor.u32 $0xD0000000, s2;
	s6 =	simm.s32 $0x108;
	_ =	swait.ge @!p0 [sflag:s8], $0x0  }
0x24: {  	s3 =	sadd.s32 $0x88, s3;
	s6 =	simm.s32 @!p1 $0x1082;
	[sflag:s4] =	ssyncset.s32 $0xFFFFF086  }
0x25: {  	[simem:s6], [sflag:s4] =	dma.local [hbm:s3], $0xF7A  }
0x26: {  	[smem:$0x3F98] =	sst s1;
	(tag) =	ssettag s2;
	_ =	strace s9  }
0x27: {  	s1 =	sld [smem:$0x3FA8]  }
0x28: {  	s2 =	sld [smem:$0x3FA9]  }
0x29: {  	s4 =	sld [smem:$0x3FAB]  }
0x2a: {  	p0 =	seq.s32 s5, $0x0;
	s5 =	sld [smem:$0x3FAC]  }
0x2b: {  	s6 =	sld [smem:$0x3FAD]  }
0x2c: {  	s7 =	sld [smem:$0x3FAE]  }
0x2d: {  	s3 =	simm.s32 $0x108;
	s8 =	sld [smem:$0x3FAF]  }
0x2e: {  	s3 =	simm.s32 @!p0 $0x1082;
	s9 =	sld [smem:$0x3FB0]  }
0x2f: {  	lr =	sadd.s32 s0, s3;
	s0 =	sld [smem:$0x3FA7]  }
0x30: {  	s3 =	sld [smem:$0x3FAA]  }
0x31: {  	[smem:$0x3FB3] =	sst s10  }
0x32: {  	s10 =	sld [smem:$0x3FB1];
	_ =	sdelay $0x3  }
0x33: {  	p0 =	seq.s32 s10, $0x1;
	s10 =	sld [smem:$0x3FB3];
	_ =	sdelay $0x3  }
0x34: {  	[smem:$0x3FB3] =	sst s10  }
0x35: {  	s10 =	sld [smem:$0x3FB2];
	_ =	sdelay $0x3  }
0x36: {  	p1 =	seq.s32 s10, $0x1;
	s10 =	sld [smem:$0x3FB3];
	_ =	sdelay $0x3  }
0x37: {  	[smem:$0x3FB3] =	sst s10  }
0x38: {  	s10 =	sld [smem:$0x3FB4]  }
0x39: {  	_ = 	snop;
	(pc) =	sbr.ind lr, $3  }
0x3a: {  	_ = 	snop  }
0x3b: {  	_ = 	snop  }
0x3c: {  	p2 =	seq.s32 s10, $0x1;
	s10 =	sld [smem:$0x3FB3]  }
0x3d: {  	_ =	shalt  }
0x3e: {  	_ =	shalt  }
0x3f: {  	_ =	shalt  }
0x40: {  	_ =	shalt  }
0x41: {  	_ =	shalt  }
0x42: {  	_ =	shalt  }
0x43: {  	_ =	shalt  }
0x44: {  	_ =	shalt  }
0x45: {  	_ =	shalt  }
0x46: {  	_ =	shalt  }
0x47: {  	_ =	shalt  }
0x48: {  	_ =	shalt  }
0x49: {  	_ =	shalt  }
0x4a: {  	_ =	shalt  }
0x4b: {  	_ =	shalt  }
0x4c: {  	_ =	shalt  }
0x4d: {  	_ =	shalt  }
0x4e: {  	_ =	shalt  }
0x4f: {  	_ =	shalt  }
0x50: {  	_ =	shalt  }
0x51: {  	_ =	shalt  }
0x52: {  	_ =	shalt  }
0x53: {  	_ =	shalt  }
0x54: {  	_ =	shalt  }
0x55: {  	_ =	shalt  }
0x56: {  	_ =	shalt  }
0x57: {  	_ =	shalt  }
0x58: {  	_ =	shalt  }
0x59: {  	_ =	shalt  }
0x5a: {  	_ =	shalt  }
0x5b: {  	_ =	shalt  }
0x5c: {  	_ =	shalt  }
0x5d: {  	_ =	shalt  }
0x5e: {  	_ =	shalt  }
0x5f: {  	_ =	shalt  }
0x60: {  	_ =	shalt  }
0x61: {  	_ =	shalt  }
0x62: {  	_ =	shalt  }
0x63: {  	_ =	shalt  }
0x64: {  	_ =	shalt  }
0x65: {  	_ =	shalt  }
0x66: {  	_ =	shalt  }
0x67: {  	_ =	shalt  }
0x68: {  	_ =	shalt  }
0x69: {  	_ =	shalt  }
0x6a: {  	_ =	shalt  }
0x6b: {  	_ =	shalt  }
0x6c: {  	_ =	shalt  }
0x6d: {  	_ =	shalt  }
0x6e: {  	_ =	shalt  }
0x6f: {  	_ =	shalt  }
0x70: {  	_ =	shalt  }
0x71: {  	_ =	shalt  }
0x72: {  	_ =	shalt  }
0x73: {  	_ =	shalt  }
0x74: {  	_ =	shalt  }
0x75: {  	_ =	shalt  }
0x76: {  	_ =	shalt  }
0x77: {  	_ =	shalt  }
0x78: {  	_ =	shalt  }
0x79: {  	_ =	shalt  }
0x7a: {  	_ =	shalt  }
0x7b: {  	_ =	shalt  }
0x7c: {  	_ =	shalt  }
0x7d: {  	_ =	shalt  }
0x7e: {  	_ =	shalt  }
0x7f: {  	_ =	shalt  }
0x80: {  	_ =	shalt  }
0x81: {  	_ =	shalt  }
0x82: {  	_ =	shalt  }
0x83: {  	_ =	shalt  }
0x84: {  	_ =	shalt  }
0x85: {  	_ =	shalt  }
0x86: {  	_ =	shalt  }
0x87: {  	_ =	shalt  }
.Lfunc_end0:
.L_simem_size_0:
called_computation.4_lowered:
.L_overlay_start_0:
0x88: {  	s2 =	sld [smem:$0x3FD9]  }
0x89: {  	s3 =	sld [smem:$0x3FFE];
	_ =	sdelay $0x1  }
0x8a: {  	s1 =	srdreg.scid  }
0x8b: {  	s0 =	sand.u32 $0x1, s1  }
0x8c: {  	s17 =	sshll.u32 s0, $0xA;
	s2 =	sadd.s32 s3, s2  }
0x8d: {  	s2 =	sadd.s32 s2, s17  }
0x8e: {  	[smem:$0x3FBF] =	sst s2  }
0x8f: {  	_ = 	snop  }
0x90: {  	s2 =	sld [smem:$0x3FD0];
	(tm) =	ssettm $0x1  }
0x91: {  	s18 =	sld [smem:$0x3FFB];
	_ =	sdelay $0x3  }
0x92: {  	_ =	strace s18  }
0x93: {  	s3 =	sld [smem:$0x3FFC];
	_ =	sdelay $0x3  }
0x94: {  	_ =	strace s3  }
0x95: {  	s3 =	sld [smem:$0x3FFD];
	_ =	sdelay $0x3  }
0x96: {  	_ =	strace s3  }
0x97: {  	_ =	strace $0x8FFFFFFF  }
0x98: {  	s19 =	sld [smem:$0x3FDB];
	_ =	sdelay $0x1  }
0x99: {  	s4 =	simm.s32 $_scs_section_size  }
0x9a: {  	s5 =	simm.s32 $_size__tile_overlayer_lowered;
	s6 =	simm.s32 $_tile_overlayer_lowered  }
0x9b: {  	s22 =	simm.s32 $0x1BFF;
	s21 =	sshll.u32 s6, $0x1;
	s3 =	sadd.s32 s4, s19  }
0x9c: {  	s7 =	simm.s32 $0x0;
	s20 =	sshll.u32 s5, $0x1;
	s5 =	sadd.s32 s21, s3  }
0x9d: {  	[timem:s7], [sflag:s22] =	dma.local [hbm:s5], s20  }
0x9e: {  	_ =	swait.ge [sflag:s22], s20  }
0x9f: {  	s4 =	ssub.s32 $0x0, s20;
	[sflag:s22] =	ssyncset.done $0x0  }
0xa0: {  	[sflag:s22] =	ssyncadd.s32 s4;
	_ =	sdelay $0x1  }
0xa1: {  	s23 =	simm.s32 $0x1B8B  }
0xa2: {  	_ =	swait.ge [sflag:s23], $0x1  }
0xa3: {  	[sflag:s23] =	ssyncset.done $0x0  }
0xa4: {  	s25 =	simm.s32 $0x1B8E;
	s24 =	sld [smem:$0x3FFE];
	[sflag:s23] =	ssyncadd.s32 $0xFFFFFFFF  }
0xa5: {  	s26 =	simm.s32 $execute0_lowered;
	[smem:$0x3FD2] =	sst s25  }
0xa6: {  	s5 =	sshll.u32 s26, $0x1;
	_ =	strace $0x80000052;
	[dreg:$0x1] =	wrdreg $0xFFFFFFFF  }
0xa7: {  	s28 =	simm.s32 $_size_execute0_lowered;
	s3 =	sadd.s32 s3, s5;
	[dreg:$0x0] =	wrdreg $0x0  }
0xa8: {  	s5 =	sshll.u32 s28, $0x1;
	[dreg:$0x2] =	wrdreg s3  }
0xa9: {  	[dreg:$0x3] =	wrdreg s5  }
0xaa: {  	[dreg:$0x4] =	wrdreg $0xC0  }
0xab: {  	_ =	task [dreg:s7], $0x5FFFF  }
0xac: {  	[dreg:$0x1] =	wrdreg $0xFFFFFFFF  }
0xad: {  	[dreg:$0x0] =	wrdreg $0x60  }
0xae: {  	[dreg:$0x2] =	wrdreg s2  }
0xaf: {  	[dreg:$0x3] =	wrdreg s24  }
0xb0: {  	[dreg:$0x4] =	wrdreg $0xB9800  }
0xb1: {  	[dreg:$0x5] =	wrdreg $0x9  }
0xb2: {  	_ =	task.clear_ibuf [dreg:s7], $0x6FFFF;
	_ =	strace $0x90000052  }
0xb3: {  	s29 =	simm.s32 $0x9;
	_ =	strace $0x80000054  }
0xb4: {  	_ =	swait.ge [sflag:s29], $0x1  }
0xb5: {  	[sflag:s29] =	ssyncadd.s32 $0xFFFFFFFF  }
0xb6: {  	_ =	strace $0x90000054  }
0xb7: {  	_ =	sfence  }
0xb8: {  	s30 =	sld [smem:$0x0];
	_ =	sdelay $0x2  }
0xb9: {  	s31 =	sshll.u32 s1, $0xD;
	s1 =	sshrl.u32 s1, $0x2  }
0xba: {  	s3 =	sand.u32 $0x4000, s31;
	s1 =	sadd.s32 s1, s30  }
0xbb: {  	s0 =	sor.u32 s3, s0;
	s1 =	sshll.u32 s1, $0x11  }
0xbc: {  	s0 =	sor.u32 s1, s0  }
0xbd: {  	s0 =	sadd.s32 $0x8F2B, s0  }
0xbe: {  	[sflag:s0] =	ssyncadd.remote.s32 $0x1  }
0xbf: {  	_ =	sfence.sel $0xFFFF  }
0xc0: {  	[dreg:$0x0] =	wrdreg $0xFFFFFFFF;
	(pc) =	sbr.abs _section_cstart, $3  }
0xc1: {  	[dreg:$0x1] =	wrdreg $0xFFFFFFFF  }
0xc2: {  	_ =	task.clear_ibuf [dreg:s7], $0x2FFFF;
	_ =	strace $0x9FFFFFFF  }
0xc3: {  	(tm) =	ssettm $0x7FFFFFFF  }
tec
execute0_lowered:
.L_overlay_start_1:
0x0: {  	(tag) =	ssettag $0x1  }
0x1: {  	s1 =	rddreg [dreg:$0x0]  }
0x2: {  	s0 =	rddreg [dreg:$0x1]  }
0x3: {  	s2 =	rddreg [dreg:$0x2];
	s3 =	srdreg.scid;
	s4 =	simm.s32 $0x0  }
0x4: {  	s12 =	stileid.u32;
	s28 =	simm.s32 $0x6800;
	s29 =	simm.s32 $0xB900  }
0x5: {  	s30 =	simm.s32 $0x9;
	s31 =	simm.s32 $0x9000;
	s3 =	sand.u32 $0x1, s3  }
0x6: {  	[smem:$0x7FF] =	sst s4;
	s10 =	smul.u32 $0x7D000, s12;
	s11 =	sadd.s32 $0x4B000, s0  }
0x7: {  	p0 =	sgt.u32 s12, $0x9;
	s5 =	sshll.u32 s3, $0x4;
	_ =	strace $0x80000053  }
0x8: {  	s8 =	smul.u32 $0x27100, s3;
	s9 =	ssub.s32 $0x2, s3;
	[dreg:$0x4] =	wrdreg s11  }
0x9: {  	s3 =	smul.u32 $0x3E800, s3;
	s11 =	simm.s32 $0x0;
	s6 =	sor.u32 s12, s5  }
0xa: {  	s5 =	sadd.s32 $0x9D200, s0;
	s17 =	sshrl.u32 s9, $0x1;
	s19 =	sshrl.u32 s10, $0x2  }
0xb: {  	s10 =	simm.s32 $0x6;
	s7 =	sshll.u32 s6, $0xB;
	s6 =	smul.u32 $0x3E80, s6  }
0xc: {  	s18 =	ssub.s32 s9, s17;
	s9 =	smul.u32 $0x3E80, s12;
	s17 =	simm.s32 $0xA  }
0xd: {  	s7 =	sadd.s32 s7, s0;
	s0 =	sadd.s32 s8, s0;
	s23 =	smax.u32 s18, $0x1  }
0xe: {  	s7 =	sadd.s32 $0xACC00, s7;
	s6 =	sshrl.u32 s6, $0x3;
	s0 =	sadd.s32 $0x4F000, s0  }
0xf: {  	s3 =	sadd.s32 s9, s3;
	[dreg:$0xb] =	wrdreg s23;
	s23 =	simm.s32 $0x4000  }
0x10: {  	[dreg:$0x5] =	wrdreg s7;
	s7 =	sadd.s32 s19, s2;
	s6 =	sadd.s32 s5, s6  }
0x11: {  	s24 =	sadd.s32 $0x280, s3;
	s25 =	sadd.s32 $0x200, s3;
	s16 =	sadd.s32 $0x180, s3  }
0x12: {  	s0 =	sadd.s32 @!p0 s9, s0;
	s3 =	simm.s32 $0x2;
	[dreg:$0x6] =	wrdreg s6  }
0x13: {  	s9 =	simm.s32 $0x5;
	s20 =	sadd.s32 $0x10, s6;
	[dreg:$0xe] =	wrdreg s0  }
0x14: {  	s21 =	sadd.s32 $0x20, s6;
	s22 =	sadd.s32 $0x7B0, s6;
	[dreg:$0x7] =	wrdreg s20  }
0x15: {  	s6 =	sadd.s32 $0x7C0, s6;
	s8 =	sshrl.u32 s25, $0x3;
	[dreg:$0x8] =	wrdreg s21  }
0x16: {  	s19 =	sshrl.u32 @!p0 s7, $0x3;
	s25 =	simm.s32 $0xB880;
	[dreg:$0x9] =	wrdreg s22  }
0x17: {  	s0 =	simm.s32 $0x1;
	s7 =	simm.s32 $0x4;
	[dreg:$0xa] =	wrdreg s6  }
0x18: {  	s6 =	sshrl.u32 s24, $0x3;
	s26 =	sadd.s32 s8, s5;
	s20 =	simm.s32 $0xB800  }
0x19: {  	s21 =	simm.s32 $0x7;
	s6 =	sadd.s32 s6, s5;
	[dreg:$0xd] =	wrdreg s26  }
0x1a: {  	s22 =	simm.s32 $0x50;
	[dreg:$0xc] =	wrdreg s6;
	s6 =	sshll.u32 @!p0 s12, $0x6  }
0x1b: {  	s26 =	simm.s32 $0x8;
	s18 =	sor.u32 @!p0 $0x1C0A, s6;
	s6 =	simm.s32 $0x3  }
.LBB2_1:
0x1c: {  	s8 =	rddreg [dreg:$0x5]  }
0x1d: {  	[tilespmem:s4], [sflag:$0xA] =	stream.linear.gather [hbm4b:s8+s4], $0x3E80, $0x38;
	[tilespmem:$0x1F200] =	vst v63  }
0x1e: {  	_ =	swait.ge [sflag:s17], $0x3E80  }
0x1f: {  	[sflag:s17] =	ssyncset.done $0x0  }
0x20: {  	s8 =	rddreg [dreg:$0x4];
	[sflag:s17] =	ssyncadd.s32 $0xFFFFC180  }
0x21: {  	[spmem:s19], [sflag:s18] =	dma.local @!p0 [hbm:s8], $0x3E80  }
0x22: {  	s8 =	simm.s32 @!p0 $0xA  }
0x23: {  	_ =	swait.ge @!p0 [sflag:s8], $0x3E80  }
0x24: {  	[sflag:s8] =	ssyncset.done @!p0 $0x0  }
0x25: {  	[sflag:s8] =	ssyncadd.s32 @!p0 $0xFFFFC180  }
0x26: {  	[bflag:$0x0] =	sbarrier.arrive $0xFFFF  }
0x27: {  	s13 =	rddreg [dreg:$0x6]  }
0x28: {  	[tilespmem:s20], [sflag:$0x7] =	stream.linear.gather [hbm4b:s13+s4], $0x80, $0x38;
	[tilespmem:$0x1F200] =	vst v63  }
0x29: {  	_ =	swait.ge [sflag:s21], $0x80  }
0x2a: {  	[sflag:s21] =	ssyncset.done $0x0  }
0x2b: {  	[sflag:s21] =	ssyncadd.s32 $0xFFFFFF80  }
0x2c: {  	[tilespmem:s23], [sflag:$0x1] =	stream.indirect.gather [hbm4b:s1+s22], $0x80, s20, s22, $0xb8;
	[tilespmem:$0x1F200] =	vst v63  }
0x2d: {  	s14 =	rddreg [dreg:$0x7]  }
0x2e: {  	[tilespmem:s25], [sflag:$0x8] =	stream.linear.gather [hbm4b:s14+s4], $0x80, $0x38;
	[tilespmem:$0x1F200] =	vst v63  }
0x2f: {  	_ =	swait.ge [sflag:s26], $0x80  }
0x30: {  	[sflag:s26] =	ssyncset.done $0x0  }
0x31: {  	[sflag:s26] =	ssyncadd.s32 $0xFFFFFF80  }
0x32: {  	[tilespmem:s28], [sflag:$0x2] =	stream.indirect.gather [hbm4b:s1+s22], $0x80, s25, s22, $0xb8;
	[tilespmem:$0x1F200] =	vst v63  }
0x33: {  	s15 =	rddreg [dreg:$0x8]  }
0x34: {  	[tilespmem:s29], [sflag:$0x9] =	stream.linear.gather [hbm4b:s15+s4], $0x80, $0x38;
	[tilespmem:$0x1F200] =	vst v63  }
0x35: {  	_ =	swait.ge [sflag:s30], $0x80  }
0x36: {  	[sflag:s30] =	ssyncset.done $0x0  }
0x37: {  	[sflag:s30] =	ssyncadd.s32 $0xFFFFFF80  }
0x38: {  	[tilespmem:s31], [sflag:$0x3] =	stream.indirect.gather [hbm4b:s1+s22], $0x80, s29, s22, $0xb8;
	[tilespmem:$0x1F200] =	vst v63  }
0x39: {  	_ =	swait.ge [sflag:s0], $0x2800  }
0x3a: {  	[sflag:s0] =	ssyncset.done $0x0  }
0x3b: {  	s24 =	simm.s32 $0x0;
	s12 =	sshrl.u32 s16, $0x3;
	[sflag:s0] =	ssyncadd.s32 $0xFFFFD800  }
0x3c: {  	[spmem:s2] =	stream.indirect.scatter.add.f32 [tilespmem:s23], [sflag:$0x4], $0x80, s24, s22, $0xb8;
	[tilespmem:$0x1F200] =	vst v63  }
0x3d: {  	s13 =	sadd.s32 s5, s12  }
0x3e: {  	[tilespmem:s20], [sflag:$0x7] =	stream.linear.gather [hbm4b:s13+s4], $0x80, $0x38;
	[tilespmem:$0x1F200] =	vst v63  }
0x3f: {  	_ =	swait.ge [sflag:s3], $0x2800  }
0x40: {  	[sflag:s3] =	ssyncset.done $0x0  }
0x41: {  	s14 =	simm.s32 $0x80;
	[sflag:s3] =	ssyncadd.s32 $0xFFFFD800  }
0x42: {  	[spmem:s2] =	stream.indirect.scatter.add.f32 [tilespmem:s28], [sflag:$0x5], $0x80, s14, s22, $0xb8;
	[tilespmem:$0x1F200] =	vst v63  }
0x43: {  	s14 =	rddreg [dreg:$0xd]  }
0x44: {  	[tilespmem:s25], [sflag:$0x8] =	stream.linear.gather [hbm4b:s14+s4], $0x80, $0x38;
	[tilespmem:$0x1F200] =	vst v63  }
0x45: {  	_ =	swait.ge [sflag:s6], $0x2800  }
0x46: {  	[sflag:s6] =	ssyncset.done $0x0  }
0x47: {  	s15 =	simm.s32 $0x100;
	[sflag:s6] =	ssyncadd.s32 $0xFFFFD800  }
0x48: {  	[spmem:s2] =	stream.indirect.scatter.add.f32 [tilespmem:s31], [sflag:$0x6], $0x80, s15, s22, $0xb8;
	[tilespmem:$0x1F200] =	vst v63  }
0x49: {  	s24 =	rddreg [dreg:$0xc]  }
0x4a: {  	[tilespmem:s29], [sflag:$0x9] =	stream.linear.gather [hbm4b:s24+s4], $0x80, $0x38;
	[tilespmem:$0x1F200] =	vst v63  }
0x4b: {  	_ =	swait.ge [sflag:s7], $0x2800  }
0x4c: {  	[sflag:s7] =	ssyncset.done $0x0  }
0x4d: {  	[sflag:s7] =	ssyncadd.s32 $0xFFFFD800  }
0x4e: {  	_ =	swait.ge [sflag:s21], $0x80  }
0x4f: {  	[sflag:s21] =	ssyncset.done $0x0  }
0x50: {  	[sflag:s21] =	ssyncadd.s32 $0xFFFFFF80  }
0x51: {  	[tilespmem:s23], [sflag:$0x1] =	stream.indirect.gather [hbm4b:s1+s22], $0x80, s20, s22, $0xb8;
	[tilespmem:$0x1F200] =	vst v63  }
0x52: {  	_ =	swait.ge [sflag:s9], $0x2800  }
0x53: {  	[sflag:s9] =	ssyncset.done $0x0  }
0x54: {  	[sflag:s9] =	ssyncadd.s32 $0xFFFFD800  }
0x55: {  	_ =	swait.ge [sflag:s26], $0x80  }
0x56: {  	[sflag:s26] =	ssyncset.done $0x0  }
0x57: {  	[sflag:s26] =	ssyncadd.s32 $0xFFFFFF80  }
0x58: {  	[tilespmem:s28], [sflag:$0x2] =	stream.indirect.gather [hbm4b:s1+s22], $0x80, s25, s22, $0xb8;
	[tilespmem:$0x1F200] =	vst v63  }
0x59: {  	_ =	swait.ge [sflag:s10], $0x2800  }
0x5a: {  	[sflag:s10] =	ssyncset.done $0x0  }
0x5b: {  	[sflag:s10] =	ssyncadd.s32 $0xFFFFD800  }
0x5c: {  	_ =	swait.ge [sflag:s30], $0x80  }
0x5d: {  	s12 =	simm.s32 $0x600;
	s13 =	sadd.s32 $0x180, s16;
	[sflag:s30] =	ssyncset.done $0x0  }
0x5e: {  	s8 =	sadd.s32 $0x30, s14;
	s24 =	sadd.s32 $0x30, s24;
	[sflag:s30] =	ssyncadd.s32 $0xFFFFFF80  }
.LBB2_2:
0x5f: {  	[tilespmem:s31], [sflag:$0x3] =	stream.indirect.gather [hbm4b:s1+s22], $0x80, s29, s22, $0xb8;
	[tilespmem:$0x1F200] =	vst v63  }
0x60: {  	s14 =	smov.u32 s12  }
0x61: {  	p1 =	sne.s32 s12, $0xEA00;
	s12 =	sadd.s32 $0x600, s12;
	_ =	swait.ge [sflag:s0], $0x2800  }
0x62: {  	[sflag:s0] =	ssyncset.done $0x0  }
0x63: {  	s15 =	sshrl.u32 s13, $0x3;
	s14 =	sshra.s32 s14, $0x2;
	[sflag:s0] =	ssyncadd.s32 $0xFFFFD800  }
0x64: {  	[spmem:s2] =	stream.indirect.scatter.add.f32 [tilespmem:s23], [sflag:$0x4], $0x80, s14, s22, $0xb8;
	[tilespmem:$0x1F200] =	vst v63  }
0x65: {  	s15 =	sadd.s32 s5, s15  }
0x66: {  	[tilespmem:s20], [sflag:$0x7] =	stream.linear.gather [hbm4b:s15+s4], $0x80, $0x38;
	[tilespmem:$0x1F200] =	vst v63  }
0x67: {  	_ =	swait.ge [sflag:s3], $0x2800  }
0x68: {  	[sflag:s3] =	ssyncset.done $0x0  }
0x69: {  	s15 =	sadd.s32 $0x80, s14;
	[sflag:s3] =	ssyncadd.s32 $0xFFFFD800  }
0x6a: {  	[spmem:s2] =	stream.indirect.scatter.add.f32 [tilespmem:s28], [sflag:$0x5], $0x80, s15, s22, $0xb8;
	[tilespmem:$0x1F200] =	vst v63  }
0x6b: {  	_ = 	snop  }
0x6c: {  	[tilespmem:s25], [sflag:$0x8] =	stream.linear.gather [hbm4b:s8+s4], $0x80, $0x38;
	[tilespmem:$0x1F200] =	vst v63  }
0x6d: {  	_ =	swait.ge [sflag:s6], $0x2800  }
0x6e: {  	[sflag:s6] =	ssyncset.done $0x0  }
0x6f: {  	s14 =	sadd.s32 $0x100, s14;
	[sflag:s6] =	ssyncadd.s32 $0xFFFFD800  }
0x70: {  	[spmem:s2] =	stream.indirect.scatter.add.f32 [tilespmem:s31], [sflag:$0x6], $0x80, s14, s22, $0xb8;
	[tilespmem:$0x1F200] =	vst v63  }
0x71: {  	_ = 	snop  }
0x72: {  	[tilespmem:s29], [sflag:$0x9] =	stream.linear.gather [hbm4b:s24+s4], $0x80, $0x38;
	[tilespmem:$0x1F200] =	vst v63  }
0x73: {  	_ =	swait.ge [sflag:s7], $0x2800  }
0x74: {  	[sflag:s7] =	ssyncset.done $0x0  }
0x75: {  	[sflag:s7] =	ssyncadd.s32 $0xFFFFD800  }
0x76: {  	_ =	swait.ge [sflag:s21], $0x80  }
0x77: {  	[sflag:s21] =	ssyncset.done $0x0  }
0x78: {  	[sflag:s21] =	ssyncadd.s32 $0xFFFFFF80  }
0x79: {  	[tilespmem:s23], [sflag:$0x1] =	stream.indirect.gather [hbm4b:s1+s22], $0x80, s20, s22, $0xb8;
	[tilespmem:$0x1F200] =	vst v63  }
0x7a: {  	_ =	swait.ge [sflag:s9], $0x2800  }
0x7b: {  	[sflag:s9] =	ssyncset.done $0x0  }
0x7c: {  	[sflag:s9] =	ssyncadd.s32 $0xFFFFD800  }
0x7d: {  	_ =	swait.ge [sflag:s26], $0x80  }
0x7e: {  	[sflag:s26] =	ssyncset.done $0x0  }
0x7f: {  	[sflag:s26] =	ssyncadd.s32 $0xFFFFFF80  }
0x80: {  	[tilespmem:s28], [sflag:$0x2] =	stream.indirect.gather [hbm4b:s1+s22], $0x80, s25, s22, $0xb8;
	[tilespmem:$0x1F200] =	vst v63  }
0x81: {  	_ =	swait.ge [sflag:s10], $0x2800  }
.Ltmp0:
0x82: {  	[sflag:s10] =	ssyncset.done $0x0;
	(pc) =	sbr.rel @p1 .LBB2_2-.Ltmp0, $4  }
0x83: {  	[sflag:s10] =	ssyncadd.s32 $0xFFFFD800  }
0x84: {  	_ =	swait.ge [sflag:s30], $0x80  }
0x85: {  	s13 =	sadd.s32 $0x180, s13;
	[sflag:s30] =	ssyncset.done $0x0  }
0x86: {  	s8 =	sadd.s32 $0x30, s8;
	s24 =	sadd.s32 $0x30, s24;
	[sflag:s30] =	ssyncadd.s32 $0xFFFFFF80  }
0x87: {  	[tilespmem:s31], [sflag:$0x3] =	stream.indirect.gather [hbm4b:s1+s22], $0x80, s29, s22, $0xb8;
	[tilespmem:$0x1F200] =	vst v63  }
0x88: {  	_ =	swait.ge [sflag:s0], $0x2800  }
0x89: {  	[sflag:s0] =	ssyncset.done $0x0  }
0x8a: {  	s8 =	simm.s32 $0x3C00;
	[sflag:s0] =	ssyncadd.s32 $0xFFFFD800  }
0x8b: {  	[spmem:s2] =	stream.indirect.scatter.add.f32 [tilespmem:s23], [sflag:$0x4], $0x80, s8, s22, $0xb8;
	[tilespmem:$0x1F200] =	vst v63  }
0x8c: {  	s24 =	rddreg [dreg:$0x9]  }
0x8d: {  	[tilespmem:s20], [sflag:$0x7] =	stream.linear.gather [hbm4b:s24+s4], $0x80, $0x38;
	[tilespmem:$0x1F200] =	vst v63  }
0x8e: {  	_ =	swait.ge [sflag:s3], $0x2800  }
0x8f: {  	[sflag:s3] =	ssyncset.done $0x0  }
0x90: {  	s12 =	simm.s32 $0x3C80;
	[sflag:s3] =	ssyncadd.s32 $0xFFFFD800  }
0x91: {  	[spmem:s2] =	stream.indirect.scatter.add.f32 [tilespmem:s28], [sflag:$0x5], $0x80, s12, s22, $0xb8;
	[tilespmem:$0x1F200] =	vst v63  }
0x92: {  	s13 =	rddreg [dreg:$0xa]  }
0x93: {  	[tilespmem:s25], [sflag:$0x8] =	stream.linear.gather [hbm4b:s13+s4], $0x80, $0x38;
	[tilespmem:$0x1F200] =	vst v63  }
0x94: {  	_ =	swait.ge [sflag:s6], $0x2800  }
0x95: {  	[sflag:s6] =	ssyncset.done $0x0  }
0x96: {  	s14 =	simm.s32 $0x3D00;
	[sflag:s6] =	ssyncadd.s32 $0xFFFFD800  }
0x97: {  	[spmem:s2] =	stream.indirect.scatter.add.f32 [tilespmem:s31], [sflag:$0x6], $0x80, s14, s22, $0xb8;
	[tilespmem:$0x1F200] =	vst v63  }
0x98: {  	_ =	swait.ge [sflag:s7], $0x2800  }
0x99: {  	[sflag:s7] =	ssyncset.done $0x0  }
0x9a: {  	[sflag:s7] =	ssyncadd.s32 $0xFFFFD800  }
0x9b: {  	_ =	swait.ge [sflag:s21], $0x80  }
0x9c: {  	[sflag:s21] =	ssyncset.done $0x0  }
0x9d: {  	[sflag:s21] =	ssyncadd.s32 $0xFFFFFF80  }
0x9e: {  	[tilespmem:s23], [sflag:$0x1] =	stream.indirect.gather [hbm4b:s1+s22], $0x80, s20, s22, $0xb8;
	[tilespmem:$0x1F200] =	vst v63  }
0x9f: {  	_ =	swait.ge [sflag:s9], $0x2800  }
0xa0: {  	[sflag:s9] =	ssyncset.done $0x0  }
0xa1: {  	[sflag:s9] =	ssyncadd.s32 $0xFFFFD800  }
0xa2: {  	_ =	swait.ge [sflag:s26], $0x80  }
0xa3: {  	[sflag:s26] =	ssyncset.done $0x0  }
0xa4: {  	[sflag:s26] =	ssyncadd.s32 $0xFFFFFF80  }
0xa5: {  	[tilespmem:s28], [sflag:$0x2] =	stream.indirect.gather [hbm4b:s1+s22], $0x80, s25, s22, $0xb8;
	[tilespmem:$0x1F200] =	vst v63  }
0xa6: {  	_ =	swait.ge [sflag:s10], $0x2800  }
0xa7: {  	[sflag:s10] =	ssyncset.done $0x0  }
0xa8: {  	[sflag:s10] =	ssyncadd.s32 $0xFFFFD800  }
0xa9: {  	_ =	swait.ge [sflag:s0], $0x2800  }
0xaa: {  	[sflag:s0] =	ssyncset.done $0x0  }
0xab: {  	s15 =	simm.s32 $0x3D80;
	[sflag:s0] =	ssyncadd.s32 $0xFFFFD800  }
0xac: {  	[spmem:s2] =	stream.indirect.scatter.add.f32 [tilespmem:s23], [sflag:$0xA], $0x80, s15, s22, $0xb8;
	[tilespmem:$0x1F200] =	vst v63  }
0xad: {  	_ =	swait.ge [sflag:s17], $0x2800  }
0xae: {  	[sflag:s17] =	ssyncset.done $0x0  }
0xaf: {  	[sflag:s17] =	ssyncadd.s32 $0xFFFFD800  }
0xb0: {  	_ =	swait.ge [sflag:s3], $0x2800  }
0xb1: {  	[sflag:s3] =	ssyncset.done $0x0  }
0xb2: {  	s24 =	simm.s32 $0x3E00;
	[sflag:s3] =	ssyncadd.s32 $0xFFFFD800  }
0xb3: {  	[spmem:s2] =	stream.indirect.scatter.add.f32 [tilespmem:s28], [sflag:$0xA], $0x80, s24, s22, $0xb8;
	[tilespmem:$0x1F200] =	vst v63  }
0xb4: {  	_ =	swait.ge [sflag:s17], $0x2800  }
0xb5: {  	[sflag:s17] =	ssyncset.done $0x0  }
0xb6: {  	[sflag:s17] =	ssyncadd.s32 $0xFFFFD800  }
0xb7: {  	[bflag:$0x0] =	sbarrier.arrive $0xFFFF  }
0xb8: {  	s8 =	rddreg [dreg:$0xe]  }
0xb9: {  	[hbm:s8], [sflag:s18] =	dma.local @!p0 [spmem:s19], $0x3E80  }
0xba: {  	s8 =	simm.s32 @!p0 $0xA  }
0xbb: {  	_ =	swait.ge @!p0 [sflag:s8], $0x3E80  }
0xbc: {  	s11 =	sadd.s32 $0x1, s11;
	s12 =	rddreg [dreg:$0xb]  }
0xbd: {  	p1 =	sne.s32 s11, s12  }
.Ltmp1:
0xbe: {  	_ = 	snop;
	(pc) =	sbr.rel @p1 .LBB2_1-.Ltmp1, $3  }
0xbf: {  	_ =	sdelay $0x1  }
0xc0: {  	[sflag:s8] =	ssyncset.done @!p0 $0x0  }
0xc1: {  	[sflag:s8] =	ssyncadd.s32 @!p0 $0xFFFFC180  }
0xc2: {  	_ =	sfence.sel $0x180000  }
0xc3: {  	[bflag:$0x0] =	sbarrier.arrive $0xFFFF  }
0xc4: {  	_ =	strace $0x90000053  }
0xc5: {  	s0 =	stileid.u32;
	[bflag:$0x2] =	sbarrier.arrive $0xFFFF  }
0xc6: {  	p0 =	sne.s32 s0, $0x0;
	s0 =	rddreg [dreg:$0x3]  }
0xc7: {  	s0 =	sadd.s32 @!p0 $0x100000, s0  }
0xc8: {  	[sflag:s0] =	ssyncadd.tile.s32 @!p0 $0x1;
	_ =	shalt  }
.Lfunc_end2:
_tile_overlayer_lowered:
.L_overlay_start_2:
0xc9: {  	(tag) =	ssettag $0x2  }
0xca: {  	s0 =	rddreg [dreg:$0x0];
	s2 =	stileid.u32  }
0xcb: {  	s1 =	rddreg [dreg:$0x1];
	p0 =	sne.s32 s2, $0x0  }
0xcc: {  	s3 =	rddreg [dreg:$0x2];
	[bflag:$0x3] =	sbarrier.arrive $0xFFFF;
	s2 =	simm.s32 @!p0 $0x1C0A  }
0xcd: {  	[timem:s3], [sflag:s2] =	dma.local @!p0 [hbm:s0], s1  }
0xce: {  	s0 =	simm.s32 @!p0 $0xA  }
0xcf: {  	_ =	swait.ge @!p0 [sflag:s0], s1  }
0xd0: {  	s1 =	ssub.s32 @!p0 $0x0, s1;
	[sflag:s0] =	ssyncset.done @!p0 $0x0  }
0xd1: {  	[sflag:s0] =	ssyncadd.s32 @!p0 s1  }
0xd2: {  	[bflag:$0x3] =	sbarrier.arrive $0xFFFF  }
0xd3: {  	_ =	shalt  }

</sc_bundles>
